<compile_context>
chip_gen: v7x
topology: tpu7x:2x2x1
jax: 0.10.2.dev20260603
libtpu: 0.0.44.dev20260713+nightly
codegen_flags: <defaults>
</compile_context>

<pallas_src>
import functools

import jax
import jax.numpy as jnp
from jax import lax
from jax.experimental import pallas as pl
from jax.experimental.pallas import tpu as pltpu
from jax.experimental.pallas import tpu_sc as plsc

_BATCH = 16384
_D = 32
_H1 = 64
_H2 = 32
_NCLS = 2
_NC = 2
_NS = 16
_NW = _NC * _NS
_BPW = _BATCH // _NW
_G = 8
_NGRP = _BPW // _G
_LANES = 128

_sc_mesh = plsc.VectorSubcoreMesh(core_axis_name="c", subcore_axis_name="s")


@functools.partial(
    pl.kernel,
    mesh=_sc_mesh,
    out_type=(
        jax.ShapeDtypeStruct((_D, _BATCH), jnp.float32),
        jax.ShapeDtypeStruct((_D, _BATCH), jnp.float32),
    ),
    scratch_types=[
        pltpu.VMEM((_BPW + 16,), jnp.int32),
        pltpu.VMEM((2 * _G, _D, _LANES), jnp.float32),
        pltpu.VMEM((_D, _BPW), jnp.float32),
        pltpu.VMEM((_D, _BPW), jnp.float32),
        pltpu.SemaphoreType.DMA,
        pltpu.SemaphoreType.DMA,
    ],
    compiler_params=pltpu.CompilerParams(use_tc_tiling_on_sc=True,
                                         needs_layout_passes=False),
)
def _sc_gather(ut_t, it_t, uidx, iidx, ue_out, ie_out,
               idx_v, blocks, ue_v, ie_v, fsem, ssem):
    wid = lax.axis_index("s") * _NC + lax.axis_index("c")
    base = wid * _BPW
    rows_lo = jnp.arange(16, dtype=jnp.int32)
    rows_hi = rows_lo + 16

    def _fire_one(tab, r, slot):
        start = pl.multiple_of((r >> 7) * _LANES, _LANES)
        pltpu.make_async_copy(
            tab.at[:, pl.ds(start, _LANES)], blocks.at[slot], fsem
        ).start()

    def _extract_one(tab, out_v, r, j, slot):
        pltpu.make_async_copy(
            tab.at[:, pl.ds(0, _LANES)], blocks.at[slot], fsem
        ).wait()
        lvec = jnp.full((16,), r & 127, dtype=jnp.int32)
        jvec = jnp.full((16,), j, dtype=jnp.int32)
        blk = blocks.at[slot]
        v0 = plsc.load_gather(blk, [rows_lo, lvec])
        v1 = plsc.load_gather(blk, [rows_hi, lvec])
        plsc.store_scatter(out_v, [rows_lo, jvec], v0)
        plsc.store_scatter(out_v, [rows_hi, jvec], v1)

    def _run_table(tab, idx_hbm, out_v, out_hbm):
        dst = idx_v.at[pl.ds(0, _BPW)]
        pltpu.make_async_copy(idx_hbm.at[pl.ds(base, _BPW)], dst, ssem).start()
        pltpu.make_async_copy(idx_hbm.at[pl.ds(base, _BPW)], dst, ssem).wait()

        def _fire_group(g, slot0):
            iv = idx_v[pl.ds(g * _G, 16)]
            for kk in range(_G):
                _fire_one(tab, iv[kk], slot0 + kk)

        def _extract_group(g, slot0):
            iv = idx_v[pl.ds(g * _G, 16)]
            for kk in range(_G):
                _extract_one(tab, out_v, iv[kk], g * _G + kk, slot0 + kk)

        _fire_group(0, 0)

        def _body(h, carry):
            g = 2 * h
            _fire_group(g + 1, _G)
            _extract_group(g, 0)

            @pl.when(h < _NGRP // 2 - 1)
            def _():
                _fire_group(g + 2, 0)

            _extract_group(g + 1, _G)
            return carry

        lax.fori_loop(0, _NGRP // 2, _body, 0)
        pltpu.sync_copy(out_v, out_hbm.at[:, pl.ds(base, _BPW)])

    _run_table(ut_t, uidx, ue_v, ue_out)
    _run_table(it_t, iidx, ie_v, ie_out)


_BM = 16384
_GRID = _BATCH // _BM


def _mlp_body(ue, ie, w1u, w1i, b1, w2, b2, w3, b3, out):
    x = jnp.dot(w1u[...], ue[...], preferred_element_type=jnp.float32)
    x = x + jnp.dot(w1i[...], ie[...], preferred_element_type=jnp.float32)
    x = jnp.maximum(x + b1[...], 0.0)
    x = jnp.maximum(jnp.dot(w2[...], x, preferred_element_type=jnp.float32) + b2[...], 0.0)
    x = jnp.maximum(jnp.dot(w3[...], x, preferred_element_type=jnp.float32) + b3[...], 0.0)
    out[...] = x


_mlp = pl.pallas_call(
    _mlp_body,
    grid=(_GRID,),
    in_specs=[
        pl.BlockSpec((_D, _BM), lambda i: (0, i)),
        pl.BlockSpec((_D, _BM), lambda i: (0, i)),
        pl.BlockSpec((_H1, _D), lambda i: (0, 0)),
        pl.BlockSpec((_H1, _D), lambda i: (0, 0)),
        pl.BlockSpec((_H1, 1), lambda i: (0, 0)),
        pl.BlockSpec((_H2, _H1), lambda i: (0, 0)),
        pl.BlockSpec((_H2, 1), lambda i: (0, 0)),
        pl.BlockSpec((_NCLS, _H2), lambda i: (0, 0)),
        pl.BlockSpec((_NCLS, 1), lambda i: (0, 0)),
    ],
    out_specs=pl.BlockSpec((_NCLS, _BM), lambda i: (0, i)),
    out_shape=jax.ShapeDtypeStruct((_NCLS, _BATCH), jnp.float32),
)


def kernel(user_input, item_input, user_table, item_table, W1, b1, W2, b2, W3, b3):
    ue_t, ie_t = _sc_gather(user_table.T, item_table.T,
                            user_input.astype(jnp.int32),
                            item_input.astype(jnp.int32))
    w1t = W1.T
    out_t = _mlp(ue_t, ie_t, w1t[:, :_D], w1t[:, _D:], b1.reshape(_H1, 1),
                 W2.T, b2.reshape(_H2, 1), W3.T, b3.reshape(_NCLS, 1))
    return out_t.T

# --- scband reference (transcript-rebuilt; emitter-appended) ---
"""Pipeline reference for scband-ncf-87101936763617 (READ-ONLY COPY).

The authoritative reference and input builder live on the scoring server;
editing this copy changes nothing except your own understanding.
"""

import jax, jax.numpy as jnp
import numpy as np

NUM_USERS = 1000000
NUM_ITEMS = 1000000
EMBED_DIM = 32
HIDDEN = 64
OUTPUT = 32
NUM_CLASSES = 2
BATCH = 16384


def setup_inputs(seed: int = 0) -> dict:
    key = jax.random.key(seed)
    k_u, k_i, k_ut, k_it, k_w1, k_b1, k_w2, k_b2, k_w3, k_b3 = jax.random.split(key, 10)
    user_input = jax.random.randint(k_u, (BATCH,), 0, NUM_USERS, dtype=jnp.int64 if jax.config.jax_enable_x64 else jnp.int32)
    item_input = jax.random.randint(k_i, (BATCH,), 0, NUM_ITEMS, dtype=jnp.int64 if jax.config.jax_enable_x64 else jnp.int32)
    user_table = jax.random.normal(k_ut, (NUM_USERS, EMBED_DIM), dtype=jnp.float32) * 0.02
    item_table = jax.random.normal(k_it, (NUM_ITEMS, EMBED_DIM), dtype=jnp.float32) * 0.02
    in_dim = 2 * EMBED_DIM
    W1 = jax.random.normal(k_w1, (in_dim, HIDDEN), dtype=jnp.float32) * (1.0 / np.sqrt(in_dim))
    b1 = jax.random.normal(k_b1, (HIDDEN,), dtype=jnp.float32) * 0.01
    W2 = jax.random.normal(k_w2, (HIDDEN, OUTPUT), dtype=jnp.float32) * (1.0 / np.sqrt(HIDDEN))
    b2 = jax.random.normal(k_b2, (OUTPUT,), dtype=jnp.float32) * 0.01
    W3 = jax.random.normal(k_w3, (OUTPUT, NUM_CLASSES), dtype=jnp.float32) * (1.0 / np.sqrt(OUTPUT))
    b3 = jax.random.normal(k_b3, (NUM_CLASSES,), dtype=jnp.float32) * 0.01
    return {"user_input": user_input, "item_input": item_input,
            "user_table": user_table, "item_table": item_table,
            "W1": W1, "b1": b1, "W2": W2, "b2": b2, "W3": W3, "b3": b3}


def reference(user_input, item_input, user_table, item_table, W1, b1, W2, b2, W3, b3):
    user_embedding = jnp.take(user_table, user_input, axis=0)
    item_embedding = jnp.take(item_table, item_input, axis=0)
    x = jnp.concatenate([user_embedding, item_embedding], axis=-1)
    x = jax.nn.relu(x @ W1 + b1)
    x = jax.nn.relu(x @ W2 + b2)
    x = jax.nn.relu(x @ W3 + b3)
    return x

if __name__ == "__main__":
    import jax
    _d = setup_inputs()
    print(jax.jit(kernel)(*tuple(_d.values())))

</pallas_src>

<mosaic_0001>
#map = affine_map<(d0, d1) -> (0, 0)>
#map1 = affine_map<(d0, d1) -> (0)>
module attributes {stable_mosaic.version = 14 : i64} {
  func.func @_sc_gather(%arg0: i32, %arg1: i32, %arg2: memref<32x1000000xf32, #tpu.memory_space<hbm>>, %arg3: memref<32x1000000xf32, #tpu.memory_space<hbm>>, %arg4: memref<16384xi32, #tpu.memory_space<hbm>>, %arg5: memref<16384xi32, #tpu.memory_space<hbm>>, %arg6: memref<32x16384xf32, #tpu.memory_space<hbm>>, %arg7: memref<32x16384xf32, #tpu.memory_space<hbm>>, %arg8: memref<528xi32, #tpu.memory_space<vmem>>, %arg9: memref<16x32x128xf32, #tpu.memory_space<vmem>>, %arg10: memref<32x512xf32, #tpu.memory_space<vmem>>, %arg11: memref<32x512xf32, #tpu.memory_space<vmem>>, %arg12: memref<!tpu.dma_semaphore, #tpu.memory_space<semaphore_mem>>, %arg13: memref<!tpu.dma_semaphore, #tpu.memory_space<semaphore_mem>>) attributes {dimension_semantics = [#tpu.dimension_semantics<core_parallel>, #tpu.dimension_semantics<subcore_parallel>], iteration_bounds = array<i64: 2, 16>, scalar_prefetch = 0 : i64, scratch_operands = 6 : i64, tpu.core_type = #tpu.core_type<sc_vector_subcore>, window_params = [{transform_indices = #map}, {transform_indices = #map}, {transform_indices = #map1}, {transform_indices = #map1}, {transform_indices = #map}, {transform_indices = #map}]} {
    %mul3A = arith.constant 2 : i32
    %mul3A_0 = arith.muli %arg1, %mul3A : i32
    %add3A = arith.addi %mul3A_0, %arg0 : i32
    %mul3A_1 = arith.constant 512 : i32
    %mul3A_2 = arith.muli %add3A, %mul3A_1 : i32
    %iota3A = tpu.iota {dimensions = array<i32: 0>} : vector<16xi32>
    %add3A_3 = arith.constant 16 : i32
    %add3A_4 = vector.broadcast %add3A_3 : i32 to vector<16xi32>
    %add3A_5 = arith.addi %iota3A, %add3A_4 : vector<16xi32>
    %dma_start3A = arith.constant 0 : i32
    %dma_start3A_6 = tpu.memref_slice %arg8[%dma_start3A] : memref<528xi32, #tpu.memory_space<vmem>> -> memref<512xi32, #tpu.memory_space<vmem>>
    %dma_start3A_7 = tpu.memref_slice %arg4[%mul3A_2] : memref<16384xi32, #tpu.memory_space<hbm>> -> memref<512xi32, #tpu.memory_space<hbm>>
    %dma_start3A_8 = arith.constant 0 : i32
    %dma_start3A_9 = tpu.memref_slice %arg8[%dma_start3A_8] : memref<528xi32, #tpu.memory_space<vmem>> -> memref<512xi32, #tpu.memory_space<vmem>>
    %dma_start3A_10 = tpu.memref_slice %arg4[%mul3A_2] : memref<16384xi32, #tpu.memory_space<hbm>> -> memref<512xi32, #tpu.memory_space<hbm>>
    tpu.enqueue_dma source(%dma_start3A_10 : memref<512xi32, #tpu.memory_space<hbm>>) target(%dma_start3A_9 : memref<512xi32, #tpu.memory_space<vmem>>) target_semaphore(%arg13 : memref<!tpu.dma_semaphore, #tpu.memory_space<semaphore_mem>>)
    %dma_wait3A = arith.constant 0 : i32
    %dma_wait3A_11 = tpu.memref_slice %arg8[%dma_wait3A] : memref<528xi32, #tpu.memory_space<vmem>> -> memref<512xi32, #tpu.memory_space<vmem>>
    %dma_wait3A_12 = tpu.memref_slice %arg4[%mul3A_2] : memref<16384xi32, #tpu.memory_space<hbm>> -> memref<512xi32, #tpu.memory_space<hbm>>
    %dma_wait3A_13 = arith.constant 0 : i32
    %dma_wait3A_14 = tpu.memref_slice %arg8[%dma_wait3A_13] : memref<528xi32, #tpu.memory_space<vmem>> -> memref<512xi32, #tpu.memory_space<vmem>>
    %dma_wait3A_15 = tpu.memref_slice %arg4[%mul3A_2] : memref<16384xi32, #tpu.memory_space<hbm>> -> memref<512xi32, #tpu.memory_space<hbm>>
    tpu.wait_dma2 semaphore(%arg13 : memref<!tpu.dma_semaphore, #tpu.memory_space<semaphore_mem>>) src(%dma_wait3A_15 : memref<512xi32, #tpu.memory_space<hbm>>) dst(%dma_wait3A_14 : memref<512xi32, #tpu.memory_space<vmem>>)
    %get3A = arith.constant 0 : index
    %get3A_16 = tpu.vector_load %arg8[%get3A] {strides = array<i32>} : memref<528xi32, #tpu.memory_space<vmem>>, vector<16xi32>,
    %slice3A = vector.extract_strided_slice %get3A_16 {offsets = [0], sizes = [1], strides = [1]} : vector<16xi32> to vector<1xi32>
    %squeeze3A = vector.extract %slice3A[0] : i32 from vector<1xi32>
    %shift_right_arithmetic3A = arith.constant 7 : i32
    %shift_right_arithmetic3A_17 = arith.shrsi %squeeze3A, %shift_right_arithmetic3A : i32
    %mul3A_18 = arith.constant 128 : i32
    %mul3A_19 = arith.muli %shift_right_arithmetic3A_17, %mul3A_18 : i32
    %multiple_of3A = tpu.assume_multiple %mul3A_19, 128 : i32
    %dma_start3A_20 = arith.constant 0 : i32
    %dma_start3A_21 = arith.constant 0 : i32
    %dma_start3A_22 = arith.constant 0 : i32
    %dma_start3A_23 = tpu.memref_slice %arg9[%dma_start3A_20, %dma_start3A_21, %dma_start3A_22] : memref<16x32x128xf32, #tpu.memory_space<vmem>> -> memref<1x32x128xf32, #tpu.memory_space<vmem>>
    %dma_start3A_24 = tpu.memref_squeeze %dma_start3A_23 : memref<1x32x128xf32, #tpu.memory_space<vmem>> -> memref<32x128xf32, #tpu.memory_space<vmem>>
    %dma_start3A_25 = arith.constant 0 : i32
    %dma_start3A_26 = tpu.memref_slice %arg2[%dma_start3A_25, %multiple_of3A] : memref<32x1000000xf32, #tpu.memory_space<hbm>> -> memref<32x128xf32, #tpu.memory_space<hbm>>
    %dma_start3A_27 = arith.constant 0 : i32
    %dma_start3A_28 = arith.constant 0 : i32
    %dma_start3A_29 = tpu.memref_slice %arg9[%dma_start3A_20, %dma_start3A_27, %dma_start3A_28] : memref<16x32x128xf32, #tpu.memory_space<vmem>> -> memref<1x32x128xf32, #tpu.memory_space<vmem>>
    %dma_start3A_30 = tpu.memref_squeeze %dma_start3A_29 : memref<1x32x128xf32, #tpu.memory_space<vmem>> -> memref<32x128xf32, #tpu.memory_space<vmem>>
    %dma_start3A_31 = arith.constant 0 : i32
    %dma_start3A_32 = tpu.memref_slice %arg2[%dma_start3A_31, %multiple_of3A] : memref<32x1000000xf32, #tpu.memory_space<hbm>> -> memref<32x128xf32, #tpu.memory_space<hbm>>
    tpu.enqueue_dma source(%dma_start3A_32 : memref<32x128xf32, #tpu.memory_space<hbm>>) target(%dma_start3A_30 : memref<32x128xf32, #tpu.memory_space<vmem>>) target_semaphore(%arg12 : memref<!tpu.dma_semaphore, #tpu.memory_space<semaphore_mem>>)
    %slice3A_33 = vector.extract_strided_slice %get3A_16 {offsets = [1], sizes = [1], strides = [1]} : vector<16xi32> to vector<1xi32>
    %squeeze3A_34 = vector.extract %slice3A_33[0] : i32 from vector<1xi32>
    %shift_right_arithmetic3A_35 = arith.constant 7 : i32
    %shift_right_arithmetic3A_36 = arith.shrsi %squeeze3A_34, %shift_right_arithmetic3A_35 : i32
    %mul3A_37 = arith.constant 128 : i32
    %mul3A_38 = arith.muli %shift_right_arithmetic3A_36, %mul3A_37 : i32
    %multiple_of3A_39 = tpu.assume_multiple %mul3A_38, 128 : i32
    %dma_start3A_40 = arith.constant 1 : i32
    %dma_start3A_41 = arith.constant 0 : i32
    %dma_start3A_42 = arith.constant 0 : i32
    %dma_start3A_43 = tpu.memref_slice %arg9[%dma_start3A_40, %dma_start3A_41, %dma_start3A_42] : memref<16x32x128xf32, #tpu.memory_space<vmem>> -> memref<1x32x128xf32, #tpu.memory_space<vmem>>
    %dma_start3A_44 = tpu.memref_squeeze %dma_start3A_43 : memref<1x32x128xf32, #tpu.memory_space<vmem>> -> memref<32x128xf32, #tpu.memory_space<vmem>>
    %dma_start3A_45 = arith.constant 0 : i32
    %dma_start3A_46 = tpu.memref_slice %arg2[%dma_start3A_45, %multiple_of3A_39] : memref<32x1000000xf32, #tpu.memory_space<hbm>> -> memref<32x128xf32, #tpu.memory_space<hbm>>
    %dma_start3A_47 = arith.constant 0 : i32
    %dma_start3A_48 = arith.constant 0 : i32
    %dma_start3A_49 = tpu.memref_slice %arg9[%dma_start3A_40, %dma_start3A_47, %dma_start3A_48] : memref<16x32x128xf32, #tpu.memory_space<vmem>> -> memref<1x32x128xf32, #tpu.memory_space<vmem>>
    %dma_start3A_50 = tpu.memref_squeeze %dma_start3A_49 : memref<1x32x128xf32, #tpu.memory_space<vmem>> -> memref<32x128xf32, #tpu.memory_space<vmem>>
    %dma_start3A_51 = arith.constant 0 : i32
    %dma_start3A_52 = tpu.memref_slice %arg2[%dma_start3A_51, %multiple_of3A_39] : memref<32x1000000xf32, #tpu.memory_space<hbm>> -> memref<32x128xf32, #tpu.memory_space<hbm>>
    tpu.enqueue_dma source(%dma_start3A_52 : memref<32x128xf32, #tpu.memory_space<hbm>>) target(%dma_start3A_50 : memref<32x128xf32, #tpu.memory_space<vmem>>) target_semaphore(%arg12 : memref<!tpu.dma_semaphore, #tpu.memory_space<semaphore_mem>>)
    %slice3A_53 = vector.extract_strided_slice %get3A_16 {offsets = [2], sizes = [1], strides = [1]} : vector<16xi32> to vector<1xi32>
    %squeeze3A_54 = vector.extract %slice3A_53[0] : i32 from vector<1xi32>
    %shift_right_arithmetic3A_55 = arith.constant 7 : i32
    %shift_right_arithmetic3A_56 = arith.shrsi %squeeze3A_54, %shift_right_arithmetic3A_55 : i32
    %mul3A_57 = arith.constant 128 : i32
    %mul3A_58 = arith.muli %shift_right_arithmetic3A_56, %mul3A_57 : i32
    %multiple_of3A_59 = tpu.assume_multiple %mul3A_58, 128 : i32
    %dma_start3A_60 = arith.constant 2 : i32
    %dma_start3A_61 = arith.constant 0 : i32
    %dma_start3A_62 = arith.constant 0 : i32
    %dma_start3A_63 = tpu.memref_slice %arg9[%dma_start3A_60, %dma_start3A_61, %dma_start3A_62] : memref<16x32x128xf32, #tpu.memory_space<vmem>> -> memref<1x32x128xf32, #tpu.memory_space<vmem>>
    %dma_start3A_64 = tpu.memref_squeeze %dma_start3A_63 : memref<1x32x128xf32, #tpu.memory_space<vmem>> -> memref<32x128xf32, #tpu.memory_space<vmem>>
    %dma_start3A_65 = arith.constant 0 : i32
    %dma_start3A_66 = tpu.memref_slice %arg2[%dma_start3A_65, %multiple_of3A_59] : memref<32x1000000xf32, #tpu.memory_space<hbm>> -> memref<32x128xf32, #tpu.memory_space<hbm>>
    %dma_start3A_67 = arith.constant 0 : i32
    %dma_start3A_68 = arith.constant 0 : i32
    %dma_start3A_69 = tpu.memref_slice %arg9[%dma_start3A_60, %dma_start3A_67, %dma_start3A_68] : memref<16x32x128xf32, #tpu.memory_space<vmem>> -> memref<1x32x128xf32, #tpu.memory_space<vmem>>
    %dma_start3A_70 = tpu.memref_squeeze %dma_start3A_69 : memref<1x32x128xf32, #tpu.memory_space<vmem>> -> memref<32x128xf32, #tpu.memory_space<vmem>>
    %dma_start3A_71 = arith.constant 0 : i32
    %dma_start3A_72 = tpu.memref_slice %arg2[%dma_start3A_71, %multiple_of3A_59] : memref<32x1000000xf32, #tpu.memory_space<hbm>> -> memref<32x128xf32, #tpu.memory_space<hbm>>
    tpu.enqueue_dma source(%dma_start3A_72 : memref<32x128xf32, #tpu.memory_space<hbm>>) target(%dma_start3A_70 : memref<32x128xf32, #tpu.memory_space<vmem>>) target_semaphore(%arg12 : memref<!tpu.dma_semaphore, #tpu.memory_space<semaphore_mem>>)
    %slice3A_73 = vector.extract_strided_slice %get3A_16 {offsets = [3], sizes = [1], strides = [1]} : vector<16xi32> to vector<1xi32>
    %squeeze3A_74 = vector.extract %slice3A_73[0] : i32 from vector<1xi32>
    %shift_right_arithmetic3A_75 = arith.constant 7 : i32
    %shift_right_arithmetic3A_76 = arith.shrsi %squeeze3A_74, %shift_right_arithmetic3A_75 : i32
    %mul3A_77 = arith.constant 128 : i32
    %mul3A_78 = arith.muli %shift_right_arithmetic3A_76, %mul3A_77 : i32
    %multiple_of3A_79 = tpu.assume_multiple %mul3A_78, 128 : i32
    %dma_start3A_80 = arith.constant 3 : i32
    %dma_start3A_81 = arith.constant 0 : i32
    %dma_start3A_82 = arith.constant 0 : i32
    %dma_start3A_83 = tpu.memref_slice %arg9[%dma_start3A_80, %dma_start3A_81, %dma_start3A_82] : memref<16x32x128xf32, #tpu.memory_space<vmem>> -> memref<1x32x128xf32, #tpu.memory_space<vmem>>
    %dma_start3A_84 = tpu.memref_squeeze %dma_start3A_83 : memref<1x32x128xf32, #tpu.memory_space<vmem>> -> memref<32x128xf32, #tpu.memory_space<vmem>>
    %dma_start3A_85 = arith.constant 0 : i32
    %dma_start3A_86 = tpu.memref_slice %arg2[%dma_start3A_85, %multiple_of3A_79] : memref<32x1000000xf32, #tpu.memory_space<hbm>> -> memref<32x128xf32, #tpu.memory_space<hbm>>
    %dma_start3A_87 = arith.constant 0 : i32
    %dma_start3A_88 = arith.constant 0 : i32
    %dma_start3A_89 = tpu.memref_slice %arg9[%dma_start3A_80, %dma_start3A_87, %dma_start3A_88] : memref<16x32x128xf32, #tpu.memory_space<vmem>> -> memref<1x32x128xf32, #tpu.memory_space<vmem>>
    %dma_start3A_90 = tpu.memref_squeeze %dma_start3A_89 : memref<1x32x128xf32, #tpu.memory_space<vmem>> -> memref<32x128xf32, #tpu.memory_space<vmem>>
    %dma_start3A_91 = arith.constant 0 : i32
    %dma_start3A_92 = tpu.memref_slice %arg2[%dma_start3A_91, %multiple_of3A_79] : memref<32x1000000xf32, #tpu.memory_space<hbm>> -> memref<32x128xf32, #tpu.memory_space<hbm>>
    tpu.enqueue_dma source(%dma_start3A_92 : memref<32x128xf32, #tpu.memory_space<hbm>>) target(%dma_start3A_90 : memref<32x128xf32, #tpu.memory_space<vmem>>) target_semaphore(%arg12 : memref<!tpu.dma_semaphore, #tpu.memory_space<semaphore_mem>>)
    %slice3A_93 = vector.extract_strided_slice %get3A_16 {offsets = [4], sizes = [1], strides = [1]} : vector<16xi32> to vector<1xi32>
    %squeeze3A_94 = vector.extract %slice3A_93[0] : i32 from vector<1xi32>
    %shift_right_arithmetic3A_95 = arith.constant 7 : i32
    %shift_right_arithmetic3A_96 = arith.shrsi %squeeze3A_94, %shift_right_arithmetic3A_95 : i32
    %mul3A_97 = arith.constant 128 : i32
    %mul3A_98 = arith.muli %shift_right_arithmetic3A_96, %mul3A_97 : i32
    %multiple_of3A_99 = tpu.assume_multiple %mul3A_98, 128 : i32
    %dma_start3A_100 = arith.constant 4 : i32
    %dma_start3A_101 = arith.constant 0 : i32
    %dma_start3A_102 = arith.constant 0 : i32
    %dma_start3A_103 = tpu.memref_slice %arg9[%dma_start3A_100, %dma_start3A_101, %dma_start3A_102] : memref<16x32x128xf32, #tpu.memory_space<vmem>> -> memref<1x32x128xf32, #tpu.memory_space<vmem>>
    %dma_start3A_104 = tpu.memref_squeeze %dma_start3A_103 : memref<1x32x128xf32, #tpu.memory_space<vmem>> -> memref<32x128xf32, #tpu.memory_space<vmem>>
    %dma_start3A_105 = arith.constant 0 : i32
    %dma_start3A_106 = tpu.memref_slice %arg2[%dma_start3A_105, %multiple_of3A_99] : memref<32x1000000xf32, #tpu.memory_space<hbm>> -> memref<32x128xf32, #tpu.memory_space<hbm>>
    %dma_start3A_107 = arith.constant 0 : i32
    %dma_start3A_108 = arith.constant 0 : i32
    %dma_start3A_109 = tpu.memref_slice %arg9[%dma_start3A_100, %dma_start3A_107, %dma_start3A_108] : memref<16x32x128xf32, #tpu.memory_space<vmem>> -> memref<1x32x128xf32, #tpu.memory_space<vmem>>
    %dma_start3A_110 = tpu.memref_squeeze %dma_start3A_109 : memref<1x32x128xf32, #tpu.memory_space<vmem>> -> memref<32x128xf32, #tpu.memory_space<vmem>>
    %dma_start3A_111 = arith.constant 0 : i32
    %dma_start3A_112 = tpu.memref_slice %arg2[%dma_start3A_111, %multiple_of3A_99] : memref<32x1000000xf32, #tpu.memory_space<hbm>> -> memref<32x128xf32, #tpu.memory_space<hbm>>
    tpu.enqueue_dma source(%dma_start3A_112 : memref<32x128xf32, #tpu.memory_space<hbm>>) target(%dma_start3A_110 : memref<32x128xf32, #tpu.memory_space<vmem>>) target_semaphore(%arg12 : memref<!tpu.dma_semaphore, #tpu.memory_space<semaphore_mem>>)
    %slice3A_113 = vector.extract_strided_slice %get3A_16 {offsets = [5], sizes = [1], strides = [1]} : vector<16xi32> to vector<1xi32>
    %squeeze3A_114 = vector.extract %slice3A_113[0] : i32 from vector<1xi32>
    %shift_right_arithmetic3A_115 = arith.constant 7 : i32
    %shift_right_arithmetic3A_116 = arith.shrsi %squeeze3A_114, %shift_right_arithmetic3A_115 : i32
    %mul3A_117 = arith.constant 128 : i32
    %mul3A_118 = arith.muli %shift_right_arithmetic3A_116, %mul3A_117 : i32
    %multiple_of3A_119 = tpu.assume_multiple %mul3A_118, 128 : i32
    %dma_start3A_120 = arith.constant 5 : i32
    %dma_start3A_121 = arith.constant 0 : i32
    %dma_start3A_122 = arith.constant 0 : i32
    %dma_start3A_123 = tpu.memref_slice %arg9[%dma_start3A_120, %dma_start3A_121, %dma_start3A_122] : memref<16x32x128xf32, #tpu.memory_space<vmem>> -> memref<1x32x128xf32, #tpu.memory_space<vmem>>
    %dma_start3A_124 = tpu.memref_squeeze %dma_start3A_123 : memref<1x32x128xf32, #tpu.memory_space<vmem>> -> memref<32x128xf32, #tpu.memory_space<vmem>>
    %dma_start3A_125 = arith.constant 0 : i32
    %dma_start3A_126 = tpu.memref_slice %arg2[%dma_start3A_125, %multiple_of3A_119] : memref<32x1000000xf32, #tpu.memory_space<hbm>> -> memref<32x128xf32, #tpu.memory_space<hbm>>
    %dma_start3A_127 = arith.constant 0 : i32
    %dma_start3A_128 = arith.constant 0 : i32
    %dma_start3A_129 = tpu.memref_slice %arg9[%dma_start3A_120, %dma_start3A_127, %dma_start3A_128] : memref<16x32x128xf32, #tpu.memory_space<vmem>> -> memref<1x32x128xf32, #tpu.memory_space<vmem>>
    %dma_start3A_130 = tpu.memref_squeeze %dma_start3A_129 : memref<1x32x128xf32, #tpu.memory_space<vmem>> -> memref<32x128xf32, #tpu.memory_space<vmem>>
    %dma_start3A_131 = arith.constant 0 : i32
    %dma_start3A_132 = tpu.memref_slice %arg2[%dma_start3A_131, %multiple_of3A_119] : memref<32x1000000xf32, #tpu.memory_space<hbm>> -> memref<32x128xf32, #tpu.memory_space<hbm>>
    tpu.enqueue_dma source(%dma_start3A_132 : memref<32x128xf32, #tpu.memory_space<hbm>>) target(%dma_start3A_130 : memref<32x128xf32, #tpu.memory_space<vmem>>) target_semaphore(%arg12 : memref<!tpu.dma_semaphore, #tpu.memory_space<semaphore_mem>>)
    %slice3A_133 = vector.extract_strided_slice %get3A_16 {offsets = [6], sizes = [1], strides = [1]} : vector<16xi32> to vector<1xi32>
    %squeeze3A_134 = vector.extract %slice3A_133[0] : i32 from vector<1xi32>
    %shift_right_arithmetic3A_135 = arith.constant 7 : i32
    %shift_right_arithmetic3A_136 = arith.shrsi %squeeze3A_134, %shift_right_arithmetic3A_135 : i32
    %mul3A_137 = arith.constant 128 : i32
    %mul3A_138 = arith.muli %shift_right_arithmetic3A_136, %mul3A_137 : i32
    %multiple_of3A_139 = tpu.assume_multiple %mul3A_138, 128 : i32
    %dma_start3A_140 = arith.constant 6 : i32
    %dma_start3A_141 = arith.constant 0 : i32
    %dma_start3A_142 = arith.constant 0 : i32
    %dma_start3A_143 = tpu.memref_slice %arg9[%dma_start3A_140, %dma_start3A_141, %dma_start3A_142] : memref<16x32x128xf32, #tpu.memory_space<vmem>> -> memref<1x32x128xf32, #tpu.memory_space<vmem>>
    %dma_start3A_144 = tpu.memref_squeeze %dma_start3A_143 : memref<1x32x128xf32, #tpu.memory_space<vmem>> -> memref<32x128xf32, #tpu.memory_space<vmem>>
    %dma_start3A_145 = arith.constant 0 : i32
    %dma_start3A_146 = tpu.memref_slice %arg2[%dma_start3A_145, %multiple_of3A_139] : memref<32x1000000xf32, #tpu.memory_space<hbm>> -> memref<32x128xf32, #tpu.memory_space<hbm>>
    %dma_start3A_147 = arith.constant 0 : i32
    %dma_start3A_148 = arith.constant 0 : i32
    %dma_start3A_149 = tpu.memref_slice %arg9[%dma_start3A_140, %dma_start3A_147, %dma_start3A_148] : memref<16x32x128xf32, #tpu.memory_space<vmem>> -> memref<1x32x128xf32, #tpu.memory_space<vmem>>
    %dma_start3A_150 = tpu.memref_squeeze %dma_start3A_149 : memref<1x32x128xf32, #tpu.memory_space<vmem>> -> memref<32x128xf32, #tpu.memory_space<vmem>>
    %dma_start3A_151 = arith.constant 0 : i32
    %dma_start3A_152 = tpu.memref_slice %arg2[%dma_start3A_151, %multiple_of3A_139] : memref<32x1000000xf32, #tpu.memory_space<hbm>> -> memref<32x128xf32, #tpu.memory_space<hbm>>
    tpu.enqueue_dma source(%dma_start3A_152 : memref<32x128xf32, #tpu.memory_space<hbm>>) target(%dma_start3A_150 : memref<32x128xf32, #tpu.memory_space<vmem>>) target_semaphore(%arg12 : memref<!tpu.dma_semaphore, #tpu.memory_space<semaphore_mem>>)
    %slice3A_153 = vector.extract_strided_slice %get3A_16 {offsets = [7], sizes = [1], strides = [1]} : vector<16xi32> to vector<1xi32>
    %squeeze3A_154 = vector.extract %slice3A_153[0] : i32 from vector<1xi32>
    %shift_right_arithmetic3A_155 = arith.constant 7 : i32
    %shift_right_arithmetic3A_156 = arith.shrsi %squeeze3A_154, %shift_right_arithmetic3A_155 : i32
    %mul3A_157 = arith.constant 128 : i32
    %mul3A_158 = arith.muli %shift_right_arithmetic3A_156, %mul3A_157 : i32
    %multiple_of3A_159 = tpu.assume_multiple %mul3A_158, 128 : i32
    %dma_start3A_160 = arith.constant 7 : i32
    %dma_start3A_161 = arith.constant 0 : i32
    %dma_start3A_162 = arith.constant 0 : i32
    %dma_start3A_163 = tpu.memref_slice %arg9[%dma_start3A_160, %dma_start3A_161, %dma_start3A_162] : memref<16x32x128xf32, #tpu.memory_space<vmem>> -> memref<1x32x128xf32, #tpu.memory_space<vmem>>
    %dma_start3A_164 = tpu.memref_squeeze %dma_start3A_163 : memref<1x32x128xf32, #tpu.memory_space<vmem>> -> memref<32x128xf32, #tpu.memory_space<vmem>>
    %dma_start3A_165 = arith.constant 0 : i32
    %dma_start3A_166 = tpu.memref_slice %arg2[%dma_start3A_165, %multiple_of3A_159] : memref<32x1000000xf32, #tpu.memory_space<hbm>> -> memref<32x128xf32, #tpu.memory_space<hbm>>
    %dma_start3A_167 = arith.constant 0 : i32
    %dma_start3A_168 = arith.constant 0 : i32
    %dma_start3A_169 = tpu.memref_slice %arg9[%dma_start3A_160, %dma_start3A_167, %dma_start3A_168] : memref<16x32x128xf32, #tpu.memory_space<vmem>> -> memref<1x32x128xf32, #tpu.memory_space<vmem>>
    %dma_start3A_170 = tpu.memref_squeeze %dma_start3A_169 : memref<1x32x128xf32, #tpu.memory_space<vmem>> -> memref<32x128xf32, #tpu.memory_space<vmem>>
    %dma_start3A_171 = arith.constant 0 : i32
    %dma_start3A_172 = tpu.memref_slice %arg2[%dma_start3A_171, %multiple_of3A_159] : memref<32x1000000xf32, #tpu.memory_space<hbm>> -> memref<32x128xf32, #tpu.memory_space<hbm>>
    tpu.enqueue_dma source(%dma_start3A_172 : memref<32x128xf32, #tpu.memory_space<hbm>>) target(%dma_start3A_170 : memref<32x128xf32, #tpu.memory_space<vmem>>) target_semaphore(%arg12 : memref<!tpu.dma_semaphore, #tpu.memory_space<semaphore_mem>>)
    %scan3A = arith.constant 0 : i32
    %scan3A_173 = arith.constant 0 : i32
    %scan3A_174 = arith.constant 32 : i32
    %scan3A_175 = arith.addi %scan3A_173, %scan3A_174 : i32
    %scan3A_176 = arith.constant 1 : i32
    scf.for %scan3A_358 = %scan3A_173 to %scan3A_175 step %scan3A_176  : i32 {
      %mul3A_359 = arith.constant 2 : i32
      %mul3A_360 = arith.muli %mul3A_359, %scan3A_358 : i32
      %add3A_361 = arith.constant 1 : i32
      %add3A_362 = arith.addi %mul3A_360, %add3A_361 : i32
      %mul3A_363 = arith.constant 8 : i32
      %mul3A_364 = arith.muli %add3A_362, %mul3A_363 : i32
      %get3A_365 = arith.index_cast %mul3A_364 : i32 to index
      %get3A_366 = tpu.vector_load %arg8[%get3A_365] {strides = array<i32>} : memref<528xi32, #tpu.memory_space<vmem>>, vector<16xi32>,
      %slice3A_367 = vector.extract_strided_slice %get3A_366 {offsets = [0], sizes = [1], strides = [1]} : vector<16xi32> to vector<1xi32>
      %squeeze3A_368 = vector.extract %slice3A_367[0] : i32 from vector<1xi32>
      %shift_right_arithmetic3A_369 = arith.constant 7 : i32
      %shift_right_arithmetic3A_370 = arith.shrsi %squeeze3A_368, %shift_right_arithmetic3A_369 : i32
      %mul3A_371 = arith.constant 128 : i32
      %mul3A_372 = arith.muli %shift_right_arithmetic3A_370, %mul3A_371 : i32
      %multiple_of3A_373 = tpu.assume_multiple %mul3A_372, 128 : i32
      %dma_start3A_374 = arith.constant 8 : i32
      %dma_start3A_375 = arith.constant 0 : i32
      %dma_start3A_376 = arith.constant 0 : i32
      %dma_start3A_377 = tpu.memref_slice %arg9[%dma_start3A_374, %dma_start3A_375, %dma_start3A_376] : memref<16x32x128xf32, #tpu.memory_space<vmem>> -> memref<1x32x128xf32, #tpu.memory_space<vmem>>
      %dma_start3A_378 = tpu.memref_squeeze %dma_start3A_377 : memref<1x32x128xf32, #tpu.memory_space<vmem>> -> memref<32x128xf32, #tpu.memory_space<vmem>>
      %dma_start3A_379 = arith.constant 0 : i32
      %dma_start3A_380 = tpu.memref_slice %arg2[%dma_start3A_379, %multiple_of3A_373] : memref<32x1000000xf32, #tpu.memory_space<hbm>> -> memref<32x128xf32, #tpu.memory_space<hbm>>
      %dma_start3A_381 = arith.constant 0 : i32
      %dma_start3A_382 = arith.constant 0 : i32
      %dma_start3A_383 = tpu.memref_slice %arg9[%dma_start3A_374, %dma_start3A_381, %dma_start3A_382] : memref<16x32x128xf32, #tpu.memory_space<vmem>> -> memref<1x32x128xf32, #tpu.memory_space<vmem>>
      %dma_start3A_384 = tpu.memref_squeeze %dma_start3A_383 : memref<1x32x128xf32, #tpu.memory_space<vmem>> -> memref<32x128xf32, #tpu.memory_space<vmem>>
      %dma_start3A_385 = arith.constant 0 : i32
      %dma_start3A_386 = tpu.memref_slice %arg2[%dma_start3A_385, %multiple_of3A_373] : memref<32x1000000xf32, #tpu.memory_space<hbm>> -> memref<32x128xf32, #tpu.memory_space<hbm>>
      tpu.enqueue_dma source(%dma_start3A_386 : memref<32x128xf32, #tpu.memory_space<hbm>>) target(%dma_start3A_384 : memref<32x128xf32, #tpu.memory_space<vmem>>) target_semaphore(%arg12 : memref<!tpu.dma_semaphore, #tpu.memory_space<semaphore_mem>>)
      %slice3A_387 = vector.extract_strided_slice %get3A_366 {offsets = [1], sizes = [1], strides = [1]} : vector<16xi32> to vector<1xi32>
      %squeeze3A_388 = vector.extract %slice3A_387[0] : i32 from vector<1xi32>
      %shift_right_arithmetic3A_389 = arith.constant 7 : i32
      %shift_right_arithmetic3A_390 = arith.shrsi %squeeze3A_388, %shift_right_arithmetic3A_389 : i32
      %mul3A_391 = arith.constant 128 : i32
      %mul3A_392 = arith.muli %shift_right_arithmetic3A_390, %mul3A_391 : i32
      %multiple_of3A_393 = tpu.assume_multiple %mul3A_392, 128 : i32
      %dma_start3A_394 = arith.constant 9 : i32
      %dma_start3A_395 = arith.constant 0 : i32
      %dma_start3A_396 = arith.constant 0 : i32
      %dma_start3A_397 = tpu.memref_slice %arg9[%dma_start3A_394, %dma_start3A_395, %dma_start3A_396] : memref<16x32x128xf32, #tpu.memory_space<vmem>> -> memref<1x32x128xf32, #tpu.memory_space<vmem>>
      %dma_start3A_398 = tpu.memref_squeeze %dma_start3A_397 : memref<1x32x128xf32, #tpu.memory_space<vmem>> -> memref<32x128xf32, #tpu.memory_space<vmem>>
      %dma_start3A_399 = arith.constant 0 : i32
      %dma_start3A_400 = tpu.memref_slice %arg2[%dma_start3A_399, %multiple_of3A_393] : memref<32x1000000xf32, #tpu.memory_space<hbm>> -> memref<32x128xf32, #tpu.memory_space<hbm>>
      %dma_start3A_401 = arith.constant 0 : i32
      %dma_start3A_402 = arith.constant 0 : i32
      %dma_start3A_403 = tpu.memref_slice %arg9[%dma_start3A_394, %dma_start3A_401, %dma_start3A_402] : memref<16x32x128xf32, #tpu.memory_space<vmem>> -> memref<1x32x128xf32, #tpu.memory_space<vmem>>
      %dma_start3A_404 = tpu.memref_squeeze %dma_start3A_403 : memref<1x32x128xf32, #tpu.memory_space<vmem>> -> memref<32x128xf32, #tpu.memory_space<vmem>>
      %dma_start3A_405 = arith.constant 0 : i32
      %dma_start3A_406 = tpu.memref_slice %arg2[%dma_start3A_405, %multiple_of3A_393] : memref<32x1000000xf32, #tpu.memory_space<hbm>> -> memref<32x128xf32, #tpu.memory_space<hbm>>
      tpu.enqueue_dma source(%dma_start3A_406 : memref<32x128xf32, #tpu.memory_space<hbm>>) target(%dma_start3A_404 : memref<32x128xf32, #tpu.memory_space<vmem>>) target_semaphore(%arg12 : memref<!tpu.dma_semaphore, #tpu.memory_space<semaphore_mem>>)
      %slice3A_407 = vector.extract_strided_slice %get3A_366 {offsets = [2], sizes = [1], strides = [1]} : vector<16xi32> to vector<1xi32>
      %squeeze3A_408 = vector.extract %slice3A_407[0] : i32 from vector<1xi32>
      %shift_right_arithmetic3A_409 = arith.constant 7 : i32
      %shift_right_arithmetic3A_410 = arith.shrsi %squeeze3A_408, %shift_right_arithmetic3A_409 : i32
      %mul3A_411 = arith.constant 128 : i32
      %mul3A_412 = arith.muli %shift_right_arithmetic3A_410, %mul3A_411 : i32
      %multiple_of3A_413 = tpu.assume_multiple %mul3A_412, 128 : i32
      %dma_start3A_414 = arith.constant 10 : i32
      %dma_start3A_415 = arith.constant 0 : i32
      %dma_start3A_416 = arith.constant 0 : i32
      %dma_start3A_417 = tpu.memref_slice %arg9[%dma_start3A_414, %dma_start3A_415, %dma_start3A_416] : memref<16x32x128xf32, #tpu.memory_space<vmem>> -> memref<1x32x128xf32, #tpu.memory_space<vmem>>
      %dma_start3A_418 = tpu.memref_squeeze %dma_start3A_417 : memref<1x32x128xf32, #tpu.memory_space<vmem>> -> memref<32x128xf32, #tpu.memory_space<vmem>>
      %dma_start3A_419 = arith.constant 0 : i32
      %dma_start3A_420 = tpu.memref_slice %arg2[%dma_start3A_419, %multiple_of3A_413] : memref<32x1000000xf32, #tpu.memory_space<hbm>> -> memref<32x128xf32, #tpu.memory_space<hbm>>
      %dma_start3A_421 = arith.constant 0 : i32
      %dma_start3A_422 = arith.constant 0 : i32
      %dma_start3A_423 = tpu.memref_slice %arg9[%dma_start3A_414, %dma_start3A_421, %dma_start3A_422] : memref<16x32x128xf32, #tpu.memory_space<vmem>> -> memref<1x32x128xf32, #tpu.memory_space<vmem>>
      %dma_start3A_424 = tpu.memref_squeeze %dma_start3A_423 : memref<1x32x128xf32, #tpu.memory_space<vmem>> -> memref<32x128xf32, #tpu.memory_space<vmem>>
      %dma_start3A_425 = arith.constant 0 : i32
      %dma_start3A_426 = tpu.memref_slice %arg2[%dma_start3A_425, %multiple_of3A_413] : memref<32x1000000xf32, #tpu.memory_space<hbm>> -> memref<32x128xf32, #tpu.memory_space<hbm>>
      tpu.enqueue_dma source(%dma_start3A_426 : memref<32x128xf32, #tpu.memory_space<hbm>>) target(%dma_start3A_424 : memref<32x128xf32, #tpu.memory_space<vmem>>) target_semaphore(%arg12 : memref<!tpu.dma_semaphore, #tpu.memory_space<semaphore_mem>>)
      %slice3A_427 = vector.extract_strided_slice %get3A_366 {offsets = [3], sizes = [1], strides = [1]} : vector<16xi32> to vector<1xi32>
      %squeeze3A_428 = vector.extract %slice3A_427[0] : i32 from vector<1xi32>
      %shift_right_arithmetic3A_429 = arith.constant 7 : i32
      %shift_right_arithmetic3A_430 = arith.shrsi %squeeze3A_428, %shift_right_arithmetic3A_429 : i32
      %mul3A_431 = arith.constant 128 : i32
      %mul3A_432 = arith.muli %shift_right_arithmetic3A_430, %mul3A_431 : i32
      %multiple_of3A_433 = tpu.assume_multiple %mul3A_432, 128 : i32
      %dma_start3A_434 = arith.constant 11 : i32
      %dma_start3A_435 = arith.constant 0 : i32
      %dma_start3A_436 = arith.constant 0 : i32
      %dma_start3A_437 = tpu.memref_slice %arg9[%dma_start3A_434, %dma_start3A_435, %dma_start3A_436] : memref<16x32x128xf32, #tpu.memory_space<vmem>> -> memref<1x32x128xf32, #tpu.memory_space<vmem>>
      %dma_start3A_438 = tpu.memref_squeeze %dma_start3A_437 : memref<1x32x128xf32, #tpu.memory_space<vmem>> -> memref<32x128xf32, #tpu.memory_space<vmem>>
      %dma_start3A_439 = arith.constant 0 : i32
      %dma_start3A_440 = tpu.memref_slice %arg2[%dma_start3A_439, %multiple_of3A_433] : memref<32x1000000xf32, #tpu.memory_space<hbm>> -> memref<32x128xf32, #tpu.memory_space<hbm>>
      %dma_start3A_441 = arith.constant 0 : i32
      %dma_start3A_442 = arith.constant 0 : i32
      %dma_start3A_443 = tpu.memref_slice %arg9[%dma_start3A_434, %dma_start3A_441, %dma_start3A_442] : memref<16x32x128xf32, #tpu.memory_space<vmem>> -> memref<1x32x128xf32, #tpu.memory_space<vmem>>
      %dma_start3A_444 = tpu.memref_squeeze %dma_start3A_443 : memref<1x32x128xf32, #tpu.memory_space<vmem>> -> memref<32x128xf32, #tpu.memory_space<vmem>>
      %dma_start3A_445 = arith.constant 0 : i32
      %dma_start3A_446 = tpu.memref_slice %arg2[%dma_start3A_445, %multiple_of3A_433] : memref<32x1000000xf32, #tpu.memory_space<hbm>> -> memref<32x128xf32, #tpu.memory_space<hbm>>
      tpu.enqueue_dma source(%dma_start3A_446 : memref<32x128xf32, #tpu.memory_space<hbm>>) target(%dma_start3A_444 : memref<32x128xf32, #tpu.memory_space<vmem>>) target_semaphore(%arg12 : memref<!tpu.dma_semaphore, #tpu.memory_space<semaphore_mem>>)
      %slice3A_447 = vector.extract_strided_slice %get3A_366 {offsets = [4], sizes = [1], strides = [1]} : vector<16xi32> to vector<1xi32>
      %squeeze3A_448 = vector.extract %slice3A_447[0] : i32 from vector<1xi32>
      %shift_right_arithmetic3A_449 = arith.constant 7 : i32
      %shift_right_arithmetic3A_450 = arith.shrsi %squeeze3A_448, %shift_right_arithmetic3A_449 : i32
      %mul3A_451 = arith.constant 128 : i32
      %mul3A_452 = arith.muli %shift_right_arithmetic3A_450, %mul3A_451 : i32
      %multiple_of3A_453 = tpu.assume_multiple %mul3A_452, 128 : i32
      %dma_start3A_454 = arith.constant 12 : i32
      %dma_start3A_455 = arith.constant 0 : i32
      %dma_start3A_456 = arith.constant 0 : i32
      %dma_start3A_457 = tpu.memref_slice %arg9[%dma_start3A_454, %dma_start3A_455, %dma_start3A_456] : memref<16x32x128xf32, #tpu.memory_space<vmem>> -> memref<1x32x128xf32, #tpu.memory_space<vmem>>
      %dma_start3A_458 = tpu.memref_squeeze %dma_start3A_457 : memref<1x32x128xf32, #tpu.memory_space<vmem>> -> memref<32x128xf32, #tpu.memory_space<vmem>>
      %dma_start3A_459 = arith.constant 0 : i32
      %dma_start3A_460 = tpu.memref_slice %arg2[%dma_start3A_459, %multiple_of3A_453] : memref<32x1000000xf32, #tpu.memory_space<hbm>> -> memref<32x128xf32, #tpu.memory_space<hbm>>
      %dma_start3A_461 = arith.constant 0 : i32
      %dma_start3A_462 = arith.constant 0 : i32
      %dma_start3A_463 = tpu.memref_slice %arg9[%dma_start3A_454, %dma_start3A_461, %dma_start3A_462] : memref<16x32x128xf32, #tpu.memory_space<vmem>> -> memref<1x32x128xf32, #tpu.memory_space<vmem>>
      %dma_start3A_464 = tpu.memref_squeeze %dma_start3A_463 : memref<1x32x128xf32, #tpu.memory_space<vmem>> -> memref<32x128xf32, #tpu.memory_space<vmem>>
      %dma_start3A_465 = arith.constant 0 : i32
      %dma_start3A_466 = tpu.memref_slice %arg2[%dma_start3A_465, %multiple_of3A_453] : memref<32x1000000xf32, #tpu.memory_space<hbm>> -> memref<32x128xf32, #tpu.memory_space<hbm>>
      tpu.enqueue_dma source(%dma_start3A_466 : memref<32x128xf32, #tpu.memory_space<hbm>>) target(%dma_start3A_464 : memref<32x128xf32, #tpu.memory_space<vmem>>) target_semaphore(%arg12 : memref<!tpu.dma_semaphore, #tpu.memory_space<semaphore_mem>>)
      %slice3A_467 = vector.extract_strided_slice %get3A_366 {offsets = [5], sizes = [1], strides = [1]} : vector<16xi32> to vector<1xi32>
      %squeeze3A_468 = vector.extract %slice3A_467[0] : i32 from vector<1xi32>
      %shift_right_arithmetic3A_469 = arith.constant 7 : i32
      %shift_right_arithmetic3A_470 = arith.shrsi %squeeze3A_468, %shift_right_arithmetic3A_469 : i32
      %mul3A_471 = arith.constant 128 : i32
      %mul3A_472 = arith.muli %shift_right_arithmetic3A_470, %mul3A_471 : i32
      %multiple_of3A_473 = tpu.assume_multiple %mul3A_472, 128 : i32
      %dma_start3A_474 = arith.constant 13 : i32
      %dma_start3A_475 = arith.constant 0 : i32
      %dma_start3A_476 = arith.constant 0 : i32
      %dma_start3A_477 = tpu.memref_slice %arg9[%dma_start3A_474, %dma_start3A_475, %dma_start3A_476] : memref<16x32x128xf32, #tpu.memory_space<vmem>> -> memref<1x32x128xf32, #tpu.memory_space<vmem>>
      %dma_start3A_478 = tpu.memref_squeeze %dma_start3A_477 : memref<1x32x128xf32, #tpu.memory_space<vmem>> -> memref<32x128xf32, #tpu.memory_space<vmem>>
      %dma_start3A_479 = arith.constant 0 : i32
      %dma_start3A_480 = tpu.memref_slice %arg2[%dma_start3A_479, %multiple_of3A_473] : memref<32x1000000xf32, #tpu.memory_space<hbm>> -> memref<32x128xf32, #tpu.memory_space<hbm>>
      %dma_start3A_481 = arith.constant 0 : i32
      %dma_start3A_482 = arith.constant 0 : i32
      %dma_start3A_483 = tpu.memref_slice %arg9[%dma_start3A_474, %dma_start3A_481, %dma_start3A_482] : memref<16x32x128xf32, #tpu.memory_space<vmem>> -> memref<1x32x128xf32, #tpu.memory_space<vmem>>
      %dma_start3A_484 = tpu.memref_squeeze %dma_start3A_483 : memref<1x32x128xf32, #tpu.memory_space<vmem>> -> memref<32x128xf32, #tpu.memory_space<vmem>>
      %dma_start3A_485 = arith.constant 0 : i32
      %dma_start3A_486 = tpu.memref_slice %arg2[%dma_start3A_485, %multiple_of3A_473] : memref<32x1000000xf32, #tpu.memory_space<hbm>> -> memref<32x128xf32, #tpu.memory_space<hbm>>
      tpu.enqueue_dma source(%dma_start3A_486 : memref<32x128xf32, #tpu.memory_space<hbm>>) target(%dma_start3A_484 : memref<32x128xf32, #tpu.memory_space<vmem>>) target_semaphore(%arg12 : memref<!tpu.dma_semaphore, #tpu.memory_space<semaphore_mem>>)
      %slice3A_487 = vector.extract_strided_slice %get3A_366 {offsets = [6], sizes = [1], strides = [1]} : vector<16xi32> to vector<1xi32>
      %squeeze3A_488 = vector.extract %slice3A_487[0] : i32 from vector<1xi32>
      %shift_right_arithmetic3A_489 = arith.constant 7 : i32
      %shift_right_arithmetic3A_490 = arith.shrsi %squeeze3A_488, %shift_right_arithmetic3A_489 : i32
      %mul3A_491 = arith.constant 128 : i32
      %mul3A_492 = arith.muli %shift_right_arithmetic3A_490, %mul3A_491 : i32
      %multiple_of3A_493 = tpu.assume_multiple %mul3A_492, 128 : i32
      %dma_start3A_494 = arith.constant 14 : i32
      %dma_start3A_495 = arith.constant 0 : i32
      %dma_start3A_496 = arith.constant 0 : i32
      %dma_start3A_497 = tpu.memref_slice %arg9[%dma_start3A_494, %dma_start3A_495, %dma_start3A_496] : memref<16x32x128xf32, #tpu.memory_space<vmem>> -> memref<1x32x128xf32, #tpu.memory_space<vmem>>
      %dma_start3A_498 = tpu.memref_squeeze %dma_start3A_497 : memref<1x32x128xf32, #tpu.memory_space<vmem>> -> memref<32x128xf32, #tpu.memory_space<vmem>>
      %dma_start3A_499 = arith.constant 0 : i32
      %dma_start3A_500 = tpu.memref_slice %arg2[%dma_start3A_499, %multiple_of3A_493] : memref<32x1000000xf32, #tpu.memory_space<hbm>> -> memref<32x128xf32, #tpu.memory_space<hbm>>
      %dma_start3A_501 = arith.constant 0 : i32
      %dma_start3A_502 = arith.constant 0 : i32
      %dma_start3A_503 = tpu.memref_slice %arg9[%dma_start3A_494, %dma_start3A_501, %dma_start3A_502] : memref<16x32x128xf32, #tpu.memory_space<vmem>> -> memref<1x32x128xf32, #tpu.memory_space<vmem>>
      %dma_start3A_504 = tpu.memref_squeeze %dma_start3A_503 : memref<1x32x128xf32, #tpu.memory_space<vmem>> -> memref<32x128xf32, #tpu.memory_space<vmem>>
      %dma_start3A_505 = arith.constant 0 : i32
      %dma_start3A_506 = tpu.memref_slice %arg2[%dma_start3A_505, %multiple_of3A_493] : memref<32x1000000xf32, #tpu.memory_space<hbm>> -> memref<32x128xf32, #tpu.memory_space<hbm>>
      tpu.enqueue_dma source(%dma_start3A_506 : memref<32x128xf32, #tpu.memory_space<hbm>>) target(%dma_start3A_504 : memref<32x128xf32, #tpu.memory_space<vmem>>) target_semaphore(%arg12 : memref<!tpu.dma_semaphore, #tpu.memory_space<semaphore_mem>>)
      %slice3A_507 = vector.extract_strided_slice %get3A_366 {offsets = [7], sizes = [1], strides = [1]} : vector<16xi32> to vector<1xi32>
      %squeeze3A_508 = vector.extract %slice3A_507[0] : i32 from vector<1xi32>
      %shift_right_arithmetic3A_509 = arith.constant 7 : i32
      %shift_right_arithmetic3A_510 = arith.shrsi %squeeze3A_508, %shift_right_arithmetic3A_509 : i32
      %mul3A_511 = arith.constant 128 : i32
      %mul3A_512 = arith.muli %shift_right_arithmetic3A_510, %mul3A_511 : i32
      %multiple_of3A_513 = tpu.assume_multiple %mul3A_512, 128 : i32
      %dma_start3A_514 = arith.constant 15 : i32
      %dma_start3A_515 = arith.constant 0 : i32
      %dma_start3A_516 = arith.constant 0 : i32
      %dma_start3A_517 = tpu.memref_slice %arg9[%dma_start3A_514, %dma_start3A_515, %dma_start3A_516] : memref<16x32x128xf32, #tpu.memory_space<vmem>> -> memref<1x32x128xf32, #tpu.memory_space<vmem>>
      %dma_start3A_518 = tpu.memref_squeeze %dma_start3A_517 : memref<1x32x128xf32, #tpu.memory_space<vmem>> -> memref<32x128xf32, #tpu.memory_space<vmem>>
      %dma_start3A_519 = arith.constant 0 : i32
      %dma_start3A_520 = tpu.memref_slice %arg2[%dma_start3A_519, %multiple_of3A_513] : memref<32x1000000xf32, #tpu.memory_space<hbm>> -> memref<32x128xf32, #tpu.memory_space<hbm>>
      %dma_start3A_521 = arith.constant 0 : i32
      %dma_start3A_522 = arith.constant 0 : i32
      %dma_start3A_523 = tpu.memref_slice %arg9[%dma_start3A_514, %dma_start3A_521, %dma_start3A_522] : memref<16x32x128xf32, #tpu.memory_space<vmem>> -> memref<1x32x128xf32, #tpu.memory_space<vmem>>
      %dma_start3A_524 = tpu.memref_squeeze %dma_start3A_523 : memref<1x32x128xf32, #tpu.memory_space<vmem>> -> memref<32x128xf32, #tpu.memory_space<vmem>>
      %dma_start3A_525 = arith.constant 0 : i32
      %dma_start3A_526 = tpu.memref_slice %arg2[%dma_start3A_525, %multiple_of3A_513] : memref<32x1000000xf32, #tpu.memory_space<hbm>> -> memref<32x128xf32, #tpu.memory_space<hbm>>
      tpu.enqueue_dma source(%dma_start3A_526 : memref<32x128xf32, #tpu.memory_space<hbm>>) target(%dma_start3A_524 : memref<32x128xf32, #tpu.memory_space<vmem>>) target_semaphore(%arg12 : memref<!tpu.dma_semaphore, #tpu.memory_space<semaphore_mem>>)
      %mul3A_527 = arith.constant 8 : i32
      %mul3A_528 = arith.muli %mul3A_360, %mul3A_527 : i32
      %get3A_529 = arith.index_cast %mul3A_528 : i32 to index
      %get3A_530 = tpu.vector_load %arg8[%get3A_529] {strides = array<i32>} : memref<528xi32, #tpu.memory_space<vmem>>, vector<16xi32>,
      %slice3A_531 = vector.extract_strided_slice %get3A_530 {offsets = [0], sizes = [1], strides = [1]} : vector<16xi32> to vector<1xi32>
      %squeeze3A_532 = vector.extract %slice3A_531[0] : i32 from vector<1xi32>
      %mul3A_533 = arith.constant 8 : i32
      %mul3A_534 = arith.muli %mul3A_360, %mul3A_533 : i32
      %add3A_535 = arith.constant 0 : i32
      %add3A_536 = arith.addi %mul3A_534, %add3A_535 : i32
      %dma_wait3A_537 = arith.constant 0 : i32
      %dma_wait3A_538 = arith.constant 0 : i32
      %dma_wait3A_539 = arith.constant 0 : i32
      %dma_wait3A_540 = tpu.memref_slice %arg9[%dma_wait3A_537, %dma_wait3A_538, %dma_wait3A_539] : memref<16x32x128xf32, #tpu.memory_space<vmem>> -> memref<1x32x128xf32, #tpu.memory_space<vmem>>
      %dma_wait3A_541 = tpu.memref_squeeze %dma_wait3A_540 : memref<1x32x128xf32, #tpu.memory_space<vmem>> -> memref<32x128xf32, #tpu.memory_space<vmem>>
      %dma_wait3A_542 = arith.constant 0 : i32
      %dma_wait3A_543 = arith.constant 0 : i32
      %dma_wait3A_544 = tpu.memref_slice %arg2[%dma_wait3A_542, %dma_wait3A_543] : memref<32x1000000xf32, #tpu.memory_space<hbm>> -> memref<32x128xf32, #tpu.memory_space<hbm>>
      %dma_wait3A_545 = arith.constant 0 : i32
      %dma_wait3A_546 = arith.constant 0 : i32
      %dma_wait3A_547 = tpu.memref_slice %arg9[%dma_wait3A_537, %dma_wait3A_545, %dma_wait3A_546] : memref<16x32x128xf32, #tpu.memory_space<vmem>> -> memref<1x32x128xf32, #tpu.memory_space<vmem>>
      %dma_wait3A_548 = tpu.memref_squeeze %dma_wait3A_547 : memref<1x32x128xf32, #tpu.memory_space<vmem>> -> memref<32x128xf32, #tpu.memory_space<vmem>>
      %dma_wait3A_549 = arith.constant 0 : i32
      %dma_wait3A_550 = arith.constant 0 : i32
      %dma_wait3A_551 = tpu.memref_slice %arg2[%dma_wait3A_549, %dma_wait3A_550] : memref<32x1000000xf32, #tpu.memory_space<hbm>> -> memref<32x128xf32, #tpu.memory_space<hbm>>
      tpu.wait_dma2 semaphore(%arg12 : memref<!tpu.dma_semaphore, #tpu.memory_space<semaphore_mem>>) src(%dma_wait3A_551 : memref<32x128xf32, #tpu.memory_space<hbm>>) dst(%dma_wait3A_548 : memref<32x128xf32, #tpu.memory_space<vmem>>)
      %and3A = arith.constant 127 : i32
      %and3A_552 = arith.andi %squeeze3A_532, %and3A : i32
      %broadcast_in_dim3A = vector.broadcast %and3A_552 : i32 to vector<16xi32>
      %broadcast_in_dim3A_553 = vector.broadcast %add3A_536 : i32 to vector<16xi32>
      %gather3A = arith.constant 0 : i32
      %gather3A_554 = arith.constant 0 : i32
      %gather3A_555 = arith.constant 0 : i32
      %gather3A_556 = tpu.memref_slice %arg9[%gather3A, %gather3A_554, %gather3A_555] : memref<16x32x128xf32, #tpu.memory_space<vmem>> -> memref<1x32x128xf32, #tpu.memory_space<vmem>>
      %gather3A_557 = tpu.memref_squeeze %gather3A_556 : memref<1x32x128xf32, #tpu.memory_space<vmem>> -> memref<32x128xf32, #tpu.memory_space<vmem>>
      %gather3A_558 = tpu.vector_load_idx %gather3A_557[%iota3A, %broadcast_in_dim3A] : memref<32x128xf32, #tpu.memory_space<vmem>>[vector<16xi32>, vector<16xi32>], vector<16xf32>,
      %gather3A_559 = arith.constant 0 : i32
      %gather3A_560 = arith.constant 0 : i32
      %gather3A_561 = arith.constant 0 : i32
      %gather3A_562 = tpu.memref_slice %arg9[%gather3A_559, %gather3A_560, %gather3A_561] : memref<16x32x128xf32, #tpu.memory_space<vmem>> -> memref<1x32x128xf32, #tpu.memory_space<vmem>>
      %gather3A_563 = tpu.memref_squeeze %gather3A_562 : memref<1x32x128xf32, #tpu.memory_space<vmem>> -> memref<32x128xf32, #tpu.memory_space<vmem>>
      %gather3A_564 = tpu.vector_load_idx %gather3A_563[%add3A_5, %broadcast_in_dim3A] : memref<32x128xf32, #tpu.memory_space<vmem>>[vector<16xi32>, vector<16xi32>], vector<16xf32>,
      tpu.vector_store_idx %arg10[%iota3A, %broadcast_in_dim3A_553], %gather3A_558 : memref<32x512xf32, #tpu.memory_space<vmem>>[vector<16xi32>, vector<16xi32>], vector<16xf32>,
      tpu.vector_store_idx %arg10[%add3A_5, %broadcast_in_dim3A_553], %gather3A_564 : memref<32x512xf32, #tpu.memory_space<vmem>>[vector<16xi32>, vector<16xi32>], vector<16xf32>,
      %slice3A_565 = vector.extract_strided_slice %get3A_530 {offsets = [1], sizes = [1], strides = [1]} : vector<16xi32> to vector<1xi32>
      %squeeze3A_566 = vector.extract %slice3A_565[0] : i32 from vector<1xi32>
      %mul3A_567 = arith.constant 8 : i32
      %mul3A_568 = arith.muli %mul3A_360, %mul3A_567 : i32
      %add3A_569 = arith.constant 1 : i32
      %add3A_570 = arith.addi %mul3A_568, %add3A_569 : i32
      %dma_wait3A_571 = arith.constant 1 : i32
      %dma_wait3A_572 = arith.constant 0 : i32
      %dma_wait3A_573 = arith.constant 0 : i32
      %dma_wait3A_574 = tpu.memref_slice %arg9[%dma_wait3A_571, %dma_wait3A_572, %dma_wait3A_573] : memref<16x32x128xf32, #tpu.memory_space<vmem>> -> memref<1x32x128xf32, #tpu.memory_space<vmem>>
      %dma_wait3A_575 = tpu.memref_squeeze %dma_wait3A_574 : memref<1x32x128xf32, #tpu.memory_space<vmem>> -> memref<32x128xf32, #tpu.memory_space<vmem>>
      %dma_wait3A_576 = arith.constant 0 : i32
      %dma_wait3A_577 = arith.constant 0 : i32
      %dma_wait3A_578 = tpu.memref_slice %arg2[%dma_wait3A_576, %dma_wait3A_577] : memref<32x1000000xf32, #tpu.memory_space<hbm>> -> memref<32x128xf32, #tpu.memory_space<hbm>>
      %dma_wait3A_579 = arith.constant 0 : i32
      %dma_wait3A_580 = arith.constant 0 : i32
      %dma_wait3A_581 = tpu.memref_slice %arg9[%dma_wait3A_571, %dma_wait3A_579, %dma_wait3A_580] : memref<16x32x128xf32, #tpu.memory_space<vmem>> -> memref<1x32x128xf32, #tpu.memory_space<vmem>>
      %dma_wait3A_582 = tpu.memref_squeeze %dma_wait3A_581 : memref<1x32x128xf32, #tpu.memory_space<vmem>> -> memref<32x128xf32, #tpu.memory_space<vmem>>
      %dma_wait3A_583 = arith.constant 0 : i32
      %dma_wait3A_584 = arith.constant 0 : i32
      %dma_wait3A_585 = tpu.memref_slice %arg2[%dma_wait3A_583, %dma_wait3A_584] : memref<32x1000000xf32, #tpu.memory_space<hbm>> -> memref<32x128xf32, #tpu.memory_space<hbm>>
      tpu.wait_dma2 semaphore(%arg12 : memref<!tpu.dma_semaphore, #tpu.memory_space<semaphore_mem>>) src(%dma_wait3A_585 : memref<32x128xf32, #tpu.memory_space<hbm>>) dst(%dma_wait3A_582 : memref<32x128xf32, #tpu.memory_space<vmem>>)
      %and3A_586 = arith.constant 127 : i32
      %and3A_587 = arith.andi %squeeze3A_566, %and3A_586 : i32
      %broadcast_in_dim3A_588 = vector.broadcast %and3A_587 : i32 to vector<16xi32>
      %broadcast_in_dim3A_589 = vector.broadcast %add3A_570 : i32 to vector<16xi32>
      %gather3A_590 = arith.constant 1 : i32
      %gather3A_591 = arith.constant 0 : i32
      %gather3A_592 = arith.constant 0 : i32
      %gather3A_593 = tpu.memref_slice %arg9[%gather3A_590, %gather3A_591, %gather3A_592] : memref<16x32x128xf32, #tpu.memory_space<vmem>> -> memref<1x32x128xf32, #tpu.memory_space<vmem>>
      %gather3A_594 = tpu.memref_squeeze %gather3A_593 : memref<1x32x128xf32, #tpu.memory_space<vmem>> -> memref<32x128xf32, #tpu.memory_space<vmem>>
      %gather3A_595 = tpu.vector_load_idx %gather3A_594[%iota3A, %broadcast_in_dim3A_588] : memref<32x128xf32, #tpu.memory_space<vmem>>[vector<16xi32>, vector<16xi32>], vector<16xf32>,
      %gather3A_596 = arith.constant 1 : i32
      %gather3A_597 = arith.constant 0 : i32
      %gather3A_598 = arith.constant 0 : i32
      %gather3A_599 = tpu.memref_slice %arg9[%gather3A_596, %gather3A_597, %gather3A_598] : memref<16x32x128xf32, #tpu.memory_space<vmem>> -> memref<1x32x128xf32, #tpu.memory_space<vmem>>
      %gather3A_600 = tpu.memref_squeeze %gather3A_599 : memref<1x32x128xf32, #tpu.memory_space<vmem>> -> memref<32x128xf32, #tpu.memory_space<vmem>>
      %gather3A_601 = tpu.vector_load_idx %gather3A_600[%add3A_5, %broadcast_in_dim3A_588] : memref<32x128xf32, #tpu.memory_space<vmem>>[vector<16xi32>, vector<16xi32>], vector<16xf32>,
      tpu.vector_store_idx %arg10[%iota3A, %broadcast_in_dim3A_589], %gather3A_595 : memref<32x512xf32, #tpu.memory_space<vmem>>[vector<16xi32>, vector<16xi32>], vector<16xf32>,
      tpu.vector_store_idx %arg10[%add3A_5, %broadcast_in_dim3A_589], %gather3A_601 : memref<32x512xf32, #tpu.memory_space<vmem>>[vector<16xi32>, vector<16xi32>], vector<16xf32>,
      %slice3A_602 = vector.extract_strided_slice %get3A_530 {offsets = [2], sizes = [1], strides = [1]} : vector<16xi32> to vector<1xi32>
      %squeeze3A_603 = vector.extract %slice3A_602[0] : i32 from vector<1xi32>
      %mul3A_604 = arith.constant 8 : i32
      %mul3A_605 = arith.muli %mul3A_360, %mul3A_604 : i32
      %add3A_606 = arith.constant 2 : i32
      %add3A_607 = arith.addi %mul3A_605, %add3A_606 : i32
      %dma_wait3A_608 = arith.constant 2 : i32
      %dma_wait3A_609 = arith.constant 0 : i32
      %dma_wait3A_610 = arith.constant 0 : i32
      %dma_wait3A_611 = tpu.memref_slice %arg9[%dma_wait3A_608, %dma_wait3A_609, %dma_wait3A_610] : memref<16x32x128xf32, #tpu.memory_space<vmem>> -> memref<1x32x128xf32, #tpu.memory_space<vmem>>
      %dma_wait3A_612 = tpu.memref_squeeze %dma_wait3A_611 : memref<1x32x128xf32, #tpu.memory_space<vmem>> -> memref<32x128xf32, #tpu.memory_space<vmem>>
      %dma_wait3A_613 = arith.constant 0 : i32
      %dma_wait3A_614 = arith.constant 0 : i32
      %dma_wait3A_615 = tpu.memref_slice %arg2[%dma_wait3A_613, %dma_wait3A_614] : memref<32x1000000xf32, #tpu.memory_space<hbm>> -> memref<32x128xf32, #tpu.memory_space<hbm>>
      %dma_wait3A_616 = arith.constant 0 : i32
      %dma_wait3A_617 = arith.constant 0 : i32
      %dma_wait3A_618 = tpu.memref_slice %arg9[%dma_wait3A_608, %dma_wait3A_616, %dma_wait3A_617] : memref<16x32x128xf32, #tpu.memory_space<vmem>> -> memref<1x32x128xf32, #tpu.memory_space<vmem>>
      %dma_wait3A_619 = tpu.memref_squeeze %dma_wait3A_618 : memref<1x32x128xf32, #tpu.memory_space<vmem>> -> memref<32x128xf32, #tpu.memory_space<vmem>>
      %dma_wait3A_620 = arith.constant 0 : i32
      %dma_wait3A_621 = arith.constant 0 : i32
      %dma_wait3A_622 = tpu.memref_slice %arg2[%dma_wait3A_620, %dma_wait3A_621] : memref<32x1000000xf32, #tpu.memory_space<hbm>> -> memref<32x128xf32, #tpu.memory_space<hbm>>
      tpu.wait_dma2 semaphore(%arg12 : memref<!tpu.dma_semaphore, #tpu.memory_space<semaphore_mem>>) src(%dma_wait3A_622 : memref<32x128xf32, #tpu.memory_space<hbm>>) dst(%dma_wait3A_619 : memref<32x128xf32, #tpu.memory_space<vmem>>)
      %and3A_623 = arith.constant 127 : i32
      %and3A_624 = arith.andi %squeeze3A_603, %and3A_623 : i32
      %broadcast_in_dim3A_625 = vector.broadcast %and3A_624 : i32 to vector<16xi32>
      %broadcast_in_dim3A_626 = vector.broadcast %add3A_607 : i32 to vector<16xi32>
      %gather3A_627 = arith.constant 2 : i32
      %gather3A_628 = arith.constant 0 : i32
      %gather3A_629 = arith.constant 0 : i32
      %gather3A_630 = tpu.memref_slice %arg9[%gather3A_627, %gather3A_628, %gather3A_629] : memref<16x32x128xf32, #tpu.memory_space<vmem>> -> memref<1x32x128xf32, #tpu.memory_space<vmem>>
      %gather3A_631 = tpu.memref_squeeze %gather3A_630 : memref<1x32x128xf32, #tpu.memory_space<vmem>> -> memref<32x128xf32, #tpu.memory_space<vmem>>
      %gather3A_632 = tpu.vector_load_idx %gather3A_631[%iota3A, %broadcast_in_dim3A_625] : memref<32x128xf32, #tpu.memory_space<vmem>>[vector<16xi32>, vector<16xi32>], vector<16xf32>,
      %gather3A_633 = arith.constant 2 : i32
      %gather3A_634 = arith.constant 0 : i32
      %gather3A_635 = arith.constant 0 : i32
      %gather3A_636 = tpu.memref_slice %arg9[%gather3A_633, %gather3A_634, %gather3A_635] : memref<16x32x128xf32, #tpu.memory_space<vmem>> -> memref<1x32x128xf32, #tpu.memory_space<vmem>>
      %gather3A_637 = tpu.memref_squeeze %gather3A_636 : memref<1x32x128xf32, #tpu.memory_space<vmem>> -> memref<32x128xf32, #tpu.memory_space<vmem>>
      %gather3A_638 = tpu.vector_load_idx %gather3A_637[%add3A_5, %broadcast_in_dim3A_625] : memref<32x128xf32, #tpu.memory_space<vmem>>[vector<16xi32>, vector<16xi32>], vector<16xf32>,
      tpu.vector_store_idx %arg10[%iota3A, %broadcast_in_dim3A_626], %gather3A_632 : memref<32x512xf32, #tpu.memory_space<vmem>>[vector<16xi32>, vector<16xi32>], vector<16xf32>,
      tpu.vector_store_idx %arg10[%add3A_5, %broadcast_in_dim3A_626], %gather3A_638 : memref<32x512xf32, #tpu.memory_space<vmem>>[vector<16xi32>, vector<16xi32>], vector<16xf32>,
      %slice3A_639 = vector.extract_strided_slice %get3A_530 {offsets = [3], sizes = [1], strides = [1]} : vector<16xi32> to vector<1xi32>
      %squeeze3A_640 = vector.extract %slice3A_639[0] : i32 from vector<1xi32>
      %mul3A_641 = arith.constant 8 : i32
      %mul3A_642 = arith.muli %mul3A_360, %mul3A_641 : i32
      %add3A_643 = arith.constant 3 : i32
      %add3A_644 = arith.addi %mul3A_642, %add3A_643 : i32
      %dma_wait3A_645 = arith.constant 3 : i32
      %dma_wait3A_646 = arith.constant 0 : i32
      %dma_wait3A_647 = arith.constant 0 : i32
      %dma_wait3A_648 = tpu.memref_slice %arg9[%dma_wait3A_645, %dma_wait3A_646, %dma_wait3A_647] : memref<16x32x128xf32, #tpu.memory_space<vmem>> -> memref<1x32x128xf32, #tpu.memory_space<vmem>>
      %dma_wait3A_649 = tpu.memref_squeeze %dma_wait3A_648 : memref<1x32x128xf32, #tpu.memory_space<vmem>> -> memref<32x128xf32, #tpu.memory_space<vmem>>
      %dma_wait3A_650 = arith.constant 0 : i32
      %dma_wait3A_651 = arith.constant 0 : i32
      %dma_wait3A_652 = tpu.memref_slice %arg2[%dma_wait3A_650, %dma_wait3A_651] : memref<32x1000000xf32, #tpu.memory_space<hbm>> -> memref<32x128xf32, #tpu.memory_space<hbm>>
      %dma_wait3A_653 = arith.constant 0 : i32
      %dma_wait3A_654 = arith.constant 0 : i32
      %dma_wait3A_655 = tpu.memref_slice %arg9[%dma_wait3A_645, %dma_wait3A_653, %dma_wait3A_654] : memref<16x32x128xf32, #tpu.memory_space<vmem>> -> memref<1x32x128xf32, #tpu.memory_space<vmem>>
      %dma_wait3A_656 = tpu.memref_squeeze %dma_wait3A_655 : memref<1x32x128xf32, #tpu.memory_space<vmem>> -> memref<32x128xf32, #tpu.memory_space<vmem>>
      %dma_wait3A_657 = arith.constant 0 : i32
      %dma_wait3A_658 = arith.constant 0 : i32
      %dma_wait3A_659 = tpu.memref_slice %arg2[%dma_wait3A_657, %dma_wait3A_658] : memref<32x1000000xf32, #tpu.memory_space<hbm>> -> memref<32x128xf32, #tpu.memory_space<hbm>>
      tpu.wait_dma2 semaphore(%arg12 : memref<!tpu.dma_semaphore, #tpu.memory_space<semaphore_mem>>) src(%dma_wait3A_659 : memref<32x128xf32, #tpu.memory_space<hbm>>) dst(%dma_wait3A_656 : memref<32x128xf32, #tpu.memory_space<vmem>>)
      %and3A_660 = arith.constant 127 : i32
      %and3A_661 = arith.andi %squeeze3A_640, %and3A_660 : i32
      %broadcast_in_dim3A_662 = vector.broadcast %and3A_661 : i32 to vector<16xi32>
      %broadcast_in_dim3A_663 = vector.broadcast %add3A_644 : i32 to vector<16xi32>
      %gather3A_664 = arith.constant 3 : i32
      %gather3A_665 = arith.constant 0 : i32
      %gather3A_666 = arith.constant 0 : i32
      %gather3A_667 = tpu.memref_slice %arg9[%gather3A_664, %gather3A_665, %gather3A_666] : memref<16x32x128xf32, #tpu.memory_space<vmem>> -> memref<1x32x128xf32, #tpu.memory_space<vmem>>
      %gather3A_668 = tpu.memref_squeeze %gather3A_667 : memref<1x32x128xf32, #tpu.memory_space<vmem>> -> memref<32x128xf32, #tpu.memory_space<vmem>>
      %gather3A_669 = tpu.vector_load_idx %gather3A_668[%iota3A, %broadcast_in_dim3A_662] : memref<32x128xf32, #tpu.memory_space<vmem>>[vector<16xi32>, vector<16xi32>], vector<16xf32>,
      %gather3A_670 = arith.constant 3 : i32
      %gather3A_671 = arith.constant 0 : i32
      %gather3A_672 = arith.constant 0 : i32
      %gather3A_673 = tpu.memref_slice %arg9[%gather3A_670, %gather3A_671, %gather3A_672] : memref<16x32x128xf32, #tpu.memory_space<vmem>> -> memref<1x32x128xf32, #tpu.memory_space<vmem>>
      %gather3A_674 = tpu.memref_squeeze %gather3A_673 : memref<1x32x128xf32, #tpu.memory_space<vmem>> -> memref<32x128xf32, #tpu.memory_space<vmem>>
      %gather3A_675 = tpu.vector_load_idx %gather3A_674[%add3A_5, %broadcast_in_dim3A_662] : memref<32x128xf32, #tpu.memory_space<vmem>>[vector<16xi32>, vector<16xi32>], vector<16xf32>,
      tpu.vector_store_idx %arg10[%iota3A, %broadcast_in_dim3A_663], %gather3A_669 : memref<32x512xf32, #tpu.memory_space<vmem>>[vector<16xi32>, vector<16xi32>], vector<16xf32>,
      tpu.vector_store_idx %arg10[%add3A_5, %broadcast_in_dim3A_663], %gather3A_675 : memref<32x512xf32, #tpu.memory_space<vmem>>[vector<16xi32>, vector<16xi32>], vector<16xf32>,
      %slice3A_676 = vector.extract_strided_slice %get3A_530 {offsets = [4], sizes = [1], strides = [1]} : vector<16xi32> to vector<1xi32>
      %squeeze3A_677 = vector.extract %slice3A_676[0] : i32 from vector<1xi32>
      %mul3A_678 = arith.constant 8 : i32
      %mul3A_679 = arith.muli %mul3A_360, %mul3A_678 : i32
      %add3A_680 = arith.constant 4 : i32
      %add3A_681 = arith.addi %mul3A_679, %add3A_680 : i32
      %dma_wait3A_682 = arith.constant 4 : i32
      %dma_wait3A_683 = arith.constant 0 : i32
      %dma_wait3A_684 = arith.constant 0 : i32
      %dma_wait3A_685 = tpu.memref_slice %arg9[%dma_wait3A_682, %dma_wait3A_683, %dma_wait3A_684] : memref<16x32x128xf32, #tpu.memory_space<vmem>> -> memref<1x32x128xf32, #tpu.memory_space<vmem>>
      %dma_wait3A_686 = tpu.memref_squeeze %dma_wait3A_685 : memref<1x32x128xf32, #tpu.memory_space<vmem>> -> memref<32x128xf32, #tpu.memory_space<vmem>>
      %dma_wait3A_687 = arith.constant 0 : i32
      %dma_wait3A_688 = arith.constant 0 : i32
      %dma_wait3A_689 = tpu.memref_slice %arg2[%dma_wait3A_687, %dma_wait3A_688] : memref<32x1000000xf32, #tpu.memory_space<hbm>> -> memref<32x128xf32, #tpu.memory_space<hbm>>
      %dma_wait3A_690 = arith.constant 0 : i32
      %dma_wait3A_691 = arith.constant 0 : i32
      %dma_wait3A_692 = tpu.memref_slice %arg9[%dma_wait3A_682, %dma_wait3A_690, %dma_wait3A_691] : memref<16x32x128xf32, #tpu.memory_space<vmem>> -> memref<1x32x128xf32, #tpu.memory_space<vmem>>
      %dma_wait3A_693 = tpu.memref_squeeze %dma_wait3A_692 : memref<1x32x128xf32, #tpu.memory_space<vmem>> -> memref<32x128xf32, #tpu.memory_space<vmem>>
      %dma_wait3A_694 = arith.constant 0 : i32
      %dma_wait3A_695 = arith.constant 0 : i32
      %dma_wait3A_696 = tpu.memref_slice %arg2[%dma_wait3A_694, %dma_wait3A_695] : memref<32x1000000xf32, #tpu.memory_space<hbm>> -> memref<32x128xf32, #tpu.memory_space<hbm>>
      tpu.wait_dma2 semaphore(%arg12 : memref<!tpu.dma_semaphore, #tpu.memory_space<semaphore_mem>>) src(%dma_wait3A_696 : memref<32x128xf32, #tpu.memory_space<hbm>>) dst(%dma_wait3A_693 : memref<32x128xf32, #tpu.memory_space<vmem>>)
      %and3A_697 = arith.constant 127 : i32
      %and3A_698 = arith.andi %squeeze3A_677, %and3A_697 : i32
      %broadcast_in_dim3A_699 = vector.broadcast %and3A_698 : i32 to vector<16xi32>
      %broadcast_in_dim3A_700 = vector.broadcast %add3A_681 : i32 to vector<16xi32>
      %gather3A_701 = arith.constant 4 : i32
      %gather3A_702 = arith.constant 0 : i32
      %gather3A_703 = arith.constant 0 : i32
      %gather3A_704 = tpu.memref_slice %arg9[%gather3A_701, %gather3A_702, %gather3A_703] : memref<16x32x128xf32, #tpu.memory_space<vmem>> -> memref<1x32x128xf32, #tpu.memory_space<vmem>>
      %gather3A_705 = tpu.memref_squeeze %gather3A_704 : memref<1x32x128xf32, #tpu.memory_space<vmem>> -> memref<32x128xf32, #tpu.memory_space<vmem>>
      %gather3A_706 = tpu.vector_load_idx %gather3A_705[%iota3A, %broadcast_in_dim3A_699] : memref<32x128xf32, #tpu.memory_space<vmem>>[vector<16xi32>, vector<16xi32>], vector<16xf32>,
      %gather3A_707 = arith.constant 4 : i32
      %gather3A_708 = arith.constant 0 : i32
      %gather3A_709 = arith.constant 0 : i32
      %gather3A_710 = tpu.memref_slice %arg9[%gather3A_707, %gather3A_708, %gather3A_709] : memref<16x32x128xf32, #tpu.memory_space<vmem>> -> memref<1x32x128xf32, #tpu.memory_space<vmem>>
      %gather3A_711 = tpu.memref_squeeze %gather3A_710 : memref<1x32x128xf32, #tpu.memory_space<vmem>> -> memref<32x128xf32, #tpu.memory_space<vmem>>
      %gather3A_712 = tpu.vector_load_idx %gather3A_711[%add3A_5, %broadcast_in_dim3A_699] : memref<32x128xf32, #tpu.memory_space<vmem>>[vector<16xi32>, vector<16xi32>], vector<16xf32>,
      tpu.vector_store_idx %arg10[%iota3A, %broadcast_in_dim3A_700], %gather3A_706 : memref<32x512xf32, #tpu.memory_space<vmem>>[vector<16xi32>, vector<16xi32>], vector<16xf32>,
      tpu.vector_store_idx %arg10[%add3A_5, %broadcast_in_dim3A_700], %gather3A_712 : memref<32x512xf32, #tpu.memory_space<vmem>>[vector<16xi32>, vector<16xi32>], vector<16xf32>,
      %slice3A_713 = vector.extract_strided_slice %get3A_530 {offsets = [5], sizes = [1], strides = [1]} : vector<16xi32> to vector<1xi32>
      %squeeze3A_714 = vector.extract %slice3A_713[0] : i32 from vector<1xi32>
      %mul3A_715 = arith.constant 8 : i32
      %mul3A_716 = arith.muli %mul3A_360, %mul3A_715 : i32
      %add3A_717 = arith.constant 5 : i32
      %add3A_718 = arith.addi %mul3A_716, %add3A_717 : i32
      %dma_wait3A_719 = arith.constant 5 : i32
      %dma_wait3A_720 = arith.constant 0 : i32
      %dma_wait3A_721 = arith.constant 0 : i32
      %dma_wait3A_722 = tpu.memref_slice %arg9[%dma_wait3A_719, %dma_wait3A_720, %dma_wait3A_721] : memref<16x32x128xf32, #tpu.memory_space<vmem>> -> memref<1x32x128xf32, #tpu.memory_space<vmem>>
      %dma_wait3A_723 = tpu.memref_squeeze %dma_wait3A_722 : memref<1x32x128xf32, #tpu.memory_space<vmem>> -> memref<32x128xf32, #tpu.memory_space<vmem>>
      %dma_wait3A_724 = arith.constant 0 : i32
      %dma_wait3A_725 = arith.constant 0 : i32
      %dma_wait3A_726 = tpu.memref_slice %arg2[%dma_wait3A_724, %dma_wait3A_725] : memref<32x1000000xf32, #tpu.memory_space<hbm>> -> memref<32x128xf32, #tpu.memory_space<hbm>>
      %dma_wait3A_727 = arith.constant 0 : i32
      %dma_wait3A_728 = arith.constant 0 : i32
      %dma_wait3A_729 = tpu.memref_slice %arg9[%dma_wait3A_719, %dma_wait3A_727, %dma_wait3A_728] : memref<16x32x128xf32, #tpu.memory_space<vmem>> -> memref<1x32x128xf32, #tpu.memory_space<vmem>>
      %dma_wait3A_730 = tpu.memref_squeeze %dma_wait3A_729 : memref<1x32x128xf32, #tpu.memory_space<vmem>> -> memref<32x128xf32, #tpu.memory_space<vmem>>
      %dma_wait3A_731 = arith.constant 0 : i32
      %dma_wait3A_732 = arith.constant 0 : i32
      %dma_wait3A_733 = tpu.memref_slice %arg2[%dma_wait3A_731, %dma_wait3A_732] : memref<32x1000000xf32, #tpu.memory_space<hbm>> -> memref<32x128xf32, #tpu.memory_space<hbm>>
      tpu.wait_dma2 semaphore(%arg12 : memref<!tpu.dma_semaphore, #tpu.memory_space<semaphore_mem>>) src(%dma_wait3A_733 : memref<32x128xf32, #tpu.memory_space<hbm>>) dst(%dma_wait3A_730 : memref<32x128xf32, #tpu.memory_space<vmem>>)
      %and3A_734 = arith.constant 127 : i32
      %and3A_735 = arith.andi %squeeze3A_714, %and3A_734 : i32
      %broadcast_in_dim3A_736 = vector.broadcast %and3A_735 : i32 to vector<16xi32>
      %broadcast_in_dim3A_737 = vector.broadcast %add3A_718 : i32 to vector<16xi32>
      %gather3A_738 = arith.constant 5 : i32
      %gather3A_739 = arith.constant 0 : i32
      %gather3A_740 = arith.constant 0 : i32
      %gather3A_741 = tpu.memref_slice %arg9[%gather3A_738, %gather3A_739, %gather3A_740] : memref<16x32x128xf32, #tpu.memory_space<vmem>> -> memref<1x32x128xf32, #tpu.memory_space<vmem>>
      %gather3A_742 = tpu.memref_squeeze %gather3A_741 : memref<1x32x128xf32, #tpu.memory_space<vmem>> -> memref<32x128xf32, #tpu.memory_space<vmem>>
      %gather3A_743 = tpu.vector_load_idx %gather3A_742[%iota3A, %broadcast_in_dim3A_736] : memref<32x128xf32, #tpu.memory_space<vmem>>[vector<16xi32>, vector<16xi32>], vector<16xf32>,
      %gather3A_744 = arith.constant 5 : i32
      %gather3A_745 = arith.constant 0 : i32
      %gather3A_746 = arith.constant 0 : i32
      %gather3A_747 = tpu.memref_slice %arg9[%gather3A_744, %gather3A_745, %gather3A_746] : memref<16x32x128xf32, #tpu.memory_space<vmem>> -> memref<1x32x128xf32, #tpu.memory_space<vmem>>
      %gather3A_748 = tpu.memref_squeeze %gather3A_747 : memref<1x32x128xf32, #tpu.memory_space<vmem>> -> memref<32x128xf32, #tpu.memory_space<vmem>>
      %gather3A_749 = tpu.vector_load_idx %gather3A_748[%add3A_5, %broadcast_in_dim3A_736] : memref<32x128xf32, #tpu.memory_space<vmem>>[vector<16xi32>, vector<16xi32>], vector<16xf32>,
      tpu.vector_store_idx %arg10[%iota3A, %broadcast_in_dim3A_737], %gather3A_743 : memref<32x512xf32, #tpu.memory_space<vmem>>[vector<16xi32>, vector<16xi32>], vector<16xf32>,
      tpu.vector_store_idx %arg10[%add3A_5, %broadcast_in_dim3A_737], %gather3A_749 : memref<32x512xf32, #tpu.memory_space<vmem>>[vector<16xi32>, vector<16xi32>], vector<16xf32>,
      %slice3A_750 = vector.extract_strided_slice %get3A_530 {offsets = [6], sizes = [1], strides = [1]} : vector<16xi32> to vector<1xi32>
      %squeeze3A_751 = vector.extract %slice3A_750[0] : i32 from vector<1xi32>
      %mul3A_752 = arith.constant 8 : i32
      %mul3A_753 = arith.muli %mul3A_360, %mul3A_752 : i32
      %add3A_754 = arith.constant 6 : i32
      %add3A_755 = arith.addi %mul3A_753, %add3A_754 : i32
      %dma_wait3A_756 = arith.constant 6 : i32
      %dma_wait3A_757 = arith.constant 0 : i32
      %dma_wait3A_758 = arith.constant 0 : i32
      %dma_wait3A_759 = tpu.memref_slice %arg9[%dma_wait3A_756, %dma_wait3A_757, %dma_wait3A_758] : memref<16x32x128xf32, #tpu.memory_space<vmem>> -> memref<1x32x128xf32, #tpu.memory_space<vmem>>
      %dma_wait3A_760 = tpu.memref_squeeze %dma_wait3A_759 : memref<1x32x128xf32, #tpu.memory_space<vmem>> -> memref<32x128xf32, #tpu.memory_space<vmem>>
      %dma_wait3A_761 = arith.constant 0 : i32
      %dma_wait3A_762 = arith.constant 0 : i32
      %dma_wait3A_763 = tpu.memref_slice %arg2[%dma_wait3A_761, %dma_wait3A_762] : memref<32x1000000xf32, #tpu.memory_space<hbm>> -> memref<32x128xf32, #tpu.memory_space<hbm>>
      %dma_wait3A_764 = arith.constant 0 : i32
      %dma_wait3A_765 = arith.constant 0 : i32
      %dma_wait3A_766 = tpu.memref_slice %arg9[%dma_wait3A_756, %dma_wait3A_764, %dma_wait3A_765] : memref<16x32x128xf32, #tpu.memory_space<vmem>> -> memref<1x32x128xf32, #tpu.memory_space<vmem>>
      %dma_wait3A_767 = tpu.memref_squeeze %dma_wait3A_766 : memref<1x32x128xf32, #tpu.memory_space<vmem>> -> memref<32x128xf32, #tpu.memory_space<vmem>>
      %dma_wait3A_768 = arith.constant 0 : i32
      %dma_wait3A_769 = arith.constant 0 : i32
      %dma_wait3A_770 = tpu.memref_slice %arg2[%dma_wait3A_768, %dma_wait3A_769] : memref<32x1000000xf32, #tpu.memory_space<hbm>> -> memref<32x128xf32, #tpu.memory_space<hbm>>
      tpu.wait_dma2 semaphore(%arg12 : memref<!tpu.dma_semaphore, #tpu.memory_space<semaphore_mem>>) src(%dma_wait3A_770 : memref<32x128xf32, #tpu.memory_space<hbm>>) dst(%dma_wait3A_767 : memref<32x128xf32, #tpu.memory_space<vmem>>)
      %and3A_771 = arith.constant 127 : i32
      %and3A_772 = arith.andi %squeeze3A_751, %and3A_771 : i32
      %broadcast_in_dim3A_773 = vector.broadcast %and3A_772 : i32 to vector<16xi32>
      %broadcast_in_dim3A_774 = vector.broadcast %add3A_755 : i32 to vector<16xi32>
      %gather3A_775 = arith.constant 6 : i32
      %gather3A_776 = arith.constant 0 : i32
      %gather3A_777 = arith.constant 0 : i32
      %gather3A_778 = tpu.memref_slice %arg9[%gather3A_775, %gather3A_776, %gather3A_777] : memref<16x32x128xf32, #tpu.memory_space<vmem>> -> memref<1x32x128xf32, #tpu.memory_space<vmem>>
      %gather3A_779 = tpu.memref_squeeze %gather3A_778 : memref<1x32x128xf32, #tpu.memory_space<vmem>> -> memref<32x128xf32, #tpu.memory_space<vmem>>
      %gather3A_780 = tpu.vector_load_idx %gather3A_779[%iota3A, %broadcast_in_dim3A_773] : memref<32x128xf32, #tpu.memory_space<vmem>>[vector<16xi32>, vector<16xi32>], vector<16xf32>,
      %gather3A_781 = arith.constant 6 : i32
      %gather3A_782 = arith.constant 0 : i32
      %gather3A_783 = arith.constant 0 : i32
      %gather3A_784 = tpu.memref_slice %arg9[%gather3A_781, %gather3A_782, %gather3A_783] : memref<16x32x128xf32, #tpu.memory_space<vmem>> -> memref<1x32x128xf32, #tpu.memory_space<vmem>>
      %gather3A_785 = tpu.memref_squeeze %gather3A_784 : memref<1x32x128xf32, #tpu.memory_space<vmem>> -> memref<32x128xf32, #tpu.memory_space<vmem>>
      %gather3A_786 = tpu.vector_load_idx %gather3A_785[%add3A_5, %broadcast_in_dim3A_773] : memref<32x128xf32, #tpu.memory_space<vmem>>[vector<16xi32>, vector<16xi32>], vector<16xf32>,
      tpu.vector_store_idx %arg10[%iota3A, %broadcast_in_dim3A_774], %gather3A_780 : memref<32x512xf32, #tpu.memory_space<vmem>>[vector<16xi32>, vector<16xi32>], vector<16xf32>,
      tpu.vector_store_idx %arg10[%add3A_5, %broadcast_in_dim3A_774], %gather3A_786 : memref<32x512xf32, #tpu.memory_space<vmem>>[vector<16xi32>, vector<16xi32>], vector<16xf32>,
      %slice3A_787 = vector.extract_strided_slice %get3A_530 {offsets = [7], sizes = [1], strides = [1]} : vector<16xi32> to vector<1xi32>
      %squeeze3A_788 = vector.extract %slice3A_787[0] : i32 from vector<1xi32>
      %mul3A_789 = arith.constant 8 : i32
      %mul3A_790 = arith.muli %mul3A_360, %mul3A_789 : i32
      %add3A_791 = arith.constant 7 : i32
      %add3A_792 = arith.addi %mul3A_790, %add3A_791 : i32
      %dma_wait3A_793 = arith.constant 7 : i32
      %dma_wait3A_794 = arith.constant 0 : i32
      %dma_wait3A_795 = arith.constant 0 : i32
      %dma_wait3A_796 = tpu.memref_slice %arg9[%dma_wait3A_793, %dma_wait3A_794, %dma_wait3A_795] : memref<16x32x128xf32, #tpu.memory_space<vmem>> -> memref<1x32x128xf32, #tpu.memory_space<vmem>>
      %dma_wait3A_797 = tpu.memref_squeeze %dma_wait3A_796 : memref<1x32x128xf32, #tpu.memory_space<vmem>> -> memref<32x128xf32, #tpu.memory_space<vmem>>
      %dma_wait3A_798 = arith.constant 0 : i32
      %dma_wait3A_799 = arith.constant 0 : i32
      %dma_wait3A_800 = tpu.memref_slice %arg2[%dma_wait3A_798, %dma_wait3A_799] : memref<32x1000000xf32, #tpu.memory_space<hbm>> -> memref<32x128xf32, #tpu.memory_space<hbm>>
      %dma_wait3A_801 = arith.constant 0 : i32
      %dma_wait3A_802 = arith.constant 0 : i32
      %dma_wait3A_803 = tpu.memref_slice %arg9[%dma_wait3A_793, %dma_wait3A_801, %dma_wait3A_802] : memref<16x32x128xf32, #tpu.memory_space<vmem>> -> memref<1x32x128xf32, #tpu.memory_space<vmem>>
      %dma_wait3A_804 = tpu.memref_squeeze %dma_wait3A_803 : memref<1x32x128xf32, #tpu.memory_space<vmem>> -> memref<32x128xf32, #tpu.memory_space<vmem>>
      %dma_wait3A_805 = arith.constant 0 : i32
      %dma_wait3A_806 = arith.constant 0 : i32
      %dma_wait3A_807 = tpu.memref_slice %arg2[%dma_wait3A_805, %dma_wait3A_806] : memref<32x1000000xf32, #tpu.memory_space<hbm>> -> memref<32x128xf32, #tpu.memory_space<hbm>>
      tpu.wait_dma2 semaphore(%arg12 : memref<!tpu.dma_semaphore, #tpu.memory_space<semaphore_mem>>) src(%dma_wait3A_807 : memref<32x128xf32, #tpu.memory_space<hbm>>) dst(%dma_wait3A_804 : memref<32x128xf32, #tpu.memory_space<vmem>>)
      %and3A_808 = arith.constant 127 : i32
      %and3A_809 = arith.andi %squeeze3A_788, %and3A_808 : i32
      %broadcast_in_dim3A_810 = vector.broadcast %and3A_809 : i32 to vector<16xi32>
      %broadcast_in_dim3A_811 = vector.broadcast %add3A_792 : i32 to vector<16xi32>
      %gather3A_812 = arith.constant 7 : i32
      %gather3A_813 = arith.constant 0 : i32
      %gather3A_814 = arith.constant 0 : i32
      %gather3A_815 = tpu.memref_slice %arg9[%gather3A_812, %gather3A_813, %gather3A_814] : memref<16x32x128xf32, #tpu.memory_space<vmem>> -> memref<1x32x128xf32, #tpu.memory_space<vmem>>
      %gather3A_816 = tpu.memref_squeeze %gather3A_815 : memref<1x32x128xf32, #tpu.memory_space<vmem>> -> memref<32x128xf32, #tpu.memory_space<vmem>>
      %gather3A_817 = tpu.vector_load_idx %gather3A_816[%iota3A, %broadcast_in_dim3A_810] : memref<32x128xf32, #tpu.memory_space<vmem>>[vector<16xi32>, vector<16xi32>], vector<16xf32>,
      %gather3A_818 = arith.constant 7 : i32
      %gather3A_819 = arith.constant 0 : i32
      %gather3A_820 = arith.constant 0 : i32
      %gather3A_821 = tpu.memref_slice %arg9[%gather3A_818, %gather3A_819, %gather3A_820] : memref<16x32x128xf32, #tpu.memory_space<vmem>> -> memref<1x32x128xf32, #tpu.memory_space<vmem>>
      %gather3A_822 = tpu.memref_squeeze %gather3A_821 : memref<1x32x128xf32, #tpu.memory_space<vmem>> -> memref<32x128xf32, #tpu.memory_space<vmem>>
      %gather3A_823 = tpu.vector_load_idx %gather3A_822[%add3A_5, %broadcast_in_dim3A_810] : memref<32x128xf32, #tpu.memory_space<vmem>>[vector<16xi32>, vector<16xi32>], vector<16xf32>,
      tpu.vector_store_idx %arg10[%iota3A, %broadcast_in_dim3A_811], %gather3A_817 : memref<32x512xf32, #tpu.memory_space<vmem>>[vector<16xi32>, vector<16xi32>], vector<16xf32>,
      tpu.vector_store_idx %arg10[%add3A_5, %broadcast_in_dim3A_811], %gather3A_823 : memref<32x512xf32, #tpu.memory_space<vmem>>[vector<16xi32>, vector<16xi32>], vector<16xf32>,
      %lt3A = arith.constant 31 : i32
      %lt3A_824 = arith.cmpi slt, %scan3A_358, %lt3A : i32
      %convert_element_type3A = arith.extui %lt3A_824 : i1 to i32
      %cond3A = arith.constant 0 : i32
      %cond3A_825 = arith.cmpi ne, %convert_element_type3A, %cond3A : i32
      scf.if %cond3A_825 {
        %add3A_1128 = arith.constant 2 : i32
        %add3A_1129 = arith.addi %mul3A_360, %add3A_1128 : i32
        %mul3A_1130 = arith.constant 8 : i32
        %mul3A_1131 = arith.muli %add3A_1129, %mul3A_1130 : i32
        %get3A_1132 = arith.index_cast %mul3A_1131 : i32 to index
        %get3A_1133 = tpu.vector_load %arg8[%get3A_1132] {strides = array<i32>} : memref<528xi32, #tpu.memory_space<vmem>>, vector<16xi32>,
        %slice3A_1134 = vector.extract_strided_slice %get3A_1133 {offsets = [0], sizes = [1], strides = [1]} : vector<16xi32> to vector<1xi32>
        %squeeze3A_1135 = vector.extract %slice3A_1134[0] : i32 from vector<1xi32>
        %shift_right_arithmetic3A_1136 = arith.constant 7 : i32
        %shift_right_arithmetic3A_1137 = arith.shrsi %squeeze3A_1135, %shift_right_arithmetic3A_1136 : i32
        %mul3A_1138 = arith.constant 128 : i32
        %mul3A_1139 = arith.muli %shift_right_arithmetic3A_1137, %mul3A_1138 : i32
        %multiple_of3A_1140 = tpu.assume_multiple %mul3A_1139, 128 : i32
        %dma_start3A_1141 = arith.constant 0 : i32
        %dma_start3A_1142 = arith.constant 0 : i32
        %dma_start3A_1143 = arith.constant 0 : i32
        %dma_start3A_1144 = tpu.memref_slice %arg9[%dma_start3A_1141, %dma_start3A_1142, %dma_start3A_1143] : memref<16x32x128xf32, #tpu.memory_space<vmem>> -> memref<1x32x128xf32, #tpu.memory_space<vmem>>
        %dma_start3A_1145 = tpu.memref_squeeze %dma_start3A_1144 : memref<1x32x128xf32, #tpu.memory_space<vmem>> -> memref<32x128xf32, #tpu.memory_space<vmem>>
        %dma_start3A_1146 = arith.constant 0 : i32
        %dma_start3A_1147 = tpu.memref_slice %arg2[%dma_start3A_1146, %multiple_of3A_1140] : memref<32x1000000xf32, #tpu.memory_space<hbm>> -> memref<32x128xf32, #tpu.memory_space<hbm>>
        %dma_start3A_1148 = arith.constant 0 : i32
        %dma_start3A_1149 = arith.constant 0 : i32
        %dma_start3A_1150 = tpu.memref_slice %arg9[%dma_start3A_1141, %dma_start3A_1148, %dma_start3A_1149] : memref<16x32x128xf32, #tpu.memory_space<vmem>> -> memref<1x32x128xf32, #tpu.memory_space<vmem>>
        %dma_start3A_1151 = tpu.memref_squeeze %dma_start3A_1150 : memref<1x32x128xf32, #tpu.memory_space<vmem>> -> memref<32x128xf32, #tpu.memory_space<vmem>>
        %dma_start3A_1152 = arith.constant 0 : i32
        %dma_start3A_1153 = tpu.memref_slice %arg2[%dma_start3A_1152, %multiple_of3A_1140] : memref<32x1000000xf32, #tpu.memory_space<hbm>> -> memref<32x128xf32, #tpu.memory_space<hbm>>
        tpu.enqueue_dma source(%dma_start3A_1153 : memref<32x128xf32, #tpu.memory_space<hbm>>) target(%dma_start3A_1151 : memref<32x128xf32, #tpu.memory_space<vmem>>) target_semaphore(%arg12 : memref<!tpu.dma_semaphore, #tpu.memory_space<semaphore_mem>>)
        %slice3A_1154 = vector.extract_strided_slice %get3A_1133 {offsets = [1], sizes = [1], strides = [1]} : vector<16xi32> to vector<1xi32>
        %squeeze3A_1155 = vector.extract %slice3A_1154[0] : i32 from vector<1xi32>
        %shift_right_arithmetic3A_1156 = arith.constant 7 : i32
        %shift_right_arithmetic3A_1157 = arith.shrsi %squeeze3A_1155, %shift_right_arithmetic3A_1156 : i32
        %mul3A_1158 = arith.constant 128 : i32
        %mul3A_1159 = arith.muli %shift_right_arithmetic3A_1157, %mul3A_1158 : i32
        %multiple_of3A_1160 = tpu.assume_multiple %mul3A_1159, 128 : i32
        %dma_start3A_1161 = arith.constant 1 : i32
        %dma_start3A_1162 = arith.constant 0 : i32
        %dma_start3A_1163 = arith.constant 0 : i32
        %dma_start3A_1164 = tpu.memref_slice %arg9[%dma_start3A_1161, %dma_start3A_1162, %dma_start3A_1163] : memref<16x32x128xf32, #tpu.memory_space<vmem>> -> memref<1x32x128xf32, #tpu.memory_space<vmem>>
        %dma_start3A_1165 = tpu.memref_squeeze %dma_start3A_1164 : memref<1x32x128xf32, #tpu.memory_space<vmem>> -> memref<32x128xf32, #tpu.memory_space<vmem>>
        %dma_start3A_1166 = arith.constant 0 : i32
        %dma_start3A_1167 = tpu.memref_slice %arg2[%dma_start3A_1166, %multiple_of3A_1160] : memref<32x1000000xf32, #tpu.memory_space<hbm>> -> memref<32x128xf32, #tpu.memory_space<hbm>>
        %dma_start3A_1168 = arith.constant 0 : i32
        %dma_start3A_1169 = arith.constant 0 : i32
        %dma_start3A_1170 = tpu.memref_slice %arg9[%dma_start3A_1161, %dma_start3A_1168, %dma_start3A_1169] : memref<16x32x128xf32, #tpu.memory_space<vmem>> -> memref<1x32x128xf32, #tpu.memory_space<vmem>>
        %dma_start3A_1171 = tpu.memref_squeeze %dma_start3A_1170 : memref<1x32x128xf32, #tpu.memory_space<vmem>> -> memref<32x128xf32, #tpu.memory_space<vmem>>
        %dma_start3A_1172 = arith.constant 0 : i32
        %dma_start3A_1173 = tpu.memref_slice %arg2[%dma_start3A_1172, %multiple_of3A_1160] : memref<32x1000000xf32, #tpu.memory_space<hbm>> -> memref<32x128xf32, #tpu.memory_space<hbm>>
        tpu.enqueue_dma source(%dma_start3A_1173 : memref<32x128xf32, #tpu.memory_space<hbm>>) target(%dma_start3A_1171 : memref<32x128xf32, #tpu.memory_space<vmem>>) target_semaphore(%arg12 : memref<!tpu.dma_semaphore, #tpu.memory_space<semaphore_mem>>)
        %slice3A_1174 = vector.extract_strided_slice %get3A_1133 {offsets = [2], sizes = [1], strides = [1]} : vector<16xi32> to vector<1xi32>
        %squeeze3A_1175 = vector.extract %slice3A_1174[0] : i32 from vector<1xi32>
        %shift_right_arithmetic3A_1176 = arith.constant 7 : i32
        %shift_right_arithmetic3A_1177 = arith.shrsi %squeeze3A_1175, %shift_right_arithmetic3A_1176 : i32
        %mul3A_1178 = arith.constant 128 : i32
        %mul3A_1179 = arith.muli %shift_right_arithmetic3A_1177, %mul3A_1178 : i32
        %multiple_of3A_1180 = tpu.assume_multiple %mul3A_1179, 128 : i32
        %dma_start3A_1181 = arith.constant 2 : i32
        %dma_start3A_1182 = arith.constant 0 : i32
        %dma_start3A_1183 = arith.constant 0 : i32
        %dma_start3A_1184 = tpu.memref_slice %arg9[%dma_start3A_1181, %dma_start3A_1182, %dma_start3A_1183] : memref<16x32x128xf32, #tpu.memory_space<vmem>> -> memref<1x32x128xf32, #tpu.memory_space<vmem>>
        %dma_start3A_1185 = tpu.memref_squeeze %dma_start3A_1184 : memref<1x32x128xf32, #tpu.memory_space<vmem>> -> memref<32x128xf32, #tpu.memory_space<vmem>>
        %dma_start3A_1186 = arith.constant 0 : i32
        %dma_start3A_1187 = tpu.memref_slice %arg2[%dma_start3A_1186, %multiple_of3A_1180] : memref<32x1000000xf32, #tpu.memory_space<hbm>> -> memref<32x128xf32, #tpu.memory_space<hbm>>
        %dma_start3A_1188 = arith.constant 0 : i32
        %dma_start3A_1189 = arith.constant 0 : i32
        %dma_start3A_1190 = tpu.memref_slice %arg9[%dma_start3A_1181, %dma_start3A_1188, %dma_start3A_1189] : memref<16x32x128xf32, #tpu.memory_space<vmem>> -> memref<1x32x128xf32, #tpu.memory_space<vmem>>
        %dma_start3A_1191 = tpu.memref_squeeze %dma_start3A_1190 : memref<1x32x128xf32, #tpu.memory_space<vmem>> -> memref<32x128xf32, #tpu.memory_space<vmem>>
        %dma_start3A_1192 = arith.constant 0 : i32
        %dma_start3A_1193 = tpu.memref_slice %arg2[%dma_start3A_1192, %multiple_of3A_1180] : memref<32x1000000xf32, #tpu.memory_space<hbm>> -> memref<32x128xf32, #tpu.memory_space<hbm>>
        tpu.enqueue_dma source(%dma_start3A_1193 : memref<32x128xf32, #tpu.memory_space<hbm>>) target(%dma_start3A_1191 : memref<32x128xf32, #tpu.memory_space<vmem>>) target_semaphore(%arg12 : memref<!tpu.dma_semaphore, #tpu.memory_space<semaphore_mem>>)
        %slice3A_1194 = vector.extract_strided_slice %get3A_1133 {offsets = [3], sizes = [1], strides = [1]} : vector<16xi32> to vector<1xi32>
        %squeeze3A_1195 = vector.extract %slice3A_1194[0] : i32 from vector<1xi32>
        %shift_right_arithmetic3A_1196 = arith.constant 7 : i32
        %shift_right_arithmetic3A_1197 = arith.shrsi %squeeze3A_1195, %shift_right_arithmetic3A_1196 : i32
        %mul3A_1198 = arith.constant 128 : i32
        %mul3A_1199 = arith.muli %shift_right_arithmetic3A_1197, %mul3A_1198 : i32
        %multiple_of3A_1200 = tpu.assume_multiple %mul3A_1199, 128 : i32
        %dma_start3A_1201 = arith.constant 3 : i32
        %dma_start3A_1202 = arith.constant 0 : i32
        %dma_start3A_1203 = arith.constant 0 : i32
        %dma_start3A_1204 = tpu.memref_slice %arg9[%dma_start3A_1201, %dma_start3A_1202, %dma_start3A_1203] : memref<16x32x128xf32, #tpu.memory_space<vmem>> -> memref<1x32x128xf32, #tpu.memory_space<vmem>>
        %dma_start3A_1205 = tpu.memref_squeeze %dma_start3A_1204 : memref<1x32x128xf32, #tpu.memory_space<vmem>> -> memref<32x128xf32, #tpu.memory_space<vmem>>
        %dma_start3A_1206 = arith.constant 0 : i32
        %dma_start3A_1207 = tpu.memref_slice %arg2[%dma_start3A_1206, %multiple_of3A_1200] : memref<32x1000000xf32, #tpu.memory_space<hbm>> -> memref<32x128xf32, #tpu.memory_space<hbm>>
        %dma_start3A_1208 = arith.constant 0 : i32
        %dma_start3A_1209 = arith.constant 0 : i32
        %dma_start3A_1210 = tpu.memref_slice %arg9[%dma_start3A_1201, %dma_start3A_1208, %dma_start3A_1209] : memref<16x32x128xf32, #tpu.memory_space<vmem>> -> memref<1x32x128xf32, #tpu.memory_space<vmem>>
        %dma_start3A_1211 = tpu.memref_squeeze %dma_start3A_1210 : memref<1x32x128xf32, #tpu.memory_space<vmem>> -> memref<32x128xf32, #tpu.memory_space<vmem>>
        %dma_start3A_1212 = arith.constant 0 : i32
        %dma_start3A_1213 = tpu.memref_slice %arg2[%dma_start3A_1212, %multiple_of3A_1200] : memref<32x1000000xf32, #tpu.memory_space<hbm>> -> memref<32x128xf32, #tpu.memory_space<hbm>>
        tpu.enqueue_dma source(%dma_start3A_1213 : memref<32x128xf32, #tpu.memory_space<hbm>>) target(%dma_start3A_1211 : memref<32x128xf32, #tpu.memory_space<vmem>>) target_semaphore(%arg12 : memref<!tpu.dma_semaphore, #tpu.memory_space<semaphore_mem>>)
        %slice3A_1214 = vector.extract_strided_slice %get3A_1133 {offsets = [4], sizes = [1], strides = [1]} : vector<16xi32> to vector<1xi32>
        %squeeze3A_1215 = vector.extract %slice3A_1214[0] : i32 from vector<1xi32>
        %shift_right_arithmetic3A_1216 = arith.constant 7 : i32
        %shift_right_arithmetic3A_1217 = arith.shrsi %squeeze3A_1215, %shift_right_arithmetic3A_1216 : i32
        %mul3A_1218 = arith.constant 128 : i32
        %mul3A_1219 = arith.muli %shift_right_arithmetic3A_1217, %mul3A_1218 : i32
        %multiple_of3A_1220 = tpu.assume_multiple %mul3A_1219, 128 : i32
        %dma_start3A_1221 = arith.constant 4 : i32
        %dma_start3A_1222 = arith.constant 0 : i32
        %dma_start3A_1223 = arith.constant 0 : i32
        %dma_start3A_1224 = tpu.memref_slice %arg9[%dma_start3A_1221, %dma_start3A_1222, %dma_start3A_1223] : memref<16x32x128xf32, #tpu.memory_space<vmem>> -> memref<1x32x128xf32, #tpu.memory_space<vmem>>
        %dma_start3A_1225 = tpu.memref_squeeze %dma_start3A_1224 : memref<1x32x128xf32, #tpu.memory_space<vmem>> -> memref<32x128xf32, #tpu.memory_space<vmem>>
        %dma_start3A_1226 = arith.constant 0 : i32
        %dma_start3A_1227 = tpu.memref_slice %arg2[%dma_start3A_1226, %multiple_of3A_1220] : memref<32x1000000xf32, #tpu.memory_space<hbm>> -> memref<32x128xf32, #tpu.memory_space<hbm>>
        %dma_start3A_1228 = arith.constant 0 : i32
        %dma_start3A_1229 = arith.constant 0 : i32
        %dma_start3A_1230 = tpu.memref_slice %arg9[%dma_start3A_1221, %dma_start3A_1228, %dma_start3A_1229] : memref<16x32x128xf32, #tpu.memory_space<vmem>> -> memref<1x32x128xf32, #tpu.memory_space<vmem>>
        %dma_start3A_1231 = tpu.memref_squeeze %dma_start3A_1230 : memref<1x32x128xf32, #tpu.memory_space<vmem>> -> memref<32x128xf32, #tpu.memory_space<vmem>>
        %dma_start3A_1232 = arith.constant 0 : i32
        %dma_start3A_1233 = tpu.memref_slice %arg2[%dma_start3A_1232, %multiple_of3A_1220] : memref<32x1000000xf32, #tpu.memory_space<hbm>> -> memref<32x128xf32, #tpu.memory_space<hbm>>
        tpu.enqueue_dma source(%dma_start3A_1233 : memref<32x128xf32, #tpu.memory_space<hbm>>) target(%dma_start3A_1231 : memref<32x128xf32, #tpu.memory_space<vmem>>) target_semaphore(%arg12 : memref<!tpu.dma_semaphore, #tpu.memory_space<semaphore_mem>>)
        %slice3A_1234 = vector.extract_strided_slice %get3A_1133 {offsets = [5], sizes = [1], strides = [1]} : vector<16xi32> to vector<1xi32>
        %squeeze3A_1235 = vector.extract %slice3A_1234[0] : i32 from vector<1xi32>
        %shift_right_arithmetic3A_1236 = arith.constant 7 : i32
        %shift_right_arithmetic3A_1237 = arith.shrsi %squeeze3A_1235, %shift_right_arithmetic3A_1236 : i32
        %mul3A_1238 = arith.constant 128 : i32
        %mul3A_1239 = arith.muli %shift_right_arithmetic3A_1237, %mul3A_1238 : i32
        %multiple_of3A_1240 = tpu.assume_multiple %mul3A_1239, 128 : i32
        %dma_start3A_1241 = arith.constant 5 : i32
        %dma_start3A_1242 = arith.constant 0 : i32
        %dma_start3A_1243 = arith.constant 0 : i32
        %dma_start3A_1244 = tpu.memref_slice %arg9[%dma_start3A_1241, %dma_start3A_1242, %dma_start3A_1243] : memref<16x32x128xf32, #tpu.memory_space<vmem>> -> memref<1x32x128xf32, #tpu.memory_space<vmem>>
        %dma_start3A_1245 = tpu.memref_squeeze %dma_start3A_1244 : memref<1x32x128xf32, #tpu.memory_space<vmem>> -> memref<32x128xf32, #tpu.memory_space<vmem>>
        %dma_start3A_1246 = arith.constant 0 : i32
        %dma_start3A_1247 = tpu.memref_slice %arg2[%dma_start3A_1246, %multiple_of3A_1240] : memref<32x1000000xf32, #tpu.memory_space<hbm>> -> memref<32x128xf32, #tpu.memory_space<hbm>>
        %dma_start3A_1248 = arith.constant 0 : i32
        %dma_start3A_1249 = arith.constant 0 : i32
        %dma_start3A_1250 = tpu.memref_slice %arg9[%dma_start3A_1241, %dma_start3A_1248, %dma_start3A_1249] : memref<16x32x128xf32, #tpu.memory_space<vmem>> -> memref<1x32x128xf32, #tpu.memory_space<vmem>>
        %dma_start3A_1251 = tpu.memref_squeeze %dma_start3A_1250 : memref<1x32x128xf32, #tpu.memory_space<vmem>> -> memref<32x128xf32, #tpu.memory_space<vmem>>
        %dma_start3A_1252 = arith.constant 0 : i32
        %dma_start3A_1253 = tpu.memref_slice %arg2[%dma_start3A_1252, %multiple_of3A_1240] : memref<32x1000000xf32, #tpu.memory_space<hbm>> -> memref<32x128xf32, #tpu.memory_space<hbm>>
        tpu.enqueue_dma source(%dma_start3A_1253 : memref<32x128xf32, #tpu.memory_space<hbm>>) target(%dma_start3A_1251 : memref<32x128xf32, #tpu.memory_space<vmem>>) target_semaphore(%arg12 : memref<!tpu.dma_semaphore, #tpu.memory_space<semaphore_mem>>)
        %slice3A_1254 = vector.extract_strided_slice %get3A_1133 {offsets = [6], sizes = [1], strides = [1]} : vector<16xi32> to vector<1xi32>
        %squeeze3A_1255 = vector.extract %slice3A_1254[0] : i32 from vector<1xi32>
        %shift_right_arithmetic3A_1256 = arith.constant 7 : i32
        %shift_right_arithmetic3A_1257 = arith.shrsi %squeeze3A_1255, %shift_right_arithmetic3A_1256 : i32
        %mul3A_1258 = arith.constant 128 : i32
        %mul3A_1259 = arith.muli %shift_right_arithmetic3A_1257, %mul3A_1258 : i32
        %multiple_of3A_1260 = tpu.assume_multiple %mul3A_1259, 128 : i32
        %dma_start3A_1261 = arith.constant 6 : i32
        %dma_start3A_1262 = arith.constant 0 : i32
        %dma_start3A_1263 = arith.constant 0 : i32
        %dma_start3A_1264 = tpu.memref_slice %arg9[%dma_start3A_1261, %dma_start3A_1262, %dma_start3A_1263] : memref<16x32x128xf32, #tpu.memory_space<vmem>> -> memref<1x32x128xf32, #tpu.memory_space<vmem>>
        %dma_start3A_1265 = tpu.memref_squeeze %dma_start3A_1264 : memref<1x32x128xf32, #tpu.memory_space<vmem>> -> memref<32x128xf32, #tpu.memory_space<vmem>>
        %dma_start3A_1266 = arith.constant 0 : i32
        %dma_start3A_1267 = tpu.memref_slice %arg2[%dma_start3A_1266, %multiple_of3A_1260] : memref<32x1000000xf32, #tpu.memory_space<hbm>> -> memref<32x128xf32, #tpu.memory_space<hbm>>
        %dma_start3A_1268 = arith.constant 0 : i32
        %dma_start3A_1269 = arith.constant 0 : i32
        %dma_start3A_1270 = tpu.memref_slice %arg9[%dma_start3A_1261, %dma_start3A_1268, %dma_start3A_1269] : memref<16x32x128xf32, #tpu.memory_space<vmem>> -> memref<1x32x128xf32, #tpu.memory_space<vmem>>
        %dma_start3A_1271 = tpu.memref_squeeze %dma_start3A_1270 : memref<1x32x128xf32, #tpu.memory_space<vmem>> -> memref<32x128xf32, #tpu.memory_space<vmem>>
        %dma_start3A_1272 = arith.constant 0 : i32
        %dma_start3A_1273 = tpu.memref_slice %arg2[%dma_start3A_1272, %multiple_of3A_1260] : memref<32x1000000xf32, #tpu.memory_space<hbm>> -> memref<32x128xf32, #tpu.memory_space<hbm>>
        tpu.enqueue_dma source(%dma_start3A_1273 : memref<32x128xf32, #tpu.memory_space<hbm>>) target(%dma_start3A_1271 : memref<32x128xf32, #tpu.memory_space<vmem>>) target_semaphore(%arg12 : memref<!tpu.dma_semaphore, #tpu.memory_space<semaphore_mem>>)
        %slice3A_1274 = vector.extract_strided_slice %get3A_1133 {offsets = [7], sizes = [1], strides = [1]} : vector<16xi32> to vector<1xi32>
        %squeeze3A_1275 = vector.extract %slice3A_1274[0] : i32 from vector<1xi32>
        %shift_right_arithmetic3A_1276 = arith.constant 7 : i32
        %shift_right_arithmetic3A_1277 = arith.shrsi %squeeze3A_1275, %shift_right_arithmetic3A_1276 : i32
        %mul3A_1278 = arith.constant 128 : i32
        %mul3A_1279 = arith.muli %shift_right_arithmetic3A_1277, %mul3A_1278 : i32
        %multiple_of3A_1280 = tpu.assume_multiple %mul3A_1279, 128 : i32
        %dma_start3A_1281 = arith.constant 7 : i32
        %dma_start3A_1282 = arith.constant 0 : i32
        %dma_start3A_1283 = arith.constant 0 : i32
        %dma_start3A_1284 = tpu.memref_slice %arg9[%dma_start3A_1281, %dma_start3A_1282, %dma_start3A_1283] : memref<16x32x128xf32, #tpu.memory_space<vmem>> -> memref<1x32x128xf32, #tpu.memory_space<vmem>>
        %dma_start3A_1285 = tpu.memref_squeeze %dma_start3A_1284 : memref<1x32x128xf32, #tpu.memory_space<vmem>> -> memref<32x128xf32, #tpu.memory_space<vmem>>
        %dma_start3A_1286 = arith.constant 0 : i32
        %dma_start3A_1287 = tpu.memref_slice %arg2[%dma_start3A_1286, %multiple_of3A_1280] : memref<32x1000000xf32, #tpu.memory_space<hbm>> -> memref<32x128xf32, #tpu.memory_space<hbm>>
        %dma_start3A_1288 = arith.constant 0 : i32
        %dma_start3A_1289 = arith.constant 0 : i32
        %dma_start3A_1290 = tpu.memref_slice %arg9[%dma_start3A_1281, %dma_start3A_1288, %dma_start3A_1289] : memref<16x32x128xf32, #tpu.memory_space<vmem>> -> memref<1x32x128xf32, #tpu.memory_space<vmem>>
        %dma_start3A_1291 = tpu.memref_squeeze %dma_start3A_1290 : memref<1x32x128xf32, #tpu.memory_space<vmem>> -> memref<32x128xf32, #tpu.memory_space<vmem>>
        %dma_start3A_1292 = arith.constant 0 : i32
        %dma_start3A_1293 = tpu.memref_slice %arg2[%dma_start3A_1292, %multiple_of3A_1280] : memref<32x1000000xf32, #tpu.memory_space<hbm>> -> memref<32x128xf32, #tpu.memory_space<hbm>>
        tpu.enqueue_dma source(%dma_start3A_1293 : memref<32x128xf32, #tpu.memory_space<hbm>>) target(%dma_start3A_1291 : memref<32x128xf32, #tpu.memory_space<vmem>>) target_semaphore(%arg12 : memref<!tpu.dma_semaphore, #tpu.memory_space<semaphore_mem>>)
      } else {
      }
      %add3A_826 = arith.constant 1 : i32
      %add3A_827 = arith.addi %mul3A_360, %add3A_826 : i32
      %mul3A_828 = arith.constant 8 : i32
      %mul3A_829 = arith.muli %add3A_827, %mul3A_828 : i32
      %get3A_830 = arith.index_cast %mul3A_829 : i32 to index
      %get3A_831 = tpu.vector_load %arg8[%get3A_830] {strides = array<i32>} : memref<528xi32, #tpu.memory_space<vmem>>, vector<16xi32>,
      %slice3A_832 = vector.extract_strided_slice %get3A_831 {offsets = [0], sizes = [1], strides = [1]} : vector<16xi32> to vector<1xi32>
      %squeeze3A_833 = vector.extract %slice3A_832[0] : i32 from vector<1xi32>
      %mul3A_834 = arith.constant 8 : i32
      %mul3A_835 = arith.muli %add3A_827, %mul3A_834 : i32
      %add3A_836 = arith.constant 0 : i32
      %add3A_837 = arith.addi %mul3A_835, %add3A_836 : i32
      %dma_wait3A_838 = arith.constant 8 : i32
      %dma_wait3A_839 = arith.constant 0 : i32
      %dma_wait3A_840 = arith.constant 0 : i32
      %dma_wait3A_841 = tpu.memref_slice %arg9[%dma_wait3A_838, %dma_wait3A_839, %dma_wait3A_840] : memref<16x32x128xf32, #tpu.memory_space<vmem>> -> memref<1x32x128xf32, #tpu.memory_space<vmem>>
      %dma_wait3A_842 = tpu.memref_squeeze %dma_wait3A_841 : memref<1x32x128xf32, #tpu.memory_space<vmem>> -> memref<32x128xf32, #tpu.memory_space<vmem>>
      %dma_wait3A_843 = arith.constant 0 : i32
      %dma_wait3A_844 = arith.constant 0 : i32
      %dma_wait3A_845 = tpu.memref_slice %arg2[%dma_wait3A_843, %dma_wait3A_844] : memref<32x1000000xf32, #tpu.memory_space<hbm>> -> memref<32x128xf32, #tpu.memory_space<hbm>>
      %dma_wait3A_846 = arith.constant 0 : i32
      %dma_wait3A_847 = arith.constant 0 : i32
      %dma_wait3A_848 = tpu.memref_slice %arg9[%dma_wait3A_838, %dma_wait3A_846, %dma_wait3A_847] : memref<16x32x128xf32, #tpu.memory_space<vmem>> -> memref<1x32x128xf32, #tpu.memory_space<vmem>>
      %dma_wait3A_849 = tpu.memref_squeeze %dma_wait3A_848 : memref<1x32x128xf32, #tpu.memory_space<vmem>> -> memref<32x128xf32, #tpu.memory_space<vmem>>
      %dma_wait3A_850 = arith.constant 0 : i32
      %dma_wait3A_851 = arith.constant 0 : i32
      %dma_wait3A_852 = tpu.memref_slice %arg2[%dma_wait3A_850, %dma_wait3A_851] : memref<32x1000000xf32, #tpu.memory_space<hbm>> -> memref<32x128xf32, #tpu.memory_space<hbm>>
      tpu.wait_dma2 semaphore(%arg12 : memref<!tpu.dma_semaphore, #tpu.memory_space<semaphore_mem>>) src(%dma_wait3A_852 : memref<32x128xf32, #tpu.memory_space<hbm>>) dst(%dma_wait3A_849 : memref<32x128xf32, #tpu.memory_space<vmem>>)
      %and3A_853 = arith.constant 127 : i32
      %and3A_854 = arith.andi %squeeze3A_833, %and3A_853 : i32
      %broadcast_in_dim3A_855 = vector.broadcast %and3A_854 : i32 to vector<16xi32>
      %broadcast_in_dim3A_856 = vector.broadcast %add3A_837 : i32 to vector<16xi32>
      %gather3A_857 = arith.constant 8 : i32
      %gather3A_858 = arith.constant 0 : i32
      %gather3A_859 = arith.constant 0 : i32
      %gather3A_860 = tpu.memref_slice %arg9[%gather3A_857, %gather3A_858, %gather3A_859] : memref<16x32x128xf32, #tpu.memory_space<vmem>> -> memref<1x32x128xf32, #tpu.memory_space<vmem>>
      %gather3A_861 = tpu.memref_squeeze %gather3A_860 : memref<1x32x128xf32, #tpu.memory_space<vmem>> -> memref<32x128xf32, #tpu.memory_space<vmem>>
      %gather3A_862 = tpu.vector_load_idx %gather3A_861[%iota3A, %broadcast_in_dim3A_855] : memref<32x128xf32, #tpu.memory_space<vmem>>[vector<16xi32>, vector<16xi32>], vector<16xf32>,
      %gather3A_863 = arith.constant 8 : i32
      %gather3A_864 = arith.constant 0 : i32
      %gather3A_865 = arith.constant 0 : i32
      %gather3A_866 = tpu.memref_slice %arg9[%gather3A_863, %gather3A_864, %gather3A_865] : memref<16x32x128xf32, #tpu.memory_space<vmem>> -> memref<1x32x128xf32, #tpu.memory_space<vmem>>
      %gather3A_867 = tpu.memref_squeeze %gather3A_866 : memref<1x32x128xf32, #tpu.memory_space<vmem>> -> memref<32x128xf32, #tpu.memory_space<vmem>>
      %gather3A_868 = tpu.vector_load_idx %gather3A_867[%add3A_5, %broadcast_in_dim3A_855] : memref<32x128xf32, #tpu.memory_space<vmem>>[vector<16xi32>, vector<16xi32>], vector<16xf32>,
      tpu.vector_store_idx %arg10[%iota3A, %broadcast_in_dim3A_856], %gather3A_862 : memref<32x512xf32, #tpu.memory_space<vmem>>[vector<16xi32>, vector<16xi32>], vector<16xf32>,
      tpu.vector_store_idx %arg10[%add3A_5, %broadcast_in_dim3A_856], %gather3A_868 : memref<32x512xf32, #tpu.memory_space<vmem>>[vector<16xi32>, vector<16xi32>], vector<16xf32>,
      %slice3A_869 = vector.extract_strided_slice %get3A_831 {offsets = [1], sizes = [1], strides = [1]} : vector<16xi32> to vector<1xi32>
      %squeeze3A_870 = vector.extract %slice3A_869[0] : i32 from vector<1xi32>
      %mul3A_871 = arith.constant 8 : i32
      %mul3A_872 = arith.muli %add3A_827, %mul3A_871 : i32
      %add3A_873 = arith.constant 1 : i32
      %add3A_874 = arith.addi %mul3A_872, %add3A_873 : i32
      %dma_wait3A_875 = arith.constant 9 : i32
      %dma_wait3A_876 = arith.constant 0 : i32
      %dma_wait3A_877 = arith.constant 0 : i32
      %dma_wait3A_878 = tpu.memref_slice %arg9[%dma_wait3A_875, %dma_wait3A_876, %dma_wait3A_877] : memref<16x32x128xf32, #tpu.memory_space<vmem>> -> memref<1x32x128xf32, #tpu.memory_space<vmem>>
      %dma_wait3A_879 = tpu.memref_squeeze %dma_wait3A_878 : memref<1x32x128xf32, #tpu.memory_space<vmem>> -> memref<32x128xf32, #tpu.memory_space<vmem>>
      %dma_wait3A_880 = arith.constant 0 : i32
      %dma_wait3A_881 = arith.constant 0 : i32
      %dma_wait3A_882 = tpu.memref_slice %arg2[%dma_wait3A_880, %dma_wait3A_881] : memref<32x1000000xf32, #tpu.memory_space<hbm>> -> memref<32x128xf32, #tpu.memory_space<hbm>>
      %dma_wait3A_883 = arith.constant 0 : i32
      %dma_wait3A_884 = arith.constant 0 : i32
      %dma_wait3A_885 = tpu.memref_slice %arg9[%dma_wait3A_875, %dma_wait3A_883, %dma_wait3A_884] : memref<16x32x128xf32, #tpu.memory_space<vmem>> -> memref<1x32x128xf32, #tpu.memory_space<vmem>>
      %dma_wait3A_886 = tpu.memref_squeeze %dma_wait3A_885 : memref<1x32x128xf32, #tpu.memory_space<vmem>> -> memref<32x128xf32, #tpu.memory_space<vmem>>
      %dma_wait3A_887 = arith.constant 0 : i32
      %dma_wait3A_888 = arith.constant 0 : i32
      %dma_wait3A_889 = tpu.memref_slice %arg2[%dma_wait3A_887, %dma_wait3A_888] : memref<32x1000000xf32, #tpu.memory_space<hbm>> -> memref<32x128xf32, #tpu.memory_space<hbm>>
      tpu.wait_dma2 semaphore(%arg12 : memref<!tpu.dma_semaphore, #tpu.memory_space<semaphore_mem>>) src(%dma_wait3A_889 : memref<32x128xf32, #tpu.memory_space<hbm>>) dst(%dma_wait3A_886 : memref<32x128xf32, #tpu.memory_space<vmem>>)
      %and3A_890 = arith.constant 127 : i32
      %and3A_891 = arith.andi %squeeze3A_870, %and3A_890 : i32
      %broadcast_in_dim3A_892 = vector.broadcast %and3A_891 : i32 to vector<16xi32>
      %broadcast_in_dim3A_893 = vector.broadcast %add3A_874 : i32 to vector<16xi32>
      %gather3A_894 = arith.constant 9 : i32
      %gather3A_895 = arith.constant 0 : i32
      %gather3A_896 = arith.constant 0 : i32
      %gather3A_897 = tpu.memref_slice %arg9[%gather3A_894, %gather3A_895, %gather3A_896] : memref<16x32x128xf32, #tpu.memory_space<vmem>> -> memref<1x32x128xf32, #tpu.memory_space<vmem>>
      %gather3A_898 = tpu.memref_squeeze %gather3A_897 : memref<1x32x128xf32, #tpu.memory_space<vmem>> -> memref<32x128xf32, #tpu.memory_space<vmem>>
      %gather3A_899 = tpu.vector_load_idx %gather3A_898[%iota3A, %broadcast_in_dim3A_892] : memref<32x128xf32, #tpu.memory_space<vmem>>[vector<16xi32>, vector<16xi32>], vector<16xf32>,
      %gather3A_900 = arith.constant 9 : i32
      %gather3A_901 = arith.constant 0 : i32
      %gather3A_902 = arith.constant 0 : i32
      %gather3A_903 = tpu.memref_slice %arg9[%gather3A_900, %gather3A_901, %gather3A_902] : memref<16x32x128xf32, #tpu.memory_space<vmem>> -> memref<1x32x128xf32, #tpu.memory_space<vmem>>
      %gather3A_904 = tpu.memref_squeeze %gather3A_903 : memref<1x32x128xf32, #tpu.memory_space<vmem>> -> memref<32x128xf32, #tpu.memory_space<vmem>>
      %gather3A_905 = tpu.vector_load_idx %gather3A_904[%add3A_5, %broadcast_in_dim3A_892] : memref<32x128xf32, #tpu.memory_space<vmem>>[vector<16xi32>, vector<16xi32>], vector<16xf32>,
      tpu.vector_store_idx %arg10[%iota3A, %broadcast_in_dim3A_893], %gather3A_899 : memref<32x512xf32, #tpu.memory_space<vmem>>[vector<16xi32>, vector<16xi32>], vector<16xf32>,
      tpu.vector_store_idx %arg10[%add3A_5, %broadcast_in_dim3A_893], %gather3A_905 : memref<32x512xf32, #tpu.memory_space<vmem>>[vector<16xi32>, vector<16xi32>], vector<16xf32>,
      %slice3A_906 = vector.extract_strided_slice %get3A_831 {offsets = [2], sizes = [1], strides = [1]} : vector<16xi32> to vector<1xi32>
      %squeeze3A_907 = vector.extract %slice3A_906[0] : i32 from vector<1xi32>
      %mul3A_908 = arith.constant 8 : i32
      %mul3A_909 = arith.muli %add3A_827, %mul3A_908 : i32
      %add3A_910 = arith.constant 2 : i32
      %add3A_911 = arith.addi %mul3A_909, %add3A_910 : i32
      %dma_wait3A_912 = arith.constant 10 : i32
      %dma_wait3A_913 = arith.constant 0 : i32
      %dma_wait3A_914 = arith.constant 0 : i32
      %dma_wait3A_915 = tpu.memref_slice %arg9[%dma_wait3A_912, %dma_wait3A_913, %dma_wait3A_914] : memref<16x32x128xf32, #tpu.memory_space<vmem>> -> memref<1x32x128xf32, #tpu.memory_space<vmem>>
      %dma_wait3A_916 = tpu.memref_squeeze %dma_wait3A_915 : memref<1x32x128xf32, #tpu.memory_space<vmem>> -> memref<32x128xf32, #tpu.memory_space<vmem>>
      %dma_wait3A_917 = arith.constant 0 : i32
      %dma_wait3A_918 = arith.constant 0 : i32
      %dma_wait3A_919 = tpu.memref_slice %arg2[%dma_wait3A_917, %dma_wait3A_918] : memref<32x1000000xf32, #tpu.memory_space<hbm>> -> memref<32x128xf32, #tpu.memory_space<hbm>>
      %dma_wait3A_920 = arith.constant 0 : i32
      %dma_wait3A_921 = arith.constant 0 : i32
      %dma_wait3A_922 = tpu.memref_slice %arg9[%dma_wait3A_912, %dma_wait3A_920, %dma_wait3A_921] : memref<16x32x128xf32, #tpu.memory_space<vmem>> -> memref<1x32x128xf32, #tpu.memory_space<vmem>>
      %dma_wait3A_923 = tpu.memref_squeeze %dma_wait3A_922 : memref<1x32x128xf32, #tpu.memory_space<vmem>> -> memref<32x128xf32, #tpu.memory_space<vmem>>
      %dma_wait3A_924 = arith.constant 0 : i32
      %dma_wait3A_925 = arith.constant 0 : i32
      %dma_wait3A_926 = tpu.memref_slice %arg2[%dma_wait3A_924, %dma_wait3A_925] : memref<32x1000000xf32, #tpu.memory_space<hbm>> -> memref<32x128xf32, #tpu.memory_space<hbm>>
      tpu.wait_dma2 semaphore(%arg12 : memref<!tpu.dma_semaphore, #tpu.memory_space<semaphore_mem>>) src(%dma_wait3A_926 : memref<32x128xf32, #tpu.memory_space<hbm>>) dst(%dma_wait3A_923 : memref<32x128xf32, #tpu.memory_space<vmem>>)
      %and3A_927 = arith.constant 127 : i32
      %and3A_928 = arith.andi %squeeze3A_907, %and3A_927 : i32
      %broadcast_in_dim3A_929 = vector.broadcast %and3A_928 : i32 to vector<16xi32>
      %broadcast_in_dim3A_930 = vector.broadcast %add3A_911 : i32 to vector<16xi32>
      %gather3A_931 = arith.constant 10 : i32
      %gather3A_932 = arith.constant 0 : i32
      %gather3A_933 = arith.constant 0 : i32
      %gather3A_934 = tpu.memref_slice %arg9[%gather3A_931, %gather3A_932, %gather3A_933] : memref<16x32x128xf32, #tpu.memory_space<vmem>> -> memref<1x32x128xf32, #tpu.memory_space<vmem>>
      %gather3A_935 = tpu.memref_squeeze %gather3A_934 : memref<1x32x128xf32, #tpu.memory_space<vmem>> -> memref<32x128xf32, #tpu.memory_space<vmem>>
      %gather3A_936 = tpu.vector_load_idx %gather3A_935[%iota3A, %broadcast_in_dim3A_929] : memref<32x128xf32, #tpu.memory_space<vmem>>[vector<16xi32>, vector<16xi32>], vector<16xf32>,
      %gather3A_937 = arith.constant 10 : i32
      %gather3A_938 = arith.constant 0 : i32
      %gather3A_939 = arith.constant 0 : i32
      %gather3A_940 = tpu.memref_slice %arg9[%gather3A_937, %gather3A_938, %gather3A_939] : memref<16x32x128xf32, #tpu.memory_space<vmem>> -> memref<1x32x128xf32, #tpu.memory_space<vmem>>
      %gather3A_941 = tpu.memref_squeeze %gather3A_940 : memref<1x32x128xf32, #tpu.memory_space<vmem>> -> memref<32x128xf32, #tpu.memory_space<vmem>>
      %gather3A_942 = tpu.vector_load_idx %gather3A_941[%add3A_5, %broadcast_in_dim3A_929] : memref<32x128xf32, #tpu.memory_space<vmem>>[vector<16xi32>, vector<16xi32>], vector<16xf32>,
      tpu.vector_store_idx %arg10[%iota3A, %broadcast_in_dim3A_930], %gather3A_936 : memref<32x512xf32, #tpu.memory_space<vmem>>[vector<16xi32>, vector<16xi32>], vector<16xf32>,
      tpu.vector_store_idx %arg10[%add3A_5, %broadcast_in_dim3A_930], %gather3A_942 : memref<32x512xf32, #tpu.memory_space<vmem>>[vector<16xi32>, vector<16xi32>], vector<16xf32>,
      %slice3A_943 = vector.extract_strided_slice %get3A_831 {offsets = [3], sizes = [1], strides = [1]} : vector<16xi32> to vector<1xi32>
      %squeeze3A_944 = vector.extract %slice3A_943[0] : i32 from vector<1xi32>
      %mul3A_945 = arith.constant 8 : i32
      %mul3A_946 = arith.muli %add3A_827, %mul3A_945 : i32
      %add3A_947 = arith.constant 3 : i32
      %add3A_948 = arith.addi %mul3A_946, %add3A_947 : i32
      %dma_wait3A_949 = arith.constant 11 : i32
      %dma_wait3A_950 = arith.constant 0 : i32
      %dma_wait3A_951 = arith.constant 0 : i32
      %dma_wait3A_952 = tpu.memref_slice %arg9[%dma_wait3A_949, %dma_wait3A_950, %dma_wait3A_951] : memref<16x32x128xf32, #tpu.memory_space<vmem>> -> memref<1x32x128xf32, #tpu.memory_space<vmem>>
      %dma_wait3A_953 = tpu.memref_squeeze %dma_wait3A_952 : memref<1x32x128xf32, #tpu.memory_space<vmem>> -> memref<32x128xf32, #tpu.memory_space<vmem>>
      %dma_wait3A_954 = arith.constant 0 : i32
      %dma_wait3A_955 = arith.constant 0 : i32
      %dma_wait3A_956 = tpu.memref_slice %arg2[%dma_wait3A_954, %dma_wait3A_955] : memref<32x1000000xf32, #tpu.memory_space<hbm>> -> memref<32x128xf32, #tpu.memory_space<hbm>>
      %dma_wait3A_957 = arith.constant 0 : i32
      %dma_wait3A_958 = arith.constant 0 : i32
      %dma_wait3A_959 = tpu.memref_slice %arg9[%dma_wait3A_949, %dma_wait3A_957, %dma_wait3A_958] : memref<16x32x128xf32, #tpu.memory_space<vmem>> -> memref<1x32x128xf32, #tpu.memory_space<vmem>>
      %dma_wait3A_960 = tpu.memref_squeeze %dma_wait3A_959 : memref<1x32x128xf32, #tpu.memory_space<vmem>> -> memref<32x128xf32, #tpu.memory_space<vmem>>
      %dma_wait3A_961 = arith.constant 0 : i32
      %dma_wait3A_962 = arith.constant 0 : i32
      %dma_wait3A_963 = tpu.memref_slice %arg2[%dma_wait3A_961, %dma_wait3A_962] : memref<32x1000000xf32, #tpu.memory_space<hbm>> -> memref<32x128xf32, #tpu.memory_space<hbm>>
      tpu.wait_dma2 semaphore(%arg12 : memref<!tpu.dma_semaphore, #tpu.memory_space<semaphore_mem>>) src(%dma_wait3A_963 : memref<32x128xf32, #tpu.memory_space<hbm>>) dst(%dma_wait3A_960 : memref<32x128xf32, #tpu.memory_space<vmem>>)
      %and3A_964 = arith.constant 127 : i32
      %and3A_965 = arith.andi %squeeze3A_944, %and3A_964 : i32
      %broadcast_in_dim3A_966 = vector.broadcast %and3A_965 : i32 to vector<16xi32>
      %broadcast_in_dim3A_967 = vector.broadcast %add3A_948 : i32 to vector<16xi32>
      %gather3A_968 = arith.constant 11 : i32
      %gather3A_969 = arith.constant 0 : i32
      %gather3A_970 = arith.constant 0 : i32
      %gather3A_971 = tpu.memref_slice %arg9[%gather3A_968, %gather3A_969, %gather3A_970] : memref<16x32x128xf32, #tpu.memory_space<vmem>> -> memref<1x32x128xf32, #tpu.memory_space<vmem>>
      %gather3A_972 = tpu.memref_squeeze %gather3A_971 : memref<1x32x128xf32, #tpu.memory_space<vmem>> -> memref<32x128xf32, #tpu.memory_space<vmem>>
      %gather3A_973 = tpu.vector_load_idx %gather3A_972[%iota3A, %broadcast_in_dim3A_966] : memref<32x128xf32, #tpu.memory_space<vmem>>[vector<16xi32>, vector<16xi32>], vector<16xf32>,
      %gather3A_974 = arith.constant 11 : i32
      %gather3A_975 = arith.constant 0 : i32
      %gather3A_976 = arith.constant 0 : i32
      %gather3A_977 = tpu.memref_slice %arg9[%gather3A_974, %gather3A_975, %gather3A_976] : memref<16x32x128xf32, #tpu.memory_space<vmem>> -> memref<1x32x128xf32, #tpu.memory_space<vmem>>
      %gather3A_978 = tpu.memref_squeeze %gather3A_977 : memref<1x32x128xf32, #tpu.memory_space<vmem>> -> memref<32x128xf32, #tpu.memory_space<vmem>>
      %gather3A_979 = tpu.vector_load_idx %gather3A_978[%add3A_5, %broadcast_in_dim3A_966] : memref<32x128xf32, #tpu.memory_space<vmem>>[vector<16xi32>, vector<16xi32>], vector<16xf32>,
      tpu.vector_store_idx %arg10[%iota3A, %broadcast_in_dim3A_967], %gather3A_973 : memref<32x512xf32, #tpu.memory_space<vmem>>[vector<16xi32>, vector<16xi32>], vector<16xf32>,
      tpu.vector_store_idx %arg10[%add3A_5, %broadcast_in_dim3A_967], %gather3A_979 : memref<32x512xf32, #tpu.memory_space<vmem>>[vector<16xi32>, vector<16xi32>], vector<16xf32>,
      %slice3A_980 = vector.extract_strided_slice %get3A_831 {offsets = [4], sizes = [1], strides = [1]} : vector<16xi32> to vector<1xi32>
      %squeeze3A_981 = vector.extract %slice3A_980[0] : i32 from vector<1xi32>
      %mul3A_982 = arith.constant 8 : i32
      %mul3A_983 = arith.muli %add3A_827, %mul3A_982 : i32
      %add3A_984 = arith.constant 4 : i32
      %add3A_985 = arith.addi %mul3A_983, %add3A_984 : i32
      %dma_wait3A_986 = arith.constant 12 : i32
      %dma_wait3A_987 = arith.constant 0 : i32
      %dma_wait3A_988 = arith.constant 0 : i32
      %dma_wait3A_989 = tpu.memref_slice %arg9[%dma_wait3A_986, %dma_wait3A_987, %dma_wait3A_988] : memref<16x32x128xf32, #tpu.memory_space<vmem>> -> memref<1x32x128xf32, #tpu.memory_space<vmem>>
      %dma_wait3A_990 = tpu.memref_squeeze %dma_wait3A_989 : memref<1x32x128xf32, #tpu.memory_space<vmem>> -> memref<32x128xf32, #tpu.memory_space<vmem>>
      %dma_wait3A_991 = arith.constant 0 : i32
      %dma_wait3A_992 = arith.constant 0 : i32
      %dma_wait3A_993 = tpu.memref_slice %arg2[%dma_wait3A_991, %dma_wait3A_992] : memref<32x1000000xf32, #tpu.memory_space<hbm>> -> memref<32x128xf32, #tpu.memory_space<hbm>>
      %dma_wait3A_994 = arith.constant 0 : i32
      %dma_wait3A_995 = arith.constant 0 : i32
      %dma_wait3A_996 = tpu.memref_slice %arg9[%dma_wait3A_986, %dma_wait3A_994, %dma_wait3A_995] : memref<16x32x128xf32, #tpu.memory_space<vmem>> -> memref<1x32x128xf32, #tpu.memory_space<vmem>>
      %dma_wait3A_997 = tpu.memref_squeeze %dma_wait3A_996 : memref<1x32x128xf32, #tpu.memory_space<vmem>> -> memref<32x128xf32, #tpu.memory_space<vmem>>
      %dma_wait3A_998 = arith.constant 0 : i32
      %dma_wait3A_999 = arith.constant 0 : i32
      %dma_wait3A_1000 = tpu.memref_slice %arg2[%dma_wait3A_998, %dma_wait3A_999] : memref<32x1000000xf32, #tpu.memory_space<hbm>> -> memref<32x128xf32, #tpu.memory_space<hbm>>
      tpu.wait_dma2 semaphore(%arg12 : memref<!tpu.dma_semaphore, #tpu.memory_space<semaphore_mem>>) src(%dma_wait3A_1000 : memref<32x128xf32, #tpu.memory_space<hbm>>) dst(%dma_wait3A_997 : memref<32x128xf32, #tpu.memory_space<vmem>>)
      %and3A_1001 = arith.constant 127 : i32
      %and3A_1002 = arith.andi %squeeze3A_981, %and3A_1001 : i32
      %broadcast_in_dim3A_1003 = vector.broadcast %and3A_1002 : i32 to vector<16xi32>
      %broadcast_in_dim3A_1004 = vector.broadcast %add3A_985 : i32 to vector<16xi32>
      %gather3A_1005 = arith.constant 12 : i32
      %gather3A_1006 = arith.constant 0 : i32
      %gather3A_1007 = arith.constant 0 : i32
      %gather3A_1008 = tpu.memref_slice %arg9[%gather3A_1005, %gather3A_1006, %gather3A_1007] : memref<16x32x128xf32, #tpu.memory_space<vmem>> -> memref<1x32x128xf32, #tpu.memory_space<vmem>>
      %gather3A_1009 = tpu.memref_squeeze %gather3A_1008 : memref<1x32x128xf32, #tpu.memory_space<vmem>> -> memref<32x128xf32, #tpu.memory_space<vmem>>
      %gather3A_1010 = tpu.vector_load_idx %gather3A_1009[%iota3A, %broadcast_in_dim3A_1003] : memref<32x128xf32, #tpu.memory_space<vmem>>[vector<16xi32>, vector<16xi32>], vector<16xf32>,
      %gather3A_1011 = arith.constant 12 : i32
      %gather3A_1012 = arith.constant 0 : i32
      %gather3A_1013 = arith.constant 0 : i32
      %gather3A_1014 = tpu.memref_slice %arg9[%gather3A_1011, %gather3A_1012, %gather3A_1013] : memref<16x32x128xf32, #tpu.memory_space<vmem>> -> memref<1x32x128xf32, #tpu.memory_space<vmem>>
      %gather3A_1015 = tpu.memref_squeeze %gather3A_1014 : memref<1x32x128xf32, #tpu.memory_space<vmem>> -> memref<32x128xf32, #tpu.memory_space<vmem>>
      %gather3A_1016 = tpu.vector_load_idx %gather3A_1015[%add3A_5, %broadcast_in_dim3A_1003] : memref<32x128xf32, #tpu.memory_space<vmem>>[vector<16xi32>, vector<16xi32>], vector<16xf32>,
      tpu.vector_store_idx %arg10[%iota3A, %broadcast_in_dim3A_1004], %gather3A_1010 : memref<32x512xf32, #tpu.memory_space<vmem>>[vector<16xi32>, vector<16xi32>], vector<16xf32>,
      tpu.vector_store_idx %arg10[%add3A_5, %broadcast_in_dim3A_1004], %gather3A_1016 : memref<32x512xf32, #tpu.memory_space<vmem>>[vector<16xi32>, vector<16xi32>], vector<16xf32>,
      %slice3A_1017 = vector.extract_strided_slice %get3A_831 {offsets = [5], sizes = [1], strides = [1]} : vector<16xi32> to vector<1xi32>
      %squeeze3A_1018 = vector.extract %slice3A_1017[0] : i32 from vector<1xi32>
      %mul3A_1019 = arith.constant 8 : i32
      %mul3A_1020 = arith.muli %add3A_827, %mul3A_1019 : i32
      %add3A_1021 = arith.constant 5 : i32
      %add3A_1022 = arith.addi %mul3A_1020, %add3A_1021 : i32
      %dma_wait3A_1023 = arith.constant 13 : i32
      %dma_wait3A_1024 = arith.constant 0 : i32
      %dma_wait3A_1025 = arith.constant 0 : i32
      %dma_wait3A_1026 = tpu.memref_slice %arg9[%dma_wait3A_1023, %dma_wait3A_1024, %dma_wait3A_1025] : memref<16x32x128xf32, #tpu.memory_space<vmem>> -> memref<1x32x128xf32, #tpu.memory_space<vmem>>
      %dma_wait3A_1027 = tpu.memref_squeeze %dma_wait3A_1026 : memref<1x32x128xf32, #tpu.memory_space<vmem>> -> memref<32x128xf32, #tpu.memory_space<vmem>>
      %dma_wait3A_1028 = arith.constant 0 : i32
      %dma_wait3A_1029 = arith.constant 0 : i32
      %dma_wait3A_1030 = tpu.memref_slice %arg2[%dma_wait3A_1028, %dma_wait3A_1029] : memref<32x1000000xf32, #tpu.memory_space<hbm>> -> memref<32x128xf32, #tpu.memory_space<hbm>>
      %dma_wait3A_1031 = arith.constant 0 : i32
      %dma_wait3A_1032 = arith.constant 0 : i32
      %dma_wait3A_1033 = tpu.memref_slice %arg9[%dma_wait3A_1023, %dma_wait3A_1031, %dma_wait3A_1032] : memref<16x32x128xf32, #tpu.memory_space<vmem>> -> memref<1x32x128xf32, #tpu.memory_space<vmem>>
      %dma_wait3A_1034 = tpu.memref_squeeze %dma_wait3A_1033 : memref<1x32x128xf32, #tpu.memory_space<vmem>> -> memref<32x128xf32, #tpu.memory_space<vmem>>
      %dma_wait3A_1035 = arith.constant 0 : i32
      %dma_wait3A_1036 = arith.constant 0 : i32
      %dma_wait3A_1037 = tpu.memref_slice %arg2[%dma_wait3A_1035, %dma_wait3A_1036] : memref<32x1000000xf32, #tpu.memory_space<hbm>> -> memref<32x128xf32, #tpu.memory_space<hbm>>
      tpu.wait_dma2 semaphore(%arg12 : memref<!tpu.dma_semaphore, #tpu.memory_space<semaphore_mem>>) src(%dma_wait3A_1037 : memref<32x128xf32, #tpu.memory_space<hbm>>) dst(%dma_wait3A_1034 : memref<32x128xf32, #tpu.memory_space<vmem>>)
      %and3A_1038 = arith.constant 127 : i32
      %and3A_1039 = arith.andi %squeeze3A_1018, %and3A_1038 : i32
      %broadcast_in_dim3A_1040 = vector.broadcast %and3A_1039 : i32 to vector<16xi32>
      %broadcast_in_dim3A_1041 = vector.broadcast %add3A_1022 : i32 to vector<16xi32>
      %gather3A_1042 = arith.constant 13 : i32
      %gather3A_1043 = arith.constant 0 : i32
      %gather3A_1044 = arith.constant 0 : i32
      %gather3A_1045 = tpu.memref_slice %arg9[%gather3A_1042, %gather3A_1043, %gather3A_1044] : memref<16x32x128xf32, #tpu.memory_space<vmem>> -> memref<1x32x128xf32, #tpu.memory_space<vmem>>
      %gather3A_1046 = tpu.memref_squeeze %gather3A_1045 : memref<1x32x128xf32, #tpu.memory_space<vmem>> -> memref<32x128xf32, #tpu.memory_space<vmem>>
      %gather3A_1047 = tpu.vector_load_idx %gather3A_1046[%iota3A, %broadcast_in_dim3A_1040] : memref<32x128xf32, #tpu.memory_space<vmem>>[vector<16xi32>, vector<16xi32>], vector<16xf32>,
      %gather3A_1048 = arith.constant 13 : i32
      %gather3A_1049 = arith.constant 0 : i32
      %gather3A_1050 = arith.constant 0 : i32
      %gather3A_1051 = tpu.memref_slice %arg9[%gather3A_1048, %gather3A_1049, %gather3A_1050] : memref<16x32x128xf32, #tpu.memory_space<vmem>> -> memref<1x32x128xf32, #tpu.memory_space<vmem>>
      %gather3A_1052 = tpu.memref_squeeze %gather3A_1051 : memref<1x32x128xf32, #tpu.memory_space<vmem>> -> memref<32x128xf32, #tpu.memory_space<vmem>>
      %gather3A_1053 = tpu.vector_load_idx %gather3A_1052[%add3A_5, %broadcast_in_dim3A_1040] : memref<32x128xf32, #tpu.memory_space<vmem>>[vector<16xi32>, vector<16xi32>], vector<16xf32>,
      tpu.vector_store_idx %arg10[%iota3A, %broadcast_in_dim3A_1041], %gather3A_1047 : memref<32x512xf32, #tpu.memory_space<vmem>>[vector<16xi32>, vector<16xi32>], vector<16xf32>,
      tpu.vector_store_idx %arg10[%add3A_5, %broadcast_in_dim3A_1041], %gather3A_1053 : memref<32x512xf32, #tpu.memory_space<vmem>>[vector<16xi32>, vector<16xi32>], vector<16xf32>,
      %slice3A_1054 = vector.extract_strided_slice %get3A_831 {offsets = [6], sizes = [1], strides = [1]} : vector<16xi32> to vector<1xi32>
      %squeeze3A_1055 = vector.extract %slice3A_1054[0] : i32 from vector<1xi32>
      %mul3A_1056 = arith.constant 8 : i32
      %mul3A_1057 = arith.muli %add3A_827, %mul3A_1056 : i32
      %add3A_1058 = arith.constant 6 : i32
      %add3A_1059 = arith.addi %mul3A_1057, %add3A_1058 : i32
      %dma_wait3A_1060 = arith.constant 14 : i32
      %dma_wait3A_1061 = arith.constant 0 : i32
      %dma_wait3A_1062 = arith.constant 0 : i32
      %dma_wait3A_1063 = tpu.memref_slice %arg9[%dma_wait3A_1060, %dma_wait3A_1061, %dma_wait3A_1062] : memref<16x32x128xf32, #tpu.memory_space<vmem>> -> memref<1x32x128xf32, #tpu.memory_space<vmem>>
      %dma_wait3A_1064 = tpu.memref_squeeze %dma_wait3A_1063 : memref<1x32x128xf32, #tpu.memory_space<vmem>> -> memref<32x128xf32, #tpu.memory_space<vmem>>
      %dma_wait3A_1065 = arith.constant 0 : i32
      %dma_wait3A_1066 = arith.constant 0 : i32
      %dma_wait3A_1067 = tpu.memref_slice %arg2[%dma_wait3A_1065, %dma_wait3A_1066] : memref<32x1000000xf32, #tpu.memory_space<hbm>> -> memref<32x128xf32, #tpu.memory_space<hbm>>
      %dma_wait3A_1068 = arith.constant 0 : i32
      %dma_wait3A_1069 = arith.constant 0 : i32
      %dma_wait3A_1070 = tpu.memref_slice %arg9[%dma_wait3A_1060, %dma_wait3A_1068, %dma_wait3A_1069] : memref<16x32x128xf32, #tpu.memory_space<vmem>> -> memref<1x32x128xf32, #tpu.memory_space<vmem>>
      %dma_wait3A_1071 = tpu.memref_squeeze %dma_wait3A_1070 : memref<1x32x128xf32, #tpu.memory_space<vmem>> -> memref<32x128xf32, #tpu.memory_space<vmem>>
      %dma_wait3A_1072 = arith.constant 0 : i32
      %dma_wait3A_1073 = arith.constant 0 : i32
      %dma_wait3A_1074 = tpu.memref_slice %arg2[%dma_wait3A_1072, %dma_wait3A_1073] : memref<32x1000000xf32, #tpu.memory_space<hbm>> -> memref<32x128xf32, #tpu.memory_space<hbm>>
      tpu.wait_dma2 semaphore(%arg12 : memref<!tpu.dma_semaphore, #tpu.memory_space<semaphore_mem>>) src(%dma_wait3A_1074 : memref<32x128xf32, #tpu.memory_space<hbm>>) dst(%dma_wait3A_1071 : memref<32x128xf32, #tpu.memory_space<vmem>>)
      %and3A_1075 = arith.constant 127 : i32
      %and3A_1076 = arith.andi %squeeze3A_1055, %and3A_1075 : i32
      %broadcast_in_dim3A_1077 = vector.broadcast %and3A_1076 : i32 to vector<16xi32>
      %broadcast_in_dim3A_1078 = vector.broadcast %add3A_1059 : i32 to vector<16xi32>
      %gather3A_1079 = arith.constant 14 : i32
      %gather3A_1080 = arith.constant 0 : i32
      %gather3A_1081 = arith.constant 0 : i32
      %gather3A_1082 = tpu.memref_slice %arg9[%gather3A_1079, %gather3A_1080, %gather3A_1081] : memref<16x32x128xf32, #tpu.memory_space<vmem>> -> memref<1x32x128xf32, #tpu.memory_space<vmem>>
      %gather3A_1083 = tpu.memref_squeeze %gather3A_1082 : memref<1x32x128xf32, #tpu.memory_space<vmem>> -> memref<32x128xf32, #tpu.memory_space<vmem>>
      %gather3A_1084 = tpu.vector_load_idx %gather3A_1083[%iota3A, %broadcast_in_dim3A_1077] : memref<32x128xf32, #tpu.memory_space<vmem>>[vector<16xi32>, vector<16xi32>], vector<16xf32>,
      %gather3A_1085 = arith.constant 14 : i32
      %gather3A_1086 = arith.constant 0 : i32
      %gather3A_1087 = arith.constant 0 : i32
      %gather3A_1088 = tpu.memref_slice %arg9[%gather3A_1085, %gather3A_1086, %gather3A_1087] : memref<16x32x128xf32, #tpu.memory_space<vmem>> -> memref<1x32x128xf32, #tpu.memory_space<vmem>>
      %gather3A_1089 = tpu.memref_squeeze %gather3A_1088 : memref<1x32x128xf32, #tpu.memory_space<vmem>> -> memref<32x128xf32, #tpu.memory_space<vmem>>
      %gather3A_1090 = tpu.vector_load_idx %gather3A_1089[%add3A_5, %broadcast_in_dim3A_1077] : memref<32x128xf32, #tpu.memory_space<vmem>>[vector<16xi32>, vector<16xi32>], vector<16xf32>,
      tpu.vector_store_idx %arg10[%iota3A, %broadcast_in_dim3A_1078], %gather3A_1084 : memref<32x512xf32, #tpu.memory_space<vmem>>[vector<16xi32>, vector<16xi32>], vector<16xf32>,
      tpu.vector_store_idx %arg10[%add3A_5, %broadcast_in_dim3A_1078], %gather3A_1090 : memref<32x512xf32, #tpu.memory_space<vmem>>[vector<16xi32>, vector<16xi32>], vector<16xf32>,
      %slice3A_1091 = vector.extract_strided_slice %get3A_831 {offsets = [7], sizes = [1], strides = [1]} : vector<16xi32> to vector<1xi32>
      %squeeze3A_1092 = vector.extract %slice3A_1091[0] : i32 from vector<1xi32>
      %mul3A_1093 = arith.constant 8 : i32
      %mul3A_1094 = arith.muli %add3A_827, %mul3A_1093 : i32
      %add3A_1095 = arith.constant 7 : i32
      %add3A_1096 = arith.addi %mul3A_1094, %add3A_1095 : i32
      %dma_wait3A_1097 = arith.constant 15 : i32
      %dma_wait3A_1098 = arith.constant 0 : i32
      %dma_wait3A_1099 = arith.constant 0 : i32
      %dma_wait3A_1100 = tpu.memref_slice %arg9[%dma_wait3A_1097, %dma_wait3A_1098, %dma_wait3A_1099] : memref<16x32x128xf32, #tpu.memory_space<vmem>> -> memref<1x32x128xf32, #tpu.memory_space<vmem>>
      %dma_wait3A_1101 = tpu.memref_squeeze %dma_wait3A_1100 : memref<1x32x128xf32, #tpu.memory_space<vmem>> -> memref<32x128xf32, #tpu.memory_space<vmem>>
      %dma_wait3A_1102 = arith.constant 0 : i32
      %dma_wait3A_1103 = arith.constant 0 : i32
      %dma_wait3A_1104 = tpu.memref_slice %arg2[%dma_wait3A_1102, %dma_wait3A_1103] : memref<32x1000000xf32, #tpu.memory_space<hbm>> -> memref<32x128xf32, #tpu.memory_space<hbm>>
      %dma_wait3A_1105 = arith.constant 0 : i32
      %dma_wait3A_1106 = arith.constant 0 : i32
      %dma_wait3A_1107 = tpu.memref_slice %arg9[%dma_wait3A_1097, %dma_wait3A_1105, %dma_wait3A_1106] : memref<16x32x128xf32, #tpu.memory_space<vmem>> -> memref<1x32x128xf32, #tpu.memory_space<vmem>>
      %dma_wait3A_1108 = tpu.memref_squeeze %dma_wait3A_1107 : memref<1x32x128xf32, #tpu.memory_space<vmem>> -> memref<32x128xf32, #tpu.memory_space<vmem>>
      %dma_wait3A_1109 = arith.constant 0 : i32
      %dma_wait3A_1110 = arith.constant 0 : i32
      %dma_wait3A_1111 = tpu.memref_slice %arg2[%dma_wait3A_1109, %dma_wait3A_1110] : memref<32x1000000xf32, #tpu.memory_space<hbm>> -> memref<32x128xf32, #tpu.memory_space<hbm>>
      tpu.wait_dma2 semaphore(%arg12 : memref<!tpu.dma_semaphore, #tpu.memory_space<semaphore_mem>>) src(%dma_wait3A_1111 : memref<32x128xf32, #tpu.memory_space<hbm>>) dst(%dma_wait3A_1108 : memref<32x128xf32, #tpu.memory_space<vmem>>)
      %and3A_1112 = arith.constant 127 : i32
      %and3A_1113 = arith.andi %squeeze3A_1092, %and3A_1112 : i32
      %broadcast_in_dim3A_1114 = vector.broadcast %and3A_1113 : i32 to vector<16xi32>
      %broadcast_in_dim3A_1115 = vector.broadcast %add3A_1096 : i32 to vector<16xi32>
      %gather3A_1116 = arith.constant 15 : i32
      %gather3A_1117 = arith.constant 0 : i32
      %gather3A_1118 = arith.constant 0 : i32
      %gather3A_1119 = tpu.memref_slice %arg9[%gather3A_1116, %gather3A_1117, %gather3A_1118] : memref<16x32x128xf32, #tpu.memory_space<vmem>> -> memref<1x32x128xf32, #tpu.memory_space<vmem>>
      %gather3A_1120 = tpu.memref_squeeze %gather3A_1119 : memref<1x32x128xf32, #tpu.memory_space<vmem>> -> memref<32x128xf32, #tpu.memory_space<vmem>>
      %gather3A_1121 = tpu.vector_load_idx %gather3A_1120[%iota3A, %broadcast_in_dim3A_1114] : memref<32x128xf32, #tpu.memory_space<vmem>>[vector<16xi32>, vector<16xi32>], vector<16xf32>,
      %gather3A_1122 = arith.constant 15 : i32
      %gather3A_1123 = arith.constant 0 : i32
      %gather3A_1124 = arith.constant 0 : i32
      %gather3A_1125 = tpu.memref_slice %arg9[%gather3A_1122, %gather3A_1123, %gather3A_1124] : memref<16x32x128xf32, #tpu.memory_space<vmem>> -> memref<1x32x128xf32, #tpu.memory_space<vmem>>
      %gather3A_1126 = tpu.memref_squeeze %gather3A_1125 : memref<1x32x128xf32, #tpu.memory_space<vmem>> -> memref<32x128xf32, #tpu.memory_space<vmem>>
      %gather3A_1127 = tpu.vector_load_idx %gather3A_1126[%add3A_5, %broadcast_in_dim3A_1114] : memref<32x128xf32, #tpu.memory_space<vmem>>[vector<16xi32>, vector<16xi32>], vector<16xf32>,
      tpu.vector_store_idx %arg10[%iota3A, %broadcast_in_dim3A_1115], %gather3A_1121 : memref<32x512xf32, #tpu.memory_space<vmem>>[vector<16xi32>, vector<16xi32>], vector<16xf32>,
      tpu.vector_store_idx %arg10[%add3A_5, %broadcast_in_dim3A_1115], %gather3A_1127 : memref<32x512xf32, #tpu.memory_space<vmem>>[vector<16xi32>, vector<16xi32>], vector<16xf32>,
    }
    %scan3A_177 = arith.constant 32 : i32
    "tpu.region"() ({
      %run_scoped3A = tpu.sem_alloc : memref<!tpu.dma_semaphore, #tpu.memory_space<semaphore_mem>>
      %dma_start3A_358 = arith.constant 0 : i32
      %dma_start3A_359 = tpu.memref_slice %arg6[%dma_start3A_358, %mul3A_2] : memref<32x16384xf32, #tpu.memory_space<hbm>> -> memref<32x512xf32, #tpu.memory_space<hbm>>
      %dma_start3A_360 = arith.constant 0 : i32
      %dma_start3A_361 = tpu.memref_slice %arg6[%dma_start3A_360, %mul3A_2] : memref<32x16384xf32, #tpu.memory_space<hbm>> -> memref<32x512xf32, #tpu.memory_space<hbm>>
      tpu.enqueue_dma source(%arg10 : memref<32x512xf32, #tpu.memory_space<vmem>>) target(%dma_start3A_361 : memref<32x512xf32, #tpu.memory_space<hbm>>) target_semaphore(%run_scoped3A : memref<!tpu.dma_semaphore, #tpu.memory_space<semaphore_mem>>)
      %dma_wait3A_362 = arith.constant 0 : i32
      %dma_wait3A_363 = tpu.memref_slice %arg6[%dma_wait3A_362, %mul3A_2] : memref<32x16384xf32, #tpu.memory_space<hbm>> -> memref<32x512xf32, #tpu.memory_space<hbm>>
      %dma_wait3A_364 = arith.constant 0 : i32
      %dma_wait3A_365 = tpu.memref_slice %arg6[%dma_wait3A_364, %mul3A_2] : memref<32x16384xf32, #tpu.memory_space<hbm>> -> memref<32x512xf32, #tpu.memory_space<hbm>>
      tpu.wait_dma2 semaphore(%run_scoped3A : memref<!tpu.dma_semaphore, #tpu.memory_space<semaphore_mem>>) src(%arg10 : memref<32x512xf32, #tpu.memory_space<vmem>>) dst(%dma_wait3A_365 : memref<32x512xf32, #tpu.memory_space<hbm>>)
      tpu.yield
    }) : () -> ()
    %dma_start3A_178 = arith.constant 0 : i32
    %dma_start3A_179 = tpu.memref_slice %arg8[%dma_start3A_178] : memref<528xi32, #tpu.memory_space<vmem>> -> memref<512xi32, #tpu.memory_space<vmem>>
    %dma_start3A_180 = tpu.memref_slice %arg5[%mul3A_2] : memref<16384xi32, #tpu.memory_space<hbm>> -> memref<512xi32, #tpu.memory_space<hbm>>
    %dma_start3A_181 = arith.constant 0 : i32
    %dma_start3A_182 = tpu.memref_slice %arg8[%dma_start3A_181] : memref<528xi32, #tpu.memory_space<vmem>> -> memref<512xi32, #tpu.memory_space<vmem>>
    %dma_start3A_183 = tpu.memref_slice %arg5[%mul3A_2] : memref<16384xi32, #tpu.memory_space<hbm>> -> memref<512xi32, #tpu.memory_space<hbm>>
    tpu.enqueue_dma source(%dma_start3A_183 : memref<512xi32, #tpu.memory_space<hbm>>) target(%dma_start3A_182 : memref<512xi32, #tpu.memory_space<vmem>>) target_semaphore(%arg13 : memref<!tpu.dma_semaphore, #tpu.memory_space<semaphore_mem>>)
    %dma_wait3A_184 = arith.constant 0 : i32
    %dma_wait3A_185 = tpu.memref_slice %arg8[%dma_wait3A_184] : memref<528xi32, #tpu.memory_space<vmem>> -> memref<512xi32, #tpu.memory_space<vmem>>
    %dma_wait3A_186 = tpu.memref_slice %arg5[%mul3A_2] : memref<16384xi32, #tpu.memory_space<hbm>> -> memref<512xi32, #tpu.memory_space<hbm>>
    %dma_wait3A_187 = arith.constant 0 : i32
    %dma_wait3A_188 = tpu.memref_slice %arg8[%dma_wait3A_187] : memref<528xi32, #tpu.memory_space<vmem>> -> memref<512xi32, #tpu.memory_space<vmem>>
    %dma_wait3A_189 = tpu.memref_slice %arg5[%mul3A_2] : memref<16384xi32, #tpu.memory_space<hbm>> -> memref<512xi32, #tpu.memory_space<hbm>>
    tpu.wait_dma2 semaphore(%arg13 : memref<!tpu.dma_semaphore, #tpu.memory_space<semaphore_mem>>) src(%dma_wait3A_189 : memref<512xi32, #tpu.memory_space<hbm>>) dst(%dma_wait3A_188 : memref<512xi32, #tpu.memory_space<vmem>>)
    %get3A_190 = arith.constant 0 : index
    %get3A_191 = tpu.vector_load %arg8[%get3A_190] {strides = array<i32>} : memref<528xi32, #tpu.memory_space<vmem>>, vector<16xi32>,
    %slice3A_192 = vector.extract_strided_slice %get3A_191 {offsets = [0], sizes = [1], strides = [1]} : vector<16xi32> to vector<1xi32>
    %squeeze3A_193 = vector.extract %slice3A_192[0] : i32 from vector<1xi32>
    %shift_right_arithmetic3A_194 = arith.constant 7 : i32
    %shift_right_arithmetic3A_195 = arith.shrsi %squeeze3A_193, %shift_right_arithmetic3A_194 : i32
    %mul3A_196 = arith.constant 128 : i32
    %mul3A_197 = arith.muli %shift_right_arithmetic3A_195, %mul3A_196 : i32
    %multiple_of3A_198 = tpu.assume_multiple %mul3A_197, 128 : i32
    %dma_start3A_199 = arith.constant 0 : i32
    %dma_start3A_200 = arith.constant 0 : i32
    %dma_start3A_201 = arith.constant 0 : i32
    %dma_start3A_202 = tpu.memref_slice %arg9[%dma_start3A_199, %dma_start3A_200, %dma_start3A_201] : memref<16x32x128xf32, #tpu.memory_space<vmem>> -> memref<1x32x128xf32, #tpu.memory_space<vmem>>
    %dma_start3A_203 = tpu.memref_squeeze %dma_start3A_202 : memref<1x32x128xf32, #tpu.memory_space<vmem>> -> memref<32x128xf32, #tpu.memory_space<vmem>>
    %dma_start3A_204 = arith.constant 0 : i32
    %dma_start3A_205 = tpu.memref_slice %arg3[%dma_start3A_204, %multiple_of3A_198] : memref<32x1000000xf32, #tpu.memory_space<hbm>> -> memref<32x128xf32, #tpu.memory_space<hbm>>
    %dma_start3A_206 = arith.constant 0 : i32
    %dma_start3A_207 = arith.constant 0 : i32
    %dma_start3A_208 = tpu.memref_slice %arg9[%dma_start3A_199, %dma_start3A_206, %dma_start3A_207] : memref<16x32x128xf32, #tpu.memory_space<vmem>> -> memref<1x32x128xf32, #tpu.memory_space<vmem>>
    %dma_start3A_209 = tpu.memref_squeeze %dma_start3A_208 : memref<1x32x128xf32, #tpu.memory_space<vmem>> -> memref<32x128xf32, #tpu.memory_space<vmem>>
    %dma_start3A_210 = arith.constant 0 : i32
    %dma_start3A_211 = tpu.memref_slice %arg3[%dma_start3A_210, %multiple_of3A_198] : memref<32x1000000xf32, #tpu.memory_space<hbm>> -> memref<32x128xf32, #tpu.memory_space<hbm>>
    tpu.enqueue_dma source(%dma_start3A_211 : memref<32x128xf32, #tpu.memory_space<hbm>>) target(%dma_start3A_209 : memref<32x128xf32, #tpu.memory_space<vmem>>) target_semaphore(%arg12 : memref<!tpu.dma_semaphore, #tpu.memory_space<semaphore_mem>>)
    %slice3A_212 = vector.extract_strided_slice %get3A_191 {offsets = [1], sizes = [1], strides = [1]} : vector<16xi32> to vector<1xi32>
    %squeeze3A_213 = vector.extract %slice3A_212[0] : i32 from vector<1xi32>
    %shift_right_arithmetic3A_214 = arith.constant 7 : i32
    %shift_right_arithmetic3A_215 = arith.shrsi %squeeze3A_213, %shift_right_arithmetic3A_214 : i32
    %mul3A_216 = arith.constant 128 : i32
    %mul3A_217 = arith.muli %shift_right_arithmetic3A_215, %mul3A_216 : i32
    %multiple_of3A_218 = tpu.assume_multiple %mul3A_217, 128 : i32
    %dma_start3A_219 = arith.constant 1 : i32
    %dma_start3A_220 = arith.constant 0 : i32
    %dma_start3A_221 = arith.constant 0 : i32
    %dma_start3A_222 = tpu.memref_slice %arg9[%dma_start3A_219, %dma_start3A_220, %dma_start3A_221] : memref<16x32x128xf32, #tpu.memory_space<vmem>> -> memref<1x32x128xf32, #tpu.memory_space<vmem>>
    %dma_start3A_223 = tpu.memref_squeeze %dma_start3A_222 : memref<1x32x128xf32, #tpu.memory_space<vmem>> -> memref<32x128xf32, #tpu.memory_space<vmem>>
    %dma_start3A_224 = arith.constant 0 : i32
    %dma_start3A_225 = tpu.memref_slice %arg3[%dma_start3A_224, %multiple_of3A_218] : memref<32x1000000xf32, #tpu.memory_space<hbm>> -> memref<32x128xf32, #tpu.memory_space<hbm>>
    %dma_start3A_226 = arith.constant 0 : i32
    %dma_start3A_227 = arith.constant 0 : i32
    %dma_start3A_228 = tpu.memref_slice %arg9[%dma_start3A_219, %dma_start3A_226, %dma_start3A_227] : memref<16x32x128xf32, #tpu.memory_space<vmem>> -> memref<1x32x128xf32, #tpu.memory_space<vmem>>
    %dma_start3A_229 = tpu.memref_squeeze %dma_start3A_228 : memref<1x32x128xf32, #tpu.memory_space<vmem>> -> memref<32x128xf32, #tpu.memory_space<vmem>>
    %dma_start3A_230 = arith.constant 0 : i32
    %dma_start3A_231 = tpu.memref_slice %arg3[%dma_start3A_230, %multiple_of3A_218] : memref<32x1000000xf32, #tpu.memory_space<hbm>> -> memref<32x128xf32, #tpu.memory_space<hbm>>
    tpu.enqueue_dma source(%dma_start3A_231 : memref<32x128xf32, #tpu.memory_space<hbm>>) target(%dma_start3A_229 : memref<32x128xf32, #tpu.memory_space<vmem>>) target_semaphore(%arg12 : memref<!tpu.dma_semaphore, #tpu.memory_space<semaphore_mem>>)
    %slice3A_232 = vector.extract_strided_slice %get3A_191 {offsets = [2], sizes = [1], strides = [1]} : vector<16xi32> to vector<1xi32>
    %squeeze3A_233 = vector.extract %slice3A_232[0] : i32 from vector<1xi32>
    %shift_right_arithmetic3A_234 = arith.constant 7 : i32
    %shift_right_arithmetic3A_235 = arith.shrsi %squeeze3A_233, %shift_right_arithmetic3A_234 : i32
    %mul3A_236 = arith.constant 128 : i32
    %mul3A_237 = arith.muli %shift_right_arithmetic3A_235, %mul3A_236 : i32
    %multiple_of3A_238 = tpu.assume_multiple %mul3A_237, 128 : i32
    %dma_start3A_239 = arith.constant 2 : i32
    %dma_start3A_240 = arith.constant 0 : i32
    %dma_start3A_241 = arith.constant 0 : i32
    %dma_start3A_242 = tpu.memref_slice %arg9[%dma_start3A_239, %dma_start3A_240, %dma_start3A_241] : memref<16x32x128xf32, #tpu.memory_space<vmem>> -> memref<1x32x128xf32, #tpu.memory_space<vmem>>
    %dma_start3A_243 = tpu.memref_squeeze %dma_start3A_242 : memref<1x32x128xf32, #tpu.memory_space<vmem>> -> memref<32x128xf32, #tpu.memory_space<vmem>>
    %dma_start3A_244 = arith.constant 0 : i32
    %dma_start3A_245 = tpu.memref_slice %arg3[%dma_start3A_244, %multiple_of3A_238] : memref<32x1000000xf32, #tpu.memory_space<hbm>> -> memref<32x128xf32, #tpu.memory_space<hbm>>
    %dma_start3A_246 = arith.constant 0 : i32
    %dma_start3A_247 = arith.constant 0 : i32
    %dma_start3A_248 = tpu.memref_slice %arg9[%dma_start3A_239, %dma_start3A_246, %dma_start3A_247] : memref<16x32x128xf32, #tpu.memory_space<vmem>> -> memref<1x32x128xf32, #tpu.memory_space<vmem>>
    %dma_start3A_249 = tpu.memref_squeeze %dma_start3A_248 : memref<1x32x128xf32, #tpu.memory_space<vmem>> -> memref<32x128xf32, #tpu.memory_space<vmem>>
    %dma_start3A_250 = arith.constant 0 : i32
    %dma_start3A_251 = tpu.memref_slice %arg3[%dma_start3A_250, %multiple_of3A_238] : memref<32x1000000xf32, #tpu.memory_space<hbm>> -> memref<32x128xf32, #tpu.memory_space<hbm>>
    tpu.enqueue_dma source(%dma_start3A_251 : memref<32x128xf32, #tpu.memory_space<hbm>>) target(%dma_start3A_249 : memref<32x128xf32, #tpu.memory_space<vmem>>) target_semaphore(%arg12 : memref<!tpu.dma_semaphore, #tpu.memory_space<semaphore_mem>>)
    %slice3A_252 = vector.extract_strided_slice %get3A_191 {offsets = [3], sizes = [1], strides = [1]} : vector<16xi32> to vector<1xi32>
    %squeeze3A_253 = vector.extract %slice3A_252[0] : i32 from vector<1xi32>
    %shift_right_arithmetic3A_254 = arith.constant 7 : i32
    %shift_right_arithmetic3A_255 = arith.shrsi %squeeze3A_253, %shift_right_arithmetic3A_254 : i32
    %mul3A_256 = arith.constant 128 : i32
    %mul3A_257 = arith.muli %shift_right_arithmetic3A_255, %mul3A_256 : i32
    %multiple_of3A_258 = tpu.assume_multiple %mul3A_257, 128 : i32
    %dma_start3A_259 = arith.constant 3 : i32
    %dma_start3A_260 = arith.constant 0 : i32
    %dma_start3A_261 = arith.constant 0 : i32
    %dma_start3A_262 = tpu.memref_slice %arg9[%dma_start3A_259, %dma_start3A_260, %dma_start3A_261] : memref<16x32x128xf32, #tpu.memory_space<vmem>> -> memref<1x32x128xf32, #tpu.memory_space<vmem>>
    %dma_start3A_263 = tpu.memref_squeeze %dma_start3A_262 : memref<1x32x128xf32, #tpu.memory_space<vmem>> -> memref<32x128xf32, #tpu.memory_space<vmem>>
    %dma_start3A_264 = arith.constant 0 : i32
    %dma_start3A_265 = tpu.memref_slice %arg3[%dma_start3A_264, %multiple_of3A_258] : memref<32x1000000xf32, #tpu.memory_space<hbm>> -> memref<32x128xf32, #tpu.memory_space<hbm>>
    %dma_start3A_266 = arith.constant 0 : i32
    %dma_start3A_267 = arith.constant 0 : i32
    %dma_start3A_268 = tpu.memref_slice %arg9[%dma_start3A_259, %dma_start3A_266, %dma_start3A_267] : memref<16x32x128xf32, #tpu.memory_space<vmem>> -> memref<1x32x128xf32, #tpu.memory_space<vmem>>
    %dma_start3A_269 = tpu.memref_squeeze %dma_start3A_268 : memref<1x32x128xf32, #tpu.memory_space<vmem>> -> memref<32x128xf32, #tpu.memory_space<vmem>>
    %dma_start3A_270 = arith.constant 0 : i32
    %dma_start3A_271 = tpu.memref_slice %arg3[%dma_start3A_270, %multiple_of3A_258] : memref<32x1000000xf32, #tpu.memory_space<hbm>> -> memref<32x128xf32, #tpu.memory_space<hbm>>
    tpu.enqueue_dma source(%dma_start3A_271 : memref<32x128xf32, #tpu.memory_space<hbm>>) target(%dma_start3A_269 : memref<32x128xf32, #tpu.memory_space<vmem>>) target_semaphore(%arg12 : memref<!tpu.dma_semaphore, #tpu.memory_space<semaphore_mem>>)
    %slice3A_272 = vector.extract_strided_slice %get3A_191 {offsets = [4], sizes = [1], strides = [1]} : vector<16xi32> to vector<1xi32>
    %squeeze3A_273 = vector.extract %slice3A_272[0] : i32 from vector<1xi32>
    %shift_right_arithmetic3A_274 = arith.constant 7 : i32
    %shift_right_arithmetic3A_275 = arith.shrsi %squeeze3A_273, %shift_right_arithmetic3A_274 : i32
    %mul3A_276 = arith.constant 128 : i32
    %mul3A_277 = arith.muli %shift_right_arithmetic3A_275, %mul3A_276 : i32
    %multiple_of3A_278 = tpu.assume_multiple %mul3A_277, 128 : i32
    %dma_start3A_279 = arith.constant 4 : i32
    %dma_start3A_280 = arith.constant 0 : i32
    %dma_start3A_281 = arith.constant 0 : i32
    %dma_start3A_282 = tpu.memref_slice %arg9[%dma_start3A_279, %dma_start3A_280, %dma_start3A_281] : memref<16x32x128xf32, #tpu.memory_space<vmem>> -> memref<1x32x128xf32, #tpu.memory_space<vmem>>
    %dma_start3A_283 = tpu.memref_squeeze %dma_start3A_282 : memref<1x32x128xf32, #tpu.memory_space<vmem>> -> memref<32x128xf32, #tpu.memory_space<vmem>>
    %dma_start3A_284 = arith.constant 0 : i32
    %dma_start3A_285 = tpu.memref_slice %arg3[%dma_start3A_284, %multiple_of3A_278] : memref<32x1000000xf32, #tpu.memory_space<hbm>> -> memref<32x128xf32, #tpu.memory_space<hbm>>
    %dma_start3A_286 = arith.constant 0 : i32
    %dma_start3A_287 = arith.constant 0 : i32
    %dma_start3A_288 = tpu.memref_slice %arg9[%dma_start3A_279, %dma_start3A_286, %dma_start3A_287] : memref<16x32x128xf32, #tpu.memory_space<vmem>> -> memref<1x32x128xf32, #tpu.memory_space<vmem>>
    %dma_start3A_289 = tpu.memref_squeeze %dma_start3A_288 : memref<1x32x128xf32, #tpu.memory_space<vmem>> -> memref<32x128xf32, #tpu.memory_space<vmem>>
    %dma_start3A_290 = arith.constant 0 : i32
    %dma_start3A_291 = tpu.memref_slice %arg3[%dma_start3A_290, %multiple_of3A_278] : memref<32x1000000xf32, #tpu.memory_space<hbm>> -> memref<32x128xf32, #tpu.memory_space<hbm>>
    tpu.enqueue_dma source(%dma_start3A_291 : memref<32x128xf32, #tpu.memory_space<hbm>>) target(%dma_start3A_289 : memref<32x128xf32, #tpu.memory_space<vmem>>) target_semaphore(%arg12 : memref<!tpu.dma_semaphore, #tpu.memory_space<semaphore_mem>>)
    %slice3A_292 = vector.extract_strided_slice %get3A_191 {offsets = [5], sizes = [1], strides = [1]} : vector<16xi32> to vector<1xi32>
    %squeeze3A_293 = vector.extract %slice3A_292[0] : i32 from vector<1xi32>
    %shift_right_arithmetic3A_294 = arith.constant 7 : i32
    %shift_right_arithmetic3A_295 = arith.shrsi %squeeze3A_293, %shift_right_arithmetic3A_294 : i32
    %mul3A_296 = arith.constant 128 : i32
    %mul3A_297 = arith.muli %shift_right_arithmetic3A_295, %mul3A_296 : i32
    %multiple_of3A_298 = tpu.assume_multiple %mul3A_297, 128 : i32
    %dma_start3A_299 = arith.constant 5 : i32
    %dma_start3A_300 = arith.constant 0 : i32
    %dma_start3A_301 = arith.constant 0 : i32
    %dma_start3A_302 = tpu.memref_slice %arg9[%dma_start3A_299, %dma_start3A_300, %dma_start3A_301] : memref<16x32x128xf32, #tpu.memory_space<vmem>> -> memref<1x32x128xf32, #tpu.memory_space<vmem>>
    %dma_start3A_303 = tpu.memref_squeeze %dma_start3A_302 : memref<1x32x128xf32, #tpu.memory_space<vmem>> -> memref<32x128xf32, #tpu.memory_space<vmem>>
    %dma_start3A_304 = arith.constant 0 : i32
    %dma_start3A_305 = tpu.memref_slice %arg3[%dma_start3A_304, %multiple_of3A_298] : memref<32x1000000xf32, #tpu.memory_space<hbm>> -> memref<32x128xf32, #tpu.memory_space<hbm>>
    %dma_start3A_306 = arith.constant 0 : i32
    %dma_start3A_307 = arith.constant 0 : i32
    %dma_start3A_308 = tpu.memref_slice %arg9[%dma_start3A_299, %dma_start3A_306, %dma_start3A_307] : memref<16x32x128xf32, #tpu.memory_space<vmem>> -> memref<1x32x128xf32, #tpu.memory_space<vmem>>
    %dma_start3A_309 = tpu.memref_squeeze %dma_start3A_308 : memref<1x32x128xf32, #tpu.memory_space<vmem>> -> memref<32x128xf32, #tpu.memory_space<vmem>>
    %dma_start3A_310 = arith.constant 0 : i32
    %dma_start3A_311 = tpu.memref_slice %arg3[%dma_start3A_310, %multiple_of3A_298] : memref<32x1000000xf32, #tpu.memory_space<hbm>> -> memref<32x128xf32, #tpu.memory_space<hbm>>
    tpu.enqueue_dma source(%dma_start3A_311 : memref<32x128xf32, #tpu.memory_space<hbm>>) target(%dma_start3A_309 : memref<32x128xf32, #tpu.memory_space<vmem>>) target_semaphore(%arg12 : memref<!tpu.dma_semaphore, #tpu.memory_space<semaphore_mem>>)
    %slice3A_312 = vector.extract_strided_slice %get3A_191 {offsets = [6], sizes = [1], strides = [1]} : vector<16xi32> to vector<1xi32>
    %squeeze3A_313 = vector.extract %slice3A_312[0] : i32 from vector<1xi32>
    %shift_right_arithmetic3A_314 = arith.constant 7 : i32
    %shift_right_arithmetic3A_315 = arith.shrsi %squeeze3A_313, %shift_right_arithmetic3A_314 : i32
    %mul3A_316 = arith.constant 128 : i32
    %mul3A_317 = arith.muli %shift_right_arithmetic3A_315, %mul3A_316 : i32
    %multiple_of3A_318 = tpu.assume_multiple %mul3A_317, 128 : i32
    %dma_start3A_319 = arith.constant 6 : i32
    %dma_start3A_320 = arith.constant 0 : i32
    %dma_start3A_321 = arith.constant 0 : i32
    %dma_start3A_322 = tpu.memref_slice %arg9[%dma_start3A_319, %dma_start3A_320, %dma_start3A_321] : memref<16x32x128xf32, #tpu.memory_space<vmem>> -> memref<1x32x128xf32, #tpu.memory_space<vmem>>
    %dma_start3A_323 = tpu.memref_squeeze %dma_start3A_322 : memref<1x32x128xf32, #tpu.memory_space<vmem>> -> memref<32x128xf32, #tpu.memory_space<vmem>>
    %dma_start3A_324 = arith.constant 0 : i32
    %dma_start3A_325 = tpu.memref_slice %arg3[%dma_start3A_324, %multiple_of3A_318] : memref<32x1000000xf32, #tpu.memory_space<hbm>> -> memref<32x128xf32, #tpu.memory_space<hbm>>
    %dma_start3A_326 = arith.constant 0 : i32
    %dma_start3A_327 = arith.constant 0 : i32
    %dma_start3A_328 = tpu.memref_slice %arg9[%dma_start3A_319, %dma_start3A_326, %dma_start3A_327] : memref<16x32x128xf32, #tpu.memory_space<vmem>> -> memref<1x32x128xf32, #tpu.memory_space<vmem>>
    %dma_start3A_329 = tpu.memref_squeeze %dma_start3A_328 : memref<1x32x128xf32, #tpu.memory_space<vmem>> -> memref<32x128xf32, #tpu.memory_space<vmem>>
    %dma_start3A_330 = arith.constant 0 : i32
    %dma_start3A_331 = tpu.memref_slice %arg3[%dma_start3A_330, %multiple_of3A_318] : memref<32x1000000xf32, #tpu.memory_space<hbm>> -> memref<32x128xf32, #tpu.memory_space<hbm>>
    tpu.enqueue_dma source(%dma_start3A_331 : memref<32x128xf32, #tpu.memory_space<hbm>>) target(%dma_start3A_329 : memref<32x128xf32, #tpu.memory_space<vmem>>) target_semaphore(%arg12 : memref<!tpu.dma_semaphore, #tpu.memory_space<semaphore_mem>>)
    %slice3A_332 = vector.extract_strided_slice %get3A_191 {offsets = [7], sizes = [1], strides = [1]} : vector<16xi32> to vector<1xi32>
    %squeeze3A_333 = vector.extract %slice3A_332[0] : i32 from vector<1xi32>
    %shift_right_arithmetic3A_334 = arith.constant 7 : i32
    %shift_right_arithmetic3A_335 = arith.shrsi %squeeze3A_333, %shift_right_arithmetic3A_334 : i32
    %mul3A_336 = arith.constant 128 : i32
    %mul3A_337 = arith.muli %shift_right_arithmetic3A_335, %mul3A_336 : i32
    %multiple_of3A_338 = tpu.assume_multiple %mul3A_337, 128 : i32
    %dma_start3A_339 = arith.constant 7 : i32
    %dma_start3A_340 = arith.constant 0 : i32
    %dma_start3A_341 = arith.constant 0 : i32
    %dma_start3A_342 = tpu.memref_slice %arg9[%dma_start3A_339, %dma_start3A_340, %dma_start3A_341] : memref<16x32x128xf32, #tpu.memory_space<vmem>> -> memref<1x32x128xf32, #tpu.memory_space<vmem>>
    %dma_start3A_343 = tpu.memref_squeeze %dma_start3A_342 : memref<1x32x128xf32, #tpu.memory_space<vmem>> -> memref<32x128xf32, #tpu.memory_space<vmem>>
    %dma_start3A_344 = arith.constant 0 : i32
    %dma_start3A_345 = tpu.memref_slice %arg3[%dma_start3A_344, %multiple_of3A_338] : memref<32x1000000xf32, #tpu.memory_space<hbm>> -> memref<32x128xf32, #tpu.memory_space<hbm>>
    %dma_start3A_346 = arith.constant 0 : i32
    %dma_start3A_347 = arith.constant 0 : i32
    %dma_start3A_348 = tpu.memref_slice %arg9[%dma_start3A_339, %dma_start3A_346, %dma_start3A_347] : memref<16x32x128xf32, #tpu.memory_space<vmem>> -> memref<1x32x128xf32, #tpu.memory_space<vmem>>
    %dma_start3A_349 = tpu.memref_squeeze %dma_start3A_348 : memref<1x32x128xf32, #tpu.memory_space<vmem>> -> memref<32x128xf32, #tpu.memory_space<vmem>>
    %dma_start3A_350 = arith.constant 0 : i32
    %dma_start3A_351 = tpu.memref_slice %arg3[%dma_start3A_350, %multiple_of3A_338] : memref<32x1000000xf32, #tpu.memory_space<hbm>> -> memref<32x128xf32, #tpu.memory_space<hbm>>
    tpu.enqueue_dma source(%dma_start3A_351 : memref<32x128xf32, #tpu.memory_space<hbm>>) target(%dma_start3A_349 : memref<32x128xf32, #tpu.memory_space<vmem>>) target_semaphore(%arg12 : memref<!tpu.dma_semaphore, #tpu.memory_space<semaphore_mem>>)
    %scan3A_352 = arith.constant 0 : i32
    %scan3A_353 = arith.constant 0 : i32
    %scan3A_354 = arith.constant 32 : i32
    %scan3A_355 = arith.addi %scan3A_353, %scan3A_354 : i32
    %scan3A_356 = arith.constant 1 : i32
    scf.for %scan3A_358 = %scan3A_353 to %scan3A_355 step %scan3A_356  : i32 {
      %mul3A_359 = arith.constant 2 : i32
      %mul3A_360 = arith.muli %mul3A_359, %scan3A_358 : i32
      %add3A_361 = arith.constant 1 : i32
      %add3A_362 = arith.addi %mul3A_360, %add3A_361 : i32
      %mul3A_363 = arith.constant 8 : i32
      %mul3A_364 = arith.muli %add3A_362, %mul3A_363 : i32
      %get3A_365 = arith.index_cast %mul3A_364 : i32 to index
      %get3A_366 = tpu.vector_load %arg8[%get3A_365] {strides = array<i32>} : memref<528xi32, #tpu.memory_space<vmem>>, vector<16xi32>,
      %slice3A_367 = vector.extract_strided_slice %get3A_366 {offsets = [0], sizes = [1], strides = [1]} : vector<16xi32> to vector<1xi32>
      %squeeze3A_368 = vector.extract %slice3A_367[0] : i32 from vector<1xi32>
      %shift_right_arithmetic3A_369 = arith.constant 7 : i32
      %shift_right_arithmetic3A_370 = arith.shrsi %squeeze3A_368, %shift_right_arithmetic3A_369 : i32
      %mul3A_371 = arith.constant 128 : i32
      %mul3A_372 = arith.muli %shift_right_arithmetic3A_370, %mul3A_371 : i32
      %multiple_of3A_373 = tpu.assume_multiple %mul3A_372, 128 : i32
      %dma_start3A_374 = arith.constant 8 : i32
      %dma_start3A_375 = arith.constant 0 : i32
      %dma_start3A_376 = arith.constant 0 : i32
      %dma_start3A_377 = tpu.memref_slice %arg9[%dma_start3A_374, %dma_start3A_375, %dma_start3A_376] : memref<16x32x128xf32, #tpu.memory_space<vmem>> -> memref<1x32x128xf32, #tpu.memory_space<vmem>>
      %dma_start3A_378 = tpu.memref_squeeze %dma_start3A_377 : memref<1x32x128xf32, #tpu.memory_space<vmem>> -> memref<32x128xf32, #tpu.memory_space<vmem>>
      %dma_start3A_379 = arith.constant 0 : i32
      %dma_start3A_380 = tpu.memref_slice %arg3[%dma_start3A_379, %multiple_of3A_373] : memref<32x1000000xf32, #tpu.memory_space<hbm>> -> memref<32x128xf32, #tpu.memory_space<hbm>>
      %dma_start3A_381 = arith.constant 0 : i32
      %dma_start3A_382 = arith.constant 0 : i32
      %dma_start3A_383 = tpu.memref_slice %arg9[%dma_start3A_374, %dma_start3A_381, %dma_start3A_382] : memref<16x32x128xf32, #tpu.memory_space<vmem>> -> memref<1x32x128xf32, #tpu.memory_space<vmem>>
      %dma_start3A_384 = tpu.memref_squeeze %dma_start3A_383 : memref<1x32x128xf32, #tpu.memory_space<vmem>> -> memref<32x128xf32, #tpu.memory_space<vmem>>
      %dma_start3A_385 = arith.constant 0 : i32
      %dma_start3A_386 = tpu.memref_slice %arg3[%dma_start3A_385, %multiple_of3A_373] : memref<32x1000000xf32, #tpu.memory_space<hbm>> -> memref<32x128xf32, #tpu.memory_space<hbm>>
      tpu.enqueue_dma source(%dma_start3A_386 : memref<32x128xf32, #tpu.memory_space<hbm>>) target(%dma_start3A_384 : memref<32x128xf32, #tpu.memory_space<vmem>>) target_semaphore(%arg12 : memref<!tpu.dma_semaphore, #tpu.memory_space<semaphore_mem>>)
      %slice3A_387 = vector.extract_strided_slice %get3A_366 {offsets = [1], sizes = [1], strides = [1]} : vector<16xi32> to vector<1xi32>
      %squeeze3A_388 = vector.extract %slice3A_387[0] : i32 from vector<1xi32>
      %shift_right_arithmetic3A_389 = arith.constant 7 : i32
      %shift_right_arithmetic3A_390 = arith.shrsi %squeeze3A_388, %shift_right_arithmetic3A_389 : i32
      %mul3A_391 = arith.constant 128 : i32
      %mul3A_392 = arith.muli %shift_right_arithmetic3A_390, %mul3A_391 : i32
      %multiple_of3A_393 = tpu.assume_multiple %mul3A_392, 128 : i32
      %dma_start3A_394 = arith.constant 9 : i32
      %dma_start3A_395 = arith.constant 0 : i32
      %dma_start3A_396 = arith.constant 0 : i32
      %dma_start3A_397 = tpu.memref_slice %arg9[%dma_start3A_394, %dma_start3A_395, %dma_start3A_396] : memref<16x32x128xf32, #tpu.memory_space<vmem>> -> memref<1x32x128xf32, #tpu.memory_space<vmem>>
      %dma_start3A_398 = tpu.memref_squeeze %dma_start3A_397 : memref<1x32x128xf32, #tpu.memory_space<vmem>> -> memref<32x128xf32, #tpu.memory_space<vmem>>
      %dma_start3A_399 = arith.constant 0 : i32
      %dma_start3A_400 = tpu.memref_slice %arg3[%dma_start3A_399, %multiple_of3A_393] : memref<32x1000000xf32, #tpu.memory_space<hbm>> -> memref<32x128xf32, #tpu.memory_space<hbm>>
      %dma_start3A_401 = arith.constant 0 : i32
      %dma_start3A_402 = arith.constant 0 : i32
      %dma_start3A_403 = tpu.memref_slice %arg9[%dma_start3A_394, %dma_start3A_401, %dma_start3A_402] : memref<16x32x128xf32, #tpu.memory_space<vmem>> -> memref<1x32x128xf32, #tpu.memory_space<vmem>>
      %dma_start3A_404 = tpu.memref_squeeze %dma_start3A_403 : memref<1x32x128xf32, #tpu.memory_space<vmem>> -> memref<32x128xf32, #tpu.memory_space<vmem>>
      %dma_start3A_405 = arith.constant 0 : i32
      %dma_start3A_406 = tpu.memref_slice %arg3[%dma_start3A_405, %multiple_of3A_393] : memref<32x1000000xf32, #tpu.memory_space<hbm>> -> memref<32x128xf32, #tpu.memory_space<hbm>>
      tpu.enqueue_dma source(%dma_start3A_406 : memref<32x128xf32, #tpu.memory_space<hbm>>) target(%dma_start3A_404 : memref<32x128xf32, #tpu.memory_space<vmem>>) target_semaphore(%arg12 : memref<!tpu.dma_semaphore, #tpu.memory_space<semaphore_mem>>)
      %slice3A_407 = vector.extract_strided_slice %get3A_366 {offsets = [2], sizes = [1], strides = [1]} : vector<16xi32> to vector<1xi32>
      %squeeze3A_408 = vector.extract %slice3A_407[0] : i32 from vector<1xi32>
      %shift_right_arithmetic3A_409 = arith.constant 7 : i32
      %shift_right_arithmetic3A_410 = arith.shrsi %squeeze3A_408, %shift_right_arithmetic3A_409 : i32
      %mul3A_411 = arith.constant 128 : i32
      %mul3A_412 = arith.muli %shift_right_arithmetic3A_410, %mul3A_411 : i32
      %multiple_of3A_413 = tpu.assume_multiple %mul3A_412, 128 : i32
      %dma_start3A_414 = arith.constant 10 : i32
      %dma_start3A_415 = arith.constant 0 : i32
      %dma_start3A_416 = arith.constant 0 : i32
      %dma_start3A_417 = tpu.memref_slice %arg9[%dma_start3A_414, %dma_start3A_415, %dma_start3A_416] : memref<16x32x128xf32, #tpu.memory_space<vmem>> -> memref<1x32x128xf32, #tpu.memory_space<vmem>>
      %dma_start3A_418 = tpu.memref_squeeze %dma_start3A_417 : memref<1x32x128xf32, #tpu.memory_space<vmem>> -> memref<32x128xf32, #tpu.memory_space<vmem>>
      %dma_start3A_419 = arith.constant 0 : i32
      %dma_start3A_420 = tpu.memref_slice %arg3[%dma_start3A_419, %multiple_of3A_413] : memref<32x1000000xf32, #tpu.memory_space<hbm>> -> memref<32x128xf32, #tpu.memory_space<hbm>>
      %dma_start3A_421 = arith.constant 0 : i32
      %dma_start3A_422 = arith.constant 0 : i32
      %dma_start3A_423 = tpu.memref_slice %arg9[%dma_start3A_414, %dma_start3A_421, %dma_start3A_422] : memref<16x32x128xf32, #tpu.memory_space<vmem>> -> memref<1x32x128xf32, #tpu.memory_space<vmem>>
      %dma_start3A_424 = tpu.memref_squeeze %dma_start3A_423 : memref<1x32x128xf32, #tpu.memory_space<vmem>> -> memref<32x128xf32, #tpu.memory_space<vmem>>
      %dma_start3A_425 = arith.constant 0 : i32
      %dma_start3A_426 = tpu.memref_slice %arg3[%dma_start3A_425, %multiple_of3A_413] : memref<32x1000000xf32, #tpu.memory_space<hbm>> -> memref<32x128xf32, #tpu.memory_space<hbm>>
      tpu.enqueue_dma source(%dma_start3A_426 : memref<32x128xf32, #tpu.memory_space<hbm>>) target(%dma_start3A_424 : memref<32x128xf32, #tpu.memory_space<vmem>>) target_semaphore(%arg12 : memref<!tpu.dma_semaphore, #tpu.memory_space<semaphore_mem>>)
      %slice3A_427 = vector.extract_strided_slice %get3A_366 {offsets = [3], sizes = [1], strides = [1]} : vector<16xi32> to vector<1xi32>
      %squeeze3A_428 = vector.extract %slice3A_427[0] : i32 from vector<1xi32>
      %shift_right_arithmetic3A_429 = arith.constant 7 : i32
      %shift_right_arithmetic3A_430 = arith.shrsi %squeeze3A_428, %shift_right_arithmetic3A_429 : i32
      %mul3A_431 = arith.constant 128 : i32
      %mul3A_432 = arith.muli %shift_right_arithmetic3A_430, %mul3A_431 : i32
      %multiple_of3A_433 = tpu.assume_multiple %mul3A_432, 128 : i32
      %dma_start3A_434 = arith.constant 11 : i32
      %dma_start3A_435 = arith.constant 0 : i32
      %dma_start3A_436 = arith.constant 0 : i32
      %dma_start3A_437 = tpu.memref_slice %arg9[%dma_start3A_434, %dma_start3A_435, %dma_start3A_436] : memref<16x32x128xf32, #tpu.memory_space<vmem>> -> memref<1x32x128xf32, #tpu.memory_space<vmem>>
      %dma_start3A_438 = tpu.memref_squeeze %dma_start3A_437 : memref<1x32x128xf32, #tpu.memory_space<vmem>> -> memref<32x128xf32, #tpu.memory_space<vmem>>
      %dma_start3A_439 = arith.constant 0 : i32
      %dma_start3A_440 = tpu.memref_slice %arg3[%dma_start3A_439, %multiple_of3A_433] : memref<32x1000000xf32, #tpu.memory_space<hbm>> -> memref<32x128xf32, #tpu.memory_space<hbm>>
      %dma_start3A_441 = arith.constant 0 : i32
      %dma_start3A_442 = arith.constant 0 : i32
      %dma_start3A_443 = tpu.memref_slice %arg9[%dma_start3A_434, %dma_start3A_441, %dma_start3A_442] : memref<16x32x128xf32, #tpu.memory_space<vmem>> -> memref<1x32x128xf32, #tpu.memory_space<vmem>>
      %dma_start3A_444 = tpu.memref_squeeze %dma_start3A_443 : memref<1x32x128xf32, #tpu.memory_space<vmem>> -> memref<32x128xf32, #tpu.memory_space<vmem>>
      %dma_start3A_445 = arith.constant 0 : i32
      %dma_start3A_446 = tpu.memref_slice %arg3[%dma_start3A_445, %multiple_of3A_433] : memref<32x1000000xf32, #tpu.memory_space<hbm>> -> memref<32x128xf32, #tpu.memory_space<hbm>>
      tpu.enqueue_dma source(%dma_start3A_446 : memref<32x128xf32, #tpu.memory_space<hbm>>) target(%dma_start3A_444 : memref<32x128xf32, #tpu.memory_space<vmem>>) target_semaphore(%arg12 : memref<!tpu.dma_semaphore, #tpu.memory_space<semaphore_mem>>)
      %slice3A_447 = vector.extract_strided_slice %get3A_366 {offsets = [4], sizes = [1], strides = [1]} : vector<16xi32> to vector<1xi32>
      %squeeze3A_448 = vector.extract %slice3A_447[0] : i32 from vector<1xi32>
      %shift_right_arithmetic3A_449 = arith.constant 7 : i32
      %shift_right_arithmetic3A_450 = arith.shrsi %squeeze3A_448, %shift_right_arithmetic3A_449 : i32
      %mul3A_451 = arith.constant 128 : i32
      %mul3A_452 = arith.muli %shift_right_arithmetic3A_450, %mul3A_451 : i32
      %multiple_of3A_453 = tpu.assume_multiple %mul3A_452, 128 : i32
      %dma_start3A_454 = arith.constant 12 : i32
      %dma_start3A_455 = arith.constant 0 : i32
      %dma_start3A_456 = arith.constant 0 : i32
      %dma_start3A_457 = tpu.memref_slice %arg9[%dma_start3A_454, %dma_start3A_455, %dma_start3A_456] : memref<16x32x128xf32, #tpu.memory_space<vmem>> -> memref<1x32x128xf32, #tpu.memory_space<vmem>>
      %dma_start3A_458 = tpu.memref_squeeze %dma_start3A_457 : memref<1x32x128xf32, #tpu.memory_space<vmem>> -> memref<32x128xf32, #tpu.memory_space<vmem>>
      %dma_start3A_459 = arith.constant 0 : i32
      %dma_start3A_460 = tpu.memref_slice %arg3[%dma_start3A_459, %multiple_of3A_453] : memref<32x1000000xf32, #tpu.memory_space<hbm>> -> memref<32x128xf32, #tpu.memory_space<hbm>>
      %dma_start3A_461 = arith.constant 0 : i32
      %dma_start3A_462 = arith.constant 0 : i32
      %dma_start3A_463 = tpu.memref_slice %arg9[%dma_start3A_454, %dma_start3A_461, %dma_start3A_462] : memref<16x32x128xf32, #tpu.memory_space<vmem>> -> memref<1x32x128xf32, #tpu.memory_space<vmem>>
      %dma_start3A_464 = tpu.memref_squeeze %dma_start3A_463 : memref<1x32x128xf32, #tpu.memory_space<vmem>> -> memref<32x128xf32, #tpu.memory_space<vmem>>
      %dma_start3A_465 = arith.constant 0 : i32
      %dma_start3A_466 = tpu.memref_slice %arg3[%dma_start3A_465, %multiple_of3A_453] : memref<32x1000000xf32, #tpu.memory_space<hbm>> -> memref<32x128xf32, #tpu.memory_space<hbm>>
      tpu.enqueue_dma source(%dma_start3A_466 : memref<32x128xf32, #tpu.memory_space<hbm>>) target(%dma_start3A_464 : memref<32x128xf32, #tpu.memory_space<vmem>>) target_semaphore(%arg12 : memref<!tpu.dma_semaphore, #tpu.memory_space<semaphore_mem>>)
      %slice3A_467 = vector.extract_strided_slice %get3A_366 {offsets = [5], sizes = [1], strides = [1]} : vector<16xi32> to vector<1xi32>
      %squeeze3A_468 = vector.extract %slice3A_467[0] : i32 from vector<1xi32>
      %shift_right_arithmetic3A_469 = arith.constant 7 : i32
      %shift_right_arithmetic3A_470 = arith.shrsi %squeeze3A_468, %shift_right_arithmetic3A_469 : i32
      %mul3A_471 = arith.constant 128 : i32
      %mul3A_472 = arith.muli %shift_right_arithmetic3A_470, %mul3A_471 : i32
      %multiple_of3A_473 = tpu.assume_multiple %mul3A_472, 128 : i32
      %dma_start3A_474 = arith.constant 13 : i32
      %dma_start3A_475 = arith.constant 0 : i32
      %dma_start3A_476 = arith.constant 0 : i32
      %dma_start3A_477 = tpu.memref_slice %arg9[%dma_start3A_474, %dma_start3A_475, %dma_start3A_476] : memref<16x32x128xf32, #tpu.memory_space<vmem>> -> memref<1x32x128xf32, #tpu.memory_space<vmem>>
      %dma_start3A_478 = tpu.memref_squeeze %dma_start3A_477 : memref<1x32x128xf32, #tpu.memory_space<vmem>> -> memref<32x128xf32, #tpu.memory_space<vmem>>
      %dma_start3A_479 = arith.constant 0 : i32
      %dma_start3A_480 = tpu.memref_slice %arg3[%dma_start3A_479, %multiple_of3A_473] : memref<32x1000000xf32, #tpu.memory_space<hbm>> -> memref<32x128xf32, #tpu.memory_space<hbm>>
      %dma_start3A_481 = arith.constant 0 : i32
      %dma_start3A_482 = arith.constant 0 : i32
      %dma_start3A_483 = tpu.memref_slice %arg9[%dma_start3A_474, %dma_start3A_481, %dma_start3A_482] : memref<16x32x128xf32, #tpu.memory_space<vmem>> -> memref<1x32x128xf32, #tpu.memory_space<vmem>>
      %dma_start3A_484 = tpu.memref_squeeze %dma_start3A_483 : memref<1x32x128xf32, #tpu.memory_space<vmem>> -> memref<32x128xf32, #tpu.memory_space<vmem>>
      %dma_start3A_485 = arith.constant 0 : i32
      %dma_start3A_486 = tpu.memref_slice %arg3[%dma_start3A_485, %multiple_of3A_473] : memref<32x1000000xf32, #tpu.memory_space<hbm>> -> memref<32x128xf32, #tpu.memory_space<hbm>>
      tpu.enqueue_dma source(%dma_start3A_486 : memref<32x128xf32, #tpu.memory_space<hbm>>) target(%dma_start3A_484 : memref<32x128xf32, #tpu.memory_space<vmem>>) target_semaphore(%arg12 : memref<!tpu.dma_semaphore, #tpu.memory_space<semaphore_mem>>)
      %slice3A_487 = vector.extract_strided_slice %get3A_366 {offsets = [6], sizes = [1], strides = [1]} : vector<16xi32> to vector<1xi32>
      %squeeze3A_488 = vector.extract %slice3A_487[0] : i32 from vector<1xi32>
      %shift_right_arithmetic3A_489 = arith.constant 7 : i32
      %shift_right_arithmetic3A_490 = arith.shrsi %squeeze3A_488, %shift_right_arithmetic3A_489 : i32
      %mul3A_491 = arith.constant 128 : i32
      %mul3A_492 = arith.muli %shift_right_arithmetic3A_490, %mul3A_491 : i32
      %multiple_of3A_493 = tpu.assume_multiple %mul3A_492, 128 : i32
      %dma_start3A_494 = arith.constant 14 : i32
      %dma_start3A_495 = arith.constant 0 : i32
      %dma_start3A_496 = arith.constant 0 : i32
      %dma_start3A_497 = tpu.memref_slice %arg9[%dma_start3A_494, %dma_start3A_495, %dma_start3A_496] : memref<16x32x128xf32, #tpu.memory_space<vmem>> -> memref<1x32x128xf32, #tpu.memory_space<vmem>>
      %dma_start3A_498 = tpu.memref_squeeze %dma_start3A_497 : memref<1x32x128xf32, #tpu.memory_space<vmem>> -> memref<32x128xf32, #tpu.memory_space<vmem>>
      %dma_start3A_499 = arith.constant 0 : i32
      %dma_start3A_500 = tpu.memref_slice %arg3[%dma_start3A_499, %multiple_of3A_493] : memref<32x1000000xf32, #tpu.memory_space<hbm>> -> memref<32x128xf32, #tpu.memory_space<hbm>>
      %dma_start3A_501 = arith.constant 0 : i32
      %dma_start3A_502 = arith.constant 0 : i32
      %dma_start3A_503 = tpu.memref_slice %arg9[%dma_start3A_494, %dma_start3A_501, %dma_start3A_502] : memref<16x32x128xf32, #tpu.memory_space<vmem>> -> memref<1x32x128xf32, #tpu.memory_space<vmem>>
      %dma_start3A_504 = tpu.memref_squeeze %dma_start3A_503 : memref<1x32x128xf32, #tpu.memory_space<vmem>> -> memref<32x128xf32, #tpu.memory_space<vmem>>
      %dma_start3A_505 = arith.constant 0 : i32
      %dma_start3A_506 = tpu.memref_slice %arg3[%dma_start3A_505, %multiple_of3A_493] : memref<32x1000000xf32, #tpu.memory_space<hbm>> -> memref<32x128xf32, #tpu.memory_space<hbm>>
      tpu.enqueue_dma source(%dma_start3A_506 : memref<32x128xf32, #tpu.memory_space<hbm>>) target(%dma_start3A_504 : memref<32x128xf32, #tpu.memory_space<vmem>>) target_semaphore(%arg12 : memref<!tpu.dma_semaphore, #tpu.memory_space<semaphore_mem>>)
      %slice3A_507 = vector.extract_strided_slice %get3A_366 {offsets = [7], sizes = [1], strides = [1]} : vector<16xi32> to vector<1xi32>
      %squeeze3A_508 = vector.extract %slice3A_507[0] : i32 from vector<1xi32>
      %shift_right_arithmetic3A_509 = arith.constant 7 : i32
      %shift_right_arithmetic3A_510 = arith.shrsi %squeeze3A_508, %shift_right_arithmetic3A_509 : i32
      %mul3A_511 = arith.constant 128 : i32
      %mul3A_512 = arith.muli %shift_right_arithmetic3A_510, %mul3A_511 : i32
      %multiple_of3A_513 = tpu.assume_multiple %mul3A_512, 128 : i32
      %dma_start3A_514 = arith.constant 15 : i32
      %dma_start3A_515 = arith.constant 0 : i32
      %dma_start3A_516 = arith.constant 0 : i32
      %dma_start3A_517 = tpu.memref_slice %arg9[%dma_start3A_514, %dma_start3A_515, %dma_start3A_516] : memref<16x32x128xf32, #tpu.memory_space<vmem>> -> memref<1x32x128xf32, #tpu.memory_space<vmem>>
      %dma_start3A_518 = tpu.memref_squeeze %dma_start3A_517 : memref<1x32x128xf32, #tpu.memory_space<vmem>> -> memref<32x128xf32, #tpu.memory_space<vmem>>
      %dma_start3A_519 = arith.constant 0 : i32
      %dma_start3A_520 = tpu.memref_slice %arg3[%dma_start3A_519, %multiple_of3A_513] : memref<32x1000000xf32, #tpu.memory_space<hbm>> -> memref<32x128xf32, #tpu.memory_space<hbm>>
      %dma_start3A_521 = arith.constant 0 : i32
      %dma_start3A_522 = arith.constant 0 : i32
      %dma_start3A_523 = tpu.memref_slice %arg9[%dma_start3A_514, %dma_start3A_521, %dma_start3A_522] : memref<16x32x128xf32, #tpu.memory_space<vmem>> -> memref<1x32x128xf32, #tpu.memory_space<vmem>>
      %dma_start3A_524 = tpu.memref_squeeze %dma_start3A_523 : memref<1x32x128xf32, #tpu.memory_space<vmem>> -> memref<32x128xf32, #tpu.memory_space<vmem>>
      %dma_start3A_525 = arith.constant 0 : i32
      %dma_start3A_526 = tpu.memref_slice %arg3[%dma_start3A_525, %multiple_of3A_513] : memref<32x1000000xf32, #tpu.memory_space<hbm>> -> memref<32x128xf32, #tpu.memory_space<hbm>>
      tpu.enqueue_dma source(%dma_start3A_526 : memref<32x128xf32, #tpu.memory_space<hbm>>) target(%dma_start3A_524 : memref<32x128xf32, #tpu.memory_space<vmem>>) target_semaphore(%arg12 : memref<!tpu.dma_semaphore, #tpu.memory_space<semaphore_mem>>)
      %mul3A_527 = arith.constant 8 : i32
      %mul3A_528 = arith.muli %mul3A_360, %mul3A_527 : i32
      %get3A_529 = arith.index_cast %mul3A_528 : i32 to index
      %get3A_530 = tpu.vector_load %arg8[%get3A_529] {strides = array<i32>} : memref<528xi32, #tpu.memory_space<vmem>>, vector<16xi32>,
      %slice3A_531 = vector.extract_strided_slice %get3A_530 {offsets = [0], sizes = [1], strides = [1]} : vector<16xi32> to vector<1xi32>
      %squeeze3A_532 = vector.extract %slice3A_531[0] : i32 from vector<1xi32>
      %mul3A_533 = arith.constant 8 : i32
      %mul3A_534 = arith.muli %mul3A_360, %mul3A_533 : i32
      %add3A_535 = arith.constant 0 : i32
      %add3A_536 = arith.addi %mul3A_534, %add3A_535 : i32
      %dma_wait3A_537 = arith.constant 0 : i32
      %dma_wait3A_538 = arith.constant 0 : i32
      %dma_wait3A_539 = arith.constant 0 : i32
      %dma_wait3A_540 = tpu.memref_slice %arg9[%dma_wait3A_537, %dma_wait3A_538, %dma_wait3A_539] : memref<16x32x128xf32, #tpu.memory_space<vmem>> -> memref<1x32x128xf32, #tpu.memory_space<vmem>>
      %dma_wait3A_541 = tpu.memref_squeeze %dma_wait3A_540 : memref<1x32x128xf32, #tpu.memory_space<vmem>> -> memref<32x128xf32, #tpu.memory_space<vmem>>
      %dma_wait3A_542 = arith.constant 0 : i32
      %dma_wait3A_543 = arith.constant 0 : i32
      %dma_wait3A_544 = tpu.memref_slice %arg3[%dma_wait3A_542, %dma_wait3A_543] : memref<32x1000000xf32, #tpu.memory_space<hbm>> -> memref<32x128xf32, #tpu.memory_space<hbm>>
      %dma_wait3A_545 = arith.constant 0 : i32
      %dma_wait3A_546 = arith.constant 0 : i32
      %dma_wait3A_547 = tpu.memref_slice %arg9[%dma_wait3A_537, %dma_wait3A_545, %dma_wait3A_546] : memref<16x32x128xf32, #tpu.memory_space<vmem>> -> memref<1x32x128xf32, #tpu.memory_space<vmem>>
      %dma_wait3A_548 = tpu.memref_squeeze %dma_wait3A_547 : memref<1x32x128xf32, #tpu.memory_space<vmem>> -> memref<32x128xf32, #tpu.memory_space<vmem>>
      %dma_wait3A_549 = arith.constant 0 : i32
      %dma_wait3A_550 = arith.constant 0 : i32
      %dma_wait3A_551 = tpu.memref_slice %arg3[%dma_wait3A_549, %dma_wait3A_550] : memref<32x1000000xf32, #tpu.memory_space<hbm>> -> memref<32x128xf32, #tpu.memory_space<hbm>>
      tpu.wait_dma2 semaphore(%arg12 : memref<!tpu.dma_semaphore, #tpu.memory_space<semaphore_mem>>) src(%dma_wait3A_551 : memref<32x128xf32, #tpu.memory_space<hbm>>) dst(%dma_wait3A_548 : memref<32x128xf32, #tpu.memory_space<vmem>>)
      %and3A = arith.constant 127 : i32
      %and3A_552 = arith.andi %squeeze3A_532, %and3A : i32
      %broadcast_in_dim3A = vector.broadcast %and3A_552 : i32 to vector<16xi32>
      %broadcast_in_dim3A_553 = vector.broadcast %add3A_536 : i32 to vector<16xi32>
      %gather3A = arith.constant 0 : i32
      %gather3A_554 = arith.constant 0 : i32
      %gather3A_555 = arith.constant 0 : i32
      %gather3A_556 = tpu.memref_slice %arg9[%gather3A, %gather3A_554, %gather3A_555] : memref<16x32x128xf32, #tpu.memory_space<vmem>> -> memref<1x32x128xf32, #tpu.memory_space<vmem>>
      %gather3A_557 = tpu.memref_squeeze %gather3A_556 : memref<1x32x128xf32, #tpu.memory_space<vmem>> -> memref<32x128xf32, #tpu.memory_space<vmem>>
      %gather3A_558 = tpu.vector_load_idx %gather3A_557[%iota3A, %broadcast_in_dim3A] : memref<32x128xf32, #tpu.memory_space<vmem>>[vector<16xi32>, vector<16xi32>], vector<16xf32>,
      %gather3A_559 = arith.constant 0 : i32
      %gather3A_560 = arith.constant 0 : i32
      %gather3A_561 = arith.constant 0 : i32
      %gather3A_562 = tpu.memref_slice %arg9[%gather3A_559, %gather3A_560, %gather3A_561] : memref<16x32x128xf32, #tpu.memory_space<vmem>> -> memref<1x32x128xf32, #tpu.memory_space<vmem>>
      %gather3A_563 = tpu.memref_squeeze %gather3A_562 : memref<1x32x128xf32, #tpu.memory_space<vmem>> -> memref<32x128xf32, #tpu.memory_space<vmem>>
      %gather3A_564 = tpu.vector_load_idx %gather3A_563[%add3A_5, %broadcast_in_dim3A] : memref<32x128xf32, #tpu.memory_space<vmem>>[vector<16xi32>, vector<16xi32>], vector<16xf32>,
      tpu.vector_store_idx %arg11[%iota3A, %broadcast_in_dim3A_553], %gather3A_558 : memref<32x512xf32, #tpu.memory_space<vmem>>[vector<16xi32>, vector<16xi32>], vector<16xf32>,
      tpu.vector_store_idx %arg11[%add3A_5, %broadcast_in_dim3A_553], %gather3A_564 : memref<32x512xf32, #tpu.memory_space<vmem>>[vector<16xi32>, vector<16xi32>], vector<16xf32>,
      %slice3A_565 = vector.extract_strided_slice %get3A_530 {offsets = [1], sizes = [1], strides = [1]} : vector<16xi32> to vector<1xi32>
      %squeeze3A_566 = vector.extract %slice3A_565[0] : i32 from vector<1xi32>
      %mul3A_567 = arith.constant 8 : i32
      %mul3A_568 = arith.muli %mul3A_360, %mul3A_567 : i32
      %add3A_569 = arith.constant 1 : i32
      %add3A_570 = arith.addi %mul3A_568, %add3A_569 : i32
      %dma_wait3A_571 = arith.constant 1 : i32
      %dma_wait3A_572 = arith.constant 0 : i32
      %dma_wait3A_573 = arith.constant 0 : i32
      %dma_wait3A_574 = tpu.memref_slice %arg9[%dma_wait3A_571, %dma_wait3A_572, %dma_wait3A_573] : memref<16x32x128xf32, #tpu.memory_space<vmem>> -> memref<1x32x128xf32, #tpu.memory_space<vmem>>
      %dma_wait3A_575 = tpu.memref_squeeze %dma_wait3A_574 : memref<1x32x128xf32, #tpu.memory_space<vmem>> -> memref<32x128xf32, #tpu.memory_space<vmem>>
      %dma_wait3A_576 = arith.constant 0 : i32
      %dma_wait3A_577 = arith.constant 0 : i32
      %dma_wait3A_578 = tpu.memref_slice %arg3[%dma_wait3A_576, %dma_wait3A_577] : memref<32x1000000xf32, #tpu.memory_space<hbm>> -> memref<32x128xf32, #tpu.memory_space<hbm>>
      %dma_wait3A_579 = arith.constant 0 : i32
      %dma_wait3A_580 = arith.constant 0 : i32
      %dma_wait3A_581 = tpu.memref_slice %arg9[%dma_wait3A_571, %dma_wait3A_579, %dma_wait3A_580] : memref<16x32x128xf32, #tpu.memory_space<vmem>> -> memref<1x32x128xf32, #tpu.memory_space<vmem>>
      %dma_wait3A_582 = tpu.memref_squeeze %dma_wait3A_581 : memref<1x32x128xf32, #tpu.memory_space<vmem>> -> memref<32x128xf32, #tpu.memory_space<vmem>>
      %dma_wait3A_583 = arith.constant 0 : i32
      %dma_wait3A_584 = arith.constant 0 : i32
      %dma_wait3A_585 = tpu.memref_slice %arg3[%dma_wait3A_583, %dma_wait3A_584] : memref<32x1000000xf32, #tpu.memory_space<hbm>> -> memref<32x128xf32, #tpu.memory_space<hbm>>
      tpu.wait_dma2 semaphore(%arg12 : memref<!tpu.dma_semaphore, #tpu.memory_space<semaphore_mem>>) src(%dma_wait3A_585 : memref<32x128xf32, #tpu.memory_space<hbm>>) dst(%dma_wait3A_582 : memref<32x128xf32, #tpu.memory_space<vmem>>)
      %and3A_586 = arith.constant 127 : i32
      %and3A_587 = arith.andi %squeeze3A_566, %and3A_586 : i32
      %broadcast_in_dim3A_588 = vector.broadcast %and3A_587 : i32 to vector<16xi32>
      %broadcast_in_dim3A_589 = vector.broadcast %add3A_570 : i32 to vector<16xi32>
      %gather3A_590 = arith.constant 1 : i32
      %gather3A_591 = arith.constant 0 : i32
      %gather3A_592 = arith.constant 0 : i32
      %gather3A_593 = tpu.memref_slice %arg9[%gather3A_590, %gather3A_591, %gather3A_592] : memref<16x32x128xf32, #tpu.memory_space<vmem>> -> memref<1x32x128xf32, #tpu.memory_space<vmem>>
      %gather3A_594 = tpu.memref_squeeze %gather3A_593 : memref<1x32x128xf32, #tpu.memory_space<vmem>> -> memref<32x128xf32, #tpu.memory_space<vmem>>
      %gather3A_595 = tpu.vector_load_idx %gather3A_594[%iota3A, %broadcast_in_dim3A_588] : memref<32x128xf32, #tpu.memory_space<vmem>>[vector<16xi32>, vector<16xi32>], vector<16xf32>,
      %gather3A_596 = arith.constant 1 : i32
      %gather3A_597 = arith.constant 0 : i32
      %gather3A_598 = arith.constant 0 : i32
      %gather3A_599 = tpu.memref_slice %arg9[%gather3A_596, %gather3A_597, %gather3A_598] : memref<16x32x128xf32, #tpu.memory_space<vmem>> -> memref<1x32x128xf32, #tpu.memory_space<vmem>>
      %gather3A_600 = tpu.memref_squeeze %gather3A_599 : memref<1x32x128xf32, #tpu.memory_space<vmem>> -> memref<32x128xf32, #tpu.memory_space<vmem>>
      %gather3A_601 = tpu.vector_load_idx %gather3A_600[%add3A_5, %broadcast_in_dim3A_588] : memref<32x128xf32, #tpu.memory_space<vmem>>[vector<16xi32>, vector<16xi32>], vector<16xf32>,
      tpu.vector_store_idx %arg11[%iota3A, %broadcast_in_dim3A_589], %gather3A_595 : memref<32x512xf32, #tpu.memory_space<vmem>>[vector<16xi32>, vector<16xi32>], vector<16xf32>,
      tpu.vector_store_idx %arg11[%add3A_5, %broadcast_in_dim3A_589], %gather3A_601 : memref<32x512xf32, #tpu.memory_space<vmem>>[vector<16xi32>, vector<16xi32>], vector<16xf32>,
      %slice3A_602 = vector.extract_strided_slice %get3A_530 {offsets = [2], sizes = [1], strides = [1]} : vector<16xi32> to vector<1xi32>
      %squeeze3A_603 = vector.extract %slice3A_602[0] : i32 from vector<1xi32>
      %mul3A_604 = arith.constant 8 : i32
      %mul3A_605 = arith.muli %mul3A_360, %mul3A_604 : i32
      %add3A_606 = arith.constant 2 : i32
      %add3A_607 = arith.addi %mul3A_605, %add3A_606 : i32
      %dma_wait3A_608 = arith.constant 2 : i32
      %dma_wait3A_609 = arith.constant 0 : i32
      %dma_wait3A_610 = arith.constant 0 : i32
      %dma_wait3A_611 = tpu.memref_slice %arg9[%dma_wait3A_608, %dma_wait3A_609, %dma_wait3A_610] : memref<16x32x128xf32, #tpu.memory_space<vmem>> -> memref<1x32x128xf32, #tpu.memory_space<vmem>>
      %dma_wait3A_612 = tpu.memref_squeeze %dma_wait3A_611 : memref<1x32x128xf32, #tpu.memory_space<vmem>> -> memref<32x128xf32, #tpu.memory_space<vmem>>
      %dma_wait3A_613 = arith.constant 0 : i32
      %dma_wait3A_614 = arith.constant 0 : i32
      %dma_wait3A_615 = tpu.memref_slice %arg3[%dma_wait3A_613, %dma_wait3A_614] : memref<32x1000000xf32, #tpu.memory_space<hbm>> -> memref<32x128xf32, #tpu.memory_space<hbm>>
      %dma_wait3A_616 = arith.constant 0 : i32
      %dma_wait3A_617 = arith.constant 0 : i32
      %dma_wait3A_618 = tpu.memref_slice %arg9[%dma_wait3A_608, %dma_wait3A_616, %dma_wait3A_617] : memref<16x32x128xf32, #tpu.memory_space<vmem>> -> memref<1x32x128xf32, #tpu.memory_space<vmem>>
      %dma_wait3A_619 = tpu.memref_squeeze %dma_wait3A_618 : memref<1x32x128xf32, #tpu.memory_space<vmem>> -> memref<32x128xf32, #tpu.memory_space<vmem>>
      %dma_wait3A_620 = arith.constant 0 : i32
      %dma_wait3A_621 = arith.constant 0 : i32
      %dma_wait3A_622 = tpu.memref_slice %arg3[%dma_wait3A_620, %dma_wait3A_621] : memref<32x1000000xf32, #tpu.memory_space<hbm>> -> memref<32x128xf32, #tpu.memory_space<hbm>>
      tpu.wait_dma2 semaphore(%arg12 : memref<!tpu.dma_semaphore, #tpu.memory_space<semaphore_mem>>) src(%dma_wait3A_622 : memref<32x128xf32, #tpu.memory_space<hbm>>) dst(%dma_wait3A_619 : memref<32x128xf32, #tpu.memory_space<vmem>>)
      %and3A_623 = arith.constant 127 : i32
      %and3A_624 = arith.andi %squeeze3A_603, %and3A_623 : i32
      %broadcast_in_dim3A_625 = vector.broadcast %and3A_624 : i32 to vector<16xi32>
      %broadcast_in_dim3A_626 = vector.broadcast %add3A_607 : i32 to vector<16xi32>
      %gather3A_627 = arith.constant 2 : i32
      %gather3A_628 = arith.constant 0 : i32
      %gather3A_629 = arith.constant 0 : i32
      %gather3A_630 = tpu.memref_slice %arg9[%gather3A_627, %gather3A_628, %gather3A_629] : memref<16x32x128xf32, #tpu.memory_space<vmem>> -> memref<1x32x128xf32, #tpu.memory_space<vmem>>
      %gather3A_631 = tpu.memref_squeeze %gather3A_630 : memref<1x32x128xf32, #tpu.memory_space<vmem>> -> memref<32x128xf32, #tpu.memory_space<vmem>>
      %gather3A_632 = tpu.vector_load_idx %gather3A_631[%iota3A, %broadcast_in_dim3A_625] : memref<32x128xf32, #tpu.memory_space<vmem>>[vector<16xi32>, vector<16xi32>], vector<16xf32>,
      %gather3A_633 = arith.constant 2 : i32
      %gather3A_634 = arith.constant 0 : i32
      %gather3A_635 = arith.constant 0 : i32
      %gather3A_636 = tpu.memref_slice %arg9[%gather3A_633, %gather3A_634, %gather3A_635] : memref<16x32x128xf32, #tpu.memory_space<vmem>> -> memref<1x32x128xf32, #tpu.memory_space<vmem>>
      %gather3A_637 = tpu.memref_squeeze %gather3A_636 : memref<1x32x128xf32, #tpu.memory_space<vmem>> -> memref<32x128xf32, #tpu.memory_space<vmem>>
      %gather3A_638 = tpu.vector_load_idx %gather3A_637[%add3A_5, %broadcast_in_dim3A_625] : memref<32x128xf32, #tpu.memory_space<vmem>>[vector<16xi32>, vector<16xi32>], vector<16xf32>,
      tpu.vector_store_idx %arg11[%iota3A, %broadcast_in_dim3A_626], %gather3A_632 : memref<32x512xf32, #tpu.memory_space<vmem>>[vector<16xi32>, vector<16xi32>], vector<16xf32>,
      tpu.vector_store_idx %arg11[%add3A_5, %broadcast_in_dim3A_626], %gather3A_638 : memref<32x512xf32, #tpu.memory_space<vmem>>[vector<16xi32>, vector<16xi32>], vector<16xf32>,
      %slice3A_639 = vector.extract_strided_slice %get3A_530 {offsets = [3], sizes = [1], strides = [1]} : vector<16xi32> to vector<1xi32>
      %squeeze3A_640 = vector.extract %slice3A_639[0] : i32 from vector<1xi32>
      %mul3A_641 = arith.constant 8 : i32
      %mul3A_642 = arith.muli %mul3A_360, %mul3A_641 : i32
      %add3A_643 = arith.constant 3 : i32
      %add3A_644 = arith.addi %mul3A_642, %add3A_643 : i32
      %dma_wait3A_645 = arith.constant 3 : i32
      %dma_wait3A_646 = arith.constant 0 : i32
      %dma_wait3A_647 = arith.constant 0 : i32
      %dma_wait3A_648 = tpu.memref_slice %arg9[%dma_wait3A_645, %dma_wait3A_646, %dma_wait3A_647] : memref<16x32x128xf32, #tpu.memory_space<vmem>> -> memref<1x32x128xf32, #tpu.memory_space<vmem>>
      %dma_wait3A_649 = tpu.memref_squeeze %dma_wait3A_648 : memref<1x32x128xf32, #tpu.memory_space<vmem>> -> memref<32x128xf32, #tpu.memory_space<vmem>>
      %dma_wait3A_650 = arith.constant 0 : i32
      %dma_wait3A_651 = arith.constant 0 : i32
      %dma_wait3A_652 = tpu.memref_slice %arg3[%dma_wait3A_650, %dma_wait3A_651] : memref<32x1000000xf32, #tpu.memory_space<hbm>> -> memref<32x128xf32, #tpu.memory_space<hbm>>
      %dma_wait3A_653 = arith.constant 0 : i32
      %dma_wait3A_654 = arith.constant 0 : i32
      %dma_wait3A_655 = tpu.memref_slice %arg9[%dma_wait3A_645, %dma_wait3A_653, %dma_wait3A_654] : memref<16x32x128xf32, #tpu.memory_space<vmem>> -> memref<1x32x128xf32, #tpu.memory_space<vmem>>
      %dma_wait3A_656 = tpu.memref_squeeze %dma_wait3A_655 : memref<1x32x128xf32, #tpu.memory_space<vmem>> -> memref<32x128xf32, #tpu.memory_space<vmem>>
      %dma_wait3A_657 = arith.constant 0 : i32
      %dma_wait3A_658 = arith.constant 0 : i32
      %dma_wait3A_659 = tpu.memref_slice %arg3[%dma_wait3A_657, %dma_wait3A_658] : memref<32x1000000xf32, #tpu.memory_space<hbm>> -> memref<32x128xf32, #tpu.memory_space<hbm>>
      tpu.wait_dma2 semaphore(%arg12 : memref<!tpu.dma_semaphore, #tpu.memory_space<semaphore_mem>>) src(%dma_wait3A_659 : memref<32x128xf32, #tpu.memory_space<hbm>>) dst(%dma_wait3A_656 : memref<32x128xf32, #tpu.memory_space<vmem>>)
      %and3A_660 = arith.constant 127 : i32
      %and3A_661 = arith.andi %squeeze3A_640, %and3A_660 : i32
      %broadcast_in_dim3A_662 = vector.broadcast %and3A_661 : i32 to vector<16xi32>
      %broadcast_in_dim3A_663 = vector.broadcast %add3A_644 : i32 to vector<16xi32>
      %gather3A_664 = arith.constant 3 : i32
      %gather3A_665 = arith.constant 0 : i32
      %gather3A_666 = arith.constant 0 : i32
      %gather3A_667 = tpu.memref_slice %arg9[%gather3A_664, %gather3A_665, %gather3A_666] : memref<16x32x128xf32, #tpu.memory_space<vmem>> -> memref<1x32x128xf32, #tpu.memory_space<vmem>>
      %gather3A_668 = tpu.memref_squeeze %gather3A_667 : memref<1x32x128xf32, #tpu.memory_space<vmem>> -> memref<32x128xf32, #tpu.memory_space<vmem>>
      %gather3A_669 = tpu.vector_load_idx %gather3A_668[%iota3A, %broadcast_in_dim3A_662] : memref<32x128xf32, #tpu.memory_space<vmem>>[vector<16xi32>, vector<16xi32>], vector<16xf32>,
      %gather3A_670 = arith.constant 3 : i32
      %gather3A_671 = arith.constant 0 : i32
      %gather3A_672 = arith.constant 0 : i32
      %gather3A_673 = tpu.memref_slice %arg9[%gather3A_670, %gather3A_671, %gather3A_672] : memref<16x32x128xf32, #tpu.memory_space<vmem>> -> memref<1x32x128xf32, #tpu.memory_space<vmem>>
      %gather3A_674 = tpu.memref_squeeze %gather3A_673 : memref<1x32x128xf32, #tpu.memory_space<vmem>> -> memref<32x128xf32, #tpu.memory_space<vmem>>
      %gather3A_675 = tpu.vector_load_idx %gather3A_674[%add3A_5, %broadcast_in_dim3A_662] : memref<32x128xf32, #tpu.memory_space<vmem>>[vector<16xi32>, vector<16xi32>], vector<16xf32>,
      tpu.vector_store_idx %arg11[%iota3A, %broadcast_in_dim3A_663], %gather3A_669 : memref<32x512xf32, #tpu.memory_space<vmem>>[vector<16xi32>, vector<16xi32>], vector<16xf32>,
      tpu.vector_store_idx %arg11[%add3A_5, %broadcast_in_dim3A_663], %gather3A_675 : memref<32x512xf32, #tpu.memory_space<vmem>>[vector<16xi32>, vector<16xi32>], vector<16xf32>,
      %slice3A_676 = vector.extract_strided_slice %get3A_530 {offsets = [4], sizes = [1], strides = [1]} : vector<16xi32> to vector<1xi32>
      %squeeze3A_677 = vector.extract %slice3A_676[0] : i32 from vector<1xi32>
      %mul3A_678 = arith.constant 8 : i32
      %mul3A_679 = arith.muli %mul3A_360, %mul3A_678 : i32
      %add3A_680 = arith.constant 4 : i32
      %add3A_681 = arith.addi %mul3A_679, %add3A_680 : i32
      %dma_wait3A_682 = arith.constant 4 : i32
      %dma_wait3A_683 = arith.constant 0 : i32
      %dma_wait3A_684 = arith.constant 0 : i32
      %dma_wait3A_685 = tpu.memref_slice %arg9[%dma_wait3A_682, %dma_wait3A_683, %dma_wait3A_684] : memref<16x32x128xf32, #tpu.memory_space<vmem>> -> memref<1x32x128xf32, #tpu.memory_space<vmem>>
      %dma_wait3A_686 = tpu.memref_squeeze %dma_wait3A_685 : memref<1x32x128xf32, #tpu.memory_space<vmem>> -> memref<32x128xf32, #tpu.memory_space<vmem>>
      %dma_wait3A_687 = arith.constant 0 : i32
      %dma_wait3A_688 = arith.constant 0 : i32
      %dma_wait3A_689 = tpu.memref_slice %arg3[%dma_wait3A_687, %dma_wait3A_688] : memref<32x1000000xf32, #tpu.memory_space<hbm>> -> memref<32x128xf32, #tpu.memory_space<hbm>>
      %dma_wait3A_690 = arith.constant 0 : i32
      %dma_wait3A_691 = arith.constant 0 : i32
      %dma_wait3A_692 = tpu.memref_slice %arg9[%dma_wait3A_682, %dma_wait3A_690, %dma_wait3A_691] : memref<16x32x128xf32, #tpu.memory_space<vmem>> -> memref<1x32x128xf32, #tpu.memory_space<vmem>>
      %dma_wait3A_693 = tpu.memref_squeeze %dma_wait3A_692 : memref<1x32x128xf32, #tpu.memory_space<vmem>> -> memref<32x128xf32, #tpu.memory_space<vmem>>
      %dma_wait3A_694 = arith.constant 0 : i32
      %dma_wait3A_695 = arith.constant 0 : i32
      %dma_wait3A_696 = tpu.memref_slice %arg3[%dma_wait3A_694, %dma_wait3A_695] : memref<32x1000000xf32, #tpu.memory_space<hbm>> -> memref<32x128xf32, #tpu.memory_space<hbm>>
      tpu.wait_dma2 semaphore(%arg12 : memref<!tpu.dma_semaphore, #tpu.memory_space<semaphore_mem>>) src(%dma_wait3A_696 : memref<32x128xf32, #tpu.memory_space<hbm>>) dst(%dma_wait3A_693 : memref<32x128xf32, #tpu.memory_space<vmem>>)
      %and3A_697 = arith.constant 127 : i32
      %and3A_698 = arith.andi %squeeze3A_677, %and3A_697 : i32
      %broadcast_in_dim3A_699 = vector.broadcast %and3A_698 : i32 to vector<16xi32>
      %broadcast_in_dim3A_700 = vector.broadcast %add3A_681 : i32 to vector<16xi32>
      %gather3A_701 = arith.constant 4 : i32
      %gather3A_702 = arith.constant 0 : i32
      %gather3A_703 = arith.constant 0 : i32
      %gather3A_704 = tpu.memref_slice %arg9[%gather3A_701, %gather3A_702, %gather3A_703] : memref<16x32x128xf32, #tpu.memory_space<vmem>> -> memref<1x32x128xf32, #tpu.memory_space<vmem>>
      %gather3A_705 = tpu.memref_squeeze %gather3A_704 : memref<1x32x128xf32, #tpu.memory_space<vmem>> -> memref<32x128xf32, #tpu.memory_space<vmem>>
      %gather3A_706 = tpu.vector_load_idx %gather3A_705[%iota3A, %broadcast_in_dim3A_699] : memref<32x128xf32, #tpu.memory_space<vmem>>[vector<16xi32>, vector<16xi32>], vector<16xf32>,
      %gather3A_707 = arith.constant 4 : i32
      %gather3A_708 = arith.constant 0 : i32
      %gather3A_709 = arith.constant 0 : i32
      %gather3A_710 = tpu.memref_slice %arg9[%gather3A_707, %gather3A_708, %gather3A_709] : memref<16x32x128xf32, #tpu.memory_space<vmem>> -> memref<1x32x128xf32, #tpu.memory_space<vmem>>
      %gather3A_711 = tpu.memref_squeeze %gather3A_710 : memref<1x32x128xf32, #tpu.memory_space<vmem>> -> memref<32x128xf32, #tpu.memory_space<vmem>>
      %gather3A_712 = tpu.vector_load_idx %gather3A_711[%add3A_5, %broadcast_in_dim3A_699] : memref<32x128xf32, #tpu.memory_space<vmem>>[vector<16xi32>, vector<16xi32>], vector<16xf32>,
      tpu.vector_store_idx %arg11[%iota3A, %broadcast_in_dim3A_700], %gather3A_706 : memref<32x512xf32, #tpu.memory_space<vmem>>[vector<16xi32>, vector<16xi32>], vector<16xf32>,
      tpu.vector_store_idx %arg11[%add3A_5, %broadcast_in_dim3A_700], %gather3A_712 : memref<32x512xf32, #tpu.memory_space<vmem>>[vector<16xi32>, vector<16xi32>], vector<16xf32>,
      %slice3A_713 = vector.extract_strided_slice %get3A_530 {offsets = [5], sizes = [1], strides = [1]} : vector<16xi32> to vector<1xi32>
      %squeeze3A_714 = vector.extract %slice3A_713[0] : i32 from vector<1xi32>
      %mul3A_715 = arith.constant 8 : i32
      %mul3A_716 = arith.muli %mul3A_360, %mul3A_715 : i32
      %add3A_717 = arith.constant 5 : i32
      %add3A_718 = arith.addi %mul3A_716, %add3A_717 : i32
      %dma_wait3A_719 = arith.constant 5 : i32
      %dma_wait3A_720 = arith.constant 0 : i32
      %dma_wait3A_721 = arith.constant 0 : i32
      %dma_wait3A_722 = tpu.memref_slice %arg9[%dma_wait3A_719, %dma_wait3A_720, %dma_wait3A_721] : memref<16x32x128xf32, #tpu.memory_space<vmem>> -> memref<1x32x128xf32, #tpu.memory_space<vmem>>
      %dma_wait3A_723 = tpu.memref_squeeze %dma_wait3A_722 : memref<1x32x128xf32, #tpu.memory_space<vmem>> -> memref<32x128xf32, #tpu.memory_space<vmem>>
      %dma_wait3A_724 = arith.constant 0 : i32
      %dma_wait3A_725 = arith.constant 0 : i32
      %dma_wait3A_726 = tpu.memref_slice %arg3[%dma_wait3A_724, %dma_wait3A_725] : memref<32x1000000xf32, #tpu.memory_space<hbm>> -> memref<32x128xf32, #tpu.memory_space<hbm>>
      %dma_wait3A_727 = arith.constant 0 : i32
      %dma_wait3A_728 = arith.constant 0 : i32
      %dma_wait3A_729 = tpu.memref_slice %arg9[%dma_wait3A_719, %dma_wait3A_727, %dma_wait3A_728] : memref<16x32x128xf32, #tpu.memory_space<vmem>> -> memref<1x32x128xf32, #tpu.memory_space<vmem>>
      %dma_wait3A_730 = tpu.memref_squeeze %dma_wait3A_729 : memref<1x32x128xf32, #tpu.memory_space<vmem>> -> memref<32x128xf32, #tpu.memory_space<vmem>>
      %dma_wait3A_731 = arith.constant 0 : i32
      %dma_wait3A_732 = arith.constant 0 : i32
      %dma_wait3A_733 = tpu.memref_slice %arg3[%dma_wait3A_731, %dma_wait3A_732] : memref<32x1000000xf32, #tpu.memory_space<hbm>> -> memref<32x128xf32, #tpu.memory_space<hbm>>
      tpu.wait_dma2 semaphore(%arg12 : memref<!tpu.dma_semaphore, #tpu.memory_space<semaphore_mem>>) src(%dma_wait3A_733 : memref<32x128xf32, #tpu.memory_space<hbm>>) dst(%dma_wait3A_730 : memref<32x128xf32, #tpu.memory_space<vmem>>)
      %and3A_734 = arith.constant 127 : i32
      %and3A_735 = arith.andi %squeeze3A_714, %and3A_734 : i32
      %broadcast_in_dim3A_736 = vector.broadcast %and3A_735 : i32 to vector<16xi32>
      %broadcast_in_dim3A_737 = vector.broadcast %add3A_718 : i32 to vector<16xi32>
      %gather3A_738 = arith.constant 5 : i32
      %gather3A_739 = arith.constant 0 : i32
      %gather3A_740 = arith.constant 0 : i32
      %gather3A_741 = tpu.memref_slice %arg9[%gather3A_738, %gather3A_739, %gather3A_740] : memref<16x32x128xf32, #tpu.memory_space<vmem>> -> memref<1x32x128xf32, #tpu.memory_space<vmem>>
      %gather3A_742 = tpu.memref_squeeze %gather3A_741 : memref<1x32x128xf32, #tpu.memory_space<vmem>> -> memref<32x128xf32, #tpu.memory_space<vmem>>
      %gather3A_743 = tpu.vector_load_idx %gather3A_742[%iota3A, %broadcast_in_dim3A_736] : memref<32x128xf32, #tpu.memory_space<vmem>>[vector<16xi32>, vector<16xi32>], vector<16xf32>,
      %gather3A_744 = arith.constant 5 : i32
      %gather3A_745 = arith.constant 0 : i32
      %gather3A_746 = arith.constant 0 : i32
      %gather3A_747 = tpu.memref_slice %arg9[%gather3A_744, %gather3A_745, %gather3A_746] : memref<16x32x128xf32, #tpu.memory_space<vmem>> -> memref<1x32x128xf32, #tpu.memory_space<vmem>>
      %gather3A_748 = tpu.memref_squeeze %gather3A_747 : memref<1x32x128xf32, #tpu.memory_space<vmem>> -> memref<32x128xf32, #tpu.memory_space<vmem>>
      %gather3A_749 = tpu.vector_load_idx %gather3A_748[%add3A_5, %broadcast_in_dim3A_736] : memref<32x128xf32, #tpu.memory_space<vmem>>[vector<16xi32>, vector<16xi32>], vector<16xf32>,
      tpu.vector_store_idx %arg11[%iota3A, %broadcast_in_dim3A_737], %gather3A_743 : memref<32x512xf32, #tpu.memory_space<vmem>>[vector<16xi32>, vector<16xi32>], vector<16xf32>,
      tpu.vector_store_idx %arg11[%add3A_5, %broadcast_in_dim3A_737], %gather3A_749 : memref<32x512xf32, #tpu.memory_space<vmem>>[vector<16xi32>, vector<16xi32>], vector<16xf32>,
      %slice3A_750 = vector.extract_strided_slice %get3A_530 {offsets = [6], sizes = [1], strides = [1]} : vector<16xi32> to vector<1xi32>
      %squeeze3A_751 = vector.extract %slice3A_750[0] : i32 from vector<1xi32>
      %mul3A_752 = arith.constant 8 : i32
      %mul3A_753 = arith.muli %mul3A_360, %mul3A_752 : i32
      %add3A_754 = arith.constant 6 : i32
      %add3A_755 = arith.addi %mul3A_753, %add3A_754 : i32
      %dma_wait3A_756 = arith.constant 6 : i32
      %dma_wait3A_757 = arith.constant 0 : i32
      %dma_wait3A_758 = arith.constant 0 : i32
      %dma_wait3A_759 = tpu.memref_slice %arg9[%dma_wait3A_756, %dma_wait3A_757, %dma_wait3A_758] : memref<16x32x128xf32, #tpu.memory_space<vmem>> -> memref<1x32x128xf32, #tpu.memory_space<vmem>>
      %dma_wait3A_760 = tpu.memref_squeeze %dma_wait3A_759 : memref<1x32x128xf32, #tpu.memory_space<vmem>> -> memref<32x128xf32, #tpu.memory_space<vmem>>
      %dma_wait3A_761 = arith.constant 0 : i32
      %dma_wait3A_762 = arith.constant 0 : i32
      %dma_wait3A_763 = tpu.memref_slice %arg3[%dma_wait3A_761, %dma_wait3A_762] : memref<32x1000000xf32, #tpu.memory_space<hbm>> -> memref<32x128xf32, #tpu.memory_space<hbm>>
      %dma_wait3A_764 = arith.constant 0 : i32
      %dma_wait3A_765 = arith.constant 0 : i32
      %dma_wait3A_766 = tpu.memref_slice %arg9[%dma_wait3A_756, %dma_wait3A_764, %dma_wait3A_765] : memref<16x32x128xf32, #tpu.memory_space<vmem>> -> memref<1x32x128xf32, #tpu.memory_space<vmem>>
      %dma_wait3A_767 = tpu.memref_squeeze %dma_wait3A_766 : memref<1x32x128xf32, #tpu.memory_space<vmem>> -> memref<32x128xf32, #tpu.memory_space<vmem>>
      %dma_wait3A_768 = arith.constant 0 : i32
      %dma_wait3A_769 = arith.constant 0 : i32
      %dma_wait3A_770 = tpu.memref_slice %arg3[%dma_wait3A_768, %dma_wait3A_769] : memref<32x1000000xf32, #tpu.memory_space<hbm>> -> memref<32x128xf32, #tpu.memory_space<hbm>>
      tpu.wait_dma2 semaphore(%arg12 : memref<!tpu.dma_semaphore, #tpu.memory_space<semaphore_mem>>) src(%dma_wait3A_770 : memref<32x128xf32, #tpu.memory_space<hbm>>) dst(%dma_wait3A_767 : memref<32x128xf32, #tpu.memory_space<vmem>>)
      %and3A_771 = arith.constant 127 : i32
      %and3A_772 = arith.andi %squeeze3A_751, %and3A_771 : i32
      %broadcast_in_dim3A_773 = vector.broadcast %and3A_772 : i32 to vector<16xi32>
      %broadcast_in_dim3A_774 = vector.broadcast %add3A_755 : i32 to vector<16xi32>
      %gather3A_775 = arith.constant 6 : i32
      %gather3A_776 = arith.constant 0 : i32
      %gather3A_777 = arith.constant 0 : i32
      %gather3A_778 = tpu.memref_slice %arg9[%gather3A_775, %gather3A_776, %gather3A_777] : memref<16x32x128xf32, #tpu.memory_space<vmem>> -> memref<1x32x128xf32, #tpu.memory_space<vmem>>
      %gather3A_779 = tpu.memref_squeeze %gather3A_778 : memref<1x32x128xf32, #tpu.memory_space<vmem>> -> memref<32x128xf32, #tpu.memory_space<vmem>>
      %gather3A_780 = tpu.vector_load_idx %gather3A_779[%iota3A, %broadcast_in_dim3A_773] : memref<32x128xf32, #tpu.memory_space<vmem>>[vector<16xi32>, vector<16xi32>], vector<16xf32>,
      %gather3A_781 = arith.constant 6 : i32
      %gather3A_782 = arith.constant 0 : i32
      %gather3A_783 = arith.constant 0 : i32
      %gather3A_784 = tpu.memref_slice %arg9[%gather3A_781, %gather3A_782, %gather3A_783] : memref<16x32x128xf32, #tpu.memory_space<vmem>> -> memref<1x32x128xf32, #tpu.memory_space<vmem>>
      %gather3A_785 = tpu.memref_squeeze %gather3A_784 : memref<1x32x128xf32, #tpu.memory_space<vmem>> -> memref<32x128xf32, #tpu.memory_space<vmem>>
      %gather3A_786 = tpu.vector_load_idx %gather3A_785[%add3A_5, %broadcast_in_dim3A_773] : memref<32x128xf32, #tpu.memory_space<vmem>>[vector<16xi32>, vector<16xi32>], vector<16xf32>,
      tpu.vector_store_idx %arg11[%iota3A, %broadcast_in_dim3A_774], %gather3A_780 : memref<32x512xf32, #tpu.memory_space<vmem>>[vector<16xi32>, vector<16xi32>], vector<16xf32>,
      tpu.vector_store_idx %arg11[%add3A_5, %broadcast_in_dim3A_774], %gather3A_786 : memref<32x512xf32, #tpu.memory_space<vmem>>[vector<16xi32>, vector<16xi32>], vector<16xf32>,
      %slice3A_787 = vector.extract_strided_slice %get3A_530 {offsets = [7], sizes = [1], strides = [1]} : vector<16xi32> to vector<1xi32>
      %squeeze3A_788 = vector.extract %slice3A_787[0] : i32 from vector<1xi32>
      %mul3A_789 = arith.constant 8 : i32
      %mul3A_790 = arith.muli %mul3A_360, %mul3A_789 : i32
      %add3A_791 = arith.constant 7 : i32
      %add3A_792 = arith.addi %mul3A_790, %add3A_791 : i32
      %dma_wait3A_793 = arith.constant 7 : i32
      %dma_wait3A_794 = arith.constant 0 : i32
      %dma_wait3A_795 = arith.constant 0 : i32
      %dma_wait3A_796 = tpu.memref_slice %arg9[%dma_wait3A_793, %dma_wait3A_794, %dma_wait3A_795] : memref<16x32x128xf32, #tpu.memory_space<vmem>> -> memref<1x32x128xf32, #tpu.memory_space<vmem>>
      %dma_wait3A_797 = tpu.memref_squeeze %dma_wait3A_796 : memref<1x32x128xf32, #tpu.memory_space<vmem>> -> memref<32x128xf32, #tpu.memory_space<vmem>>
      %dma_wait3A_798 = arith.constant 0 : i32
      %dma_wait3A_799 = arith.constant 0 : i32
      %dma_wait3A_800 = tpu.memref_slice %arg3[%dma_wait3A_798, %dma_wait3A_799] : memref<32x1000000xf32, #tpu.memory_space<hbm>> -> memref<32x128xf32, #tpu.memory_space<hbm>>
      %dma_wait3A_801 = arith.constant 0 : i32
      %dma_wait3A_802 = arith.constant 0 : i32
      %dma_wait3A_803 = tpu.memref_slice %arg9[%dma_wait3A_793, %dma_wait3A_801, %dma_wait3A_802] : memref<16x32x128xf32, #tpu.memory_space<vmem>> -> memref<1x32x128xf32, #tpu.memory_space<vmem>>
      %dma_wait3A_804 = tpu.memref_squeeze %dma_wait3A_803 : memref<1x32x128xf32, #tpu.memory_space<vmem>> -> memref<32x128xf32, #tpu.memory_space<vmem>>
      %dma_wait3A_805 = arith.constant 0 : i32
      %dma_wait3A_806 = arith.constant 0 : i32
      %dma_wait3A_807 = tpu.memref_slice %arg3[%dma_wait3A_805, %dma_wait3A_806] : memref<32x1000000xf32, #tpu.memory_space<hbm>> -> memref<32x128xf32, #tpu.memory_space<hbm>>
      tpu.wait_dma2 semaphore(%arg12 : memref<!tpu.dma_semaphore, #tpu.memory_space<semaphore_mem>>) src(%dma_wait3A_807 : memref<32x128xf32, #tpu.memory_space<hbm>>) dst(%dma_wait3A_804 : memref<32x128xf32, #tpu.memory_space<vmem>>)
      %and3A_808 = arith.constant 127 : i32
      %and3A_809 = arith.andi %squeeze3A_788, %and3A_808 : i32
      %broadcast_in_dim3A_810 = vector.broadcast %and3A_809 : i32 to vector<16xi32>
      %broadcast_in_dim3A_811 = vector.broadcast %add3A_792 : i32 to vector<16xi32>
      %gather3A_812 = arith.constant 7 : i32
      %gather3A_813 = arith.constant 0 : i32
      %gather3A_814 = arith.constant 0 : i32
      %gather3A_815 = tpu.memref_slice %arg9[%gather3A_812, %gather3A_813, %gather3A_814] : memref<16x32x128xf32, #tpu.memory_space<vmem>> -> memref<1x32x128xf32, #tpu.memory_space<vmem>>
      %gather3A_816 = tpu.memref_squeeze %gather3A_815 : memref<1x32x128xf32, #tpu.memory_space<vmem>> -> memref<32x128xf32, #tpu.memory_space<vmem>>
      %gather3A_817 = tpu.vector_load_idx %gather3A_816[%iota3A, %broadcast_in_dim3A_810] : memref<32x128xf32, #tpu.memory_space<vmem>>[vector<16xi32>, vector<16xi32>], vector<16xf32>,
      %gather3A_818 = arith.constant 7 : i32
      %gather3A_819 = arith.constant 0 : i32
      %gather3A_820 = arith.constant 0 : i32
      %gather3A_821 = tpu.memref_slice %arg9[%gather3A_818, %gather3A_819, %gather3A_820] : memref<16x32x128xf32, #tpu.memory_space<vmem>> -> memref<1x32x128xf32, #tpu.memory_space<vmem>>
      %gather3A_822 = tpu.memref_squeeze %gather3A_821 : memref<1x32x128xf32, #tpu.memory_space<vmem>> -> memref<32x128xf32, #tpu.memory_space<vmem>>
      %gather3A_823 = tpu.vector_load_idx %gather3A_822[%add3A_5, %broadcast_in_dim3A_810] : memref<32x128xf32, #tpu.memory_space<vmem>>[vector<16xi32>, vector<16xi32>], vector<16xf32>,
      tpu.vector_store_idx %arg11[%iota3A, %broadcast_in_dim3A_811], %gather3A_817 : memref<32x512xf32, #tpu.memory_space<vmem>>[vector<16xi32>, vector<16xi32>], vector<16xf32>,
      tpu.vector_store_idx %arg11[%add3A_5, %broadcast_in_dim3A_811], %gather3A_823 : memref<32x512xf32, #tpu.memory_space<vmem>>[vector<16xi32>, vector<16xi32>], vector<16xf32>,
      %lt3A = arith.constant 31 : i32
      %lt3A_824 = arith.cmpi slt, %scan3A_358, %lt3A : i32
      %convert_element_type3A = arith.extui %lt3A_824 : i1 to i32
      %cond3A = arith.constant 0 : i32
      %cond3A_825 = arith.cmpi ne, %convert_element_type3A, %cond3A : i32
      scf.if %cond3A_825 {
        %add3A_1128 = arith.constant 2 : i32
        %add3A_1129 = arith.addi %mul3A_360, %add3A_1128 : i32
        %mul3A_1130 = arith.constant 8 : i32
        %mul3A_1131 = arith.muli %add3A_1129, %mul3A_1130 : i32
        %get3A_1132 = arith.index_cast %mul3A_1131 : i32 to index
        %get3A_1133 = tpu.vector_load %arg8[%get3A_1132] {strides = array<i32>} : memref<528xi32, #tpu.memory_space<vmem>>, vector<16xi32>,
        %slice3A_1134 = vector.extract_strided_slice %get3A_1133 {offsets = [0], sizes = [1], strides = [1]} : vector<16xi32> to vector<1xi32>
        %squeeze3A_1135 = vector.extract %slice3A_1134[0] : i32 from vector<1xi32>
        %shift_right_arithmetic3A_1136 = arith.constant 7 : i32
        %shift_right_arithmetic3A_1137 = arith.shrsi %squeeze3A_1135, %shift_right_arithmetic3A_1136 : i32
        %mul3A_1138 = arith.constant 128 : i32
        %mul3A_1139 = arith.muli %shift_right_arithmetic3A_1137, %mul3A_1138 : i32
        %multiple_of3A_1140 = tpu.assume_multiple %mul3A_1139, 128 : i32
        %dma_start3A_1141 = arith.constant 0 : i32
        %dma_start3A_1142 = arith.constant 0 : i32
        %dma_start3A_1143 = arith.constant 0 : i32
        %dma_start3A_1144 = tpu.memref_slice %arg9[%dma_start3A_1141, %dma_start3A_1142, %dma_start3A_1143] : memref<16x32x128xf32, #tpu.memory_space<vmem>> -> memref<1x32x128xf32, #tpu.memory_space<vmem>>
        %dma_start3A_1145 = tpu.memref_squeeze %dma_start3A_1144 : memref<1x32x128xf32, #tpu.memory_space<vmem>> -> memref<32x128xf32, #tpu.memory_space<vmem>>
        %dma_start3A_1146 = arith.constant 0 : i32
        %dma_start3A_1147 = tpu.memref_slice %arg3[%dma_start3A_1146, %multiple_of3A_1140] : memref<32x1000000xf32, #tpu.memory_space<hbm>> -> memref<32x128xf32, #tpu.memory_space<hbm>>
        %dma_start3A_1148 = arith.constant 0 : i32
        %dma_start3A_1149 = arith.constant 0 : i32
        %dma_start3A_1150 = tpu.memref_slice %arg9[%dma_start3A_1141, %dma_start3A_1148, %dma_start3A_1149] : memref<16x32x128xf32, #tpu.memory_space<vmem>> -> memref<1x32x128xf32, #tpu.memory_space<vmem>>
        %dma_start3A_1151 = tpu.memref_squeeze %dma_start3A_1150 : memref<1x32x128xf32, #tpu.memory_space<vmem>> -> memref<32x128xf32, #tpu.memory_space<vmem>>
        %dma_start3A_1152 = arith.constant 0 : i32
        %dma_start3A_1153 = tpu.memref_slice %arg3[%dma_start3A_1152, %multiple_of3A_1140] : memref<32x1000000xf32, #tpu.memory_space<hbm>> -> memref<32x128xf32, #tpu.memory_space<hbm>>
        tpu.enqueue_dma source(%dma_start3A_1153 : memref<32x128xf32, #tpu.memory_space<hbm>>) target(%dma_start3A_1151 : memref<32x128xf32, #tpu.memory_space<vmem>>) target_semaphore(%arg12 : memref<!tpu.dma_semaphore, #tpu.memory_space<semaphore_mem>>)
        %slice3A_1154 = vector.extract_strided_slice %get3A_1133 {offsets = [1], sizes = [1], strides = [1]} : vector<16xi32> to vector<1xi32>
        %squeeze3A_1155 = vector.extract %slice3A_1154[0] : i32 from vector<1xi32>
        %shift_right_arithmetic3A_1156 = arith.constant 7 : i32
        %shift_right_arithmetic3A_1157 = arith.shrsi %squeeze3A_1155, %shift_right_arithmetic3A_1156 : i32
        %mul3A_1158 = arith.constant 128 : i32
        %mul3A_1159 = arith.muli %shift_right_arithmetic3A_1157, %mul3A_1158 : i32
        %multiple_of3A_1160 = tpu.assume_multiple %mul3A_1159, 128 : i32
        %dma_start3A_1161 = arith.constant 1 : i32
        %dma_start3A_1162 = arith.constant 0 : i32
        %dma_start3A_1163 = arith.constant 0 : i32
        %dma_start3A_1164 = tpu.memref_slice %arg9[%dma_start3A_1161, %dma_start3A_1162, %dma_start3A_1163] : memref<16x32x128xf32, #tpu.memory_space<vmem>> -> memref<1x32x128xf32, #tpu.memory_space<vmem>>
        %dma_start3A_1165 = tpu.memref_squeeze %dma_start3A_1164 : memref<1x32x128xf32, #tpu.memory_space<vmem>> -> memref<32x128xf32, #tpu.memory_space<vmem>>
        %dma_start3A_1166 = arith.constant 0 : i32
        %dma_start3A_1167 = tpu.memref_slice %arg3[%dma_start3A_1166, %multiple_of3A_1160] : memref<32x1000000xf32, #tpu.memory_space<hbm>> -> memref<32x128xf32, #tpu.memory_space<hbm>>
        %dma_start3A_1168 = arith.constant 0 : i32
        %dma_start3A_1169 = arith.constant 0 : i32
        %dma_start3A_1170 = tpu.memref_slice %arg9[%dma_start3A_1161, %dma_start3A_1168, %dma_start3A_1169] : memref<16x32x128xf32, #tpu.memory_space<vmem>> -> memref<1x32x128xf32, #tpu.memory_space<vmem>>
        %dma_start3A_1171 = tpu.memref_squeeze %dma_start3A_1170 : memref<1x32x128xf32, #tpu.memory_space<vmem>> -> memref<32x128xf32, #tpu.memory_space<vmem>>
        %dma_start3A_1172 = arith.constant 0 : i32
        %dma_start3A_1173 = tpu.memref_slice %arg3[%dma_start3A_1172, %multiple_of3A_1160] : memref<32x1000000xf32, #tpu.memory_space<hbm>> -> memref<32x128xf32, #tpu.memory_space<hbm>>
        tpu.enqueue_dma source(%dma_start3A_1173 : memref<32x128xf32, #tpu.memory_space<hbm>>) target(%dma_start3A_1171 : memref<32x128xf32, #tpu.memory_space<vmem>>) target_semaphore(%arg12 : memref<!tpu.dma_semaphore, #tpu.memory_space<semaphore_mem>>)
        %slice3A_1174 = vector.extract_strided_slice %get3A_1133 {offsets = [2], sizes = [1], strides = [1]} : vector<16xi32> to vector<1xi32>
        %squeeze3A_1175 = vector.extract %slice3A_1174[0] : i32 from vector<1xi32>
        %shift_right_arithmetic3A_1176 = arith.constant 7 : i32
        %shift_right_arithmetic3A_1177 = arith.shrsi %squeeze3A_1175, %shift_right_arithmetic3A_1176 : i32
        %mul3A_1178 = arith.constant 128 : i32
        %mul3A_1179 = arith.muli %shift_right_arithmetic3A_1177, %mul3A_1178 : i32
        %multiple_of3A_1180 = tpu.assume_multiple %mul3A_1179, 128 : i32
        %dma_start3A_1181 = arith.constant 2 : i32
        %dma_start3A_1182 = arith.constant 0 : i32
        %dma_start3A_1183 = arith.constant 0 : i32
        %dma_start3A_1184 = tpu.memref_slice %arg9[%dma_start3A_1181, %dma_start3A_1182, %dma_start3A_1183] : memref<16x32x128xf32, #tpu.memory_space<vmem>> -> memref<1x32x128xf32, #tpu.memory_space<vmem>>
        %dma_start3A_1185 = tpu.memref_squeeze %dma_start3A_1184 : memref<1x32x128xf32, #tpu.memory_space<vmem>> -> memref<32x128xf32, #tpu.memory_space<vmem>>
        %dma_start3A_1186 = arith.constant 0 : i32
        %dma_start3A_1187 = tpu.memref_slice %arg3[%dma_start3A_1186, %multiple_of3A_1180] : memref<32x1000000xf32, #tpu.memory_space<hbm>> -> memref<32x128xf32, #tpu.memory_space<hbm>>
        %dma_start3A_1188 = arith.constant 0 : i32
        %dma_start3A_1189 = arith.constant 0 : i32
        %dma_start3A_1190 = tpu.memref_slice %arg9[%dma_start3A_1181, %dma_start3A_1188, %dma_start3A_1189] : memref<16x32x128xf32, #tpu.memory_space<vmem>> -> memref<1x32x128xf32, #tpu.memory_space<vmem>>
        %dma_start3A_1191 = tpu.memref_squeeze %dma_start3A_1190 : memref<1x32x128xf32, #tpu.memory_space<vmem>> -> memref<32x128xf32, #tpu.memory_space<vmem>>
        %dma_start3A_1192 = arith.constant 0 : i32
        %dma_start3A_1193 = tpu.memref_slice %arg3[%dma_start3A_1192, %multiple_of3A_1180] : memref<32x1000000xf32, #tpu.memory_space<hbm>> -> memref<32x128xf32, #tpu.memory_space<hbm>>
        tpu.enqueue_dma source(%dma_start3A_1193 : memref<32x128xf32, #tpu.memory_space<hbm>>) target(%dma_start3A_1191 : memref<32x128xf32, #tpu.memory_space<vmem>>) target_semaphore(%arg12 : memref<!tpu.dma_semaphore, #tpu.memory_space<semaphore_mem>>)
        %slice3A_1194 = vector.extract_strided_slice %get3A_1133 {offsets = [3], sizes = [1], strides = [1]} : vector<16xi32> to vector<1xi32>
        %squeeze3A_1195 = vector.extract %slice3A_1194[0] : i32 from vector<1xi32>
        %shift_right_arithmetic3A_1196 = arith.constant 7 : i32
        %shift_right_arithmetic3A_1197 = arith.shrsi %squeeze3A_1195, %shift_right_arithmetic3A_1196 : i32
        %mul3A_1198 = arith.constant 128 : i32
        %mul3A_1199 = arith.muli %shift_right_arithmetic3A_1197, %mul3A_1198 : i32
        %multiple_of3A_1200 = tpu.assume_multiple %mul3A_1199, 128 : i32
        %dma_start3A_1201 = arith.constant 3 : i32
        %dma_start3A_1202 = arith.constant 0 : i32
        %dma_start3A_1203 = arith.constant 0 : i32
        %dma_start3A_1204 = tpu.memref_slice %arg9[%dma_start3A_1201, %dma_start3A_1202, %dma_start3A_1203] : memref<16x32x128xf32, #tpu.memory_space<vmem>> -> memref<1x32x128xf32, #tpu.memory_space<vmem>>
        %dma_start3A_1205 = tpu.memref_squeeze %dma_start3A_1204 : memref<1x32x128xf32, #tpu.memory_space<vmem>> -> memref<32x128xf32, #tpu.memory_space<vmem>>
        %dma_start3A_1206 = arith.constant 0 : i32
        %dma_start3A_1207 = tpu.memref_slice %arg3[%dma_start3A_1206, %multiple_of3A_1200] : memref<32x1000000xf32, #tpu.memory_space<hbm>> -> memref<32x128xf32, #tpu.memory_space<hbm>>
        %dma_start3A_1208 = arith.constant 0 : i32
        %dma_start3A_1209 = arith.constant 0 : i32
        %dma_start3A_1210 = tpu.memref_slice %arg9[%dma_start3A_1201, %dma_start3A_1208, %dma_start3A_1209] : memref<16x32x128xf32, #tpu.memory_space<vmem>> -> memref<1x32x128xf32, #tpu.memory_space<vmem>>
        %dma_start3A_1211 = tpu.memref_squeeze %dma_start3A_1210 : memref<1x32x128xf32, #tpu.memory_space<vmem>> -> memref<32x128xf32, #tpu.memory_space<vmem>>
        %dma_start3A_1212 = arith.constant 0 : i32
        %dma_start3A_1213 = tpu.memref_slice %arg3[%dma_start3A_1212, %multiple_of3A_1200] : memref<32x1000000xf32, #tpu.memory_space<hbm>> -> memref<32x128xf32, #tpu.memory_space<hbm>>
        tpu.enqueue_dma source(%dma_start3A_1213 : memref<32x128xf32, #tpu.memory_space<hbm>>) target(%dma_start3A_1211 : memref<32x128xf32, #tpu.memory_space<vmem>>) target_semaphore(%arg12 : memref<!tpu.dma_semaphore, #tpu.memory_space<semaphore_mem>>)
        %slice3A_1214 = vector.extract_strided_slice %get3A_1133 {offsets = [4], sizes = [1], strides = [1]} : vector<16xi32> to vector<1xi32>
        %squeeze3A_1215 = vector.extract %slice3A_1214[0] : i32 from vector<1xi32>
        %shift_right_arithmetic3A_1216 = arith.constant 7 : i32
        %shift_right_arithmetic3A_1217 = arith.shrsi %squeeze3A_1215, %shift_right_arithmetic3A_1216 : i32
        %mul3A_1218 = arith.constant 128 : i32
        %mul3A_1219 = arith.muli %shift_right_arithmetic3A_1217, %mul3A_1218 : i32
        %multiple_of3A_1220 = tpu.assume_multiple %mul3A_1219, 128 : i32
        %dma_start3A_1221 = arith.constant 4 : i32
        %dma_start3A_1222 = arith.constant 0 : i32
        %dma_start3A_1223 = arith.constant 0 : i32
        %dma_start3A_1224 = tpu.memref_slice %arg9[%dma_start3A_1221, %dma_start3A_1222, %dma_start3A_1223] : memref<16x32x128xf32, #tpu.memory_space<vmem>> -> memref<1x32x128xf32, #tpu.memory_space<vmem>>
        %dma_start3A_1225 = tpu.memref_squeeze %dma_start3A_1224 : memref<1x32x128xf32, #tpu.memory_space<vmem>> -> memref<32x128xf32, #tpu.memory_space<vmem>>
        %dma_start3A_1226 = arith.constant 0 : i32
        %dma_start3A_1227 = tpu.memref_slice %arg3[%dma_start3A_1226, %multiple_of3A_1220] : memref<32x1000000xf32, #tpu.memory_space<hbm>> -> memref<32x128xf32, #tpu.memory_space<hbm>>
        %dma_start3A_1228 = arith.constant 0 : i32
        %dma_start3A_1229 = arith.constant 0 : i32
        %dma_start3A_1230 = tpu.memref_slice %arg9[%dma_start3A_1221, %dma_start3A_1228, %dma_start3A_1229] : memref<16x32x128xf32, #tpu.memory_space<vmem>> -> memref<1x32x128xf32, #tpu.memory_space<vmem>>
        %dma_start3A_1231 = tpu.memref_squeeze %dma_start3A_1230 : memref<1x32x128xf32, #tpu.memory_space<vmem>> -> memref<32x128xf32, #tpu.memory_space<vmem>>
        %dma_start3A_1232 = arith.constant 0 : i32
        %dma_start3A_1233 = tpu.memref_slice %arg3[%dma_start3A_1232, %multiple_of3A_1220] : memref<32x1000000xf32, #tpu.memory_space<hbm>> -> memref<32x128xf32, #tpu.memory_space<hbm>>
        tpu.enqueue_dma source(%dma_start3A_1233 : memref<32x128xf32, #tpu.memory_space<hbm>>) target(%dma_start3A_1231 : memref<32x128xf32, #tpu.memory_space<vmem>>) target_semaphore(%arg12 : memref<!tpu.dma_semaphore, #tpu.memory_space<semaphore_mem>>)
        %slice3A_1234 = vector.extract_strided_slice %get3A_1133 {offsets = [5], sizes = [1], strides = [1]} : vector<16xi32> to vector<1xi32>
        %squeeze3A_1235 = vector.extract %slice3A_1234[0] : i32 from vector<1xi32>
        %shift_right_arithmetic3A_1236 = arith.constant 7 : i32
        %shift_right_arithmetic3A_1237 = arith.shrsi %squeeze3A_1235, %shift_right_arithmetic3A_1236 : i32
        %mul3A_1238 = arith.constant 128 : i32
        %mul3A_1239 = arith.muli %shift_right_arithmetic3A_1237, %mul3A_1238 : i32
        %multiple_of3A_1240 = tpu.assume_multiple %mul3A_1239, 128 : i32
        %dma_start3A_1241 = arith.constant 5 : i32
        %dma_start3A_1242 = arith.constant 0 : i32
        %dma_start3A_1243 = arith.constant 0 : i32
        %dma_start3A_1244 = tpu.memref_slice %arg9[%dma_start3A_1241, %dma_start3A_1242, %dma_start3A_1243] : memref<16x32x128xf32, #tpu.memory_space<vmem>> -> memref<1x32x128xf32, #tpu.memory_space<vmem>>
        %dma_start3A_1245 = tpu.memref_squeeze %dma_start3A_1244 : memref<1x32x128xf32, #tpu.memory_space<vmem>> -> memref<32x128xf32, #tpu.memory_space<vmem>>
        %dma_start3A_1246 = arith.constant 0 : i32
        %dma_start3A_1247 = tpu.memref_slice %arg3[%dma_start3A_1246, %multiple_of3A_1240] : memref<32x1000000xf32, #tpu.memory_space<hbm>> -> memref<32x128xf32, #tpu.memory_space<hbm>>
        %dma_start3A_1248 = arith.constant 0 : i32
        %dma_start3A_1249 = arith.constant 0 : i32
        %dma_start3A_1250 = tpu.memref_slice %arg9[%dma_start3A_1241, %dma_start3A_1248, %dma_start3A_1249] : memref<16x32x128xf32, #tpu.memory_space<vmem>> -> memref<1x32x128xf32, #tpu.memory_space<vmem>>
        %dma_start3A_1251 = tpu.memref_squeeze %dma_start3A_1250 : memref<1x32x128xf32, #tpu.memory_space<vmem>> -> memref<32x128xf32, #tpu.memory_space<vmem>>
        %dma_start3A_1252 = arith.constant 0 : i32
        %dma_start3A_1253 = tpu.memref_slice %arg3[%dma_start3A_1252, %multiple_of3A_1240] : memref<32x1000000xf32, #tpu.memory_space<hbm>> -> memref<32x128xf32, #tpu.memory_space<hbm>>
        tpu.enqueue_dma source(%dma_start3A_1253 : memref<32x128xf32, #tpu.memory_space<hbm>>) target(%dma_start3A_1251 : memref<32x128xf32, #tpu.memory_space<vmem>>) target_semaphore(%arg12 : memref<!tpu.dma_semaphore, #tpu.memory_space<semaphore_mem>>)
        %slice3A_1254 = vector.extract_strided_slice %get3A_1133 {offsets = [6], sizes = [1], strides = [1]} : vector<16xi32> to vector<1xi32>
        %squeeze3A_1255 = vector.extract %slice3A_1254[0] : i32 from vector<1xi32>
        %shift_right_arithmetic3A_1256 = arith.constant 7 : i32
        %shift_right_arithmetic3A_1257 = arith.shrsi %squeeze3A_1255, %shift_right_arithmetic3A_1256 : i32
        %mul3A_1258 = arith.constant 128 : i32
        %mul3A_1259 = arith.muli %shift_right_arithmetic3A_1257, %mul3A_1258 : i32
        %multiple_of3A_1260 = tpu.assume_multiple %mul3A_1259, 128 : i32
        %dma_start3A_1261 = arith.constant 6 : i32
        %dma_start3A_1262 = arith.constant 0 : i32
        %dma_start3A_1263 = arith.constant 0 : i32
        %dma_start3A_1264 = tpu.memref_slice %arg9[%dma_start3A_1261, %dma_start3A_1262, %dma_start3A_1263] : memref<16x32x128xf32, #tpu.memory_space<vmem>> -> memref<1x32x128xf32, #tpu.memory_space<vmem>>
        %dma_start3A_1265 = tpu.memref_squeeze %dma_start3A_1264 : memref<1x32x128xf32, #tpu.memory_space<vmem>> -> memref<32x128xf32, #tpu.memory_space<vmem>>
        %dma_start3A_1266 = arith.constant 0 : i32
        %dma_start3A_1267 = tpu.memref_slice %arg3[%dma_start3A_1266, %multiple_of3A_1260] : memref<32x1000000xf32, #tpu.memory_space<hbm>> -> memref<32x128xf32, #tpu.memory_space<hbm>>
        %dma_start3A_1268 = arith.constant 0 : i32
        %dma_start3A_1269 = arith.constant 0 : i32
        %dma_start3A_1270 = tpu.memref_slice %arg9[%dma_start3A_1261, %dma_start3A_1268, %dma_start3A_1269] : memref<16x32x128xf32, #tpu.memory_space<vmem>> -> memref<1x32x128xf32, #tpu.memory_space<vmem>>
        %dma_start3A_1271 = tpu.memref_squeeze %dma_start3A_1270 : memref<1x32x128xf32, #tpu.memory_space<vmem>> -> memref<32x128xf32, #tpu.memory_space<vmem>>
        %dma_start3A_1272 = arith.constant 0 : i32
        %dma_start3A_1273 = tpu.memref_slice %arg3[%dma_start3A_1272, %multiple_of3A_1260] : memref<32x1000000xf32, #tpu.memory_space<hbm>> -> memref<32x128xf32, #tpu.memory_space<hbm>>
        tpu.enqueue_dma source(%dma_start3A_1273 : memref<32x128xf32, #tpu.memory_space<hbm>>) target(%dma_start3A_1271 : memref<32x128xf32, #tpu.memory_space<vmem>>) target_semaphore(%arg12 : memref<!tpu.dma_semaphore, #tpu.memory_space<semaphore_mem>>)
        %slice3A_1274 = vector.extract_strided_slice %get3A_1133 {offsets = [7], sizes = [1], strides = [1]} : vector<16xi32> to vector<1xi32>
        %squeeze3A_1275 = vector.extract %slice3A_1274[0] : i32 from vector<1xi32>
        %shift_right_arithmetic3A_1276 = arith.constant 7 : i32
        %shift_right_arithmetic3A_1277 = arith.shrsi %squeeze3A_1275, %shift_right_arithmetic3A_1276 : i32
        %mul3A_1278 = arith.constant 128 : i32
        %mul3A_1279 = arith.muli %shift_right_arithmetic3A_1277, %mul3A_1278 : i32
        %multiple_of3A_1280 = tpu.assume_multiple %mul3A_1279, 128 : i32
        %dma_start3A_1281 = arith.constant 7 : i32
        %dma_start3A_1282 = arith.constant 0 : i32
        %dma_start3A_1283 = arith.constant 0 : i32
        %dma_start3A_1284 = tpu.memref_slice %arg9[%dma_start3A_1281, %dma_start3A_1282, %dma_start3A_1283] : memref<16x32x128xf32, #tpu.memory_space<vmem>> -> memref<1x32x128xf32, #tpu.memory_space<vmem>>
        %dma_start3A_1285 = tpu.memref_squeeze %dma_start3A_1284 : memref<1x32x128xf32, #tpu.memory_space<vmem>> -> memref<32x128xf32, #tpu.memory_space<vmem>>
        %dma_start3A_1286 = arith.constant 0 : i32
        %dma_start3A_1287 = tpu.memref_slice %arg3[%dma_start3A_1286, %multiple_of3A_1280] : memref<32x1000000xf32, #tpu.memory_space<hbm>> -> memref<32x128xf32, #tpu.memory_space<hbm>>
        %dma_start3A_1288 = arith.constant 0 : i32
        %dma_start3A_1289 = arith.constant 0 : i32
        %dma_start3A_1290 = tpu.memref_slice %arg9[%dma_start3A_1281, %dma_start3A_1288, %dma_start3A_1289] : memref<16x32x128xf32, #tpu.memory_space<vmem>> -> memref<1x32x128xf32, #tpu.memory_space<vmem>>
        %dma_start3A_1291 = tpu.memref_squeeze %dma_start3A_1290 : memref<1x32x128xf32, #tpu.memory_space<vmem>> -> memref<32x128xf32, #tpu.memory_space<vmem>>
        %dma_start3A_1292 = arith.constant 0 : i32
        %dma_start3A_1293 = tpu.memref_slice %arg3[%dma_start3A_1292, %multiple_of3A_1280] : memref<32x1000000xf32, #tpu.memory_space<hbm>> -> memref<32x128xf32, #tpu.memory_space<hbm>>
        tpu.enqueue_dma source(%dma_start3A_1293 : memref<32x128xf32, #tpu.memory_space<hbm>>) target(%dma_start3A_1291 : memref<32x128xf32, #tpu.memory_space<vmem>>) target_semaphore(%arg12 : memref<!tpu.dma_semaphore, #tpu.memory_space<semaphore_mem>>)
      } else {
      }
      %add3A_826 = arith.constant 1 : i32
      %add3A_827 = arith.addi %mul3A_360, %add3A_826 : i32
      %mul3A_828 = arith.constant 8 : i32
      %mul3A_829 = arith.muli %add3A_827, %mul3A_828 : i32
      %get3A_830 = arith.index_cast %mul3A_829 : i32 to index
      %get3A_831 = tpu.vector_load %arg8[%get3A_830] {strides = array<i32>} : memref<528xi32, #tpu.memory_space<vmem>>, vector<16xi32>,
      %slice3A_832 = vector.extract_strided_slice %get3A_831 {offsets = [0], sizes = [1], strides = [1]} : vector<16xi32> to vector<1xi32>
      %squeeze3A_833 = vector.extract %slice3A_832[0] : i32 from vector<1xi32>
      %mul3A_834 = arith.constant 8 : i32
      %mul3A_835 = arith.muli %add3A_827, %mul3A_834 : i32
      %add3A_836 = arith.constant 0 : i32
      %add3A_837 = arith.addi %mul3A_835, %add3A_836 : i32
      %dma_wait3A_838 = arith.constant 8 : i32
      %dma_wait3A_839 = arith.constant 0 : i32
      %dma_wait3A_840 = arith.constant 0 : i32
      %dma_wait3A_841 = tpu.memref_slice %arg9[%dma_wait3A_838, %dma_wait3A_839, %dma_wait3A_840] : memref<16x32x128xf32, #tpu.memory_space<vmem>> -> memref<1x32x128xf32, #tpu.memory_space<vmem>>
      %dma_wait3A_842 = tpu.memref_squeeze %dma_wait3A_841 : memref<1x32x128xf32, #tpu.memory_space<vmem>> -> memref<32x128xf32, #tpu.memory_space<vmem>>
      %dma_wait3A_843 = arith.constant 0 : i32
      %dma_wait3A_844 = arith.constant 0 : i32
      %dma_wait3A_845 = tpu.memref_slice %arg3[%dma_wait3A_843, %dma_wait3A_844] : memref<32x1000000xf32, #tpu.memory_space<hbm>> -> memref<32x128xf32, #tpu.memory_space<hbm>>
      %dma_wait3A_846 = arith.constant 0 : i32
      %dma_wait3A_847 = arith.constant 0 : i32
      %dma_wait3A_848 = tpu.memref_slice %arg9[%dma_wait3A_838, %dma_wait3A_846, %dma_wait3A_847] : memref<16x32x128xf32, #tpu.memory_space<vmem>> -> memref<1x32x128xf32, #tpu.memory_space<vmem>>
      %dma_wait3A_849 = tpu.memref_squeeze %dma_wait3A_848 : memref<1x32x128xf32, #tpu.memory_space<vmem>> -> memref<32x128xf32, #tpu.memory_space<vmem>>
      %dma_wait3A_850 = arith.constant 0 : i32
      %dma_wait3A_851 = arith.constant 0 : i32
      %dma_wait3A_852 = tpu.memref_slice %arg3[%dma_wait3A_850, %dma_wait3A_851] : memref<32x1000000xf32, #tpu.memory_space<hbm>> -> memref<32x128xf32, #tpu.memory_space<hbm>>
      tpu.wait_dma2 semaphore(%arg12 : memref<!tpu.dma_semaphore, #tpu.memory_space<semaphore_mem>>) src(%dma_wait3A_852 : memref<32x128xf32, #tpu.memory_space<hbm>>) dst(%dma_wait3A_849 : memref<32x128xf32, #tpu.memory_space<vmem>>)
      %and3A_853 = arith.constant 127 : i32
      %and3A_854 = arith.andi %squeeze3A_833, %and3A_853 : i32
      %broadcast_in_dim3A_855 = vector.broadcast %and3A_854 : i32 to vector<16xi32>
      %broadcast_in_dim3A_856 = vector.broadcast %add3A_837 : i32 to vector<16xi32>
      %gather3A_857 = arith.constant 8 : i32
      %gather3A_858 = arith.constant 0 : i32
      %gather3A_859 = arith.constant 0 : i32
      %gather3A_860 = tpu.memref_slice %arg9[%gather3A_857, %gather3A_858, %gather3A_859] : memref<16x32x128xf32, #tpu.memory_space<vmem>> -> memref<1x32x128xf32, #tpu.memory_space<vmem>>
      %gather3A_861 = tpu.memref_squeeze %gather3A_860 : memref<1x32x128xf32, #tpu.memory_space<vmem>> -> memref<32x128xf32, #tpu.memory_space<vmem>>
      %gather3A_862 = tpu.vector_load_idx %gather3A_861[%iota3A, %broadcast_in_dim3A_855] : memref<32x128xf32, #tpu.memory_space<vmem>>[vector<16xi32>, vector<16xi32>], vector<16xf32>,
      %gather3A_863 = arith.constant 8 : i32
      %gather3A_864 = arith.constant 0 : i32
      %gather3A_865 = arith.constant 0 : i32
      %gather3A_866 = tpu.memref_slice %arg9[%gather3A_863, %gather3A_864, %gather3A_865] : memref<16x32x128xf32, #tpu.memory_space<vmem>> -> memref<1x32x128xf32, #tpu.memory_space<vmem>>
      %gather3A_867 = tpu.memref_squeeze %gather3A_866 : memref<1x32x128xf32, #tpu.memory_space<vmem>> -> memref<32x128xf32, #tpu.memory_space<vmem>>
      %gather3A_868 = tpu.vector_load_idx %gather3A_867[%add3A_5, %broadcast_in_dim3A_855] : memref<32x128xf32, #tpu.memory_space<vmem>>[vector<16xi32>, vector<16xi32>], vector<16xf32>,
      tpu.vector_store_idx %arg11[%iota3A, %broadcast_in_dim3A_856], %gather3A_862 : memref<32x512xf32, #tpu.memory_space<vmem>>[vector<16xi32>, vector<16xi32>], vector<16xf32>,
      tpu.vector_store_idx %arg11[%add3A_5, %broadcast_in_dim3A_856], %gather3A_868 : memref<32x512xf32, #tpu.memory_space<vmem>>[vector<16xi32>, vector<16xi32>], vector<16xf32>,
      %slice3A_869 = vector.extract_strided_slice %get3A_831 {offsets = [1], sizes = [1], strides = [1]} : vector<16xi32> to vector<1xi32>
      %squeeze3A_870 = vector.extract %slice3A_869[0] : i32 from vector<1xi32>
      %mul3A_871 = arith.constant 8 : i32
      %mul3A_872 = arith.muli %add3A_827, %mul3A_871 : i32
      %add3A_873 = arith.constant 1 : i32
      %add3A_874 = arith.addi %mul3A_872, %add3A_873 : i32
      %dma_wait3A_875 = arith.constant 9 : i32
      %dma_wait3A_876 = arith.constant 0 : i32
      %dma_wait3A_877 = arith.constant 0 : i32
      %dma_wait3A_878 = tpu.memref_slice %arg9[%dma_wait3A_875, %dma_wait3A_876, %dma_wait3A_877] : memref<16x32x128xf32, #tpu.memory_space<vmem>> -> memref<1x32x128xf32, #tpu.memory_space<vmem>>
      %dma_wait3A_879 = tpu.memref_squeeze %dma_wait3A_878 : memref<1x32x128xf32, #tpu.memory_space<vmem>> -> memref<32x128xf32, #tpu.memory_space<vmem>>
      %dma_wait3A_880 = arith.constant 0 : i32
      %dma_wait3A_881 = arith.constant 0 : i32
      %dma_wait3A_882 = tpu.memref_slice %arg3[%dma_wait3A_880, %dma_wait3A_881] : memref<32x1000000xf32, #tpu.memory_space<hbm>> -> memref<32x128xf32, #tpu.memory_space<hbm>>
      %dma_wait3A_883 = arith.constant 0 : i32
      %dma_wait3A_884 = arith.constant 0 : i32
      %dma_wait3A_885 = tpu.memref_slice %arg9[%dma_wait3A_875, %dma_wait3A_883, %dma_wait3A_884] : memref<16x32x128xf32, #tpu.memory_space<vmem>> -> memref<1x32x128xf32, #tpu.memory_space<vmem>>
      %dma_wait3A_886 = tpu.memref_squeeze %dma_wait3A_885 : memref<1x32x128xf32, #tpu.memory_space<vmem>> -> memref<32x128xf32, #tpu.memory_space<vmem>>
      %dma_wait3A_887 = arith.constant 0 : i32
      %dma_wait3A_888 = arith.constant 0 : i32
      %dma_wait3A_889 = tpu.memref_slice %arg3[%dma_wait3A_887, %dma_wait3A_888] : memref<32x1000000xf32, #tpu.memory_space<hbm>> -> memref<32x128xf32, #tpu.memory_space<hbm>>
      tpu.wait_dma2 semaphore(%arg12 : memref<!tpu.dma_semaphore, #tpu.memory_space<semaphore_mem>>) src(%dma_wait3A_889 : memref<32x128xf32, #tpu.memory_space<hbm>>) dst(%dma_wait3A_886 : memref<32x128xf32, #tpu.memory_space<vmem>>)
      %and3A_890 = arith.constant 127 : i32
      %and3A_891 = arith.andi %squeeze3A_870, %and3A_890 : i32
      %broadcast_in_dim3A_892 = vector.broadcast %and3A_891 : i32 to vector<16xi32>
      %broadcast_in_dim3A_893 = vector.broadcast %add3A_874 : i32 to vector<16xi32>
      %gather3A_894 = arith.constant 9 : i32
      %gather3A_895 = arith.constant 0 : i32
      %gather3A_896 = arith.constant 0 : i32
      %gather3A_897 = tpu.memref_slice %arg9[%gather3A_894, %gather3A_895, %gather3A_896] : memref<16x32x128xf32, #tpu.memory_space<vmem>> -> memref<1x32x128xf32, #tpu.memory_space<vmem>>
      %gather3A_898 = tpu.memref_squeeze %gather3A_897 : memref<1x32x128xf32, #tpu.memory_space<vmem>> -> memref<32x128xf32, #tpu.memory_space<vmem>>
      %gather3A_899 = tpu.vector_load_idx %gather3A_898[%iota3A, %broadcast_in_dim3A_892] : memref<32x128xf32, #tpu.memory_space<vmem>>[vector<16xi32>, vector<16xi32>], vector<16xf32>,
      %gather3A_900 = arith.constant 9 : i32
      %gather3A_901 = arith.constant 0 : i32
      %gather3A_902 = arith.constant 0 : i32
      %gather3A_903 = tpu.memref_slice %arg9[%gather3A_900, %gather3A_901, %gather3A_902] : memref<16x32x128xf32, #tpu.memory_space<vmem>> -> memref<1x32x128xf32, #tpu.memory_space<vmem>>
      %gather3A_904 = tpu.memref_squeeze %gather3A_903 : memref<1x32x128xf32, #tpu.memory_space<vmem>> -> memref<32x128xf32, #tpu.memory_space<vmem>>
      %gather3A_905 = tpu.vector_load_idx %gather3A_904[%add3A_5, %broadcast_in_dim3A_892] : memref<32x128xf32, #tpu.memory_space<vmem>>[vector<16xi32>, vector<16xi32>], vector<16xf32>,
      tpu.vector_store_idx %arg11[%iota3A, %broadcast_in_dim3A_893], %gather3A_899 : memref<32x512xf32, #tpu.memory_space<vmem>>[vector<16xi32>, vector<16xi32>], vector<16xf32>,
      tpu.vector_store_idx %arg11[%add3A_5, %broadcast_in_dim3A_893], %gather3A_905 : memref<32x512xf32, #tpu.memory_space<vmem>>[vector<16xi32>, vector<16xi32>], vector<16xf32>,
      %slice3A_906 = vector.extract_strided_slice %get3A_831 {offsets = [2], sizes = [1], strides = [1]} : vector<16xi32> to vector<1xi32>
      %squeeze3A_907 = vector.extract %slice3A_906[0] : i32 from vector<1xi32>
      %mul3A_908 = arith.constant 8 : i32
      %mul3A_909 = arith.muli %add3A_827, %mul3A_908 : i32
      %add3A_910 = arith.constant 2 : i32
      %add3A_911 = arith.addi %mul3A_909, %add3A_910 : i32
      %dma_wait3A_912 = arith.constant 10 : i32
      %dma_wait3A_913 = arith.constant 0 : i32
      %dma_wait3A_914 = arith.constant 0 : i32
      %dma_wait3A_915 = tpu.memref_slice %arg9[%dma_wait3A_912, %dma_wait3A_913, %dma_wait3A_914] : memref<16x32x128xf32, #tpu.memory_space<vmem>> -> memref<1x32x128xf32, #tpu.memory_space<vmem>>
      %dma_wait3A_916 = tpu.memref_squeeze %dma_wait3A_915 : memref<1x32x128xf32, #tpu.memory_space<vmem>> -> memref<32x128xf32, #tpu.memory_space<vmem>>
      %dma_wait3A_917 = arith.constant 0 : i32
      %dma_wait3A_918 = arith.constant 0 : i32
      %dma_wait3A_919 = tpu.memref_slice %arg3[%dma_wait3A_917, %dma_wait3A_918] : memref<32x1000000xf32, #tpu.memory_space<hbm>> -> memref<32x128xf32, #tpu.memory_space<hbm>>
      %dma_wait3A_920 = arith.constant 0 : i32
      %dma_wait3A_921 = arith.constant 0 : i32
      %dma_wait3A_922 = tpu.memref_slice %arg9[%dma_wait3A_912, %dma_wait3A_920, %dma_wait3A_921] : memref<16x32x128xf32, #tpu.memory_space<vmem>> -> memref<1x32x128xf32, #tpu.memory_space<vmem>>
      %dma_wait3A_923 = tpu.memref_squeeze %dma_wait3A_922 : memref<1x32x128xf32, #tpu.memory_space<vmem>> -> memref<32x128xf32, #tpu.memory_space<vmem>>
      %dma_wait3A_924 = arith.constant 0 : i32
      %dma_wait3A_925 = arith.constant 0 : i32
      %dma_wait3A_926 = tpu.memref_slice %arg3[%dma_wait3A_924, %dma_wait3A_925] : memref<32x1000000xf32, #tpu.memory_space<hbm>> -> memref<32x128xf32, #tpu.memory_space<hbm>>
      tpu.wait_dma2 semaphore(%arg12 : memref<!tpu.dma_semaphore, #tpu.memory_space<semaphore_mem>>) src(%dma_wait3A_926 : memref<32x128xf32, #tpu.memory_space<hbm>>) dst(%dma_wait3A_923 : memref<32x128xf32, #tpu.memory_space<vmem>>)
      %and3A_927 = arith.constant 127 : i32
      %and3A_928 = arith.andi %squeeze3A_907, %and3A_927 : i32
      %broadcast_in_dim3A_929 = vector.broadcast %and3A_928 : i32 to vector<16xi32>
      %broadcast_in_dim3A_930 = vector.broadcast %add3A_911 : i32 to vector<16xi32>
      %gather3A_931 = arith.constant 10 : i32
      %gather3A_932 = arith.constant 0 : i32
      %gather3A_933 = arith.constant 0 : i32
      %gather3A_934 = tpu.memref_slice %arg9[%gather3A_931, %gather3A_932, %gather3A_933] : memref<16x32x128xf32, #tpu.memory_space<vmem>> -> memref<1x32x128xf32, #tpu.memory_space<vmem>>
      %gather3A_935 = tpu.memref_squeeze %gather3A_934 : memref<1x32x128xf32, #tpu.memory_space<vmem>> -> memref<32x128xf32, #tpu.memory_space<vmem>>
      %gather3A_936 = tpu.vector_load_idx %gather3A_935[%iota3A, %broadcast_in_dim3A_929] : memref<32x128xf32, #tpu.memory_space<vmem>>[vector<16xi32>, vector<16xi32>], vector<16xf32>,
      %gather3A_937 = arith.constant 10 : i32
      %gather3A_938 = arith.constant 0 : i32
      %gather3A_939 = arith.constant 0 : i32
      %gather3A_940 = tpu.memref_slice %arg9[%gather3A_937, %gather3A_938, %gather3A_939] : memref<16x32x128xf32, #tpu.memory_space<vmem>> -> memref<1x32x128xf32, #tpu.memory_space<vmem>>
      %gather3A_941 = tpu.memref_squeeze %gather3A_940 : memref<1x32x128xf32, #tpu.memory_space<vmem>> -> memref<32x128xf32, #tpu.memory_space<vmem>>
      %gather3A_942 = tpu.vector_load_idx %gather3A_941[%add3A_5, %broadcast_in_dim3A_929] : memref<32x128xf32, #tpu.memory_space<vmem>>[vector<16xi32>, vector<16xi32>], vector<16xf32>,
      tpu.vector_store_idx %arg11[%iota3A, %broadcast_in_dim3A_930], %gather3A_936 : memref<32x512xf32, #tpu.memory_space<vmem>>[vector<16xi32>, vector<16xi32>], vector<16xf32>,
      tpu.vector_store_idx %arg11[%add3A_5, %broadcast_in_dim3A_930], %gather3A_942 : memref<32x512xf32, #tpu.memory_space<vmem>>[vector<16xi32>, vector<16xi32>], vector<16xf32>,
      %slice3A_943 = vector.extract_strided_slice %get3A_831 {offsets = [3], sizes = [1], strides = [1]} : vector<16xi32> to vector<1xi32>
      %squeeze3A_944 = vector.extract %slice3A_943[0] : i32 from vector<1xi32>
      %mul3A_945 = arith.constant 8 : i32
      %mul3A_946 = arith.muli %add3A_827, %mul3A_945 : i32
      %add3A_947 = arith.constant 3 : i32
      %add3A_948 = arith.addi %mul3A_946, %add3A_947 : i32
      %dma_wait3A_949 = arith.constant 11 : i32
      %dma_wait3A_950 = arith.constant 0 : i32
      %dma_wait3A_951 = arith.constant 0 : i32
      %dma_wait3A_952 = tpu.memref_slice %arg9[%dma_wait3A_949, %dma_wait3A_950, %dma_wait3A_951] : memref<16x32x128xf32, #tpu.memory_space<vmem>> -> memref<1x32x128xf32, #tpu.memory_space<vmem>>
      %dma_wait3A_953 = tpu.memref_squeeze %dma_wait3A_952 : memref<1x32x128xf32, #tpu.memory_space<vmem>> -> memref<32x128xf32, #tpu.memory_space<vmem>>
      %dma_wait3A_954 = arith.constant 0 : i32
      %dma_wait3A_955 = arith.constant 0 : i32
      %dma_wait3A_956 = tpu.memref_slice %arg3[%dma_wait3A_954, %dma_wait3A_955] : memref<32x1000000xf32, #tpu.memory_space<hbm>> -> memref<32x128xf32, #tpu.memory_space<hbm>>
      %dma_wait3A_957 = arith.constant 0 : i32
      %dma_wait3A_958 = arith.constant 0 : i32
      %dma_wait3A_959 = tpu.memref_slice %arg9[%dma_wait3A_949, %dma_wait3A_957, %dma_wait3A_958] : memref<16x32x128xf32, #tpu.memory_space<vmem>> -> memref<1x32x128xf32, #tpu.memory_space<vmem>>
      %dma_wait3A_960 = tpu.memref_squeeze %dma_wait3A_959 : memref<1x32x128xf32, #tpu.memory_space<vmem>> -> memref<32x128xf32, #tpu.memory_space<vmem>>
      %dma_wait3A_961 = arith.constant 0 : i32
      %dma_wait3A_962 = arith.constant 0 : i32
      %dma_wait3A_963 = tpu.memref_slice %arg3[%dma_wait3A_961, %dma_wait3A_962] : memref<32x1000000xf32, #tpu.memory_space<hbm>> -> memref<32x128xf32, #tpu.memory_space<hbm>>
      tpu.wait_dma2 semaphore(%arg12 : memref<!tpu.dma_semaphore, #tpu.memory_space<semaphore_mem>>) src(%dma_wait3A_963 : memref<32x128xf32, #tpu.memory_space<hbm>>) dst(%dma_wait3A_960 : memref<32x128xf32, #tpu.memory_space<vmem>>)
      %and3A_964 = arith.constant 127 : i32
      %and3A_965 = arith.andi %squeeze3A_944, %and3A_964 : i32
      %broadcast_in_dim3A_966 = vector.broadcast %and3A_965 : i32 to vector<16xi32>
      %broadcast_in_dim3A_967 = vector.broadcast %add3A_948 : i32 to vector<16xi32>
      %gather3A_968 = arith.constant 11 : i32
      %gather3A_969 = arith.constant 0 : i32
      %gather3A_970 = arith.constant 0 : i32
      %gather3A_971 = tpu.memref_slice %arg9[%gather3A_968, %gather3A_969, %gather3A_970] : memref<16x32x128xf32, #tpu.memory_space<vmem>> -> memref<1x32x128xf32, #tpu.memory_space<vmem>>
      %gather3A_972 = tpu.memref_squeeze %gather3A_971 : memref<1x32x128xf32, #tpu.memory_space<vmem>> -> memref<32x128xf32, #tpu.memory_space<vmem>>
      %gather3A_973 = tpu.vector_load_idx %gather3A_972[%iota3A, %broadcast_in_dim3A_966] : memref<32x128xf32, #tpu.memory_space<vmem>>[vector<16xi32>, vector<16xi32>], vector<16xf32>,
      %gather3A_974 = arith.constant 11 : i32
      %gather3A_975 = arith.constant 0 : i32
      %gather3A_976 = arith.constant 0 : i32
      %gather3A_977 = tpu.memref_slice %arg9[%gather3A_974, %gather3A_975, %gather3A_976] : memref<16x32x128xf32, #tpu.memory_space<vmem>> -> memref<1x32x128xf32, #tpu.memory_space<vmem>>
      %gather3A_978 = tpu.memref_squeeze %gather3A_977 : memref<1x32x128xf32, #tpu.memory_space<vmem>> -> memref<32x128xf32, #tpu.memory_space<vmem>>
      %gather3A_979 = tpu.vector_load_idx %gather3A_978[%add3A_5, %broadcast_in_dim3A_966] : memref<32x128xf32, #tpu.memory_space<vmem>>[vector<16xi32>, vector<16xi32>], vector<16xf32>,
      tpu.vector_store_idx %arg11[%iota3A, %broadcast_in_dim3A_967], %gather3A_973 : memref<32x512xf32, #tpu.memory_space<vmem>>[vector<16xi32>, vector<16xi32>], vector<16xf32>,
      tpu.vector_store_idx %arg11[%add3A_5, %broadcast_in_dim3A_967], %gather3A_979 : memref<32x512xf32, #tpu.memory_space<vmem>>[vector<16xi32>, vector<16xi32>], vector<16xf32>,
      %slice3A_980 = vector.extract_strided_slice %get3A_831 {offsets = [4], sizes = [1], strides = [1]} : vector<16xi32> to vector<1xi32>
      %squeeze3A_981 = vector.extract %slice3A_980[0] : i32 from vector<1xi32>
      %mul3A_982 = arith.constant 8 : i32
      %mul3A_983 = arith.muli %add3A_827, %mul3A_982 : i32
      %add3A_984 = arith.constant 4 : i32
      %add3A_985 = arith.addi %mul3A_983, %add3A_984 : i32
      %dma_wait3A_986 = arith.constant 12 : i32
      %dma_wait3A_987 = arith.constant 0 : i32
      %dma_wait3A_988 = arith.constant 0 : i32
      %dma_wait3A_989 = tpu.memref_slice %arg9[%dma_wait3A_986, %dma_wait3A_987, %dma_wait3A_988] : memref<16x32x128xf32, #tpu.memory_space<vmem>> -> memref<1x32x128xf32, #tpu.memory_space<vmem>>
      %dma_wait3A_990 = tpu.memref_squeeze %dma_wait3A_989 : memref<1x32x128xf32, #tpu.memory_space<vmem>> -> memref<32x128xf32, #tpu.memory_space<vmem>>
      %dma_wait3A_991 = arith.constant 0 : i32
      %dma_wait3A_992 = arith.constant 0 : i32
      %dma_wait3A_993 = tpu.memref_slice %arg3[%dma_wait3A_991, %dma_wait3A_992] : memref<32x1000000xf32, #tpu.memory_space<hbm>> -> memref<32x128xf32, #tpu.memory_space<hbm>>
      %dma_wait3A_994 = arith.constant 0 : i32
      %dma_wait3A_995 = arith.constant 0 : i32
      %dma_wait3A_996 = tpu.memref_slice %arg9[%dma_wait3A_986, %dma_wait3A_994, %dma_wait3A_995] : memref<16x32x128xf32, #tpu.memory_space<vmem>> -> memref<1x32x128xf32, #tpu.memory_space<vmem>>
      %dma_wait3A_997 = tpu.memref_squeeze %dma_wait3A_996 : memref<1x32x128xf32, #tpu.memory_space<vmem>> -> memref<32x128xf32, #tpu.memory_space<vmem>>
      %dma_wait3A_998 = arith.constant 0 : i32
      %dma_wait3A_999 = arith.constant 0 : i32
      %dma_wait3A_1000 = tpu.memref_slice %arg3[%dma_wait3A_998, %dma_wait3A_999] : memref<32x1000000xf32, #tpu.memory_space<hbm>> -> memref<32x128xf32, #tpu.memory_space<hbm>>
      tpu.wait_dma2 semaphore(%arg12 : memref<!tpu.dma_semaphore, #tpu.memory_space<semaphore_mem>>) src(%dma_wait3A_1000 : memref<32x128xf32, #tpu.memory_space<hbm>>) dst(%dma_wait3A_997 : memref<32x128xf32, #tpu.memory_space<vmem>>)
      %and3A_1001 = arith.constant 127 : i32
      %and3A_1002 = arith.andi %squeeze3A_981, %and3A_1001 : i32
      %broadcast_in_dim3A_1003 = vector.broadcast %and3A_1002 : i32 to vector<16xi32>
      %broadcast_in_dim3A_1004 = vector.broadcast %add3A_985 : i32 to vector<16xi32>
      %gather3A_1005 = arith.constant 12 : i32
      %gather3A_1006 = arith.constant 0 : i32
      %gather3A_1007 = arith.constant 0 : i32
      %gather3A_1008 = tpu.memref_slice %arg9[%gather3A_1005, %gather3A_1006, %gather3A_1007] : memref<16x32x128xf32, #tpu.memory_space<vmem>> -> memref<1x32x128xf32, #tpu.memory_space<vmem>>
      %gather3A_1009 = tpu.memref_squeeze %gather3A_1008 : memref<1x32x128xf32, #tpu.memory_space<vmem>> -> memref<32x128xf32, #tpu.memory_space<vmem>>
      %gather3A_1010 = tpu.vector_load_idx %gather3A_1009[%iota3A, %broadcast_in_dim3A_1003] : memref<32x128xf32, #tpu.memory_space<vmem>>[vector<16xi32>, vector<16xi32>], vector<16xf32>,
      %gather3A_1011 = arith.constant 12 : i32
      %gather3A_1012 = arith.constant 0 : i32
      %gather3A_1013 = arith.constant 0 : i32
      %gather3A_1014 = tpu.memref_slice %arg9[%gather3A_1011, %gather3A_1012, %gather3A_1013] : memref<16x32x128xf32, #tpu.memory_space<vmem>> -> memref<1x32x128xf32, #tpu.memory_space<vmem>>
      %gather3A_1015 = tpu.memref_squeeze %gather3A_1014 : memref<1x32x128xf32, #tpu.memory_space<vmem>> -> memref<32x128xf32, #tpu.memory_space<vmem>>
      %gather3A_1016 = tpu.vector_load_idx %gather3A_1015[%add3A_5, %broadcast_in_dim3A_1003] : memref<32x128xf32, #tpu.memory_space<vmem>>[vector<16xi32>, vector<16xi32>], vector<16xf32>,
      tpu.vector_store_idx %arg11[%iota3A, %broadcast_in_dim3A_1004], %gather3A_1010 : memref<32x512xf32, #tpu.memory_space<vmem>>[vector<16xi32>, vector<16xi32>], vector<16xf32>,
      tpu.vector_store_idx %arg11[%add3A_5, %broadcast_in_dim3A_1004], %gather3A_1016 : memref<32x512xf32, #tpu.memory_space<vmem>>[vector<16xi32>, vector<16xi32>], vector<16xf32>,
      %slice3A_1017 = vector.extract_strided_slice %get3A_831 {offsets = [5], sizes = [1], strides = [1]} : vector<16xi32> to vector<1xi32>
      %squeeze3A_1018 = vector.extract %slice3A_1017[0] : i32 from vector<1xi32>
      %mul3A_1019 = arith.constant 8 : i32
      %mul3A_1020 = arith.muli %add3A_827, %mul3A_1019 : i32
      %add3A_1021 = arith.constant 5 : i32
      %add3A_1022 = arith.addi %mul3A_1020, %add3A_1021 : i32
      %dma_wait3A_1023 = arith.constant 13 : i32
      %dma_wait3A_1024 = arith.constant 0 : i32
      %dma_wait3A_1025 = arith.constant 0 : i32
      %dma_wait3A_1026 = tpu.memref_slice %arg9[%dma_wait3A_1023, %dma_wait3A_1024, %dma_wait3A_1025] : memref<16x32x128xf32, #tpu.memory_space<vmem>> -> memref<1x32x128xf32, #tpu.memory_space<vmem>>
      %dma_wait3A_1027 = tpu.memref_squeeze %dma_wait3A_1026 : memref<1x32x128xf32, #tpu.memory_space<vmem>> -> memref<32x128xf32, #tpu.memory_space<vmem>>
      %dma_wait3A_1028 = arith.constant 0 : i32
      %dma_wait3A_1029 = arith.constant 0 : i32
      %dma_wait3A_1030 = tpu.memref_slice %arg3[%dma_wait3A_1028, %dma_wait3A_1029] : memref<32x1000000xf32, #tpu.memory_space<hbm>> -> memref<32x128xf32, #tpu.memory_space<hbm>>
      %dma_wait3A_1031 = arith.constant 0 : i32
      %dma_wait3A_1032 = arith.constant 0 : i32
      %dma_wait3A_1033 = tpu.memref_slice %arg9[%dma_wait3A_1023, %dma_wait3A_1031, %dma_wait3A_1032] : memref<16x32x128xf32, #tpu.memory_space<vmem>> -> memref<1x32x128xf32, #tpu.memory_space<vmem>>
      %dma_wait3A_1034 = tpu.memref_squeeze %dma_wait3A_1033 : memref<1x32x128xf32, #tpu.memory_space<vmem>> -> memref<32x128xf32, #tpu.memory_space<vmem>>
      %dma_wait3A_1035 = arith.constant 0 : i32
      %dma_wait3A_1036 = arith.constant 0 : i32
      %dma_wait3A_1037 = tpu.memref_slice %arg3[%dma_wait3A_1035, %dma_wait3A_1036] : memref<32x1000000xf32, #tpu.memory_space<hbm>> -> memref<32x128xf32, #tpu.memory_space<hbm>>
      tpu.wait_dma2 semaphore(%arg12 : memref<!tpu.dma_semaphore, #tpu.memory_space<semaphore_mem>>) src(%dma_wait3A_1037 : memref<32x128xf32, #tpu.memory_space<hbm>>) dst(%dma_wait3A_1034 : memref<32x128xf32, #tpu.memory_space<vmem>>)
      %and3A_1038 = arith.constant 127 : i32
      %and3A_1039 = arith.andi %squeeze3A_1018, %and3A_1038 : i32
      %broadcast_in_dim3A_1040 = vector.broadcast %and3A_1039 : i32 to vector<16xi32>
      %broadcast_in_dim3A_1041 = vector.broadcast %add3A_1022 : i32 to vector<16xi32>
      %gather3A_1042 = arith.constant 13 : i32
      %gather3A_1043 = arith.constant 0 : i32
      %gather3A_1044 = arith.constant 0 : i32
      %gather3A_1045 = tpu.memref_slice %arg9[%gather3A_1042, %gather3A_1043, %gather3A_1044] : memref<16x32x128xf32, #tpu.memory_space<vmem>> -> memref<1x32x128xf32, #tpu.memory_space<vmem>>
      %gather3A_1046 = tpu.memref_squeeze %gather3A_1045 : memref<1x32x128xf32, #tpu.memory_space<vmem>> -> memref<32x128xf32, #tpu.memory_space<vmem>>
      %gather3A_1047 = tpu.vector_load_idx %gather3A_1046[%iota3A, %broadcast_in_dim3A_1040] : memref<32x128xf32, #tpu.memory_space<vmem>>[vector<16xi32>, vector<16xi32>], vector<16xf32>,
      %gather3A_1048 = arith.constant 13 : i32
      %gather3A_1049 = arith.constant 0 : i32
      %gather3A_1050 = arith.constant 0 : i32
      %gather3A_1051 = tpu.memref_slice %arg9[%gather3A_1048, %gather3A_1049, %gather3A_1050] : memref<16x32x128xf32, #tpu.memory_space<vmem>> -> memref<1x32x128xf32, #tpu.memory_space<vmem>>
      %gather3A_1052 = tpu.memref_squeeze %gather3A_1051 : memref<1x32x128xf32, #tpu.memory_space<vmem>> -> memref<32x128xf32, #tpu.memory_space<vmem>>
      %gather3A_1053 = tpu.vector_load_idx %gather3A_1052[%add3A_5, %broadcast_in_dim3A_1040] : memref<32x128xf32, #tpu.memory_space<vmem>>[vector<16xi32>, vector<16xi32>], vector<16xf32>,
      tpu.vector_store_idx %arg11[%iota3A, %broadcast_in_dim3A_1041], %gather3A_1047 : memref<32x512xf32, #tpu.memory_space<vmem>>[vector<16xi32>, vector<16xi32>], vector<16xf32>,
      tpu.vector_store_idx %arg11[%add3A_5, %broadcast_in_dim3A_1041], %gather3A_1053 : memref<32x512xf32, #tpu.memory_space<vmem>>[vector<16xi32>, vector<16xi32>], vector<16xf32>,
      %slice3A_1054 = vector.extract_strided_slice %get3A_831 {offsets = [6], sizes = [1], strides = [1]} : vector<16xi32> to vector<1xi32>
      %squeeze3A_1055 = vector.extract %slice3A_1054[0] : i32 from vector<1xi32>
      %mul3A_1056 = arith.constant 8 : i32
      %mul3A_1057 = arith.muli %add3A_827, %mul3A_1056 : i32
      %add3A_1058 = arith.constant 6 : i32
      %add3A_1059 = arith.addi %mul3A_1057, %add3A_1058 : i32
      %dma_wait3A_1060 = arith.constant 14 : i32
      %dma_wait3A_1061 = arith.constant 0 : i32
      %dma_wait3A_1062 = arith.constant 0 : i32
      %dma_wait3A_1063 = tpu.memref_slice %arg9[%dma_wait3A_1060, %dma_wait3A_1061, %dma_wait3A_1062] : memref<16x32x128xf32, #tpu.memory_space<vmem>> -> memref<1x32x128xf32, #tpu.memory_space<vmem>>
      %dma_wait3A_1064 = tpu.memref_squeeze %dma_wait3A_1063 : memref<1x32x128xf32, #tpu.memory_space<vmem>> -> memref<32x128xf32, #tpu.memory_space<vmem>>
      %dma_wait3A_1065 = arith.constant 0 : i32
      %dma_wait3A_1066 = arith.constant 0 : i32
      %dma_wait3A_1067 = tpu.memref_slice %arg3[%dma_wait3A_1065, %dma_wait3A_1066] : memref<32x1000000xf32, #tpu.memory_space<hbm>> -> memref<32x128xf32, #tpu.memory_space<hbm>>
      %dma_wait3A_1068 = arith.constant 0 : i32
      %dma_wait3A_1069 = arith.constant 0 : i32
      %dma_wait3A_1070 = tpu.memref_slice %arg9[%dma_wait3A_1060, %dma_wait3A_1068, %dma_wait3A_1069] : memref<16x32x128xf32, #tpu.memory_space<vmem>> -> memref<1x32x128xf32, #tpu.memory_space<vmem>>
      %dma_wait3A_1071 = tpu.memref_squeeze %dma_wait3A_1070 : memref<1x32x128xf32, #tpu.memory_space<vmem>> -> memref<32x128xf32, #tpu.memory_space<vmem>>
      %dma_wait3A_1072 = arith.constant 0 : i32
      %dma_wait3A_1073 = arith.constant 0 : i32
      %dma_wait3A_1074 = tpu.memref_slice %arg3[%dma_wait3A_1072, %dma_wait3A_1073] : memref<32x1000000xf32, #tpu.memory_space<hbm>> -> memref<32x128xf32, #tpu.memory_space<hbm>>
      tpu.wait_dma2 semaphore(%arg12 : memref<!tpu.dma_semaphore, #tpu.memory_space<semaphore_mem>>) src(%dma_wait3A_1074 : memref<32x128xf32, #tpu.memory_space<hbm>>) dst(%dma_wait3A_1071 : memref<32x128xf32, #tpu.memory_space<vmem>>)
      %and3A_1075 = arith.constant 127 : i32
      %and3A_1076 = arith.andi %squeeze3A_1055, %and3A_1075 : i32
      %broadcast_in_dim3A_1077 = vector.broadcast %and3A_1076 : i32 to vector<16xi32>
      %broadcast_in_dim3A_1078 = vector.broadcast %add3A_1059 : i32 to vector<16xi32>
      %gather3A_1079 = arith.constant 14 : i32
      %gather3A_1080 = arith.constant 0 : i32
      %gather3A_1081 = arith.constant 0 : i32
      %gather3A_1082 = tpu.memref_slice %arg9[%gather3A_1079, %gather3A_1080, %gather3A_1081] : memref<16x32x128xf32, #tpu.memory_space<vmem>> -> memref<1x32x128xf32, #tpu.memory_space<vmem>>
      %gather3A_1083 = tpu.memref_squeeze %gather3A_1082 : memref<1x32x128xf32, #tpu.memory_space<vmem>> -> memref<32x128xf32, #tpu.memory_space<vmem>>
      %gather3A_1084 = tpu.vector_load_idx %gather3A_1083[%iota3A, %broadcast_in_dim3A_1077] : memref<32x128xf32, #tpu.memory_space<vmem>>[vector<16xi32>, vector<16xi32>], vector<16xf32>,
      %gather3A_1085 = arith.constant 14 : i32
      %gather3A_1086 = arith.constant 0 : i32
      %gather3A_1087 = arith.constant 0 : i32
      %gather3A_1088 = tpu.memref_slice %arg9[%gather3A_1085, %gather3A_1086, %gather3A_1087] : memref<16x32x128xf32, #tpu.memory_space<vmem>> -> memref<1x32x128xf32, #tpu.memory_space<vmem>>
      %gather3A_1089 = tpu.memref_squeeze %gather3A_1088 : memref<1x32x128xf32, #tpu.memory_space<vmem>> -> memref<32x128xf32, #tpu.memory_space<vmem>>
      %gather3A_1090 = tpu.vector_load_idx %gather3A_1089[%add3A_5, %broadcast_in_dim3A_1077] : memref<32x128xf32, #tpu.memory_space<vmem>>[vector<16xi32>, vector<16xi32>], vector<16xf32>,
      tpu.vector_store_idx %arg11[%iota3A, %broadcast_in_dim3A_1078], %gather3A_1084 : memref<32x512xf32, #tpu.memory_space<vmem>>[vector<16xi32>, vector<16xi32>], vector<16xf32>,
      tpu.vector_store_idx %arg11[%add3A_5, %broadcast_in_dim3A_1078], %gather3A_1090 : memref<32x512xf32, #tpu.memory_space<vmem>>[vector<16xi32>, vector<16xi32>], vector<16xf32>,
      %slice3A_1091 = vector.extract_strided_slice %get3A_831 {offsets = [7], sizes = [1], strides = [1]} : vector<16xi32> to vector<1xi32>
      %squeeze3A_1092 = vector.extract %slice3A_1091[0] : i32 from vector<1xi32>
      %mul3A_1093 = arith.constant 8 : i32
      %mul3A_1094 = arith.muli %add3A_827, %mul3A_1093 : i32
      %add3A_1095 = arith.constant 7 : i32
      %add3A_1096 = arith.addi %mul3A_1094, %add3A_1095 : i32
      %dma_wait3A_1097 = arith.constant 15 : i32
      %dma_wait3A_1098 = arith.constant 0 : i32
      %dma_wait3A_1099 = arith.constant 0 : i32
      %dma_wait3A_1100 = tpu.memref_slice %arg9[%dma_wait3A_1097, %dma_wait3A_1098, %dma_wait3A_1099] : memref<16x32x128xf32, #tpu.memory_space<vmem>> -> memref<1x32x128xf32, #tpu.memory_space<vmem>>
      %dma_wait3A_1101 = tpu.memref_squeeze %dma_wait3A_1100 : memref<1x32x128xf32, #tpu.memory_space<vmem>> -> memref<32x128xf32, #tpu.memory_space<vmem>>
      %dma_wait3A_1102 = arith.constant 0 : i32
      %dma_wait3A_1103 = arith.constant 0 : i32
      %dma_wait3A_1104 = tpu.memref_slice %arg3[%dma_wait3A_1102, %dma_wait3A_1103] : memref<32x1000000xf32, #tpu.memory_space<hbm>> -> memref<32x128xf32, #tpu.memory_space<hbm>>
      %dma_wait3A_1105 = arith.constant 0 : i32
      %dma_wait3A_1106 = arith.constant 0 : i32
      %dma_wait3A_1107 = tpu.memref_slice %arg9[%dma_wait3A_1097, %dma_wait3A_1105, %dma_wait3A_1106] : memref<16x32x128xf32, #tpu.memory_space<vmem>> -> memref<1x32x128xf32, #tpu.memory_space<vmem>>
      %dma_wait3A_1108 = tpu.memref_squeeze %dma_wait3A_1107 : memref<1x32x128xf32, #tpu.memory_space<vmem>> -> memref<32x128xf32, #tpu.memory_space<vmem>>
      %dma_wait3A_1109 = arith.constant 0 : i32
      %dma_wait3A_1110 = arith.constant 0 : i32
      %dma_wait3A_1111 = tpu.memref_slice %arg3[%dma_wait3A_1109, %dma_wait3A_1110] : memref<32x1000000xf32, #tpu.memory_space<hbm>> -> memref<32x128xf32, #tpu.memory_space<hbm>>
      tpu.wait_dma2 semaphore(%arg12 : memref<!tpu.dma_semaphore, #tpu.memory_space<semaphore_mem>>) src(%dma_wait3A_1111 : memref<32x128xf32, #tpu.memory_space<hbm>>) dst(%dma_wait3A_1108 : memref<32x128xf32, #tpu.memory_space<vmem>>)
      %and3A_1112 = arith.constant 127 : i32
      %and3A_1113 = arith.andi %squeeze3A_1092, %and3A_1112 : i32
      %broadcast_in_dim3A_1114 = vector.broadcast %and3A_1113 : i32 to vector<16xi32>
      %broadcast_in_dim3A_1115 = vector.broadcast %add3A_1096 : i32 to vector<16xi32>
      %gather3A_1116 = arith.constant 15 : i32
      %gather3A_1117 = arith.constant 0 : i32
      %gather3A_1118 = arith.constant 0 : i32
      %gather3A_1119 = tpu.memref_slice %arg9[%gather3A_1116, %gather3A_1117, %gather3A_1118] : memref<16x32x128xf32, #tpu.memory_space<vmem>> -> memref<1x32x128xf32, #tpu.memory_space<vmem>>
      %gather3A_1120 = tpu.memref_squeeze %gather3A_1119 : memref<1x32x128xf32, #tpu.memory_space<vmem>> -> memref<32x128xf32, #tpu.memory_space<vmem>>
      %gather3A_1121 = tpu.vector_load_idx %gather3A_1120[%iota3A, %broadcast_in_dim3A_1114] : memref<32x128xf32, #tpu.memory_space<vmem>>[vector<16xi32>, vector<16xi32>], vector<16xf32>,
      %gather3A_1122 = arith.constant 15 : i32
      %gather3A_1123 = arith.constant 0 : i32
      %gather3A_1124 = arith.constant 0 : i32
      %gather3A_1125 = tpu.memref_slice %arg9[%gather3A_1122, %gather3A_1123, %gather3A_1124] : memref<16x32x128xf32, #tpu.memory_space<vmem>> -> memref<1x32x128xf32, #tpu.memory_space<vmem>>
      %gather3A_1126 = tpu.memref_squeeze %gather3A_1125 : memref<1x32x128xf32, #tpu.memory_space<vmem>> -> memref<32x128xf32, #tpu.memory_space<vmem>>
      %gather3A_1127 = tpu.vector_load_idx %gather3A_1126[%add3A_5, %broadcast_in_dim3A_1114] : memref<32x128xf32, #tpu.memory_space<vmem>>[vector<16xi32>, vector<16xi32>], vector<16xf32>,
      tpu.vector_store_idx %arg11[%iota3A, %broadcast_in_dim3A_1115], %gather3A_1121 : memref<32x512xf32, #tpu.memory_space<vmem>>[vector<16xi32>, vector<16xi32>], vector<16xf32>,
      tpu.vector_store_idx %arg11[%add3A_5, %broadcast_in_dim3A_1115], %gather3A_1127 : memref<32x512xf32, #tpu.memory_space<vmem>>[vector<16xi32>, vector<16xi32>], vector<16xf32>,
    }
    %scan3A_357 = arith.constant 32 : i32
    "tpu.region"() ({
      %run_scoped3A = tpu.sem_alloc : memref<!tpu.dma_semaphore, #tpu.memory_space<semaphore_mem>>
      %dma_start3A_358 = arith.constant 0 : i32
      %dma_start3A_359 = tpu.memref_slice %arg7[%dma_start3A_358, %mul3A_2] : memref<32x16384xf32, #tpu.memory_space<hbm>> -> memref<32x512xf32, #tpu.memory_space<hbm>>
      %dma_start3A_360 = arith.constant 0 : i32
      %dma_start3A_361 = tpu.memref_slice %arg7[%dma_start3A_360, %mul3A_2] : memref<32x16384xf32, #tpu.memory_space<hbm>> -> memref<32x512xf32, #tpu.memory_space<hbm>>
      tpu.enqueue_dma source(%arg11 : memref<32x512xf32, #tpu.memory_space<vmem>>) target(%dma_start3A_361 : memref<32x512xf32, #tpu.memory_space<hbm>>) target_semaphore(%run_scoped3A : memref<!tpu.dma_semaphore, #tpu.memory_space<semaphore_mem>>)
      %dma_wait3A_362 = arith.constant 0 : i32
      %dma_wait3A_363 = tpu.memref_slice %arg7[%dma_wait3A_362, %mul3A_2] : memref<32x16384xf32, #tpu.memory_space<hbm>> -> memref<32x512xf32, #tpu.memory_space<hbm>>
      %dma_wait3A_364 = arith.constant 0 : i32
      %dma_wait3A_365 = tpu.memref_slice %arg7[%dma_wait3A_364, %mul3A_2] : memref<32x16384xf32, #tpu.memory_space<hbm>> -> memref<32x512xf32, #tpu.memory_space<hbm>>
      tpu.wait_dma2 semaphore(%run_scoped3A : memref<!tpu.dma_semaphore, #tpu.memory_space<semaphore_mem>>) src(%arg11 : memref<32x512xf32, #tpu.memory_space<vmem>>) dst(%dma_wait3A_365 : memref<32x512xf32, #tpu.memory_space<hbm>>)
      tpu.yield
    }) : () -> ()
    return
  }
}

module attributes {stable_mosaic.version = 14 : i64} {
  func.func @_mlp_body(%arg0: i32, %arg1: memref<32x16384xf32, #tpu.memory_space<vmem>>, %arg2: memref<32x16384xf32, #tpu.memory_space<vmem>>, %arg3: memref<64x32xf32, #tpu.memory_space<vmem>>, %arg4: memref<64x32xf32, #tpu.memory_space<vmem>>, %arg5: memref<64x1xf32, #tpu.memory_space<vmem>>, %arg6: memref<32x64xf32, #tpu.memory_space<vmem>>, %arg7: memref<32x1xf32, #tpu.memory_space<vmem>>, %arg8: memref<2x32xf32, #tpu.memory_space<vmem>>, %arg9: memref<2x1xf32, #tpu.memory_space<vmem>>, %arg10: memref<2x16384xf32, #tpu.memory_space<vmem>>) attributes {dimension_semantics = [#tpu.dimension_semantics<arbitrary>], iteration_bounds = array<i64: 1>, scalar_prefetch = 0 : i64, scratch_operands = 0 : i64, tpu.core_type = #tpu.core_type<tc>, window_params = [{transform_indices = @transform_0, window_bounds = array<i64: 32, 16384>}, {transform_indices = @transform_1, window_bounds = array<i64: 32, 16384>}, {pipeline_mode = #tpu.pipeline_mode<synchronous>, transform_indices = @transform_2, window_bounds = array<i64: 64, 32>}, {pipeline_mode = #tpu.pipeline_mode<synchronous>, transform_indices = @transform_3, window_bounds = array<i64: 64, 32>}, {pipeline_mode = #tpu.pipeline_mode<synchronous>, transform_indices = @transform_4, window_bounds = array<i64: 64, 1>}, {pipeline_mode = #tpu.pipeline_mode<synchronous>, transform_indices = @transform_5, window_bounds = array<i64: 32, 64>}, {pipeline_mode = #tpu.pipeline_mode<synchronous>, transform_indices = @transform_6, window_bounds = array<i64: 32, 1>}, {pipeline_mode = #tpu.pipeline_mode<synchronous>, transform_indices = @transform_7, window_bounds = array<i64: 2, 32>}, {pipeline_mode = #tpu.pipeline_mode<synchronous>, transform_indices = @transform_8, window_bounds = array<i64: 2, 1>}, {transform_indices = @transform_9, window_bounds = array<i64: 2, 16384>}]} {
    %get3A = arith.constant 0 : index
    %get3A_0 = arith.constant 0 : index
    %get3A_1 = vector.load %arg3[%get3A, %get3A_0] : memref<64x32xf32, #tpu.memory_space<vmem>>, vector<64x32xf32>
    %get3A_2 = arith.constant 0 : index
    %get3A_3 = arith.constant 0 : index
    %get3A_4 = vector.load %arg1[%get3A_2, %get3A_3] : memref<32x16384xf32, #tpu.memory_space<vmem>>, vector<32x16384xf32>
    %dot_general3A = arith.constant dense<0.000000e+00> : vector<64x16384xf32>
    %dot_general3A_5 = tpu.matmul %get3A_1, %get3A_4, %dot_general3A {dimension_numbers = #tpu.dot_dimension_numbers<[1], [0], [0], [1], [0, 0, 1, 1], [], []>, transpose_lhs_hint = false} : vector<64x32xf32>, vector<32x16384xf32>, vector<64x16384xf32> -> vector<64x16384xf32>
    %get3A_6 = arith.constant 0 : index
    %get3A_7 = arith.constant 0 : index
    %get3A_8 = vector.load %arg4[%get3A_6, %get3A_7] : memref<64x32xf32, #tpu.memory_space<vmem>>, vector<64x32xf32>
    %get3A_9 = arith.constant 0 : index
    %get3A_10 = arith.constant 0 : index
    %get3A_11 = vector.load %arg2[%get3A_9, %get3A_10] : memref<32x16384xf32, #tpu.memory_space<vmem>>, vector<32x16384xf32>
    %dot_general3A_12 = arith.constant dense<0.000000e+00> : vector<64x16384xf32>
    %dot_general3A_13 = tpu.matmul %get3A_8, %get3A_11, %dot_general3A_12 {dimension_numbers = #tpu.dot_dimension_numbers<[1], [0], [0], [1], [0, 0, 1, 1], [], []>, transpose_lhs_hint = false} : vector<64x32xf32>, vector<32x16384xf32>, vector<64x16384xf32> -> vector<64x16384xf32>
    %add3A = arith.addf %dot_general3A_5, %dot_general3A_13 : vector<64x16384xf32>
    %get3A_14 = arith.constant 0 : index
    %get3A_15 = arith.constant 0 : index
    %get3A_16 = vector.load %arg5[%get3A_14, %get3A_15] : memref<64x1xf32, #tpu.memory_space<vmem>>, vector<64x1xf32>
    %add3A_17 = vector.broadcast %get3A_16 : vector<64x1xf32> to vector<64x16384xf32>
    %add3A_18 = arith.addf %add3A, %add3A_17 : vector<64x16384xf32>
    %max3A = arith.constant 0.000000e+00 : f32
    %max3A_19 = vector.broadcast %max3A : f32 to vector<64x16384xf32>
    %max3A_20 = arith.maximumf %add3A_18, %max3A_19 : vector<64x16384xf32>
    %get3A_21 = arith.constant 0 : index
    %get3A_22 = arith.constant 0 : index
    %get3A_23 = vector.load %arg6[%get3A_21, %get3A_22] : memref<32x64xf32, #tpu.memory_space<vmem>>, vector<32x64xf32>
    %dot_general3A_24 = arith.constant dense<0.000000e+00> : vector<32x16384xf32>
    %dot_general3A_25 = tpu.matmul %get3A_23, %max3A_20, %dot_general3A_24 {dimension_numbers = #tpu.dot_dimension_numbers<[1], [0], [0], [1], [0, 0, 1, 1], [], []>, transpose_lhs_hint = false} : vector<32x64xf32>, vector<64x16384xf32>, vector<32x16384xf32> -> vector<32x16384xf32>
    %get3A_26 = arith.constant 0 : index
    %get3A_27 = arith.constant 0 : index
    %get3A_28 = vector.load %arg7[%get3A_26, %get3A_27] : memref<32x1xf32, #tpu.memory_space<vmem>>, vector<32x1xf32>
    %add3A_29 = vector.broadcast %get3A_28 : vector<32x1xf32> to vector<32x16384xf32>
    %add3A_30 = arith.addf %dot_general3A_25, %add3A_29 : vector<32x16384xf32>
    %max3A_31 = arith.constant 0.000000e+00 : f32
    %max3A_32 = vector.broadcast %max3A_31 : f32 to vector<32x16384xf32>
    %max3A_33 = arith.maximumf %add3A_30, %max3A_32 : vector<32x16384xf32>
    %get3A_34 = arith.constant 0 : index
    %get3A_35 = arith.constant 0 : index
    %get3A_36 = vector.load %arg8[%get3A_34, %get3A_35] : memref<2x32xf32, #tpu.memory_space<vmem>>, vector<2x32xf32>
    %dot_general3A_37 = arith.constant dense<0.000000e+00> : vector<2x16384xf32>
    %dot_general3A_38 = tpu.matmul %get3A_36, %max3A_33, %dot_general3A_37 {dimension_numbers = #tpu.dot_dimension_numbers<[1], [0], [0], [1], [0, 0, 1, 1], [], []>, transpose_lhs_hint = false} : vector<2x32xf32>, vector<32x16384xf32>, vector<2x16384xf32> -> vector<2x16384xf32>
    %get3A_39 = arith.constant 0 : index
    %get3A_40 = arith.constant 0 : index
    %get3A_41 = vector.load %arg9[%get3A_39, %get3A_40] : memref<2x1xf32, #tpu.memory_space<vmem>>, vector<2x1xf32>
    %add3A_42 = vector.broadcast %get3A_41 : vector<2x1xf32> to vector<2x16384xf32>
    %add3A_43 = arith.addf %dot_general3A_38, %add3A_42 : vector<2x16384xf32>
    %max3A_44 = arith.constant 0.000000e+00 : f32
    %max3A_45 = vector.broadcast %max3A_44 : f32 to vector<2x16384xf32>
    %max3A_46 = arith.maximumf %add3A_43, %max3A_45 : vector<2x16384xf32>
    %swap3A = arith.constant 0 : index
    %swap3A_47 = arith.constant 0 : index
    %swap3A_48 = vector.load %arg10[%swap3A, %swap3A_47] : memref<2x16384xf32, #tpu.memory_space<vmem>>, vector<2x16384xf32>
    tpu.vector_store %arg10[%swap3A, %swap3A_47], %max3A_46 {strides = array<i32>} : memref<2x16384xf32, #tpu.memory_space<vmem>>, vector<2x16384xf32>,
    return
  }
  func.func @transform_0(%arg0: i32) -> (i32, i32) {
    %c0_i32 = arith.constant 0 : i32
    %c0_i32_0 = arith.constant 0 : i32
    return %c0_i32, %arg0 : i32, i32
  }
  func.func @transform_1(%arg0: i32) -> (i32, i32) {
    %c0_i32 = arith.constant 0 : i32
    %c0_i32_0 = arith.constant 0 : i32
    return %c0_i32, %arg0 : i32, i32
  }
  func.func @transform_2(%arg0: i32) -> (i32, i32) {
    %c0_i32 = arith.constant 0 : i32
    %c0_i32_0 = arith.constant 0 : i32
    %c0_i32_1 = arith.constant 0 : i32
    return %c0_i32, %c0_i32_0 : i32, i32
  }
  func.func @transform_3(%arg0: i32) -> (i32, i32) {
    %c0_i32 = arith.constant 0 : i32
    %c0_i32_0 = arith.constant 0 : i32
    %c0_i32_1 = arith.constant 0 : i32
    return %c0_i32, %c0_i32_0 : i32, i32
  }
  func.func @transform_4(%arg0: i32) -> (i32, i32) {
    %c0_i32 = arith.constant 0 : i32
    %c0_i32_0 = arith.constant 0 : i32
    %c0_i32_1 = arith.constant 0 : i32
    return %c0_i32, %c0_i32_0 : i32, i32
  }
  func.func @transform_5(%arg0: i32) -> (i32, i32) {
    %c0_i32 = arith.constant 0 : i32
    %c0_i32_0 = arith.constant 0 : i32
    %c0_i32_1 = arith.constant 0 : i32
    return %c0_i32, %c0_i32_0 : i32, i32
  }
  func.func @transform_6(%arg0: i32) -> (i32, i32) {
    %c0_i32 = arith.constant 0 : i32
    %c0_i32_0 = arith.constant 0 : i32
    %c0_i32_1 = arith.constant 0 : i32
    return %c0_i32, %c0_i32_0 : i32, i32
  }
  func.func @transform_7(%arg0: i32) -> (i32, i32) {
    %c0_i32 = arith.constant 0 : i32
    %c0_i32_0 = arith.constant 0 : i32
    %c0_i32_1 = arith.constant 0 : i32
    return %c0_i32, %c0_i32_0 : i32, i32
  }
  func.func @transform_8(%arg0: i32) -> (i32, i32) {
    %c0_i32 = arith.constant 0 : i32
    %c0_i32_0 = arith.constant 0 : i32
    %c0_i32_1 = arith.constant 0 : i32
    return %c0_i32, %c0_i32_0 : i32, i32
  }
  func.func @transform_9(%arg0: i32) -> (i32, i32) {
    %c0_i32 = arith.constant 0 : i32
    %c0_i32_0 = arith.constant 0 : i32
    return %c0_i32, %arg0 : i32, i32
  }
}

</mosaic_0001>

<sc_bundles>
// kernel: kernel.4.cloned.1.call-start
scs
__scs_entry_jumppad:
0x0: {  	(pc) =	sbr.rel $0x88, $3  }
0x1: {  	(tag) =	ssettag $0x0;
	lr =	simm.s32 $0x1  }
0x2: {  	[smem:$0x3F97] =	sst lr;
	_ =	strace $0xD0000000  }
0x3: {  	_ = 	snop  }
0x4: {  	_ = 	snop  }
0x5: {  	_ = 	snop  }
0x6: {  	_ = 	snop  }
0x7: {  	_ = 	snop  }
__scs_overlays_trampoline_lowered:
0x8: {  	[smem:$0x3FA6] =	sst s0  }
0x9: {  	[smem:$0x3FA7] =	sst s1  }
0xa: {  	[smem:$0x3FA8] =	sst s2  }
0xb: {  	[smem:$0x3FA9] =	sst s3  }
0xc: {  	[smem:$0x3FAA] =	sst s4  }
0xd: {  	[smem:$0x3FAB] =	sst s5  }
0xe: {  	[smem:$0x3FAC] =	sst s6  }
0xf: {  	[smem:$0x3FAD] =	sst s7  }
0x10: {  	[smem:$0x3FAE] =	sst s8  }
0x11: {  	[smem:$0x3FAF] =	sst s9;
	s0 =	simm.s32 @!p0 $0x0  }
0x12: {  	s1 =	sld [smem:$0x3F95];
	s0 =	simm.s32 @p0 $0x1  }
0x13: {  	[smem:$0x3FB0] =	sst s0;
	s0 =	simm.s32 @!p1 $0x0  }
0x14: {  	s2 =	sld [smem:$0x3F94];
	s0 =	simm.s32 @p1 $0x1  }
0x15: {  	[smem:$0x3FB1] =	sst s0;
	s0 =	simm.s32 @!p2 $0x0  }
0x16: {  	s3 =	sld [smem:$0x3FDB];
	s0 =	simm.s32 @p2 $0x1  }
0x17: {  	s4 =	simm.s32 $0x1BF5;
	[smem:$0x3FB3] =	sst s0  }
0x18: {  	s0 =	sld [smem:$0x3F96];
	_ =	swait.ge [sflag:s4], $0x0  }
0x19: {  	s7 =	sld [smem:$0x3F97]  }
0x1a: {  	s8 =	sadd.s32 $0xFFFFE003, lr  }
0x1b: {  	s9 =	sadd.s32 $0xFFFFFEF7, lr;
	s5 =	simm.s32 $0xFFFFFFFF;
	p2 =	slt.u32 s8, $0xFFFFF086  }
0x1c: {  	p1 =	slt.u32 s9, $0xF7A;
	s5 =	simm.s32 @!p2 $0x0  }
0x1d: {  	s5 =	simm.s32 @p1 $0x1;
	p0 =	seq.s32 s7, s2  }
0x1e: {  	s7 =	smul.u32 @!p0 $0xF7A, s2;
	p2 =	seq.s32 @!p0 s5, $0x0  }
0x1f: {  	s9 =	smul.u32 $0xF7A, s1;
	s8 =	simm.s32 @!p0 $0x1BF5;
	p2 =	por !p2, p0  }
0x20: {  	[sflag:s8] =	ssyncset.s32 @!p0 $0xFFFFF086;
	s6 =	sadd.s32 @!p0 s3, s7;
	s7 =	simm.s32 @!p0 $0x108  }
0x21: {  	s3 =	sadd.s32 s3, s9;
	s6 =	sadd.s32 @!p0 $0x88, s6;
	s7 =	simm.s32 @p2 $0x1082  }
0x22: {  	[simem:s7], [sflag:s8] =	dma.local @!p0 [hbm:s6], $0xF7A  }
0x23: {  	s9 =	sor.u32 $0xD0000000, s2;
	s6 =	simm.s32 $0x108;
	_ =	swait.ge @!p0 [sflag:s8], $0x0  }
0x24: {  	s3 =	sadd.s32 $0x88, s3;
	s6 =	simm.s32 @!p1 $0x1082;
	[sflag:s4] =	ssyncset.s32 $0xFFFFF086  }
0x25: {  	[simem:s6], [sflag:s4] =	dma.local [hbm:s3], $0xF7A  }
0x26: {  	[smem:$0x3F97] =	sst s1;
	(tag) =	ssettag s2;
	_ =	strace s9  }
0x27: {  	s1 =	sld [smem:$0x3FA7]  }
0x28: {  	s2 =	sld [smem:$0x3FA8]  }
0x29: {  	s4 =	sld [smem:$0x3FAA]  }
0x2a: {  	p0 =	seq.s32 s5, $0x0;
	s5 =	sld [smem:$0x3FAB]  }
0x2b: {  	s6 =	sld [smem:$0x3FAC]  }
0x2c: {  	s7 =	sld [smem:$0x3FAD]  }
0x2d: {  	s3 =	simm.s32 $0x108;
	s8 =	sld [smem:$0x3FAE]  }
0x2e: {  	s3 =	simm.s32 @!p0 $0x1082;
	s9 =	sld [smem:$0x3FAF]  }
0x2f: {  	lr =	sadd.s32 s0, s3;
	s0 =	sld [smem:$0x3FA6]  }
0x30: {  	s3 =	sld [smem:$0x3FA9]  }
0x31: {  	[smem:$0x3FB2] =	sst s10  }
0x32: {  	s10 =	sld [smem:$0x3FB0];
	_ =	sdelay $0x3  }
0x33: {  	p0 =	seq.s32 s10, $0x1;
	s10 =	sld [smem:$0x3FB2];
	_ =	sdelay $0x3  }
0x34: {  	[smem:$0x3FB2] =	sst s10  }
0x35: {  	s10 =	sld [smem:$0x3FB1];
	_ =	sdelay $0x3  }
0x36: {  	p1 =	seq.s32 s10, $0x1;
	s10 =	sld [smem:$0x3FB2];
	_ =	sdelay $0x3  }
0x37: {  	[smem:$0x3FB2] =	sst s10  }
0x38: {  	s10 =	sld [smem:$0x3FB3]  }
0x39: {  	_ = 	snop;
	(pc) =	sbr.ind lr, $3  }
0x3a: {  	_ = 	snop  }
0x3b: {  	_ = 	snop  }
0x3c: {  	p2 =	seq.s32 s10, $0x1;
	s10 =	sld [smem:$0x3FB2]  }
0x3d: {  	_ =	shalt  }
0x3e: {  	_ =	shalt  }
0x3f: {  	_ =	shalt  }
0x40: {  	_ =	shalt  }
0x41: {  	_ =	shalt  }
0x42: {  	_ =	shalt  }
0x43: {  	_ =	shalt  }
0x44: {  	_ =	shalt  }
0x45: {  	_ =	shalt  }
0x46: {  	_ =	shalt  }
0x47: {  	_ =	shalt  }
0x48: {  	_ =	shalt  }
0x49: {  	_ =	shalt  }
0x4a: {  	_ =	shalt  }
0x4b: {  	_ =	shalt  }
0x4c: {  	_ =	shalt  }
0x4d: {  	_ =	shalt  }
0x4e: {  	_ =	shalt  }
0x4f: {  	_ =	shalt  }
0x50: {  	_ =	shalt  }
0x51: {  	_ =	shalt  }
0x52: {  	_ =	shalt  }
0x53: {  	_ =	shalt  }
0x54: {  	_ =	shalt  }
0x55: {  	_ =	shalt  }
0x56: {  	_ =	shalt  }
0x57: {  	_ =	shalt  }
0x58: {  	_ =	shalt  }
0x59: {  	_ =	shalt  }
0x5a: {  	_ =	shalt  }
0x5b: {  	_ =	shalt  }
0x5c: {  	_ =	shalt  }
0x5d: {  	_ =	shalt  }
0x5e: {  	_ =	shalt  }
0x5f: {  	_ =	shalt  }
0x60: {  	_ =	shalt  }
0x61: {  	_ =	shalt  }
0x62: {  	_ =	shalt  }
0x63: {  	_ =	shalt  }
0x64: {  	_ =	shalt  }
0x65: {  	_ =	shalt  }
0x66: {  	_ =	shalt  }
0x67: {  	_ =	shalt  }
0x68: {  	_ =	shalt  }
0x69: {  	_ =	shalt  }
0x6a: {  	_ =	shalt  }
0x6b: {  	_ =	shalt  }
0x6c: {  	_ =	shalt  }
0x6d: {  	_ =	shalt  }
0x6e: {  	_ =	shalt  }
0x6f: {  	_ =	shalt  }
0x70: {  	_ =	shalt  }
0x71: {  	_ =	shalt  }
0x72: {  	_ =	shalt  }
0x73: {  	_ =	shalt  }
0x74: {  	_ =	shalt  }
0x75: {  	_ =	shalt  }
0x76: {  	_ =	shalt  }
0x77: {  	_ =	shalt  }
0x78: {  	_ =	shalt  }
0x79: {  	_ =	shalt  }
0x7a: {  	_ =	shalt  }
0x7b: {  	_ =	shalt  }
0x7c: {  	_ =	shalt  }
0x7d: {  	_ =	shalt  }
0x7e: {  	_ =	shalt  }
0x7f: {  	_ =	shalt  }
0x80: {  	_ =	shalt  }
0x81: {  	_ =	shalt  }
0x82: {  	_ =	shalt  }
0x83: {  	_ =	shalt  }
0x84: {  	_ =	shalt  }
0x85: {  	_ =	shalt  }
0x86: {  	_ =	shalt  }
0x87: {  	_ =	shalt  }
.Lfunc_end0:
.L_simem_size_0:
called_computation_lowered:
.L_overlay_start_0:
0x88: {  	s2 =	sld [smem:$0x3FD9]  }
0x89: {  	s3 =	sld [smem:$0x3FFE];
	_ =	sdelay $0x1  }
0x8a: {  	s1 =	srdreg.scid  }
0x8b: {  	s0 =	sand.u32 $0x1, s1  }
0x8c: {  	s17 =	sshll.u32 s0, $0xA;
	s2 =	sadd.s32 s3, s2  }
0x8d: {  	s2 =	sadd.s32 s2, s17  }
0x8e: {  	[smem:$0x3FBE] =	sst s2  }
0x8f: {  	_ = 	snop  }
0x90: {  	s2 =	sld [smem:$0x3FC9]  }
0x91: {  	s18 =	sld [smem:$0x3FC8]  }
0x92: {  	s4 =	sld [smem:$0x3FC7]  }
0x93: {  	s5 =	sld [smem:$0x3FC6];
	(tm) =	ssettm $0x1  }
0x94: {  	s6 =	sld [smem:$0x3FFB];
	_ =	sdelay $0x3  }
0x95: {  	_ =	strace s6  }
0x96: {  	s6 =	sld [smem:$0x3FFC];
	_ =	sdelay $0x3  }
0x97: {  	_ =	strace s6  }
0x98: {  	s6 =	sld [smem:$0x3FFD];
	_ =	sdelay $0x3  }
0x99: {  	_ =	strace s6  }
0x9a: {  	_ =	strace $0x8FFFFFFF  }
0x9b: {  	s19 =	sld [smem:$0x3FDB];
	_ =	sdelay $0x1  }
0x9c: {  	s7 =	simm.s32 $_scs_section_size  }
0x9d: {  	s8 =	simm.s32 $_size__tile_overlayer_lowered;
	s9 =	simm.s32 $_tile_overlayer_lowered  }
0x9e: {  	s22 =	simm.s32 $0x1BFF;
	s21 =	sshll.u32 s9, $0x1;
	s6 =	sadd.s32 s7, s19  }
0x9f: {  	s10 =	simm.s32 $0x0;
	s20 =	sshll.u32 s8, $0x1;
	s8 =	sadd.s32 s21, s6  }
0xa0: {  	[timem:s10], [sflag:s22] =	dma.local [hbm:s8], s20  }
0xa1: {  	_ =	swait.ge [sflag:s22], s20  }
0xa2: {  	s7 =	ssub.s32 $0x0, s20;
	[sflag:s22] =	ssyncset.done $0x0  }
0xa3: {  	[sflag:s22] =	ssyncadd.s32 s7;
	_ =	sdelay $0x1  }
0xa4: {  	s23 =	simm.s32 $0x1B8B  }
0xa5: {  	_ =	swait.ge [sflag:s23], $0x1  }
0xa6: {  	[sflag:s23] =	ssyncset.done $0x0  }
0xa7: {  	s25 =	simm.s32 $0x1B8E;
	s24 =	sld [smem:$0x3FFE];
	[sflag:s23] =	ssyncadd.s32 $0xFFFFFFFF  }
0xa8: {  	s26 =	simm.s32 $execute0_lowered;
	[smem:$0x3FD2] =	sst s25  }
0xa9: {  	s8 =	sshll.u32 s26, $0x1;
	_ =	strace $0x80000046;
	[dreg:$0x1] =	wrdreg $0xFFFFFFFF  }
0xaa: {  	s28 =	simm.s32 $_size_execute0_lowered;
	s6 =	sadd.s32 s6, s8;
	[dreg:$0x0] =	wrdreg $0x0  }
0xab: {  	s8 =	sshll.u32 s28, $0x1;
	[dreg:$0x2] =	wrdreg s6  }
0xac: {  	[dreg:$0x3] =	wrdreg s8  }
0xad: {  	[dreg:$0x4] =	wrdreg $0xC0  }
0xae: {  	_ =	task [dreg:s10], $0x5FFFF  }
0xaf: {  	[dreg:$0x1] =	wrdreg $0xFFFFFFFF  }
0xb0: {  	[dreg:$0x0] =	wrdreg $0x60  }
0xb1: {  	[dreg:$0x2] =	wrdreg s4  }
0xb2: {  	[dreg:$0x3] =	wrdreg s5  }
0xb3: {  	[dreg:$0x4] =	wrdreg s2  }
0xb4: {  	[dreg:$0x5] =	wrdreg s18  }
0xb5: {  	[dreg:$0x6] =	wrdreg s24  }
0xb6: {  	[dreg:$0x7] =	wrdreg $0x9  }
0xb7: {  	_ =	task.clear_ibuf [dreg:s10], $0x8FFFF;
	_ =	strace $0x90000046  }
0xb8: {  	s29 =	simm.s32 $0x9;
	_ =	strace $0x80000048  }
0xb9: {  	_ =	swait.ge [sflag:s29], $0x1  }
0xba: {  	[sflag:s29] =	ssyncadd.s32 $0xFFFFFFFF  }
0xbb: {  	_ =	strace $0x90000048  }
0xbc: {  	_ =	sfence  }
0xbd: {  	s30 =	sld [smem:$0x0];
	_ =	sdelay $0x2  }
0xbe: {  	s31 =	sshll.u32 s1, $0xD;
	s1 =	sshrl.u32 s1, $0x2  }
0xbf: {  	s3 =	sand.u32 $0x4000, s31;
	s1 =	sadd.s32 s1, s30  }
0xc0: {  	s0 =	sor.u32 s3, s0;
	s1 =	sshll.u32 s1, $0x11  }
0xc1: {  	s0 =	sor.u32 s1, s0  }
0xc2: {  	s0 =	sadd.s32 $0x8F2B, s0  }
0xc3: {  	[sflag:s0] =	ssyncadd.remote.s32 $0x1  }
0xc4: {  	_ =	sfence.sel $0xFFFF  }
0xc5: {  	[dreg:$0x0] =	wrdreg $0xFFFFFFFF;
	(pc) =	sbr.abs _section_cstart, $3  }
0xc6: {  	[dreg:$0x1] =	wrdreg $0xFFFFFFFF  }
0xc7: {  	_ =	task.clear_ibuf [dreg:s10], $0x2FFFF;
	_ =	strace $0x9FFFFFFF  }
0xc8: {  	(tm) =	ssettm $0x7FFFFFFF  }
0xc9: {  	_ =	shalt  }
tec
execute0_lowered:
.L_overlay_start_1:
0x0: {  	(tag) =	ssettag $0x1  }
0x1: {  	s0 =	rddreg [dreg:$0x0]  }
0x2: {  	s1 =	rddreg [dreg:$0x1]  }
0x3: {  	s2 =	rddreg [dreg:$0x2]  }
0x4: {  	v0 =	vlaneseq.u32;
	s3 =	rddreg [dreg:$0x3];
	v1 =	vimm.s32 $0x1380  }
0x5: {  	s4 =	rddreg [dreg:$0x4];
	s5 =	srdreg.scid;
	vm0 =	vcmask $0x300;
	v2 =	vimm.s32 $0x3380;
	vm1 =	vcmask $0x704  }
0x6: {  	s6 =	stileid.u32;
	s8 =	simm.s32 $0x0;
	vm15 =	vcmask $0xB08;
	s11 =	simm.s32 $0x7A1400;
	v1 =	vsel vm0, $0x0, v1;
	v2 =	vsel vm0, $0x2000, v2  }
0x7: {  	vm4 =	vcmask $0xF0C;
	s12 =	simm.s32 $0x400;
	s15 =	simm.s32 $0x280;
	s16 =	simm.s32 $0x1280;
	v1 =	vsel vm1, $0x80, v1;
	v2 =	vsel vm1, $0x2080, v2  }
0x8: {  	vm5 =	vcmask $0x1310;
	s17 =	simm.s32 $0x2280;
	s18 =	simm.s32 $0x3280;
	s13 =	simm.s32 $0x4280;
	v1 =	vsel vm15, $0x100, v1;
	v2 =	vsel vm15, $0x2100, v2  }
0x9: {  	vm6 =	vcmask $0x1714;
	s14 =	simm.s32 $0x5280;
	s19 =	simm.s32 $0x6280;
	s20 =	simm.s32 $0x7280;
	v1 =	vsel vm4, $0x180, v1;
	v2 =	vsel vm4, $0x2180, v2  }
0xa: {  	vm7 =	vcmask $0x1B18;
	s28 =	simm.s32 $0xE280;
	s29 =	simm.s32 $0xF280;
	s5 =	sand.u32 $0x1, s5;
	v1 =	vsel vm5, $0x200, v1;
	v2 =	vsel vm5, $0x2200, v2  }
0xb: {  	vm8 =	vcmask $0x1F1C;
	s30 =	simm.s32 $0x1;
	s6 =	sshll.u32 s6, $0xA;
	s7 =	sshll.u32 s5, $0x9;
	v1 =	vsel vm6, $0x280, v1;
	v2 =	vsel vm6, $0x2280, v2  }
0xc: {  	vm9 =	vcmask $0x2320;
	s31 =	simm.s32 $0x10280;
	[smem:$0x7FF] =	sst s8;
	s6 =	sor.u32 s7, s6;
	v1 =	vsel vm7, $0x300, v1;
	v2 =	vsel vm7, $0x2300, v2  }
0xd: {  	vm10 =	vcmask $0x2724;
	s5 =	ssub.s32 $0x2, s5;
	_ =	strace $0x80000047;
	s22 =	sshrl.u32 s6, $0x3;
	v1 =	vsel vm8, $0x380, v1;
	v2 =	vsel vm8, $0x2380, v2  }
0xe: {  	vm11 =	vcmask $0x2B28;
	s21 =	sshrl.u32 s5, $0x1;
	s4 =	sadd.s32 s6, s4;
	s2 =	sadd.s32 s2, s22;
	v1 =	vsel vm9, $0x1000, v1;
	v2 =	vsel vm9, $0x3000, v2  }
0xf: {  	vm12 =	vcmask $0x2F2C;
	s5 =	ssub.s32 s5, s21;
	s23 =	sadd.s32 $0x1A00, s4;
	[dreg:$0x6] =	wrdreg s2;
	v1 =	vsel vm10, $0x1080, v1;
	v2 =	vsel vm10, $0x3080, v2  }
0x10: {  	vm13 =	vcmask $0x3330;
	s21 =	simm.s32 $0x8280;
	s24 =	sadd.s32 s3, s22;
	[dreg:$0x7] =	wrdreg s23;
	v1 =	vsel vm11, $0x1100, v1;
	v2 =	vsel vm11, $0x3100, v2  }
0x11: {  	vm14 =	vcmask $0x3734;
	s25 =	sadd.s32 $0x11A00, s4;
	s26 =	smax.u32 s5, $0x1;
	[dreg:$0x8] =	wrdreg s24;
	v1 =	vsel vm12, $0x1180, v1;
	v2 =	vsel vm12, $0x3180, v2  }
0x12: {  	v0 =	vmul.u32 $0x80, v0;
	s22 =	simm.s32 $0x9280;
	s5 =	simm.s32 $0x14280;
	[dreg:$0x9] =	wrdreg s25;
	v1 =	vsel vm13, $0x1200, v1;
	v2 =	vsel vm13, $0x3200, v2  }
0x13: {  	vm15 =	vcmask $0x3B38;
	s4 =	simm.s32 $0x0;
	[dreg:$0xa] =	wrdreg s26;
	s23 =	simm.s32 $0xA280;
	v3 =	vsel vm14, $0x1280, v1;
	v4 =	vsel vm14, $0x3280, v2  }
0x14: {  	s24 =	simm.s32 $0xB280;
	s25 =	simm.s32 $0xC280;
	s26 =	simm.s32 $0xD280;
	v1 =	vor.u32 $0x800, v0;
	v2 =	vsel vm15, $0x1300, v3;
	v3 =	vsel vm15, $0x3300, v4  }
.LBB2_1:
0x15: {  	[dreg:$0xb] =	wrdreg s4  }
0x16: {  	s6 =	simm.s32 $0x0;
	s2 =	rddreg [dreg:$0x6];
	s4 =	simm.s32 $0x2  }
0x17: {  	[tilespmem:s6], [sflag:$0x2] =	stream.linear.gather [hbm4b:s2+s6], $0x200, $0x38;
	[tilespmem:$0x18280] =	vst v63  }
0x18: {  	_ =	swait.ge [sflag:s4], $0x200  }
0x19: {  	[sflag:s4] =	ssyncset.done $0x0  }
0x1a: {  	[sflag:s4] =	ssyncadd.s32 $0xFFFFFE00  }
0x1b: {  	v4 =	vld [tilespmem:$0x0];
	_ =	sdelay $0x4  }
0x1c: {  	(v2sf) =	vpush v4, $0x0;
	_ =	sdelay $0x1  }
0x1d: {  	(v2sf) =	vpush v4, $0x1;
	_ =	sdelay $0x2  }
0x1e: {  	(v2sf) =	vpush v4, $0x2;
	_ =	sdelay $0x2  }
0x1f: {  	(v2sf) =	vpush v4, $0x3;
	_ =	sdelay $0x2  }
0x20: {  	(v2sf) =	vpush v4, $0x4;
	_ =	sdelay $0x2  }
0x21: {  	(v2sf) =	vpush v4, $0x5  }
0x22: {  	s7 =	spop (v2sf)  }
0x23: {  	s2 =	sand.u32 $0xFFFFF80, s7  }
0x24: {  	(v2sf) =	vpush v4, $0x6;
	s8 =	spop (v2sf);
	s2 =	sadd.s32 s0, s2  }
0x25: {  	[tilespmem:s15], [sflag:$0x1] =	stream.strided.gather [hbm4b:s2+s12], $0x1000, s11, s12, $0x38;
	[tilespmem:$0x18280] =	vst v63  }
0x26: {  	s2 =	sand.u32 $0xFFFFF80, s8  }
0x27: {  	(v2sf) =	vpush v4, $0x7;
	s9 =	spop (v2sf);
	s2 =	sadd.s32 s0, s2  }
0x28: {  	[tilespmem:s16], [sflag:$0x1] =	stream.strided.gather [hbm4b:s2+s12], $0x1000, s11, s12, $0x38;
	[tilespmem:$0x18280] =	vst v63  }
0x29: {  	s2 =	sand.u32 $0xFFFFF80, s9  }
0x2a: {  	s10 =	spop (v2sf);
	s2 =	sadd.s32 s0, s2  }
0x2b: {  	[tilespmem:s17], [sflag:$0x1] =	stream.strided.gather [hbm4b:s2+s12], $0x1000, s11, s12, $0x38;
	[tilespmem:$0x18280] =	vst v63  }
0x2c: {  	s2 =	sand.u32 $0xFFFFF80, s10  }
0x2d: {  	s3 =	spop (v2sf);
	s2 =	sadd.s32 s0, s2  }
0x2e: {  	[tilespmem:s18], [sflag:$0x1] =	stream.strided.gather [hbm4b:s2+s12], $0x1000, s11, s12, $0x38;
	[tilespmem:$0x18280] =	vst v63  }
0x2f: {  	s2 =	sand.u32 $0xFFFFF80, s3  }
0x30: {  	s4 =	spop (v2sf);
	s2 =	sadd.s32 s0, s2  }
0x31: {  	[tilespmem:s13], [sflag:$0x1] =	stream.strided.gather [hbm4b:s2+s12], $0x1000, s11, s12, $0x38;
	[tilespmem:$0x18280] =	vst v63  }
0x32: {  	s2 =	sand.u32 $0xFFFFF80, s4  }
0x33: {  	s7 =	spop (v2sf);
	s2 =	sadd.s32 s0, s2  }
0x34: {  	[tilespmem:s14], [sflag:$0x1] =	stream.strided.gather [hbm4b:s2+s12], $0x1000, s11, s12, $0x38;
	[tilespmem:$0x18280] =	vst v63  }
0x35: {  	s2 =	sand.u32 $0xFFFFF80, s7  }
0x36: {  	s8 =	spop (v2sf);
	s2 =	sadd.s32 s0, s2  }
0x37: {  	[tilespmem:s19], [sflag:$0x1] =	stream.strided.gather [hbm4b:s2+s12], $0x1000, s11, s12, $0x38;
	[tilespmem:$0x18280] =	vst v63  }
0x38: {  	s2 =	sand.u32 $0xFFFFF80, s8  }
0x39: {  	s7 =	simm.s32 $0x8;
	s2 =	sadd.s32 s0, s2  }
0x3a: {  	[tilespmem:s20], [sflag:$0x1] =	stream.strided.gather [hbm4b:s2+s12], $0x1000, s11, s12, $0x38;
	[tilespmem:$0x18280] =	vst v63  }
0x3b: {  	v4 =	vld [tilespmem:s7+$0x0];
	_ =	sdelay $0x4  }
0x3c: {  	(v2sf) =	vpush v4, $0x0  }
0x3d: {  	(v2sf) =	vpush v4, $0x1  }
0x3e: {  	(v2sf) =	vpush v4, $0x2;
	_ =	sdelay $0x1  }
0x3f: {  	(v2sf) =	vpush v4, $0x3;
	_ =	sdelay $0x1  }
0x40: {  	(v2sf) =	vpush v4, $0x4;
	_ =	sdelay $0x1  }
0x41: {  	(v2sf) =	vpush v4, $0x5;
	_ =	sdelay $0x1  }
0x42: {  	(v2sf) =	vpush v4, $0x6;
	_ =	sdelay $0x1  }
0x43: {  	(v2sf) =	vpush v4, $0x7;
	_ =	sdelay $0x2  }
0x44: {  	s9 =	spop (v2sf)  }
0x45: {  	s2 =	sand.u32 $0xFFFFF80, s9;
	s3 =	spop (v2sf)  }
0x46: {  	s2 =	sadd.s32 s0, s2;
	s3 =	sand.u32 $0xFFFFF80, s3;
	s10 =	spop (v2sf)  }
0x47: {  	[tilespmem:s21], [sflag:$0x1] =	stream.strided.gather [hbm4b:s2+s12], $0x1000, s11, s12, $0x38;
	[tilespmem:$0x18280] =	vst v63  }
0x48: {  	s8 =	sadd.s32 s0, s3;
	s9 =	sand.u32 $0xFFFFF80, s10;
	s10 =	spop (v2sf)  }
0x49: {  	[tilespmem:s22], [sflag:$0x1] =	stream.strided.gather [hbm4b:s8+s12], $0x1000, s11, s12, $0x38;
	[tilespmem:$0x18280] =	vst v63  }
0x4a: {  	s8 =	sadd.s32 s0, s9;
	s9 =	sand.u32 $0xFFFFF80, s10;
	s10 =	spop (v2sf)  }
0x4b: {  	[tilespmem:s23], [sflag:$0x1] =	stream.strided.gather [hbm4b:s8+s12], $0x1000, s11, s12, $0x38;
	[tilespmem:$0x18280] =	vst v63  }
0x4c: {  	s8 =	sadd.s32 s0, s9;
	s9 =	sand.u32 $0xFFFFF80, s10;
	s10 =	spop (v2sf)  }
0x4d: {  	[tilespmem:s24], [sflag:$0x1] =	stream.strided.gather [hbm4b:s8+s12], $0x1000, s11, s12, $0x38;
	[tilespmem:$0x18280] =	vst v63  }
0x4e: {  	s8 =	sadd.s32 s0, s9;
	s9 =	sand.u32 $0xFFFFF80, s10;
	s10 =	spop (v2sf)  }
0x4f: {  	[tilespmem:s25], [sflag:$0x1] =	stream.strided.gather [hbm4b:s8+s12], $0x1000, s11, s12, $0x38;
	[tilespmem:$0x18280] =	vst v63  }
0x50: {  	s8 =	sadd.s32 s0, s9;
	s9 =	sand.u32 $0xFFFFF80, s10;
	s10 =	spop (v2sf)  }
0x51: {  	[tilespmem:s26], [sflag:$0x1] =	stream.strided.gather [hbm4b:s8+s12], $0x1000, s11, s12, $0x38;
	[tilespmem:$0x18280] =	vst v63  }
0x52: {  	s8 =	sadd.s32 s0, s9;
	s9 =	sand.u32 $0xFFFFF80, s10  }
0x53: {  	[tilespmem:s28], [sflag:$0x1] =	stream.strided.gather [hbm4b:s8+s12], $0x1000, s11, s12, $0x38;
	[tilespmem:$0x18280] =	vst v63  }
0x54: {  	s10 =	sadd.s32 s0, s9  }
0x55: {  	[tilespmem:s29], [sflag:$0x1] =	stream.strided.gather [hbm4b:s10+s12], $0x1000, s11, s12, $0x38;
	[tilespmem:$0x18280] =	vst v63  }
0x56: {  	v4 =	vld [tilespmem:s7+$0xFFFFFFF8];
	_ =	sdelay $0x3  }
0x57: {  	_ =	swait.ge [sflag:s30], $0x1000  }
0x58: {  	(v2sf) =	vpush v4, $0x0;
	_ =	sdelay $0x6  }
0x59: {  	(v2sf) =	vpush v4, $0x1  }
0x5a: {  	(v2sf) =	vpush v4, $0x2  }
0x5b: {  	(v2sf) =	vpush v4, $0x3  }
0x5c: {  	(v2sf) =	vpush v4, $0x4  }
0x5d: {  	(v2sf) =	vpush v4, $0x5  }
0x5e: {  	(v2sf) =	vpush v4, $0x6  }
0x5f: {  	(v2sf) =	vpush v4, $0x7;
	_ =	sdelay $0x1  }
0x60: {  	s3 =	spop (v2sf)  }
0x61: {  	s2 =	sand.u32 $0x7F, s3  }
0x62: {  	v4 =	vor.u32 s2, v0  }
0x63: {  	v6 =	vmov s6;
	v5 =	vor.u32 s2, v1  }
0x64: {  	v7 =	vshll.u32 v6, $0x3  }
0x65: {  	v6 =	vand.u32 $0x70, v6;
	v7 =	vand.u32 $0xC00, v7;
	[sflag:s30] =	ssyncset.done $0x0  }
0x66: {  	v6 =	vor.u32 v6, v7;
	[sflag:s30] =	ssyncadd.s32 $0xFFFFF000  }
0x67: {  	v7 =	vor.u32 v2, v6;
	s4 =	spop (v2sf);
	v4 =	vld.idx.msk [tilespmem:v4+s15+$0x0], $0xffff  }
0x68: {  	v6 =	vor.u32 v3, v6;
	s6 =	spop (v2sf);
	v5 =	vld.idx.msk [tilespmem:v5+s15+$0x0], $0xffff  }
0x69: {  	s8 =	spop (v2sf)  }
0x6a: {  	s9 =	spop (v2sf)  }
0x6b: {  	s2 =	sand.u32 $0x7F, s4;
	s4 =	spop (v2sf)  }
0x6c: {  	s10 =	simm.s32 $0x1;
	s3 =	spop (v2sf);
	[tilespmem:v7+s31+$0x0] =	vst.idx.msk $0xffff, v4;
	v4 =	vor.u32 s2, v0  }
0x6d: {  	v7 =	vor.u32 s2, v1;
	s2 =	spop (v2sf);
	[tilespmem:v6+s31+$0x0] =	vst.idx.msk $0xffff, v5;
	v5 =	vmov s10  }
0x6e: {  	_ =	swait.ge [sflag:s30], $0x1000;
	v6 =	vshll.u32 v5, $0x3  }
0x6f: {  	v5 =	vand.u32 $0x71, v5;
	[sflag:s30] =	ssyncset.done $0x0;
	v6 =	vand.u32 $0xC00, v6  }
0x70: {  	[sflag:s30] =	ssyncadd.s32 $0xFFFFF000;
	v5 =	vor.u32 v5, v6  }
0x71: {  	v4 =	vld.idx.msk [tilespmem:v4+s16+$0x0], $0xffff;
	v6 =	vor.u32 v2, v5  }
0x72: {  	v7 =	vld.idx.msk [tilespmem:v7+s16+$0x0], $0xffff;
	v5 =	vor.u32 v3, v5;
	_ =	sdelay $0x2  }
0x73: {  	s6 =	sand.u32 $0x7F, s6  }
0x74: {  	s10 =	simm.s32 $0x2;
	[tilespmem:v6+s31+$0x0] =	vst.idx.msk $0xffff, v4;
	v4 =	vor.u32 s6, v0  }
0x75: {  	v6 =	vmov s10;
	[tilespmem:v5+s31+$0x0] =	vst.idx.msk $0xffff, v7;
	v5 =	vor.u32 s6, v1  }
0x76: {  	v7 =	vshll.u32 v6, $0x3;
	_ =	swait.ge [sflag:s30], $0x1000  }
0x77: {  	v6 =	vand.u32 $0x72, v6;
	v7 =	vand.u32 $0xC00, v7;
	[sflag:s30] =	ssyncset.done $0x0  }
0x78: {  	v6 =	vor.u32 v6, v7;
	[sflag:s30] =	ssyncadd.s32 $0xFFFFF000  }
0x79: {  	v7 =	vor.u32 v2, v6;
	v4 =	vld.idx.msk [tilespmem:v4+s17+$0x0], $0xffff  }
0x7a: {  	v6 =	vor.u32 v3, v6;
	v5 =	vld.idx.msk [tilespmem:v5+s17+$0x0], $0xffff;
	_ =	sdelay $0x2  }
0x7b: {  	s8 =	sand.u32 $0x7F, s8  }
0x7c: {  	s10 =	simm.s32 $0x3;
	[tilespmem:v7+s31+$0x0] =	vst.idx.msk $0xffff, v4;
	v4 =	vor.u32 s8, v0  }
0x7d: {  	[tilespmem:v6+s31+$0x0] =	vst.idx.msk $0xffff, v5;
	v5 =	vor.u32 s8, v1;
	v6 =	vmov s10  }
0x7e: {  	_ =	swait.ge [sflag:s30], $0x1000;
	v7 =	vshll.u32 v6, $0x3  }
0x7f: {  	v6 =	vand.u32 $0x73, v6;
	[sflag:s30] =	ssyncset.done $0x0;
	v7 =	vand.u32 $0xC00, v7  }
0x80: {  	[sflag:s30] =	ssyncadd.s32 $0xFFFFF000;
	v6 =	vor.u32 v6, v7  }
0x81: {  	v4 =	vld.idx.msk [tilespmem:v4+s18+$0x0], $0xffff;
	v7 =	vor.u32 v2, v6  }
0x82: {  	v6 =	vor.u32 v3, v6;
	v5 =	vld.idx.msk [tilespmem:v5+s18+$0x0], $0xffff;
	_ =	sdelay $0x2  }
0x83: {  	s9 =	sand.u32 $0x7F, s9  }
0x84: {  	s10 =	simm.s32 $0x4;
	[tilespmem:v7+s31+$0x0] =	vst.idx.msk $0xffff, v4;
	v4 =	vor.u32 s9, v0  }
0x85: {  	[tilespmem:v6+s31+$0x0] =	vst.idx.msk $0xffff, v5;
	v5 =	vor.u32 s9, v1;
	v6 =	vmov s10  }
0x86: {  	_ =	swait.ge [sflag:s30], $0x1000;
	v7 =	vshll.u32 v6, $0x3  }
0x87: {  	v6 =	vand.u32 $0x74, v6;
	[sflag:s30] =	ssyncset.done $0x0;
	v7 =	vand.u32 $0xC00, v7  }
0x88: {  	[sflag:s30] =	ssyncadd.s32 $0xFFFFF000;
	v6 =	vor.u32 v6, v7  }
0x89: {  	v4 =	vld.idx.msk [tilespmem:v4+s13+$0x0], $0xffff;
	v7 =	vor.u32 v2, v6  }
0x8a: {  	v6 =	vor.u32 v3, v6;
	v5 =	vld.idx.msk [tilespmem:v5+s13+$0x0], $0xffff;
	_ =	sdelay $0x2  }
0x8b: {  	s4 =	sand.u32 $0x7F, s4  }
0x8c: {  	s13 =	simm.s32 $0x5;
	[tilespmem:v7+s31+$0x0] =	vst.idx.msk $0xffff, v4;
	v4 =	vor.u32 s4, v0  }
0x8d: {  	[tilespmem:v6+s31+$0x0] =	vst.idx.msk $0xffff, v5;
	v5 =	vor.u32 s4, v1;
	v6 =	vmov s13  }
0x8e: {  	_ =	swait.ge [sflag:s30], $0x1000;
	v7 =	vshll.u32 v6, $0x3  }
0x8f: {  	v6 =	vand.u32 $0x75, v6;
	[sflag:s30] =	ssyncset.done $0x0;
	v7 =	vand.u32 $0xC00, v7  }
0x90: {  	[sflag:s30] =	ssyncadd.s32 $0xFFFFF000;
	v6 =	vor.u32 v6, v7  }
0x91: {  	v4 =	vld.idx.msk [tilespmem:v4+s14+$0x0], $0xffff;
	v7 =	vor.u32 v2, v6  }
0x92: {  	v6 =	vor.u32 v3, v6;
	v5 =	vld.idx.msk [tilespmem:v5+s14+$0x0], $0xffff;
	_ =	sdelay $0x2  }
0x93: {  	s3 =	sand.u32 $0x7F, s3  }
0x94: {  	s8 =	simm.s32 $0x6;
	[tilespmem:v7+s31+$0x0] =	vst.idx.msk $0xffff, v4;
	v4 =	vor.u32 s3, v0  }
0x95: {  	[tilespmem:v6+s31+$0x0] =	vst.idx.msk $0xffff, v5;
	v5 =	vor.u32 s3, v1;
	v6 =	vmov s8  }
0x96: {  	_ =	swait.ge [sflag:s30], $0x1000;
	v7 =	vshll.u32 v6, $0x3  }
0x97: {  	v6 =	vand.u32 $0x76, v6;
	[sflag:s30] =	ssyncset.done $0x0;
	v7 =	vand.u32 $0xC00, v7  }
0x98: {  	[sflag:s30] =	ssyncadd.s32 $0xFFFFF000;
	v6 =	vor.u32 v6, v7  }
0x99: {  	v4 =	vld.idx.msk [tilespmem:v4+s19+$0x0], $0xffff;
	v7 =	vor.u32 v2, v6  }
0x9a: {  	v6 =	vor.u32 v3, v6;
	v5 =	vld.idx.msk [tilespmem:v5+s19+$0x0], $0xffff;
	_ =	sdelay $0x2  }
0x9b: {  	s2 =	sand.u32 $0x7F, s2  }
0x9c: {  	s9 =	simm.s32 $0x7;
	[tilespmem:v7+s31+$0x0] =	vst.idx.msk $0xffff, v4;
	v4 =	vor.u32 s2, v0  }
0x9d: {  	[tilespmem:v6+s31+$0x0] =	vst.idx.msk $0xffff, v5;
	v5 =	vor.u32 s2, v1;
	v6 =	vmov s9  }
0x9e: {  	_ =	swait.ge [sflag:s30], $0x1000;
	v7 =	vshll.u32 v6, $0x3  }
0x9f: {  	v6 =	vand.u32 $0x77, v6;
	[sflag:s30] =	ssyncset.done $0x0;
	v7 =	vand.u32 $0xC00, v7  }
0xa0: {  	[sflag:s30] =	ssyncadd.s32 $0xFFFFF000;
	v6 =	vor.u32 v6, v7  }
0xa1: {  	v4 =	vld.idx.msk [tilespmem:v4+s20+$0x0], $0xffff;
	v7 =	vor.u32 v2, v6  }
0xa2: {  	v6 =	vor.u32 v3, v6;
	v5 =	vld.idx.msk [tilespmem:v5+s20+$0x0], $0xffff;
	_ =	sdelay $0x3  }
0xa3: {  	[tilespmem:v7+s31+$0x0] =	vst.idx.msk $0xffff, v4  }
0xa4: {  	p0 =	por $0x0, $0x0;
	[tilespmem:v6+s31+$0x0] =	vst.idx.msk $0xffff, v5  }
0xa5: {  	v4 =	vld @!p0 [tilespmem:s7+$0x8];
	_ =	sdelay $0x4  }
0xa6: {  	(v2sf) =	vpush @!p0 v4, $0x0;
	_ =	sdelay $0x1  }
0xa7: {  	(v2sf) =	vpush @!p0 v4, $0x1;
	_ =	sdelay $0x1  }
0xa8: {  	(v2sf) =	vpush @!p0 v4, $0x2  }
0xa9: {  	(v2sf) =	vpush @!p0 v4, $0x3;
	_ =	sdelay $0x3  }
0xaa: {  	(v2sf) =	vpush @!p0 v4, $0x4;
	_ =	sdelay $0x1  }
0xab: {  	(v2sf) =	vpush @!p0 v4, $0x5  }
0xac: {  	(v2sf) =	vpush @!p0 v4, $0x6;
	_ =	sdelay $0x1  }
0xad: {  	(v2sf) =	vpush @!p0 v4, $0x7  }
0xae: {  	s6 =	simm.s32 @!p0 $0x280;
	s3 =	spop @!p0 (v2sf)  }
0xaf: {  	s4 =	simm.s32 @!p0 $0x4280;
	s8 =	simm.s32 @!p0 $0x400;
	s3 =	sand.u32 @!p0 $0xFFFFF80, s3  }
0xb0: {  	s2 =	simm.s32 @!p0 $0x7A1400;
	s9 =	spop @!p0 (v2sf);
	s3 =	sadd.s32 @!p0 s0, s3  }
0xb1: {  	[tilespmem:s6], [sflag:$0x1] =	stream.strided.gather @!p0 [hbm4b:s3+s8], $0x1000, s2, s8, $0x38;
	[tilespmem:$0x18280] =	vst v63  }
0xb2: {  	s3 =	simm.s32 @!p0 $0x1280;
	s6 =	sand.u32 @!p0 $0xFFFFF80, s9;
	s9 =	spop @!p0 (v2sf)  }
0xb3: {  	s6 =	sadd.s32 @!p0 s0, s6;
	s9 =	sand.u32 @!p0 $0xFFFFF80, s9;
	s10 =	spop @!p0 (v2sf)  }
0xb4: {  	[tilespmem:s3], [sflag:$0x1] =	stream.strided.gather @!p0 [hbm4b:s6+s8], $0x1000, s2, s8, $0x38;
	[tilespmem:$0x18280] =	vst v63  }
0xb5: {  	s3 =	simm.s32 @!p0 $0x2280;
	s6 =	sadd.s32 @!p0 s0, s9;
	s9 =	sand.u32 @!p0 $0xFFFFF80, s10  }
0xb6: {  	[tilespmem:s3], [sflag:$0x1] =	stream.strided.gather @!p0 [hbm4b:s6+s8], $0x1000, s2, s8, $0x38;
	[tilespmem:$0x18280] =	vst v63  }
0xb7: {  	s9 =	sadd.s32 @!p0 s0, s9;
	s3 =	simm.s32 @!p0 $0x3280;
	s6 =	spop @!p0 (v2sf)  }
0xb8: {  	[tilespmem:s3], [sflag:$0x1] =	stream.strided.gather @!p0 [hbm4b:s9+s8], $0x1000, s2, s8, $0x38;
	[tilespmem:$0x18280] =	vst v63  }
0xb9: {  	s6 =	sand.u32 @!p0 $0xFFFFF80, s6;
	s3 =	simm.s32 @!p0 $0x5280;
	s9 =	spop @!p0 (v2sf)  }
0xba: {  	s6 =	sadd.s32 @!p0 s0, s6;
	s9 =	sand.u32 @!p0 $0xFFFFF80, s9;
	s10 =	spop @!p0 (v2sf)  }
0xbb: {  	[tilespmem:s4], [sflag:$0x1] =	stream.strided.gather @!p0 [hbm4b:s6+s8], $0x1000, s2, s8, $0x38;
	[tilespmem:$0x18280] =	vst v63  }
0xbc: {  	s4 =	sadd.s32 @!p0 s0, s9;
	s6 =	sand.u32 @!p0 $0xFFFFF80, s10;
	s9 =	spop @!p0 (v2sf)  }
0xbd: {  	[tilespmem:s3], [sflag:$0x1] =	stream.strided.gather @!p0 [hbm4b:s4+s8], $0x1000, s2, s8, $0x38;
	[tilespmem:$0x18280] =	vst v63  }
0xbe: {  	s3 =	sadd.s32 @!p0 s0, s6;
	s4 =	simm.s32 @!p0 $0x6280;
	s6 =	sand.u32 @!p0 $0xFFFFF80, s9  }
0xbf: {  	[tilespmem:s4], [sflag:$0x1] =	stream.strided.gather @!p0 [hbm4b:s3+s8], $0x1000, s2, s8, $0x38;
	[tilespmem:$0x18280] =	vst v63  }
0xc0: {  	s3 =	sadd.s32 @!p0 s0, s6;
	s4 =	simm.s32 @!p0 $0x7280  }
0xc1: {  	[tilespmem:s4], [sflag:$0x1] =	stream.strided.gather @!p0 [hbm4b:s3+s8], $0x1000, s2, s8, $0x38;
	[tilespmem:$0x18280] =	vst v63  }
0xc2: {  	v4 =	vld [tilespmem:s7+$0x0];
	_ =	sdelay $0x3  }
0xc3: {  	_ =	swait.ge [sflag:s30], $0x1000  }
0xc4: {  	(v2sf) =	vpush v4, $0x0;
	_ =	sdelay $0x6  }
0xc5: {  	(v2sf) =	vpush v4, $0x1  }
0xc6: {  	(v2sf) =	vpush v4, $0x2  }
0xc7: {  	(v2sf) =	vpush v4, $0x3  }
0xc8: {  	(v2sf) =	vpush v4, $0x4  }
0xc9: {  	(v2sf) =	vpush v4, $0x5  }
0xca: {  	(v2sf) =	vpush v4, $0x6  }
0xcb: {  	(v2sf) =	vpush v4, $0x7;
	_ =	sdelay $0x1  }
0xcc: {  	s10 =	spop (v2sf)  }
0xcd: {  	s2 =	sand.u32 $0x7F, s10  }
0xce: {  	s13 =	simm.s32 $0x8;
	v4 =	vor.u32 s2, v0  }
0xcf: {  	v6 =	vmov s13;
	v5 =	vor.u32 s2, v1  }
0xd0: {  	v7 =	vshll.u32 v6, $0x3  }
0xd1: {  	v6 =	vand.u32 $0x78, v6;
	v7 =	vand.u32 $0xC00, v7;
	[sflag:s30] =	ssyncset.done $0x0  }
0xd2: {  	v6 =	vor.u32 v6, v7;
	[sflag:s30] =	ssyncadd.s32 $0xFFFFF000  }
0xd3: {  	v7 =	vor.u32 v2, v6;
	s14 =	spop (v2sf);
	v4 =	vld.idx.msk [tilespmem:v4+s21+$0x0], $0xffff  }
0xd4: {  	v6 =	vor.u32 v3, v6;
	s19 =	spop (v2sf);
	v5 =	vld.idx.msk [tilespmem:v5+s21+$0x0], $0xffff  }
0xd5: {  	s20 =	spop (v2sf)  }
0xd6: {  	s9 =	spop (v2sf)  }
0xd7: {  	s2 =	sand.u32 $0x7F, s14;
	s4 =	spop (v2sf)  }
0xd8: {  	s13 =	simm.s32 $0x9;
	s3 =	spop (v2sf);
	[tilespmem:v7+s31+$0x0] =	vst.idx.msk $0xffff, v4;
	v4 =	vor.u32 s2, v0  }
0xd9: {  	v7 =	vor.u32 s2, v1;
	s2 =	spop (v2sf);
	[tilespmem:v6+s31+$0x0] =	vst.idx.msk $0xffff, v5;
	v5 =	vmov s13  }
0xda: {  	_ =	swait.ge [sflag:s30], $0x1000;
	v6 =	vshll.u32 v5, $0x3  }
0xdb: {  	v5 =	vand.u32 $0x79, v5;
	[sflag:s30] =	ssyncset.done $0x0;
	v6 =	vand.u32 $0xC00, v6  }
0xdc: {  	[sflag:s30] =	ssyncadd.s32 $0xFFFFF000;
	v5 =	vor.u32 v5, v6  }
0xdd: {  	v4 =	vld.idx.msk [tilespmem:v4+s22+$0x0], $0xffff;
	v6 =	vor.u32 v2, v5  }
0xde: {  	v7 =	vld.idx.msk [tilespmem:v7+s22+$0x0], $0xffff;
	v5 =	vor.u32 v3, v5;
	_ =	sdelay $0x2  }
0xdf: {  	s6 =	sand.u32 $0x7F, s19  }
0xe0: {  	s14 =	simm.s32 $0xA;
	[tilespmem:v6+s31+$0x0] =	vst.idx.msk $0xffff, v4;
	v4 =	vor.u32 s6, v0  }
0xe1: {  	v6 =	vor.u32 s6, v1;
	[tilespmem:v5+s31+$0x0] =	vst.idx.msk $0xffff, v7;
	v5 =	vmov s14  }
0xe2: {  	_ =	swait.ge [sflag:s30], $0x1000;
	v7 =	vshll.u32 v5, $0x3  }
0xe3: {  	v5 =	vand.u32 $0x7A, v5;
	[sflag:s30] =	ssyncset.done $0x0;
	v7 =	vand.u32 $0xC00, v7  }
0xe4: {  	[sflag:s30] =	ssyncadd.s32 $0xFFFFF000;
	v5 =	vor.u32 v5, v7  }
0xe5: {  	v4 =	vld.idx.msk [tilespmem:v4+s23+$0x0], $0xffff;
	v7 =	vor.u32 v2, v5  }
0xe6: {  	v6 =	vld.idx.msk [tilespmem:v6+s23+$0x0], $0xffff;
	v5 =	vor.u32 v3, v5;
	_ =	sdelay $0x2  }
0xe7: {  	s19 =	sand.u32 $0x7F, s20  }
0xe8: {  	s20 =	simm.s32 $0xB;
	[tilespmem:v7+s31+$0x0] =	vst.idx.msk $0xffff, v4;
	v4 =	vor.u32 s19, v0  }
0xe9: {  	v7 =	vor.u32 s19, v1;
	[tilespmem:v5+s31+$0x0] =	vst.idx.msk $0xffff, v6;
	v5 =	vmov s20  }
0xea: {  	_ =	swait.ge [sflag:s30], $0x1000;
	v6 =	vshll.u32 v5, $0x3  }
0xeb: {  	v5 =	vand.u32 $0x7B, v5;
	[sflag:s30] =	ssyncset.done $0x0;
	v6 =	vand.u32 $0xC00, v6  }
0xec: {  	[sflag:s30] =	ssyncadd.s32 $0xFFFFF000;
	v5 =	vor.u32 v5, v6  }
0xed: {  	v4 =	vld.idx.msk [tilespmem:v4+s24+$0x0], $0xffff;
	v6 =	vor.u32 v2, v5  }
0xee: {  	v7 =	vld.idx.msk [tilespmem:v7+s24+$0x0], $0xffff;
	v5 =	vor.u32 v3, v5;
	_ =	sdelay $0x2  }
0xef: {  	s10 =	sand.u32 $0x7F, s9  }
0xf0: {  	s13 =	simm.s32 $0xC;
	[tilespmem:v6+s31+$0x0] =	vst.idx.msk $0xffff, v4;
	v4 =	vor.u32 s10, v0  }
0xf1: {  	v6 =	vor.u32 s10, v1;
	[tilespmem:v5+s31+$0x0] =	vst.idx.msk $0xffff, v7;
	v5 =	vmov s13  }
0xf2: {  	_ =	swait.ge [sflag:s30], $0x1000;
	v7 =	vshll.u32 v5, $0x3  }
0xf3: {  	v5 =	vand.u32 $0x7C, v5;
	[sflag:s30] =	ssyncset.done $0x0;
	v7 =	vand.u32 $0xC00, v7  }
0xf4: {  	[sflag:s30] =	ssyncadd.s32 $0xFFFFF000;
	v5 =	vor.u32 v5, v7  }
0xf5: {  	v4 =	vld.idx.msk [tilespmem:v4+s25+$0x0], $0xffff;
	v7 =	vor.u32 v2, v5  }
0xf6: {  	v6 =	vld.idx.msk [tilespmem:v6+s25+$0x0], $0xffff;
	v5 =	vor.u32 v3, v5;
	_ =	sdelay $0x2  }
0xf7: {  	s4 =	sand.u32 $0x7F, s4  }
0xf8: {  	s14 =	simm.s32 $0xD;
	[tilespmem:v7+s31+$0x0] =	vst.idx.msk $0xffff, v4;
	v4 =	vor.u32 s4, v0  }
0xf9: {  	v7 =	vor.u32 s4, v1;
	[tilespmem:v5+s31+$0x0] =	vst.idx.msk $0xffff, v6;
	v5 =	vmov s14  }
0xfa: {  	_ =	swait.ge [sflag:s30], $0x1000;
	v6 =	vshll.u32 v5, $0x3  }
0xfb: {  	v5 =	vand.u32 $0x7D, v5;
	[sflag:s30] =	ssyncset.done $0x0;
	v6 =	vand.u32 $0xC00, v6  }
0xfc: {  	[sflag:s30] =	ssyncadd.s32 $0xFFFFF000;
	v5 =	vor.u32 v5, v6  }
0xfd: {  	v4 =	vld.idx.msk [tilespmem:v4+s26+$0x0], $0xffff;
	v6 =	vor.u32 v2, v5  }
0xfe: {  	v7 =	vld.idx.msk [tilespmem:v7+s26+$0x0], $0xffff;
	v5 =	vor.u32 v3, v5;
	_ =	sdelay $0x2  }
0xff: {  	s3 =	sand.u32 $0x7F, s3  }
0x100: {  	s19 =	simm.s32 $0xE;
	[tilespmem:v6+s31+$0x0] =	vst.idx.msk $0xffff, v4;
	v4 =	vor.u32 s3, v0  }
0x101: {  	v6 =	vor.u32 s3, v1;
	[tilespmem:v5+s31+$0x0] =	vst.idx.msk $0xffff, v7;
	v5 =	vmov s19  }
0x102: {  	_ =	swait.ge [sflag:s30], $0x1000;
	v7 =	vshll.u32 v5, $0x3  }
0x103: {  	v5 =	vand.u32 $0x7E, v5;
	[sflag:s30] =	ssyncset.done $0x0;
	v7 =	vand.u32 $0xC00, v7  }
0x104: {  	[sflag:s30] =	ssyncadd.s32 $0xFFFFF000;
	v5 =	vor.u32 v5, v7  }
0x105: {  	v4 =	vld.idx.msk [tilespmem:v4+s28+$0x0], $0xffff;
	v7 =	vor.u32 v2, v5  }
0x106: {  	v6 =	vld.idx.msk [tilespmem:v6+s28+$0x0], $0xffff;
	v5 =	vor.u32 v3, v5;
	_ =	sdelay $0x2  }
0x107: {  	s2 =	sand.u32 $0x7F, s2;
	s20 =	simm.s32 $0xF  }
0x108: {  	[tilespmem:v7+s31+$0x0] =	vst.idx.msk $0xffff, v4;
	v4 =	vor.u32 s2, v0;
	v7 =	vmov s20  }
0x109: {  	[tilespmem:v5+s31+$0x0] =	vst.idx.msk $0xffff, v6;
	v5 =	vshll.u32 v7, $0x3;
	v6 =	vand.u32 $0x7F, v7;
	v7 =	vor.u32 s2, v1  }
0x10a: {  	_ =	swait.ge [sflag:s30], $0x1000  }
0x10b: {  	v5 =	vand.u32 $0xC00, v5;
	[sflag:s30] =	ssyncset.done $0x0  }
0x10c: {  	v5 =	vor.u32 v6, v5;
	[sflag:s30] =	ssyncadd.s32 $0xFFFFF000  }
0x10d: {  	v8 =	vor.u32 v2, v5;
	v6 =	vld.idx.msk [tilespmem:v4+s29+$0x0], $0xffff  }
0x10e: {  	v5 =	vor.u32 v3, v5;
	v4 =	vld.idx.msk [tilespmem:v7+s29+$0x0], $0xffff;
	_ =	sdelay $0x3  }
0x10f: {  	s8 =	simm.s32 $0x10;
	s19 =	simm.s32 $0x7280;
	s20 =	simm.s32 $0x5280;
	[tilespmem:v8+s31+$0x0] =	vst.idx.msk $0xffff, v6  }
.LBB2_2:
0x110: {  	[tilespmem:v5+s31+$0x0] =	vst.idx.msk $0xffff, v4;
	s7 =	sadd.s32 $0x10, s7;
	s9 =	smov.u32 s8;
	s8 =	sadd.s32 $0x10, s8  }
0x111: {  	v4 =	vld [tilespmem:s7+$0x0];
	p0 =	sne.s32 s8, $0x200;
	_ =	sdelay $0x4  }
0x112: {  	(v2sf) =	vpush v4, $0x0  }
0x113: {  	(v2sf) =	vpush v4, $0x1  }
0x114: {  	(v2sf) =	vpush v4, $0x2;
	_ =	sdelay $0x1  }
0x115: {  	(v2sf) =	vpush v4, $0x3;
	_ =	sdelay $0x1  }
0x116: {  	(v2sf) =	vpush v4, $0x4;
	_ =	sdelay $0x1  }
0x117: {  	(v2sf) =	vpush v4, $0x5;
	_ =	sdelay $0x1  }
0x118: {  	(v2sf) =	vpush v4, $0x6;
	_ =	sdelay $0x1  }
0x119: {  	(v2sf) =	vpush v4, $0x7;
	_ =	sdelay $0x2  }
0x11a: {  	s2 =	spop (v2sf)  }
0x11b: {  	s2 =	sand.u32 $0xFFFFF80, s2;
	s3 =	spop (v2sf)  }
0x11c: {  	s2 =	sadd.s32 s0, s2;
	s3 =	sand.u32 $0xFFFFF80, s3;
	s4 =	spop (v2sf)  }
0x11d: {  	[tilespmem:s21], [sflag:$0x1] =	stream.strided.gather [hbm4b:s2+s12], $0x1000, s11, s12, $0x38;
	[tilespmem:$0x18280] =	vst v63  }
0x11e: {  	s2 =	sadd.s32 s0, s3;
	s3 =	sand.u32 $0xFFFFF80, s4;
	s4 =	spop (v2sf)  }
0x11f: {  	[tilespmem:s22], [sflag:$0x1] =	stream.strided.gather [hbm4b:s2+s12], $0x1000, s11, s12, $0x38;
	[tilespmem:$0x18280] =	vst v63  }
0x120: {  	s2 =	sadd.s32 s0, s3;
	s3 =	sand.u32 $0xFFFFF80, s4;
	s4 =	spop (v2sf)  }
0x121: {  	[tilespmem:s23], [sflag:$0x1] =	stream.strided.gather [hbm4b:s2+s12], $0x1000, s11, s12, $0x38;
	[tilespmem:$0x18280] =	vst v63  }
0x122: {  	s2 =	sadd.s32 s0, s3;
	s3 =	sand.u32 $0xFFFFF80, s4;
	s4 =	spop (v2sf)  }
0x123: {  	[tilespmem:s24], [sflag:$0x1] =	stream.strided.gather [hbm4b:s2+s12], $0x1000, s11, s12, $0x38;
	[tilespmem:$0x18280] =	vst v63  }
0x124: {  	s2 =	sadd.s32 s0, s3;
	s3 =	sand.u32 $0xFFFFF80, s4;
	s4 =	spop (v2sf)  }
0x125: {  	[tilespmem:s25], [sflag:$0x1] =	stream.strided.gather [hbm4b:s2+s12], $0x1000, s11, s12, $0x38;
	[tilespmem:$0x18280] =	vst v63  }
0x126: {  	s2 =	sadd.s32 s0, s3;
	s3 =	sand.u32 $0xFFFFF80, s4;
	s4 =	spop (v2sf)  }
0x127: {  	[tilespmem:s26], [sflag:$0x1] =	stream.strided.gather [hbm4b:s2+s12], $0x1000, s11, s12, $0x38;
	[tilespmem:$0x18280] =	vst v63  }
0x128: {  	s2 =	sadd.s32 s0, s3;
	s3 =	sand.u32 $0xFFFFF80, s4  }
0x129: {  	[tilespmem:s28], [sflag:$0x1] =	stream.strided.gather [hbm4b:s2+s12], $0x1000, s11, s12, $0x38;
	[tilespmem:$0x18280] =	vst v63  }
0x12a: {  	s2 =	sadd.s32 s0, s3  }
0x12b: {  	[tilespmem:s29], [sflag:$0x1] =	stream.strided.gather [hbm4b:s2+s12], $0x1000, s11, s12, $0x38;
	[tilespmem:$0x18280] =	vst v63  }
0x12c: {  	v4 =	vld [tilespmem:s7+$0xFFFFFFF8]  }
0x12d: {  	_ =	swait.ge [sflag:s30], $0x1000;
	_ =	sdelay $0x3  }
0x12e: {  	(v2sf) =	vpush v4, $0x0  }
0x12f: {  	(v2sf) =	vpush v4, $0x1  }
0x130: {  	(v2sf) =	vpush v4, $0x2  }
0x131: {  	(v2sf) =	vpush v4, $0x3  }
0x132: {  	(v2sf) =	vpush v4, $0x4  }
0x133: {  	(v2sf) =	vpush v4, $0x5  }
0x134: {  	(v2sf) =	vpush v4, $0x6  }
0x135: {  	(v2sf) =	vpush v4, $0x7;
	_ =	sdelay $0x7  }
0x136: {  	s2 =	spop (v2sf)  }
0x137: {  	s2 =	sand.u32 $0x7F, s2;
	s3 =	spop (v2sf)  }
0x138: {  	v4 =	vor.u32 s2, v0;
	v5 =	vor.u32 s2, v1;
	s14 =	sand.u32 $0x7F, s3;
	s2 =	spop (v2sf)  }
0x139: {  	s13 =	sand.u32 $0x7F, s2;
	s2 =	spop (v2sf)  }
0x13a: {  	v6 =	vmov s9;
	s6 =	sand.u32 $0x7F, s2;
	s2 =	spop (v2sf)  }
0x13b: {  	v7 =	vshll.u32 v6, $0x3;
	[sflag:s30] =	ssyncset.done $0x0;
	s4 =	sand.u32 $0x7F, s2;
	s2 =	spop (v2sf)  }
0x13c: {  	v6 =	vand.u32 $0x70, v6;
	v7 =	vand.u32 $0xC00, v7;
	[sflag:s30] =	ssyncadd.s32 $0xFFFFF000;
	s10 =	sand.u32 $0x7F, s2;
	s2 =	spop (v2sf)  }
0x13d: {  	v6 =	vor.u32 v6, v7;
	v4 =	vld.idx.msk [tilespmem:v4+s15+$0x0], $0xffff;
	s3 =	sand.u32 $0x7F, s2;
	s2 =	spop (v2sf)  }
0x13e: {  	v7 =	vor.u32 v2, v6;
	v5 =	vld.idx.msk [tilespmem:v5+s15+$0x0], $0xffff;
	s2 =	sand.u32 $0x7F, s2  }
0x13f: {  	v6 =	vor.u32 v3, v6;
	_ =	sdelay $0x3  }
0x140: {  	[tilespmem:v7+s31+$0x0] =	vst.idx.msk $0xffff, v4;
	v4 =	vor.u32 s14, v0  }
0x141: {  	s15 =	sadd.s32 $0x1, s9;
	[tilespmem:v6+s31+$0x0] =	vst.idx.msk $0xffff, v5;
	v5 =	vor.u32 s14, v1  }
0x142: {  	v6 =	vmov s15;
	_ =	swait.ge [sflag:s30], $0x1000  }
0x143: {  	v7 =	vshll.u32 v6, $0x3;
	[sflag:s30] =	ssyncset.done $0x0  }
0x144: {  	v6 =	vand.u32 $0x71, v6;
	v7 =	vand.u32 $0xC00, v7;
	[sflag:s30] =	ssyncadd.s32 $0xFFFFF000  }
0x145: {  	v6 =	vor.u32 v6, v7;
	v4 =	vld.idx.msk [tilespmem:v4+s16+$0x0], $0xffff  }
0x146: {  	v7 =	vor.u32 v2, v6;
	v5 =	vld.idx.msk [tilespmem:v5+s16+$0x0], $0xffff  }
0x147: {  	v6 =	vor.u32 v3, v6;
	_ =	sdelay $0x3  }
0x148: {  	[tilespmem:v7+s31+$0x0] =	vst.idx.msk $0xffff, v4;
	v4 =	vor.u32 s13, v0  }
0x149: {  	s14 =	sadd.s32 $0x2, s9;
	[tilespmem:v6+s31+$0x0] =	vst.idx.msk $0xffff, v5;
	v5 =	vor.u32 s13, v1  }
0x14a: {  	v6 =	vmov s14;
	_ =	swait.ge [sflag:s30], $0x1000  }
0x14b: {  	v7 =	vshll.u32 v6, $0x3;
	[sflag:s30] =	ssyncset.done $0x0  }
0x14c: {  	v6 =	vand.u32 $0x72, v6;
	v7 =	vand.u32 $0xC00, v7;
	[sflag:s30] =	ssyncadd.s32 $0xFFFFF000  }
0x14d: {  	v6 =	vor.u32 v6, v7;
	v4 =	vld.idx.msk [tilespmem:v4+s17+$0x0], $0xffff  }
0x14e: {  	v7 =	vor.u32 v2, v6;
	v5 =	vld.idx.msk [tilespmem:v5+s17+$0x0], $0xffff  }
0x14f: {  	v6 =	vor.u32 v3, v6;
	_ =	sdelay $0x3  }
0x150: {  	[tilespmem:v7+s31+$0x0] =	vst.idx.msk $0xffff, v4;
	v4 =	vor.u32 s6, v0  }
0x151: {  	s13 =	sadd.s32 $0x3, s9;
	[tilespmem:v6+s31+$0x0] =	vst.idx.msk $0xffff, v5;
	v5 =	vor.u32 s6, v1  }
0x152: {  	v6 =	vmov s13;
	_ =	swait.ge [sflag:s30], $0x1000  }
0x153: {  	v7 =	vshll.u32 v6, $0x3;
	[sflag:s30] =	ssyncset.done $0x0  }
0x154: {  	v6 =	vand.u32 $0x73, v6;
	v7 =	vand.u32 $0xC00, v7;
	[sflag:s30] =	ssyncadd.s32 $0xFFFFF000  }
0x155: {  	v6 =	vor.u32 v6, v7;
	v4 =	vld.idx.msk [tilespmem:v4+s18+$0x0], $0xffff  }
0x156: {  	v7 =	vor.u32 v2, v6;
	v5 =	vld.idx.msk [tilespmem:v5+s18+$0x0], $0xffff  }
0x157: {  	v6 =	vor.u32 v3, v6;
	_ =	sdelay $0x3  }
0x158: {  	[tilespmem:v7+s31+$0x0] =	vst.idx.msk $0xffff, v4;
	v4 =	vor.u32 s4, v0  }
0x159: {  	s6 =	sadd.s32 $0x4, s9;
	[tilespmem:v6+s31+$0x0] =	vst.idx.msk $0xffff, v5;
	v5 =	vor.u32 s4, v1  }
0x15a: {  	v6 =	vmov s6;
	_ =	swait.ge [sflag:s30], $0x1000  }
0x15b: {  	v7 =	vshll.u32 v6, $0x3;
	[sflag:s30] =	ssyncset.done $0x0  }
0x15c: {  	s4 =	simm.s32 $0x4280;
	v6 =	vand.u32 $0x74, v6;
	v7 =	vand.u32 $0xC00, v7;
	[sflag:s30] =	ssyncadd.s32 $0xFFFFF000  }
0x15d: {  	v6 =	vor.u32 v6, v7;
	v4 =	vld.idx.msk [tilespmem:v4+s4+$0x0], $0xffff  }
0x15e: {  	v7 =	vor.u32 v2, v6;
	v5 =	vld.idx.msk [tilespmem:v5+s4+$0x0], $0xffff  }
0x15f: {  	v6 =	vor.u32 v3, v6;
	_ =	sdelay $0x3  }
0x160: {  	[tilespmem:v7+s31+$0x0] =	vst.idx.msk $0xffff, v4;
	v4 =	vor.u32 s10, v0  }
0x161: {  	s4 =	sadd.s32 $0x5, s9;
	[tilespmem:v6+s31+$0x0] =	vst.idx.msk $0xffff, v5;
	v5 =	vor.u32 s10, v1  }
0x162: {  	v6 =	vmov s4;
	_ =	swait.ge [sflag:s30], $0x1000  }
0x163: {  	v7 =	vshll.u32 v6, $0x3;
	[sflag:s30] =	ssyncset.done $0x0  }
0x164: {  	v6 =	vand.u32 $0x75, v6;
	v7 =	vand.u32 $0xC00, v7;
	[sflag:s30] =	ssyncadd.s32 $0xFFFFF000  }
0x165: {  	v6 =	vor.u32 v6, v7;
	v4 =	vld.idx.msk [tilespmem:v4+s20+$0x0], $0xffff  }
0x166: {  	v7 =	vor.u32 v2, v6;
	v5 =	vld.idx.msk [tilespmem:v5+s20+$0x0], $0xffff  }
0x167: {  	v6 =	vor.u32 v3, v6;
	_ =	sdelay $0x3  }
0x168: {  	[tilespmem:v7+s31+$0x0] =	vst.idx.msk $0xffff, v4;
	v4 =	vor.u32 s3, v0  }
0x169: {  	s4 =	sadd.s32 $0x6, s9;
	[tilespmem:v6+s31+$0x0] =	vst.idx.msk $0xffff, v5;
	v5 =	vor.u32 s3, v1  }
0x16a: {  	v6 =	vmov s4;
	_ =	swait.ge [sflag:s30], $0x1000  }
0x16b: {  	v7 =	vshll.u32 v6, $0x3;
	[sflag:s30] =	ssyncset.done $0x0  }
0x16c: {  	s3 =	simm.s32 $0x6280;
	v6 =	vand.u32 $0x76, v6;
	v7 =	vand.u32 $0xC00, v7;
	[sflag:s30] =	ssyncadd.s32 $0xFFFFF000  }
0x16d: {  	v6 =	vor.u32 v6, v7;
	v4 =	vld.idx.msk [tilespmem:v4+s3+$0x0], $0xffff  }
0x16e: {  	v7 =	vor.u32 v2, v6;
	v5 =	vld.idx.msk [tilespmem:v5+s3+$0x0], $0xffff  }
0x16f: {  	v6 =	vor.u32 v3, v6;
	_ =	sdelay $0x3  }
0x170: {  	[tilespmem:v7+s31+$0x0] =	vst.idx.msk $0xffff, v4;
	v4 =	vor.u32 s2, v0  }
0x171: {  	s3 =	sadd.s32 $0x7, s9;
	[tilespmem:v6+s31+$0x0] =	vst.idx.msk $0xffff, v5;
	v5 =	vor.u32 s2, v1  }
0x172: {  	v6 =	vmov s3;
	_ =	swait.ge [sflag:s30], $0x1000  }
0x173: {  	v7 =	vshll.u32 v6, $0x3;
	[sflag:s30] =	ssyncset.done $0x0  }
0x174: {  	v6 =	vand.u32 $0x77, v6;
	v7 =	vand.u32 $0xC00, v7;
	[sflag:s30] =	ssyncadd.s32 $0xFFFFF000  }
0x175: {  	v6 =	vor.u32 v6, v7;
	v4 =	vld.idx.msk [tilespmem:v4+s19+$0x0], $0xffff  }
0x176: {  	v7 =	vor.u32 v2, v6;
	v5 =	vld.idx.msk [tilespmem:v5+s19+$0x0], $0xffff  }
0x177: {  	v6 =	vor.u32 v3, v6;
	_ =	sdelay $0x3  }
0x178: {  	[tilespmem:v7+s31+$0x0] =	vst.idx.msk $0xffff, v4  }
0x179: {  	p1 =	seq.s32 s9, $0x1F0;
	[tilespmem:v6+s31+$0x0] =	vst.idx.msk $0xffff, v5  }
0x17a: {  	v4 =	vld @!p1 [tilespmem:s7+$0x8];
	_ =	sdelay $0x4  }
0x17b: {  	(v2sf) =	vpush @!p1 v4, $0x0  }
0x17c: {  	(v2sf) =	vpush @!p1 v4, $0x1  }
0x17d: {  	(v2sf) =	vpush @!p1 v4, $0x2;
	_ =	sdelay $0x1  }
0x17e: {  	(v2sf) =	vpush @!p1 v4, $0x3;
	_ =	sdelay $0x1  }
0x17f: {  	(v2sf) =	vpush @!p1 v4, $0x4;
	_ =	sdelay $0x1  }
0x180: {  	(v2sf) =	vpush @!p1 v4, $0x5;
	_ =	sdelay $0x1  }
0x181: {  	(v2sf) =	vpush @!p1 v4, $0x6;
	_ =	sdelay $0x1  }
0x182: {  	(v2sf) =	vpush @!p1 v4, $0x7  }
0x183: {  	s2 =	simm.s32 @!p1 $0x4280;
	s3 =	simm.s32 @!p1 $0x5280  }
0x184: {  	s6 =	simm.s32 @!p1 $0x2280;
	s10 =	simm.s32 @!p1 $0x3280;
	s4 =	simm.s32 @!p1 $0x1280  }
0x185: {  	s14 =	simm.s32 @!p1 $0x280;
	s13 =	simm.s32 @!p1 $0x7A1400;
	s15 =	spop @!p1 (v2sf)  }
0x186: {  	s16 =	simm.s32 @!p1 $0x400;
	s15 =	sand.u32 @!p1 $0xFFFFF80, s15;
	s17 =	spop @!p1 (v2sf)  }
0x187: {  	s15 =	sadd.s32 @!p1 s0, s15;
	s17 =	sand.u32 @!p1 $0xFFFFF80, s17;
	s18 =	spop @!p1 (v2sf)  }
0x188: {  	[tilespmem:s14], [sflag:$0x1] =	stream.strided.gather @!p1 [hbm4b:s15+s16], $0x1000, s13, s16, $0x38;
	[tilespmem:$0x18280] =	vst v63  }
0x189: {  	s14 =	sadd.s32 @!p1 s0, s17  }
0x18a: {  	s15 =	sand.u32 @!p1 $0xFFFFF80, s18;
	s18 =	simm.s32 $0x3280;
	s17 =	spop @!p1 (v2sf)  }
0x18b: {  	[tilespmem:s4], [sflag:$0x1] =	stream.strided.gather @!p1 [hbm4b:s14+s16], $0x1000, s13, s16, $0x38;
	[tilespmem:$0x18280] =	vst v63  }
0x18c: {  	s4 =	sadd.s32 @!p1 s0, s15  }
0x18d: {  	s14 =	sand.u32 @!p1 $0xFFFFF80, s17;
	s17 =	simm.s32 $0x2280;
	s15 =	spop @!p1 (v2sf)  }
0x18e: {  	[tilespmem:s6], [sflag:$0x1] =	stream.strided.gather @!p1 [hbm4b:s4+s16], $0x1000, s13, s16, $0x38;
	[tilespmem:$0x18280] =	vst v63  }
0x18f: {  	s4 =	sadd.s32 @!p1 s0, s14;
	s6 =	sand.u32 @!p1 $0xFFFFF80, s15;
	s14 =	spop @!p1 (v2sf)  }
0x190: {  	[tilespmem:s10], [sflag:$0x1] =	stream.strided.gather @!p1 [hbm4b:s4+s16], $0x1000, s13, s16, $0x38;
	[tilespmem:$0x18280] =	vst v63  }
0x191: {  	s4 =	sadd.s32 @!p1 s0, s6;
	s6 =	sand.u32 @!p1 $0xFFFFF80, s14;
	s10 =	spop @!p1 (v2sf)  }
0x192: {  	[tilespmem:s2], [sflag:$0x1] =	stream.strided.gather @!p1 [hbm4b:s4+s16], $0x1000, s13, s16, $0x38;
	[tilespmem:$0x18280] =	vst v63  }
0x193: {  	s2 =	sadd.s32 @!p1 s0, s6;
	s4 =	sand.u32 @!p1 $0xFFFFF80, s10;
	s6 =	spop @!p1 (v2sf)  }
0x194: {  	[tilespmem:s3], [sflag:$0x1] =	stream.strided.gather @!p1 [hbm4b:s2+s16], $0x1000, s13, s16, $0x38;
	[tilespmem:$0x18280] =	vst v63  }
0x195: {  	s2 =	sadd.s32 @!p1 s0, s4;
	s3 =	simm.s32 @!p1 $0x6280;
	s4 =	sand.u32 @!p1 $0xFFFFF80, s6  }
0x196: {  	[tilespmem:s3], [sflag:$0x1] =	stream.strided.gather @!p1 [hbm4b:s2+s16], $0x1000, s13, s16, $0x38;
	[tilespmem:$0x18280] =	vst v63  }
0x197: {  	s2 =	sadd.s32 @!p1 s0, s4;
	s3 =	simm.s32 @!p1 $0x7280  }
0x198: {  	[tilespmem:s3], [sflag:$0x1] =	stream.strided.gather @!p1 [hbm4b:s2+s16], $0x1000, s13, s16, $0x38;
	[tilespmem:$0x18280] =	vst v63  }
0x199: {  	s16 =	simm.s32 $0x1280  }
0x19a: {  	v4 =	vld [tilespmem:s7+$0x0]  }
0x19b: {  	_ =	swait.ge [sflag:s30], $0x1000;
	_ =	sdelay $0x3  }
0x19c: {  	(v2sf) =	vpush v4, $0x0  }
0x19d: {  	(v2sf) =	vpush v4, $0x1  }
0x19e: {  	(v2sf) =	vpush v4, $0x2  }
0x19f: {  	(v2sf) =	vpush v4, $0x3  }
0x1a0: {  	(v2sf) =	vpush v4, $0x4  }
0x1a1: {  	(v2sf) =	vpush v4, $0x5  }
0x1a2: {  	(v2sf) =	vpush v4, $0x6  }
0x1a3: {  	(v2sf) =	vpush v4, $0x7;
	_ =	sdelay $0x7  }
0x1a4: {  	s2 =	spop (v2sf)  }
0x1a5: {  	s2 =	sand.u32 $0x7F, s2;
	s3 =	spop (v2sf)  }
0x1a6: {  	v4 =	vor.u32 s2, v0;
	v5 =	vor.u32 s2, v1;
	s14 =	sand.u32 $0x7F, s3;
	s2 =	spop (v2sf)  }
0x1a7: {  	s3 =	sadd.s32 $0x8, s9;
	s13 =	sand.u32 $0x7F, s2;
	s2 =	spop (v2sf)  }
0x1a8: {  	v6 =	vmov s3;
	s6 =	sand.u32 $0x7F, s2;
	s2 =	spop (v2sf)  }
0x1a9: {  	v7 =	vshll.u32 v6, $0x3;
	[sflag:s30] =	ssyncset.done $0x0;
	s4 =	sand.u32 $0x7F, s2;
	s2 =	spop (v2sf)  }
0x1aa: {  	v6 =	vand.u32 $0x78, v6;
	v7 =	vand.u32 $0xC00, v7;
	[sflag:s30] =	ssyncadd.s32 $0xFFFFF000;
	s10 =	sand.u32 $0x7F, s2;
	s2 =	spop (v2sf)  }
0x1ab: {  	v6 =	vor.u32 v6, v7;
	v4 =	vld.idx.msk [tilespmem:v4+s21+$0x0], $0xffff;
	s3 =	sand.u32 $0x7F, s2;
	s2 =	spop (v2sf)  }
0x1ac: {  	v7 =	vor.u32 v2, v6;
	v5 =	vld.idx.msk [tilespmem:v5+s21+$0x0], $0xffff;
	s2 =	sand.u32 $0x7F, s2  }
0x1ad: {  	v6 =	vor.u32 v3, v6;
	_ =	sdelay $0x3  }
0x1ae: {  	[tilespmem:v7+s31+$0x0] =	vst.idx.msk $0xffff, v4;
	v4 =	vor.u32 s14, v0  }
0x1af: {  	s15 =	sadd.s32 $0x9, s9;
	[tilespmem:v6+s31+$0x0] =	vst.idx.msk $0xffff, v5;
	v5 =	vor.u32 s14, v1  }
0x1b0: {  	v6 =	vmov s15;
	s15 =	simm.s32 $0x280;
	_ =	swait.ge [sflag:s30], $0x1000  }
0x1b1: {  	v7 =	vshll.u32 v6, $0x3;
	[sflag:s30] =	ssyncset.done $0x0  }
0x1b2: {  	v6 =	vand.u32 $0x79, v6;
	v7 =	vand.u32 $0xC00, v7;
	[sflag:s30] =	ssyncadd.s32 $0xFFFFF000  }
0x1b3: {  	v6 =	vor.u32 v6, v7;
	v4 =	vld.idx.msk [tilespmem:v4+s22+$0x0], $0xffff  }
0x1b4: {  	v7 =	vor.u32 v2, v6;
	v5 =	vld.idx.msk [tilespmem:v5+s22+$0x0], $0xffff  }
0x1b5: {  	v6 =	vor.u32 v3, v6;
	_ =	sdelay $0x3  }
0x1b6: {  	[tilespmem:v7+s31+$0x0] =	vst.idx.msk $0xffff, v4;
	v4 =	vor.u32 s13, v0  }
0x1b7: {  	s14 =	sadd.s32 $0xA, s9;
	[tilespmem:v6+s31+$0x0] =	vst.idx.msk $0xffff, v5;
	v5 =	vor.u32 s13, v1  }
0x1b8: {  	v6 =	vmov s14;
	_ =	swait.ge [sflag:s30], $0x1000  }
0x1b9: {  	v7 =	vshll.u32 v6, $0x3;
	[sflag:s30] =	ssyncset.done $0x0  }
0x1ba: {  	v6 =	vand.u32 $0x7A, v6;
	v7 =	vand.u32 $0xC00, v7;
	[sflag:s30] =	ssyncadd.s32 $0xFFFFF000  }
0x1bb: {  	v6 =	vor.u32 v6, v7;
	v4 =	vld.idx.msk [tilespmem:v4+s23+$0x0], $0xffff  }
0x1bc: {  	v7 =	vor.u32 v2, v6;
	v5 =	vld.idx.msk [tilespmem:v5+s23+$0x0], $0xffff  }
0x1bd: {  	v6 =	vor.u32 v3, v6;
	_ =	sdelay $0x3  }
0x1be: {  	[tilespmem:v7+s31+$0x0] =	vst.idx.msk $0xffff, v4;
	v4 =	vor.u32 s6, v0  }
0x1bf: {  	s13 =	sadd.s32 $0xB, s9;
	[tilespmem:v6+s31+$0x0] =	vst.idx.msk $0xffff, v5;
	v5 =	vor.u32 s6, v1  }
0x1c0: {  	v6 =	vmov s13;
	_ =	swait.ge [sflag:s30], $0x1000  }
0x1c1: {  	v7 =	vshll.u32 v6, $0x3;
	[sflag:s30] =	ssyncset.done $0x0  }
0x1c2: {  	v6 =	vand.u32 $0x7B, v6;
	v7 =	vand.u32 $0xC00, v7;
	[sflag:s30] =	ssyncadd.s32 $0xFFFFF000  }
0x1c3: {  	v6 =	vor.u32 v6, v7;
	v4 =	vld.idx.msk [tilespmem:v4+s24+$0x0], $0xffff  }
0x1c4: {  	v7 =	vor.u32 v2, v6;
	v5 =	vld.idx.msk [tilespmem:v5+s24+$0x0], $0xffff  }
0x1c5: {  	v6 =	vor.u32 v3, v6;
	_ =	sdelay $0x3  }
0x1c6: {  	[tilespmem:v7+s31+$0x0] =	vst.idx.msk $0xffff, v4;
	v4 =	vor.u32 s4, v0  }
0x1c7: {  	s6 =	sadd.s32 $0xC, s9;
	[tilespmem:v6+s31+$0x0] =	vst.idx.msk $0xffff, v5;
	v5 =	vor.u32 s4, v1  }
0x1c8: {  	v6 =	vmov s6;
	_ =	swait.ge [sflag:s30], $0x1000  }
0x1c9: {  	v7 =	vshll.u32 v6, $0x3;
	[sflag:s30] =	ssyncset.done $0x0  }
0x1ca: {  	v6 =	vand.u32 $0x7C, v6;
	v7 =	vand.u32 $0xC00, v7;
	[sflag:s30] =	ssyncadd.s32 $0xFFFFF000  }
0x1cb: {  	v6 =	vor.u32 v6, v7;
	v4 =	vld.idx.msk [tilespmem:v4+s25+$0x0], $0xffff  }
0x1cc: {  	v7 =	vor.u32 v2, v6;
	v5 =	vld.idx.msk [tilespmem:v5+s25+$0x0], $0xffff  }
0x1cd: {  	v6 =	vor.u32 v3, v6;
	_ =	sdelay $0x3  }
0x1ce: {  	[tilespmem:v7+s31+$0x0] =	vst.idx.msk $0xffff, v4;
	v4 =	vor.u32 s10, v0  }
0x1cf: {  	s4 =	sadd.s32 $0xD, s9;
	[tilespmem:v6+s31+$0x0] =	vst.idx.msk $0xffff, v5;
	v5 =	vor.u32 s10, v1  }
0x1d0: {  	v6 =	vmov s4;
	_ =	swait.ge [sflag:s30], $0x1000  }
0x1d1: {  	v7 =	vshll.u32 v6, $0x3;
	[sflag:s30] =	ssyncset.done $0x0  }
0x1d2: {  	v6 =	vand.u32 $0x7D, v6;
	v7 =	vand.u32 $0xC00, v7;
	[sflag:s30] =	ssyncadd.s32 $0xFFFFF000  }
0x1d3: {  	v6 =	vor.u32 v6, v7;
	v4 =	vld.idx.msk [tilespmem:v4+s26+$0x0], $0xffff  }
0x1d4: {  	v7 =	vor.u32 v2, v6;
	v5 =	vld.idx.msk [tilespmem:v5+s26+$0x0], $0xffff  }
0x1d5: {  	v6 =	vor.u32 v3, v6;
	_ =	sdelay $0x3  }
0x1d6: {  	[tilespmem:v7+s31+$0x0] =	vst.idx.msk $0xffff, v4;
	v4 =	vor.u32 s3, v0  }
0x1d7: {  	s4 =	sadd.s32 $0xE, s9;
	[tilespmem:v6+s31+$0x0] =	vst.idx.msk $0xffff, v5;
	v5 =	vor.u32 s3, v1  }
0x1d8: {  	v6 =	vmov s4;
	_ =	swait.ge [sflag:s30], $0x1000  }
0x1d9: {  	v7 =	vshll.u32 v6, $0x3;
	[sflag:s30] =	ssyncset.done $0x0  }
0x1da: {  	v6 =	vand.u32 $0x7E, v6;
	v7 =	vand.u32 $0xC00, v7;
	[sflag:s30] =	ssyncadd.s32 $0xFFFFF000  }
0x1db: {  	v6 =	vor.u32 v6, v7;
	v4 =	vld.idx.msk [tilespmem:v4+s28+$0x0], $0xffff  }
0x1dc: {  	v7 =	vor.u32 v2, v6;
	v5 =	vld.idx.msk [tilespmem:v5+s28+$0x0], $0xffff  }
0x1dd: {  	v6 =	vor.u32 v3, v6;
	_ =	sdelay $0x3  }
0x1de: {  	[tilespmem:v7+s31+$0x0] =	vst.idx.msk $0xffff, v4;
	v4 =	vor.u32 s2, v0  }
0x1df: {  	s3 =	sadd.s32 $0xF, s9;
	[tilespmem:v6+s31+$0x0] =	vst.idx.msk $0xffff, v5;
	v5 =	vor.u32 s2, v1  }
0x1e0: {  	v6 =	vmov s3;
	_ =	swait.ge [sflag:s30], $0x1000  }
0x1e1: {  	v7 =	vshll.u32 v6, $0x3;
	[sflag:s30] =	ssyncset.done $0x0  }
0x1e2: {  	v6 =	vand.u32 $0x7F, v6;
	v7 =	vand.u32 $0xC00, v7;
	[sflag:s30] =	ssyncadd.s32 $0xFFFFF000  }
0x1e3: {  	v6 =	vor.u32 v6, v7;
	v8 =	vld.idx.msk [tilespmem:v4+s29+$0x0], $0xffff  }
0x1e4: {  	v7 =	vor.u32 v2, v6;
	v4 =	vld.idx.msk [tilespmem:v5+s29+$0x0], $0xffff  }
.Ltmp0:
0x1e5: {  	v5 =	vor.u32 v3, v6;
	(pc) =	sbr.rel @p0 .LBB2_2-.Ltmp0, $2  }
0x1e6: {  	_ =	sdelay $0x2  }
0x1e7: {  	[tilespmem:v7+s31+$0x0] =	vst.idx.msk $0xffff, v8  }
0x1e8: {  	_ =	sdelay $0x2  }
0x1e9: {  	s2 =	rddreg [dreg:$0x7]  }
0x1ea: {  	[tilespmem:v5+s31+$0x0] =	vst.idx.msk $0xffff, v4;
	s3 =	simm.s32 $0x1000;
	s4 =	simm.s32 $0x20000;
	s8 =	simm.s32 $0x3  }
0x1eb: {  	[hbm4b:s2+s3] =	stream.strided.scatter [tilespmem:s31], [sflag:$0x3], $0x4000, s4, s3, $0x38;
	[tilespmem:$0x18280] =	vst v63  }
0x1ec: {  	_ =	swait.ge [sflag:s8], $0x4000  }
0x1ed: {  	s10 =	simm.s32 $0x2;
	[sflag:s8] =	ssyncset.done $0x0  }
0x1ee: {  	s2 =	simm.s32 $0x0;
	s9 =	rddreg [dreg:$0x8];
	[sflag:s8] =	ssyncadd.s32 $0xFFFFC000  }
0x1ef: {  	[tilespmem:s2], [sflag:$0x2] =	stream.linear.gather [hbm4b:s9+s2], $0x200, $0x38;
	[tilespmem:$0x18280] =	vst v63  }
0x1f0: {  	_ =	swait.ge [sflag:s10], $0x200  }
0x1f1: {  	[sflag:s10] =	ssyncset.done $0x0  }
0x1f2: {  	[sflag:s10] =	ssyncadd.s32 $0xFFFFFE00  }
0x1f3: {  	v4 =	vld [tilespmem:$0x0];
	_ =	sdelay $0x4  }
0x1f4: {  	(v2sf) =	vpush v4, $0x0;
	_ =	sdelay $0x1  }
0x1f5: {  	(v2sf) =	vpush v4, $0x1;
	_ =	sdelay $0x2  }
0x1f6: {  	(v2sf) =	vpush v4, $0x2;
	_ =	sdelay $0x2  }
0x1f7: {  	(v2sf) =	vpush v4, $0x3;
	_ =	sdelay $0x2  }
0x1f8: {  	(v2sf) =	vpush v4, $0x4;
	_ =	sdelay $0x2  }
0x1f9: {  	(v2sf) =	vpush v4, $0x5  }
0x1fa: {  	s13 =	spop (v2sf)  }
0x1fb: {  	s3 =	sand.u32 $0xFFFFF80, s13  }
0x1fc: {  	(v2sf) =	vpush v4, $0x6;
	s14 =	spop (v2sf);
	s3 =	sadd.s32 s1, s3  }
0x1fd: {  	[tilespmem:s15], [sflag:$0x1] =	stream.strided.gather [hbm4b:s3+s12], $0x1000, s11, s12, $0x38;
	[tilespmem:$0x18280] =	vst v63  }
0x1fe: {  	s3 =	sand.u32 $0xFFFFF80, s14  }
0x1ff: {  	(v2sf) =	vpush v4, $0x7;
	s4 =	spop (v2sf);
	s3 =	sadd.s32 s1, s3  }
0x200: {  	[tilespmem:s16], [sflag:$0x1] =	stream.strided.gather [hbm4b:s3+s12], $0x1000, s11, s12, $0x38;
	[tilespmem:$0x18280] =	vst v63  }
0x201: {  	s3 =	sand.u32 $0xFFFFF80, s4  }
0x202: {  	s6 =	spop (v2sf);
	s3 =	sadd.s32 s1, s3  }
0x203: {  	[tilespmem:s17], [sflag:$0x1] =	stream.strided.gather [hbm4b:s3+s12], $0x1000, s11, s12, $0x38;
	[tilespmem:$0x18280] =	vst v63  }
0x204: {  	s3 =	sand.u32 $0xFFFFF80, s6  }
0x205: {  	s7 =	spop (v2sf);
	s3 =	sadd.s32 s1, s3  }
0x206: {  	[tilespmem:s18], [sflag:$0x1] =	stream.strided.gather [hbm4b:s3+s12], $0x1000, s11, s12, $0x38;
	[tilespmem:$0x18280] =	vst v63  }
0x207: {  	s3 =	sand.u32 $0xFFFFF80, s7  }
0x208: {  	s14 =	simm.s32 $0x4280;
	s8 =	spop (v2sf);
	s3 =	sadd.s32 s1, s3  }
0x209: {  	[tilespmem:s14], [sflag:$0x1] =	stream.strided.gather [hbm4b:s3+s12], $0x1000, s11, s12, $0x38;
	[tilespmem:$0x18280] =	vst v63  }
0x20a: {  	s3 =	sand.u32 $0xFFFFF80, s8  }
0x20b: {  	s9 =	spop (v2sf);
	s3 =	sadd.s32 s1, s3  }
0x20c: {  	[tilespmem:s20], [sflag:$0x1] =	stream.strided.gather [hbm4b:s3+s12], $0x1000, s11, s12, $0x38;
	[tilespmem:$0x18280] =	vst v63  }
0x20d: {  	s3 =	sand.u32 $0xFFFFF80, s9  }
0x20e: {  	s13 =	simm.s32 $0x6280;
	s10 =	spop (v2sf);
	s3 =	sadd.s32 s1, s3  }
0x20f: {  	[tilespmem:s13], [sflag:$0x1] =	stream.strided.gather [hbm4b:s3+s12], $0x1000, s11, s12, $0x38;
	[tilespmem:$0x18280] =	vst v63  }
0x210: {  	s3 =	sand.u32 $0xFFFFF80, s10  }
0x211: {  	s7 =	simm.s32 $0x8;
	s3 =	sadd.s32 s1, s3  }
0x212: {  	[tilespmem:s19], [sflag:$0x1] =	stream.strided.gather [hbm4b:s3+s12], $0x1000, s11, s12, $0x38;
	[tilespmem:$0x18280] =	vst v63  }
0x213: {  	v4 =	vld [tilespmem:s7+$0x0];
	_ =	sdelay $0x4  }
0x214: {  	(v2sf) =	vpush v4, $0x0  }
0x215: {  	(v2sf) =	vpush v4, $0x1  }
0x216: {  	(v2sf) =	vpush v4, $0x2;
	_ =	sdelay $0x1  }
0x217: {  	(v2sf) =	vpush v4, $0x3;
	_ =	sdelay $0x1  }
0x218: {  	(v2sf) =	vpush v4, $0x4;
	_ =	sdelay $0x1  }
0x219: {  	(v2sf) =	vpush v4, $0x5;
	_ =	sdelay $0x1  }
0x21a: {  	(v2sf) =	vpush v4, $0x6;
	_ =	sdelay $0x1  }
0x21b: {  	(v2sf) =	vpush v4, $0x7;
	_ =	sdelay $0x2  }
0x21c: {  	s4 =	spop (v2sf)  }
0x21d: {  	s3 =	sand.u32 $0xFFFFF80, s4;
	s6 =	spop (v2sf)  }
0x21e: {  	s3 =	sadd.s32 s1, s3;
	s4 =	sand.u32 $0xFFFFF80, s6;
	s6 =	spop (v2sf)  }
0x21f: {  	[tilespmem:s21], [sflag:$0x1] =	stream.strided.gather [hbm4b:s3+s12], $0x1000, s11, s12, $0x38;
	[tilespmem:$0x18280] =	vst v63  }
0x220: {  	s8 =	sadd.s32 s1, s4;
	s9 =	sand.u32 $0xFFFFF80, s6;
	s10 =	spop (v2sf)  }
0x221: {  	[tilespmem:s22], [sflag:$0x1] =	stream.strided.gather [hbm4b:s8+s12], $0x1000, s11, s12, $0x38;
	[tilespmem:$0x18280] =	vst v63  }
0x222: {  	s8 =	sadd.s32 s1, s9;
	s9 =	sand.u32 $0xFFFFF80, s10;
	s10 =	spop (v2sf)  }
0x223: {  	[tilespmem:s23], [sflag:$0x1] =	stream.strided.gather [hbm4b:s8+s12], $0x1000, s11, s12, $0x38;
	[tilespmem:$0x18280] =	vst v63  }
0x224: {  	s8 =	sadd.s32 s1, s9;
	s9 =	sand.u32 $0xFFFFF80, s10;
	s10 =	spop (v2sf)  }
0x225: {  	[tilespmem:s24], [sflag:$0x1] =	stream.strided.gather [hbm4b:s8+s12], $0x1000, s11, s12, $0x38;
	[tilespmem:$0x18280] =	vst v63  }
0x226: {  	s8 =	sadd.s32 s1, s9;
	s9 =	sand.u32 $0xFFFFF80, s10;
	s10 =	spop (v2sf)  }
0x227: {  	[tilespmem:s25], [sflag:$0x1] =	stream.strided.gather [hbm4b:s8+s12], $0x1000, s11, s12, $0x38;
	[tilespmem:$0x18280] =	vst v63  }
0x228: {  	s8 =	sadd.s32 s1, s9;
	s9 =	sand.u32 $0xFFFFF80, s10;
	s10 =	spop (v2sf)  }
0x229: {  	[tilespmem:s26], [sflag:$0x1] =	stream.strided.gather [hbm4b:s8+s12], $0x1000, s11, s12, $0x38;
	[tilespmem:$0x18280] =	vst v63  }
0x22a: {  	s4 =	sadd.s32 s1, s9;
	s8 =	sand.u32 $0xFFFFF80, s10  }
0x22b: {  	[tilespmem:s28], [sflag:$0x1] =	stream.strided.gather [hbm4b:s4+s12], $0x1000, s11, s12, $0x38;
	[tilespmem:$0x18280] =	vst v63  }
0x22c: {  	s9 =	sadd.s32 s1, s8  }
0x22d: {  	[tilespmem:s29], [sflag:$0x1] =	stream.strided.gather [hbm4b:s9+s12], $0x1000, s11, s12, $0x38;
	[tilespmem:$0x18280] =	vst v63  }
0x22e: {  	v4 =	vld [tilespmem:s7+$0xFFFFFFF8];
	_ =	sdelay $0x3  }
0x22f: {  	_ =	swait.ge [sflag:s30], $0x1000  }
0x230: {  	(v2sf) =	vpush v4, $0x0;
	_ =	sdelay $0x6  }
0x231: {  	(v2sf) =	vpush v4, $0x1  }
0x232: {  	(v2sf) =	vpush v4, $0x2  }
0x233: {  	(v2sf) =	vpush v4, $0x3  }
0x234: {  	(v2sf) =	vpush v4, $0x4  }
0x235: {  	(v2sf) =	vpush v4, $0x5  }
0x236: {  	(v2sf) =	vpush v4, $0x6  }
0x237: {  	(v2sf) =	vpush v4, $0x7;
	_ =	sdelay $0x1  }
0x238: {  	s10 =	spop (v2sf)  }
0x239: {  	s3 =	sand.u32 $0x7F, s10  }
0x23a: {  	v4 =	vor.u32 s3, v0  }
0x23b: {  	v6 =	vmov s2;
	v5 =	vor.u32 s3, v1  }
0x23c: {  	v7 =	vshll.u32 v6, $0x3  }
0x23d: {  	v6 =	vand.u32 $0x70, v6;
	v7 =	vand.u32 $0xC00, v7;
	[sflag:s30] =	ssyncset.done $0x0  }
0x23e: {  	v6 =	vor.u32 v6, v7;
	[sflag:s30] =	ssyncadd.s32 $0xFFFFF000  }
0x23f: {  	v7 =	vor.u32 v2, v6;
	s4 =	spop (v2sf);
	v4 =	vld.idx.msk [tilespmem:v4+s15+$0x0], $0xffff  }
0x240: {  	v6 =	vor.u32 v3, v6;
	s6 =	spop (v2sf);
	v5 =	vld.idx.msk [tilespmem:v5+s15+$0x0], $0xffff  }
0x241: {  	s8 =	spop (v2sf)  }
0x242: {  	s9 =	spop (v2sf)  }
0x243: {  	s2 =	sand.u32 $0x7F, s4;
	s4 =	spop (v2sf)  }
0x244: {  	s10 =	simm.s32 $0x1;
	s3 =	spop (v2sf);
	[tilespmem:v7+s5+$0x0] =	vst.idx.msk $0xffff, v4;
	v4 =	vor.u32 s2, v0  }
0x245: {  	v7 =	vor.u32 s2, v1;
	s2 =	spop (v2sf);
	[tilespmem:v6+s5+$0x0] =	vst.idx.msk $0xffff, v5;
	v5 =	vmov s10  }
0x246: {  	_ =	swait.ge [sflag:s30], $0x1000;
	v6 =	vshll.u32 v5, $0x3  }
0x247: {  	v5 =	vand.u32 $0x71, v5;
	[sflag:s30] =	ssyncset.done $0x0;
	v6 =	vand.u32 $0xC00, v6  }
0x248: {  	[sflag:s30] =	ssyncadd.s32 $0xFFFFF000;
	v5 =	vor.u32 v5, v6  }
0x249: {  	v4 =	vld.idx.msk [tilespmem:v4+s16+$0x0], $0xffff;
	v6 =	vor.u32 v2, v5  }
0x24a: {  	v7 =	vld.idx.msk [tilespmem:v7+s16+$0x0], $0xffff;
	v5 =	vor.u32 v3, v5;
	_ =	sdelay $0x2  }
0x24b: {  	s6 =	sand.u32 $0x7F, s6  }
0x24c: {  	s10 =	simm.s32 $0x2;
	[tilespmem:v6+s5+$0x0] =	vst.idx.msk $0xffff, v4;
	v4 =	vor.u32 s6, v0  }
0x24d: {  	v6 =	vmov s10;
	[tilespmem:v5+s5+$0x0] =	vst.idx.msk $0xffff, v7;
	v5 =	vor.u32 s6, v1  }
0x24e: {  	v7 =	vshll.u32 v6, $0x3;
	_ =	swait.ge [sflag:s30], $0x1000  }
0x24f: {  	v6 =	vand.u32 $0x72, v6;
	v7 =	vand.u32 $0xC00, v7;
	[sflag:s30] =	ssyncset.done $0x0  }
0x250: {  	v6 =	vor.u32 v6, v7;
	[sflag:s30] =	ssyncadd.s32 $0xFFFFF000  }
0x251: {  	v7 =	vor.u32 v2, v6;
	v4 =	vld.idx.msk [tilespmem:v4+s17+$0x0], $0xffff  }
0x252: {  	v6 =	vor.u32 v3, v6;
	v5 =	vld.idx.msk [tilespmem:v5+s17+$0x0], $0xffff;
	_ =	sdelay $0x2  }
0x253: {  	s8 =	sand.u32 $0x7F, s8  }
0x254: {  	s10 =	simm.s32 $0x3;
	[tilespmem:v7+s5+$0x0] =	vst.idx.msk $0xffff, v4;
	v4 =	vor.u32 s8, v0  }
0x255: {  	[tilespmem:v6+s5+$0x0] =	vst.idx.msk $0xffff, v5;
	v5 =	vor.u32 s8, v1;
	v6 =	vmov s10  }
0x256: {  	_ =	swait.ge [sflag:s30], $0x1000;
	v7 =	vshll.u32 v6, $0x3  }
0x257: {  	v6 =	vand.u32 $0x73, v6;
	[sflag:s30] =	ssyncset.done $0x0;
	v7 =	vand.u32 $0xC00, v7  }
0x258: {  	[sflag:s30] =	ssyncadd.s32 $0xFFFFF000;
	v6 =	vor.u32 v6, v7  }
0x259: {  	v4 =	vld.idx.msk [tilespmem:v4+s18+$0x0], $0xffff;
	v7 =	vor.u32 v2, v6  }
0x25a: {  	v6 =	vor.u32 v3, v6;
	v5 =	vld.idx.msk [tilespmem:v5+s18+$0x0], $0xffff;
	_ =	sdelay $0x2  }
0x25b: {  	s9 =	sand.u32 $0x7F, s9  }
0x25c: {  	s10 =	simm.s32 $0x4;
	[tilespmem:v7+s5+$0x0] =	vst.idx.msk $0xffff, v4;
	v4 =	vor.u32 s9, v0  }
0x25d: {  	[tilespmem:v6+s5+$0x0] =	vst.idx.msk $0xffff, v5;
	v5 =	vor.u32 s9, v1;
	v6 =	vmov s10  }
0x25e: {  	_ =	swait.ge [sflag:s30], $0x1000;
	v7 =	vshll.u32 v6, $0x3  }
0x25f: {  	v6 =	vand.u32 $0x74, v6;
	[sflag:s30] =	ssyncset.done $0x0;
	v7 =	vand.u32 $0xC00, v7  }
0x260: {  	[sflag:s30] =	ssyncadd.s32 $0xFFFFF000;
	v6 =	vor.u32 v6, v7  }
0x261: {  	v4 =	vld.idx.msk [tilespmem:v4+s14+$0x0], $0xffff;
	v7 =	vor.u32 v2, v6  }
0x262: {  	v6 =	vor.u32 v3, v6;
	v5 =	vld.idx.msk [tilespmem:v5+s14+$0x0], $0xffff;
	_ =	sdelay $0x2  }
0x263: {  	s4 =	sand.u32 $0x7F, s4  }
0x264: {  	s14 =	simm.s32 $0x5;
	[tilespmem:v7+s5+$0x0] =	vst.idx.msk $0xffff, v4;
	v4 =	vor.u32 s4, v0  }
0x265: {  	[tilespmem:v6+s5+$0x0] =	vst.idx.msk $0xffff, v5;
	v5 =	vor.u32 s4, v1;
	v6 =	vmov s14  }
0x266: {  	_ =	swait.ge [sflag:s30], $0x1000;
	v7 =	vshll.u32 v6, $0x3  }
0x267: {  	v6 =	vand.u32 $0x75, v6;
	[sflag:s30] =	ssyncset.done $0x0;
	v7 =	vand.u32 $0xC00, v7  }
0x268: {  	[sflag:s30] =	ssyncadd.s32 $0xFFFFF000;
	v6 =	vor.u32 v6, v7  }
0x269: {  	v4 =	vld.idx.msk [tilespmem:v4+s20+$0x0], $0xffff;
	v7 =	vor.u32 v2, v6  }
0x26a: {  	v6 =	vor.u32 v3, v6;
	v5 =	vld.idx.msk [tilespmem:v5+s20+$0x0], $0xffff;
	_ =	sdelay $0x2  }
0x26b: {  	s3 =	sand.u32 $0x7F, s3  }
0x26c: {  	s6 =	simm.s32 $0x6;
	[tilespmem:v7+s5+$0x0] =	vst.idx.msk $0xffff, v4;
	v4 =	vor.u32 s3, v0  }
0x26d: {  	[tilespmem:v6+s5+$0x0] =	vst.idx.msk $0xffff, v5;
	v5 =	vor.u32 s3, v1;
	v6 =	vmov s6  }
0x26e: {  	_ =	swait.ge [sflag:s30], $0x1000;
	v7 =	vshll.u32 v6, $0x3  }
0x26f: {  	v6 =	vand.u32 $0x76, v6;
	[sflag:s30] =	ssyncset.done $0x0;
	v7 =	vand.u32 $0xC00, v7  }
0x270: {  	[sflag:s30] =	ssyncadd.s32 $0xFFFFF000;
	v6 =	vor.u32 v6, v7  }
0x271: {  	v4 =	vld.idx.msk [tilespmem:v4+s13+$0x0], $0xffff;
	v7 =	vor.u32 v2, v6  }
0x272: {  	v6 =	vor.u32 v3, v6;
	v5 =	vld.idx.msk [tilespmem:v5+s13+$0x0], $0xffff;
	_ =	sdelay $0x2  }
0x273: {  	s2 =	sand.u32 $0x7F, s2  }
0x274: {  	s8 =	simm.s32 $0x7;
	[tilespmem:v7+s5+$0x0] =	vst.idx.msk $0xffff, v4;
	v4 =	vor.u32 s2, v0  }
0x275: {  	[tilespmem:v6+s5+$0x0] =	vst.idx.msk $0xffff, v5;
	v5 =	vor.u32 s2, v1;
	v6 =	vmov s8  }
0x276: {  	_ =	swait.ge [sflag:s30], $0x1000;
	v7 =	vshll.u32 v6, $0x3  }
0x277: {  	v6 =	vand.u32 $0x77, v6;
	[sflag:s30] =	ssyncset.done $0x0;
	v7 =	vand.u32 $0xC00, v7  }
0x278: {  	[sflag:s30] =	ssyncadd.s32 $0xFFFFF000;
	v6 =	vor.u32 v6, v7  }
0x279: {  	v4 =	vld.idx.msk [tilespmem:v4+s19+$0x0], $0xffff;
	v7 =	vor.u32 v2, v6  }
0x27a: {  	v6 =	vor.u32 v3, v6;
	v5 =	vld.idx.msk [tilespmem:v5+s19+$0x0], $0xffff;
	_ =	sdelay $0x3  }
0x27b: {  	[tilespmem:v7+s5+$0x0] =	vst.idx.msk $0xffff, v4  }
0x27c: {  	p0 =	por $0x0, $0x0;
	[tilespmem:v6+s5+$0x0] =	vst.idx.msk $0xffff, v5  }
0x27d: {  	v4 =	vld @!p0 [tilespmem:s7+$0x8];
	_ =	sdelay $0x4  }
0x27e: {  	(v2sf) =	vpush @!p0 v4, $0x0;
	_ =	sdelay $0x1  }
0x27f: {  	(v2sf) =	vpush @!p0 v4, $0x1;
	_ =	sdelay $0x1  }
0x280: {  	(v2sf) =	vpush @!p0 v4, $0x2  }
0x281: {  	(v2sf) =	vpush @!p0 v4, $0x3;
	_ =	sdelay $0x3  }
0x282: {  	(v2sf) =	vpush @!p0 v4, $0x4;
	_ =	sdelay $0x1  }
0x283: {  	(v2sf) =	vpush @!p0 v4, $0x5  }
0x284: {  	(v2sf) =	vpush @!p0 v4, $0x6;
	_ =	sdelay $0x1  }
0x285: {  	(v2sf) =	vpush @!p0 v4, $0x7  }
0x286: {  	s4 =	simm.s32 @!p0 $0x4280;
	s6 =	simm.s32 @!p0 $0x280;
	s3 =	spop @!p0 (v2sf)  }
0x287: {  	s2 =	simm.s32 @!p0 $0x7A1400;
	s3 =	sand.u32 @!p0 $0xFFFFF80, s3  }
0x288: {  	s8 =	simm.s32 @!p0 $0x400;
	s9 =	spop @!p0 (v2sf);
	s3 =	sadd.s32 @!p0 s1, s3  }
0x289: {  	[tilespmem:s6], [sflag:$0x1] =	stream.strided.gather @!p0 [hbm4b:s3+s8], $0x1000, s2, s8, $0x38;
	[tilespmem:$0x18280] =	vst v63  }
0x28a: {  	s3 =	simm.s32 @!p0 $0x1280;
	s6 =	sand.u32 @!p0 $0xFFFFF80, s9;
	s9 =	spop @!p0 (v2sf)  }
0x28b: {  	s6 =	sadd.s32 @!p0 s1, s6;
	s9 =	sand.u32 @!p0 $0xFFFFF80, s9;
	s10 =	spop @!p0 (v2sf)  }
0x28c: {  	[tilespmem:s3], [sflag:$0x1] =	stream.strided.gather @!p0 [hbm4b:s6+s8], $0x1000, s2, s8, $0x38;
	[tilespmem:$0x18280] =	vst v63  }
0x28d: {  	s3 =	simm.s32 @!p0 $0x2280;
	s6 =	sadd.s32 @!p0 s1, s9;
	s9 =	sand.u32 @!p0 $0xFFFFF80, s10  }
0x28e: {  	[tilespmem:s3], [sflag:$0x1] =	stream.strided.gather @!p0 [hbm4b:s6+s8], $0x1000, s2, s8, $0x38;
	[tilespmem:$0x18280] =	vst v63  }
0x28f: {  	s9 =	sadd.s32 @!p0 s1, s9;
	s3 =	simm.s32 @!p0 $0x3280;
	s6 =	spop @!p0 (v2sf)  }
0x290: {  	[tilespmem:s3], [sflag:$0x1] =	stream.strided.gather @!p0 [hbm4b:s9+s8], $0x1000, s2, s8, $0x38;
	[tilespmem:$0x18280] =	vst v63  }
0x291: {  	s6 =	sand.u32 @!p0 $0xFFFFF80, s6;
	s3 =	simm.s32 @!p0 $0x5280;
	s9 =	spop @!p0 (v2sf)  }
0x292: {  	s6 =	sadd.s32 @!p0 s1, s6;
	s9 =	sand.u32 @!p0 $0xFFFFF80, s9;
	s10 =	spop @!p0 (v2sf)  }
0x293: {  	[tilespmem:s4], [sflag:$0x1] =	stream.strided.gather @!p0 [hbm4b:s6+s8], $0x1000, s2, s8, $0x38;
	[tilespmem:$0x18280] =	vst v63  }
0x294: {  	s4 =	sadd.s32 @!p0 s1, s9;
	s6 =	sand.u32 @!p0 $0xFFFFF80, s10;
	s9 =	spop @!p0 (v2sf)  }
0x295: {  	[tilespmem:s3], [sflag:$0x1] =	stream.strided.gather @!p0 [hbm4b:s4+s8], $0x1000, s2, s8, $0x38;
	[tilespmem:$0x18280] =	vst v63  }
0x296: {  	s3 =	sadd.s32 @!p0 s1, s6;
	s4 =	simm.s32 @!p0 $0x6280;
	s6 =	sand.u32 @!p0 $0xFFFFF80, s9  }
0x297: {  	[tilespmem:s4], [sflag:$0x1] =	stream.strided.gather @!p0 [hbm4b:s3+s8], $0x1000, s2, s8, $0x38;
	[tilespmem:$0x18280] =	vst v63  }
0x298: {  	s3 =	sadd.s32 @!p0 s1, s6;
	s4 =	simm.s32 @!p0 $0x7280  }
0x299: {  	[tilespmem:s4], [sflag:$0x1] =	stream.strided.gather @!p0 [hbm4b:s3+s8], $0x1000, s2, s8, $0x38;
	[tilespmem:$0x18280] =	vst v63  }
0x29a: {  	v4 =	vld [tilespmem:s7+$0x0];
	_ =	sdelay $0x3  }
0x29b: {  	_ =	swait.ge [sflag:s30], $0x1000  }
0x29c: {  	(v2sf) =	vpush v4, $0x0;
	_ =	sdelay $0x6  }
0x29d: {  	(v2sf) =	vpush v4, $0x1  }
0x29e: {  	(v2sf) =	vpush v4, $0x2  }
0x29f: {  	(v2sf) =	vpush v4, $0x3  }
0x2a0: {  	(v2sf) =	vpush v4, $0x4  }
0x2a1: {  	(v2sf) =	vpush v4, $0x5  }
0x2a2: {  	(v2sf) =	vpush v4, $0x6  }
0x2a3: {  	(v2sf) =	vpush v4, $0x7;
	_ =	sdelay $0x1  }
0x2a4: {  	s9 =	spop (v2sf)  }
0x2a5: {  	s2 =	sand.u32 $0x7F, s9  }
0x2a6: {  	s10 =	simm.s32 $0x8;
	v4 =	vor.u32 s2, v0  }
0x2a7: {  	v6 =	vmov s10;
	v5 =	vor.u32 s2, v1  }
0x2a8: {  	v7 =	vshll.u32 v6, $0x3  }
0x2a9: {  	v6 =	vand.u32 $0x78, v6;
	v7 =	vand.u32 $0xC00, v7;
	[sflag:s30] =	ssyncset.done $0x0  }
0x2aa: {  	v6 =	vor.u32 v6, v7;
	[sflag:s30] =	ssyncadd.s32 $0xFFFFF000  }
0x2ab: {  	v7 =	vor.u32 v2, v6;
	s13 =	spop (v2sf);
	v4 =	vld.idx.msk [tilespmem:v4+s21+$0x0], $0xffff  }
0x2ac: {  	v6 =	vor.u32 v3, v6;
	s14 =	spop (v2sf);
	v5 =	vld.idx.msk [tilespmem:v5+s21+$0x0], $0xffff  }
0x2ad: {  	s8 =	spop (v2sf)  }
0x2ae: {  	s9 =	spop (v2sf)  }
0x2af: {  	s2 =	sand.u32 $0x7F, s13;
	s4 =	spop (v2sf)  }
0x2b0: {  	s13 =	simm.s32 $0x9;
	s3 =	spop (v2sf);
	[tilespmem:v7+s5+$0x0] =	vst.idx.msk $0xffff, v4;
	v4 =	vor.u32 s2, v0  }
0x2b1: {  	v7 =	vor.u32 s2, v1;
	s2 =	spop (v2sf);
	[tilespmem:v6+s5+$0x0] =	vst.idx.msk $0xffff, v5;
	v5 =	vmov s13  }
0x2b2: {  	_ =	swait.ge [sflag:s30], $0x1000;
	v6 =	vshll.u32 v5, $0x3  }
0x2b3: {  	v5 =	vand.u32 $0x79, v5;
	[sflag:s30] =	ssyncset.done $0x0;
	v6 =	vand.u32 $0xC00, v6  }
0x2b4: {  	[sflag:s30] =	ssyncadd.s32 $0xFFFFF000;
	v5 =	vor.u32 v5, v6  }
0x2b5: {  	v4 =	vld.idx.msk [tilespmem:v4+s22+$0x0], $0xffff;
	v6 =	vor.u32 v2, v5  }
0x2b6: {  	v7 =	vld.idx.msk [tilespmem:v7+s22+$0x0], $0xffff;
	v5 =	vor.u32 v3, v5;
	_ =	sdelay $0x2  }
0x2b7: {  	s6 =	sand.u32 $0x7F, s14  }
0x2b8: {  	s14 =	simm.s32 $0xA;
	[tilespmem:v6+s5+$0x0] =	vst.idx.msk $0xffff, v4;
	v4 =	vor.u32 s6, v0  }
0x2b9: {  	v6 =	vor.u32 s6, v1;
	[tilespmem:v5+s5+$0x0] =	vst.idx.msk $0xffff, v7;
	v5 =	vmov s14  }
0x2ba: {  	_ =	swait.ge [sflag:s30], $0x1000;
	v7 =	vshll.u32 v5, $0x3  }
0x2bb: {  	v5 =	vand.u32 $0x7A, v5;
	[sflag:s30] =	ssyncset.done $0x0;
	v7 =	vand.u32 $0xC00, v7  }
0x2bc: {  	[sflag:s30] =	ssyncadd.s32 $0xFFFFF000;
	v5 =	vor.u32 v5, v7  }
0x2bd: {  	v4 =	vld.idx.msk [tilespmem:v4+s23+$0x0], $0xffff;
	v7 =	vor.u32 v2, v5  }
0x2be: {  	v6 =	vld.idx.msk [tilespmem:v6+s23+$0x0], $0xffff;
	v5 =	vor.u32 v3, v5;
	_ =	sdelay $0x2  }
0x2bf: {  	s13 =	sand.u32 $0x7F, s8  }
0x2c0: {  	s14 =	simm.s32 $0xB;
	[tilespmem:v7+s5+$0x0] =	vst.idx.msk $0xffff, v4;
	v4 =	vor.u32 s13, v0  }
0x2c1: {  	v7 =	vor.u32 s13, v1;
	[tilespmem:v5+s5+$0x0] =	vst.idx.msk $0xffff, v6;
	v5 =	vmov s14  }
0x2c2: {  	_ =	swait.ge [sflag:s30], $0x1000;
	v6 =	vshll.u32 v5, $0x3  }
0x2c3: {  	v5 =	vand.u32 $0x7B, v5;
	[sflag:s30] =	ssyncset.done $0x0;
	v6 =	vand.u32 $0xC00, v6  }
0x2c4: {  	[sflag:s30] =	ssyncadd.s32 $0xFFFFF000;
	v5 =	vor.u32 v5, v6  }
0x2c5: {  	v4 =	vld.idx.msk [tilespmem:v4+s24+$0x0], $0xffff;
	v6 =	vor.u32 v2, v5  }
0x2c6: {  	v7 =	vld.idx.msk [tilespmem:v7+s24+$0x0], $0xffff;
	v5 =	vor.u32 v3, v5;
	_ =	sdelay $0x2  }
0x2c7: {  	s8 =	sand.u32 $0x7F, s9  }
0x2c8: {  	s9 =	simm.s32 $0xC;
	[tilespmem:v6+s5+$0x0] =	vst.idx.msk $0xffff, v4;
	v4 =	vor.u32 s8, v0  }
0x2c9: {  	v6 =	vor.u32 s8, v1;
	[tilespmem:v5+s5+$0x0] =	vst.idx.msk $0xffff, v7;
	v5 =	vmov s9  }
0x2ca: {  	_ =	swait.ge [sflag:s30], $0x1000;
	v7 =	vshll.u32 v5, $0x3  }
0x2cb: {  	v5 =	vand.u32 $0x7C, v5;
	[sflag:s30] =	ssyncset.done $0x0;
	v7 =	vand.u32 $0xC00, v7  }
0x2cc: {  	[sflag:s30] =	ssyncadd.s32 $0xFFFFF000;
	v5 =	vor.u32 v5, v7  }
0x2cd: {  	v4 =	vld.idx.msk [tilespmem:v4+s25+$0x0], $0xffff;
	v7 =	vor.u32 v2, v5  }
0x2ce: {  	v6 =	vld.idx.msk [tilespmem:v6+s25+$0x0], $0xffff;
	v5 =	vor.u32 v3, v5;
	_ =	sdelay $0x2  }
0x2cf: {  	s4 =	sand.u32 $0x7F, s4  }
0x2d0: {  	s10 =	simm.s32 $0xD;
	[tilespmem:v7+s5+$0x0] =	vst.idx.msk $0xffff, v4;
	v4 =	vor.u32 s4, v0  }
0x2d1: {  	v7 =	vor.u32 s4, v1;
	[tilespmem:v5+s5+$0x0] =	vst.idx.msk $0xffff, v6;
	v5 =	vmov s10  }
0x2d2: {  	_ =	swait.ge [sflag:s30], $0x1000;
	v6 =	vshll.u32 v5, $0x3  }
0x2d3: {  	v5 =	vand.u32 $0x7D, v5;
	[sflag:s30] =	ssyncset.done $0x0;
	v6 =	vand.u32 $0xC00, v6  }
0x2d4: {  	[sflag:s30] =	ssyncadd.s32 $0xFFFFF000;
	v5 =	vor.u32 v5, v6  }
0x2d5: {  	v4 =	vld.idx.msk [tilespmem:v4+s26+$0x0], $0xffff;
	v6 =	vor.u32 v2, v5  }
0x2d6: {  	v7 =	vld.idx.msk [tilespmem:v7+s26+$0x0], $0xffff;
	v5 =	vor.u32 v3, v5;
	_ =	sdelay $0x2  }
0x2d7: {  	s3 =	sand.u32 $0x7F, s3  }
0x2d8: {  	s13 =	simm.s32 $0xE;
	[tilespmem:v6+s5+$0x0] =	vst.idx.msk $0xffff, v4;
	v4 =	vor.u32 s3, v0  }
0x2d9: {  	v6 =	vor.u32 s3, v1;
	[tilespmem:v5+s5+$0x0] =	vst.idx.msk $0xffff, v7;
	v5 =	vmov s13  }
0x2da: {  	_ =	swait.ge [sflag:s30], $0x1000;
	v7 =	vshll.u32 v5, $0x3  }
0x2db: {  	v5 =	vand.u32 $0x7E, v5;
	[sflag:s30] =	ssyncset.done $0x0;
	v7 =	vand.u32 $0xC00, v7  }
0x2dc: {  	[sflag:s30] =	ssyncadd.s32 $0xFFFFF000;
	v5 =	vor.u32 v5, v7  }
0x2dd: {  	v4 =	vld.idx.msk [tilespmem:v4+s28+$0x0], $0xffff;
	v7 =	vor.u32 v2, v5  }
0x2de: {  	v6 =	vld.idx.msk [tilespmem:v6+s28+$0x0], $0xffff;
	v5 =	vor.u32 v3, v5;
	_ =	sdelay $0x2  }
0x2df: {  	s2 =	sand.u32 $0x7F, s2;
	s14 =	simm.s32 $0xF  }
0x2e0: {  	[tilespmem:v7+s5+$0x0] =	vst.idx.msk $0xffff, v4;
	v4 =	vor.u32 s2, v0;
	v7 =	vmov s14  }
0x2e1: {  	[tilespmem:v5+s5+$0x0] =	vst.idx.msk $0xffff, v6;
	v5 =	vshll.u32 v7, $0x3;
	v6 =	vand.u32 $0x7F, v7;
	v7 =	vor.u32 s2, v1  }
0x2e2: {  	_ =	swait.ge [sflag:s30], $0x1000  }
0x2e3: {  	v5 =	vand.u32 $0xC00, v5;
	[sflag:s30] =	ssyncset.done $0x0  }
0x2e4: {  	v5 =	vor.u32 v6, v5;
	[sflag:s30] =	ssyncadd.s32 $0xFFFFF000  }
0x2e5: {  	v8 =	vor.u32 v2, v5;
	v6 =	vld.idx.msk [tilespmem:v4+s29+$0x0], $0xffff  }
0x2e6: {  	v5 =	vor.u32 v3, v5;
	v4 =	vld.idx.msk [tilespmem:v7+s29+$0x0], $0xffff;
	_ =	sdelay $0x3  }
0x2e7: {  	s8 =	simm.s32 $0x10;
	[tilespmem:v8+s5+$0x0] =	vst.idx.msk $0xffff, v6  }
.LBB2_4:
0x2e8: {  	[tilespmem:v5+s5+$0x0] =	vst.idx.msk $0xffff, v4;
	s7 =	sadd.s32 $0x10, s7;
	s9 =	smov.u32 s8;
	s8 =	sadd.s32 $0x10, s8  }
0x2e9: {  	v4 =	vld [tilespmem:s7+$0x0];
	p0 =	sne.s32 s8, $0x200;
	_ =	sdelay $0x4  }
0x2ea: {  	(v2sf) =	vpush v4, $0x0  }
0x2eb: {  	(v2sf) =	vpush v4, $0x1  }
0x2ec: {  	(v2sf) =	vpush v4, $0x2;
	_ =	sdelay $0x1  }
0x2ed: {  	(v2sf) =	vpush v4, $0x3;
	_ =	sdelay $0x1  }
0x2ee: {  	(v2sf) =	vpush v4, $0x4;
	_ =	sdelay $0x1  }
0x2ef: {  	(v2sf) =	vpush v4, $0x5;
	_ =	sdelay $0x1  }
0x2f0: {  	(v2sf) =	vpush v4, $0x6;
	_ =	sdelay $0x1  }
0x2f1: {  	(v2sf) =	vpush v4, $0x7;
	_ =	sdelay $0x2  }
0x2f2: {  	s2 =	spop (v2sf)  }
0x2f3: {  	s2 =	sand.u32 $0xFFFFF80, s2;
	s3 =	spop (v2sf)  }
0x2f4: {  	s2 =	sadd.s32 s1, s2;
	s3 =	sand.u32 $0xFFFFF80, s3;
	s4 =	spop (v2sf)  }
0x2f5: {  	[tilespmem:s21], [sflag:$0x1] =	stream.strided.gather [hbm4b:s2+s12], $0x1000, s11, s12, $0x38;
	[tilespmem:$0x18280] =	vst v63  }
0x2f6: {  	s2 =	sadd.s32 s1, s3;
	s3 =	sand.u32 $0xFFFFF80, s4;
	s4 =	spop (v2sf)  }
0x2f7: {  	[tilespmem:s22], [sflag:$0x1] =	stream.strided.gather [hbm4b:s2+s12], $0x1000, s11, s12, $0x38;
	[tilespmem:$0x18280] =	vst v63  }
0x2f8: {  	s2 =	sadd.s32 s1, s3;
	s3 =	sand.u32 $0xFFFFF80, s4;
	s4 =	spop (v2sf)  }
0x2f9: {  	[tilespmem:s23], [sflag:$0x1] =	stream.strided.gather [hbm4b:s2+s12], $0x1000, s11, s12, $0x38;
	[tilespmem:$0x18280] =	vst v63  }
0x2fa: {  	s2 =	sadd.s32 s1, s3;
	s3 =	sand.u32 $0xFFFFF80, s4;
	s4 =	spop (v2sf)  }
0x2fb: {  	[tilespmem:s24], [sflag:$0x1] =	stream.strided.gather [hbm4b:s2+s12], $0x1000, s11, s12, $0x38;
	[tilespmem:$0x18280] =	vst v63  }
0x2fc: {  	s2 =	sadd.s32 s1, s3;
	s3 =	sand.u32 $0xFFFFF80, s4;
	s4 =	spop (v2sf)  }
0x2fd: {  	[tilespmem:s25], [sflag:$0x1] =	stream.strided.gather [hbm4b:s2+s12], $0x1000, s11, s12, $0x38;
	[tilespmem:$0x18280] =	vst v63  }
0x2fe: {  	s2 =	sadd.s32 s1, s3;
	s3 =	sand.u32 $0xFFFFF80, s4;
	s4 =	spop (v2sf)  }
0x2ff: {  	[tilespmem:s26], [sflag:$0x1] =	stream.strided.gather [hbm4b:s2+s12], $0x1000, s11, s12, $0x38;
	[tilespmem:$0x18280] =	vst v63  }
0x300: {  	s2 =	sadd.s32 s1, s3;
	s3 =	sand.u32 $0xFFFFF80, s4  }
0x301: {  	[tilespmem:s28], [sflag:$0x1] =	stream.strided.gather [hbm4b:s2+s12], $0x1000, s11, s12, $0x38;
	[tilespmem:$0x18280] =	vst v63  }
0x302: {  	s2 =	sadd.s32 s1, s3  }
0x303: {  	[tilespmem:s29], [sflag:$0x1] =	stream.strided.gather [hbm4b:s2+s12], $0x1000, s11, s12, $0x38;
	[tilespmem:$0x18280] =	vst v63  }
0x304: {  	v4 =	vld [tilespmem:s7+$0xFFFFFFF8]  }
0x305: {  	_ =	swait.ge [sflag:s30], $0x1000;
	_ =	sdelay $0x3  }
0x306: {  	(v2sf) =	vpush v4, $0x0  }
0x307: {  	(v2sf) =	vpush v4, $0x1  }
0x308: {  	(v2sf) =	vpush v4, $0x2  }
0x309: {  	(v2sf) =	vpush v4, $0x3  }
0x30a: {  	(v2sf) =	vpush v4, $0x4  }
0x30b: {  	(v2sf) =	vpush v4, $0x5  }
0x30c: {  	(v2sf) =	vpush v4, $0x6  }
0x30d: {  	(v2sf) =	vpush v4, $0x7;
	_ =	sdelay $0x7  }
0x30e: {  	s2 =	spop (v2sf)  }
0x30f: {  	s2 =	sand.u32 $0x7F, s2;
	s3 =	spop (v2sf)  }
0x310: {  	v4 =	vor.u32 s2, v0;
	v5 =	vor.u32 s2, v1;
	s14 =	sand.u32 $0x7F, s3;
	s2 =	spop (v2sf)  }
0x311: {  	s13 =	sand.u32 $0x7F, s2;
	s2 =	spop (v2sf)  }
0x312: {  	v6 =	vmov s9;
	s6 =	sand.u32 $0x7F, s2;
	s2 =	spop (v2sf)  }
0x313: {  	v7 =	vshll.u32 v6, $0x3;
	[sflag:s30] =	ssyncset.done $0x0;
	s4 =	sand.u32 $0x7F, s2;
	s2 =	spop (v2sf)  }
0x314: {  	v6 =	vand.u32 $0x70, v6;
	v7 =	vand.u32 $0xC00, v7;
	[sflag:s30] =	ssyncadd.s32 $0xFFFFF000;
	s10 =	sand.u32 $0x7F, s2;
	s2 =	spop (v2sf)  }
0x315: {  	v6 =	vor.u32 v6, v7;
	v4 =	vld.idx.msk [tilespmem:v4+s15+$0x0], $0xffff;
	s3 =	sand.u32 $0x7F, s2;
	s2 =	spop (v2sf)  }
0x316: {  	v7 =	vor.u32 v2, v6;
	v5 =	vld.idx.msk [tilespmem:v5+s15+$0x0], $0xffff;
	s2 =	sand.u32 $0x7F, s2  }
0x317: {  	v6 =	vor.u32 v3, v6;
	_ =	sdelay $0x3  }
0x318: {  	[tilespmem:v7+s5+$0x0] =	vst.idx.msk $0xffff, v4;
	v4 =	vor.u32 s14, v0  }
0x319: {  	s15 =	sadd.s32 $0x1, s9;
	[tilespmem:v6+s5+$0x0] =	vst.idx.msk $0xffff, v5;
	v5 =	vor.u32 s14, v1  }
0x31a: {  	v6 =	vmov s15;
	_ =	swait.ge [sflag:s30], $0x1000  }
0x31b: {  	v7 =	vshll.u32 v6, $0x3;
	[sflag:s30] =	ssyncset.done $0x0  }
0x31c: {  	v6 =	vand.u32 $0x71, v6;
	v7 =	vand.u32 $0xC00, v7;
	[sflag:s30] =	ssyncadd.s32 $0xFFFFF000  }
0x31d: {  	v6 =	vor.u32 v6, v7;
	v4 =	vld.idx.msk [tilespmem:v4+s16+$0x0], $0xffff  }
0x31e: {  	v7 =	vor.u32 v2, v6;
	v5 =	vld.idx.msk [tilespmem:v5+s16+$0x0], $0xffff  }
0x31f: {  	v6 =	vor.u32 v3, v6;
	_ =	sdelay $0x3  }
0x320: {  	[tilespmem:v7+s5+$0x0] =	vst.idx.msk $0xffff, v4;
	v4 =	vor.u32 s13, v0  }
0x321: {  	s14 =	sadd.s32 $0x2, s9;
	[tilespmem:v6+s5+$0x0] =	vst.idx.msk $0xffff, v5;
	v5 =	vor.u32 s13, v1  }
0x322: {  	v6 =	vmov s14;
	_ =	swait.ge [sflag:s30], $0x1000  }
0x323: {  	v7 =	vshll.u32 v6, $0x3;
	[sflag:s30] =	ssyncset.done $0x0  }
0x324: {  	v6 =	vand.u32 $0x72, v6;
	v7 =	vand.u32 $0xC00, v7;
	[sflag:s30] =	ssyncadd.s32 $0xFFFFF000  }
0x325: {  	v6 =	vor.u32 v6, v7;
	v4 =	vld.idx.msk [tilespmem:v4+s17+$0x0], $0xffff  }
0x326: {  	v7 =	vor.u32 v2, v6;
	v5 =	vld.idx.msk [tilespmem:v5+s17+$0x0], $0xffff  }
0x327: {  	v6 =	vor.u32 v3, v6;
	_ =	sdelay $0x3  }
0x328: {  	[tilespmem:v7+s5+$0x0] =	vst.idx.msk $0xffff, v4;
	v4 =	vor.u32 s6, v0  }
0x329: {  	s13 =	sadd.s32 $0x3, s9;
	[tilespmem:v6+s5+$0x0] =	vst.idx.msk $0xffff, v5;
	v5 =	vor.u32 s6, v1  }
0x32a: {  	v6 =	vmov s13;
	_ =	swait.ge [sflag:s30], $0x1000  }
0x32b: {  	v7 =	vshll.u32 v6, $0x3;
	[sflag:s30] =	ssyncset.done $0x0  }
0x32c: {  	v6 =	vand.u32 $0x73, v6;
	v7 =	vand.u32 $0xC00, v7;
	[sflag:s30] =	ssyncadd.s32 $0xFFFFF000  }
0x32d: {  	v6 =	vor.u32 v6, v7;
	v4 =	vld.idx.msk [tilespmem:v4+s18+$0x0], $0xffff  }
0x32e: {  	v7 =	vor.u32 v2, v6;
	v5 =	vld.idx.msk [tilespmem:v5+s18+$0x0], $0xffff  }
0x32f: {  	v6 =	vor.u32 v3, v6;
	_ =	sdelay $0x3  }
0x330: {  	[tilespmem:v7+s5+$0x0] =	vst.idx.msk $0xffff, v4;
	v4 =	vor.u32 s4, v0  }
0x331: {  	s6 =	sadd.s32 $0x4, s9;
	[tilespmem:v6+s5+$0x0] =	vst.idx.msk $0xffff, v5;
	v5 =	vor.u32 s4, v1  }
0x332: {  	v6 =	vmov s6;
	_ =	swait.ge [sflag:s30], $0x1000  }
0x333: {  	v7 =	vshll.u32 v6, $0x3;
	[sflag:s30] =	ssyncset.done $0x0  }
0x334: {  	s4 =	simm.s32 $0x4280;
	v6 =	vand.u32 $0x74, v6;
	v7 =	vand.u32 $0xC00, v7;
	[sflag:s30] =	ssyncadd.s32 $0xFFFFF000  }
0x335: {  	v6 =	vor.u32 v6, v7;
	v4 =	vld.idx.msk [tilespmem:v4+s4+$0x0], $0xffff  }
0x336: {  	v7 =	vor.u32 v2, v6;
	v5 =	vld.idx.msk [tilespmem:v5+s4+$0x0], $0xffff  }
0x337: {  	v6 =	vor.u32 v3, v6;
	_ =	sdelay $0x3  }
0x338: {  	[tilespmem:v7+s5+$0x0] =	vst.idx.msk $0xffff, v4;
	v4 =	vor.u32 s10, v0  }
0x339: {  	s4 =	sadd.s32 $0x5, s9;
	[tilespmem:v6+s5+$0x0] =	vst.idx.msk $0xffff, v5;
	v5 =	vor.u32 s10, v1  }
0x33a: {  	v6 =	vmov s4;
	_ =	swait.ge [sflag:s30], $0x1000  }
0x33b: {  	v7 =	vshll.u32 v6, $0x3;
	[sflag:s30] =	ssyncset.done $0x0  }
0x33c: {  	v6 =	vand.u32 $0x75, v6;
	v7 =	vand.u32 $0xC00, v7;
	[sflag:s30] =	ssyncadd.s32 $0xFFFFF000  }
0x33d: {  	v6 =	vor.u32 v6, v7;
	v4 =	vld.idx.msk [tilespmem:v4+s20+$0x0], $0xffff  }
0x33e: {  	v7 =	vor.u32 v2, v6;
	v5 =	vld.idx.msk [tilespmem:v5+s20+$0x0], $0xffff  }
0x33f: {  	v6 =	vor.u32 v3, v6;
	_ =	sdelay $0x3  }
0x340: {  	[tilespmem:v7+s5+$0x0] =	vst.idx.msk $0xffff, v4;
	v4 =	vor.u32 s3, v0  }
0x341: {  	s4 =	sadd.s32 $0x6, s9;
	[tilespmem:v6+s5+$0x0] =	vst.idx.msk $0xffff, v5;
	v5 =	vor.u32 s3, v1  }
0x342: {  	v6 =	vmov s4;
	_ =	swait.ge [sflag:s30], $0x1000  }
0x343: {  	v7 =	vshll.u32 v6, $0x3;
	[sflag:s30] =	ssyncset.done $0x0  }
0x344: {  	s3 =	simm.s32 $0x6280;
	v6 =	vand.u32 $0x76, v6;
	v7 =	vand.u32 $0xC00, v7;
	[sflag:s30] =	ssyncadd.s32 $0xFFFFF000  }
0x345: {  	v6 =	vor.u32 v6, v7;
	v4 =	vld.idx.msk [tilespmem:v4+s3+$0x0], $0xffff  }
0x346: {  	v7 =	vor.u32 v2, v6;
	v5 =	vld.idx.msk [tilespmem:v5+s3+$0x0], $0xffff  }
0x347: {  	v6 =	vor.u32 v3, v6;
	_ =	sdelay $0x3  }
0x348: {  	[tilespmem:v7+s5+$0x0] =	vst.idx.msk $0xffff, v4;
	v4 =	vor.u32 s2, v0  }
0x349: {  	s3 =	sadd.s32 $0x7, s9;
	[tilespmem:v6+s5+$0x0] =	vst.idx.msk $0xffff, v5;
	v5 =	vor.u32 s2, v1  }
0x34a: {  	v6 =	vmov s3;
	_ =	swait.ge [sflag:s30], $0x1000  }
0x34b: {  	v7 =	vshll.u32 v6, $0x3;
	[sflag:s30] =	ssyncset.done $0x0  }
0x34c: {  	v6 =	vand.u32 $0x77, v6;
	v7 =	vand.u32 $0xC00, v7;
	[sflag:s30] =	ssyncadd.s32 $0xFFFFF000  }
0x34d: {  	v6 =	vor.u32 v6, v7;
	v4 =	vld.idx.msk [tilespmem:v4+s19+$0x0], $0xffff  }
0x34e: {  	v7 =	vor.u32 v2, v6;
	v5 =	vld.idx.msk [tilespmem:v5+s19+$0x0], $0xffff  }
0x34f: {  	v6 =	vor.u32 v3, v6;
	_ =	sdelay $0x3  }
0x350: {  	[tilespmem:v7+s5+$0x0] =	vst.idx.msk $0xffff, v4  }
0x351: {  	p1 =	seq.s32 s9, $0x1F0;
	[tilespmem:v6+s5+$0x0] =	vst.idx.msk $0xffff, v5  }
0x352: {  	v4 =	vld @!p1 [tilespmem:s7+$0x8];
	_ =	sdelay $0x4  }
0x353: {  	(v2sf) =	vpush @!p1 v4, $0x0  }
0x354: {  	(v2sf) =	vpush @!p1 v4, $0x1  }
0x355: {  	(v2sf) =	vpush @!p1 v4, $0x2;
	_ =	sdelay $0x1  }
0x356: {  	(v2sf) =	vpush @!p1 v4, $0x3;
	_ =	sdelay $0x1  }
0x357: {  	(v2sf) =	vpush @!p1 v4, $0x4;
	_ =	sdelay $0x1  }
0x358: {  	(v2sf) =	vpush @!p1 v4, $0x5;
	_ =	sdelay $0x1  }
0x359: {  	(v2sf) =	vpush @!p1 v4, $0x6;
	_ =	sdelay $0x1  }
0x35a: {  	(v2sf) =	vpush @!p1 v4, $0x7  }
0x35b: {  	s2 =	simm.s32 @!p1 $0x4280;
	s3 =	simm.s32 @!p1 $0x5280  }
0x35c: {  	s6 =	simm.s32 @!p1 $0x2280;
	s10 =	simm.s32 @!p1 $0x3280;
	s4 =	simm.s32 @!p1 $0x1280  }
0x35d: {  	s14 =	simm.s32 @!p1 $0x280;
	s13 =	simm.s32 @!p1 $0x7A1400;
	s15 =	spop @!p1 (v2sf)  }
0x35e: {  	s16 =	simm.s32 @!p1 $0x400;
	s15 =	sand.u32 @!p1 $0xFFFFF80, s15;
	s17 =	spop @!p1 (v2sf)  }
0x35f: {  	s15 =	sadd.s32 @!p1 s1, s15;
	s17 =	sand.u32 @!p1 $0xFFFFF80, s17;
	s18 =	spop @!p1 (v2sf)  }
0x360: {  	[tilespmem:s14], [sflag:$0x1] =	stream.strided.gather @!p1 [hbm4b:s15+s16], $0x1000, s13, s16, $0x38;
	[tilespmem:$0x18280] =	vst v63  }
0x361: {  	s14 =	sadd.s32 @!p1 s1, s17  }
0x362: {  	s15 =	sand.u32 @!p1 $0xFFFFF80, s18;
	s18 =	simm.s32 $0x3280;
	s17 =	spop @!p1 (v2sf)  }
0x363: {  	[tilespmem:s4], [sflag:$0x1] =	stream.strided.gather @!p1 [hbm4b:s14+s16], $0x1000, s13, s16, $0x38;
	[tilespmem:$0x18280] =	vst v63  }
0x364: {  	s4 =	sadd.s32 @!p1 s1, s15  }
0x365: {  	s14 =	sand.u32 @!p1 $0xFFFFF80, s17;
	s17 =	simm.s32 $0x2280;
	s15 =	spop @!p1 (v2sf)  }
0x366: {  	[tilespmem:s6], [sflag:$0x1] =	stream.strided.gather @!p1 [hbm4b:s4+s16], $0x1000, s13, s16, $0x38;
	[tilespmem:$0x18280] =	vst v63  }
0x367: {  	s4 =	sadd.s32 @!p1 s1, s14;
	s6 =	sand.u32 @!p1 $0xFFFFF80, s15;
	s14 =	spop @!p1 (v2sf)  }
0x368: {  	[tilespmem:s10], [sflag:$0x1] =	stream.strided.gather @!p1 [hbm4b:s4+s16], $0x1000, s13, s16, $0x38;
	[tilespmem:$0x18280] =	vst v63  }
0x369: {  	s4 =	sadd.s32 @!p1 s1, s6;
	s6 =	sand.u32 @!p1 $0xFFFFF80, s14;
	s10 =	spop @!p1 (v2sf)  }
0x36a: {  	[tilespmem:s2], [sflag:$0x1] =	stream.strided.gather @!p1 [hbm4b:s4+s16], $0x1000, s13, s16, $0x38;
	[tilespmem:$0x18280] =	vst v63  }
0x36b: {  	s2 =	sadd.s32 @!p1 s1, s6;
	s4 =	sand.u32 @!p1 $0xFFFFF80, s10;
	s6 =	spop @!p1 (v2sf)  }
0x36c: {  	[tilespmem:s3], [sflag:$0x1] =	stream.strided.gather @!p1 [hbm4b:s2+s16], $0x1000, s13, s16, $0x38;
	[tilespmem:$0x18280] =	vst v63  }
0x36d: {  	s2 =	sadd.s32 @!p1 s1, s4;
	s3 =	simm.s32 @!p1 $0x6280;
	s4 =	sand.u32 @!p1 $0xFFFFF80, s6  }
0x36e: {  	[tilespmem:s3], [sflag:$0x1] =	stream.strided.gather @!p1 [hbm4b:s2+s16], $0x1000, s13, s16, $0x38;
	[tilespmem:$0x18280] =	vst v63  }
0x36f: {  	s2 =	sadd.s32 @!p1 s1, s4;
	s3 =	simm.s32 @!p1 $0x7280  }
0x370: {  	[tilespmem:s3], [sflag:$0x1] =	stream.strided.gather @!p1 [hbm4b:s2+s16], $0x1000, s13, s16, $0x38;
	[tilespmem:$0x18280] =	vst v63  }
0x371: {  	s16 =	simm.s32 $0x1280  }
0x372: {  	v4 =	vld [tilespmem:s7+$0x0]  }
0x373: {  	_ =	swait.ge [sflag:s30], $0x1000;
	_ =	sdelay $0x3  }
0x374: {  	(v2sf) =	vpush v4, $0x0  }
0x375: {  	(v2sf) =	vpush v4, $0x1  }
0x376: {  	(v2sf) =	vpush v4, $0x2  }
0x377: {  	(v2sf) =	vpush v4, $0x3  }
0x378: {  	(v2sf) =	vpush v4, $0x4  }
0x379: {  	(v2sf) =	vpush v4, $0x5  }
0x37a: {  	(v2sf) =	vpush v4, $0x6  }
0x37b: {  	(v2sf) =	vpush v4, $0x7;
	_ =	sdelay $0x7  }
0x37c: {  	s2 =	spop (v2sf)  }
0x37d: {  	s2 =	sand.u32 $0x7F, s2;
	s3 =	spop (v2sf)  }
0x37e: {  	v4 =	vor.u32 s2, v0;
	v5 =	vor.u32 s2, v1;
	s14 =	sand.u32 $0x7F, s3;
	s2 =	spop (v2sf)  }
0x37f: {  	s3 =	sadd.s32 $0x8, s9;
	s13 =	sand.u32 $0x7F, s2;
	s2 =	spop (v2sf)  }
0x380: {  	v6 =	vmov s3;
	s6 =	sand.u32 $0x7F, s2;
	s2 =	spop (v2sf)  }
0x381: {  	v7 =	vshll.u32 v6, $0x3;
	[sflag:s30] =	ssyncset.done $0x0;
	s4 =	sand.u32 $0x7F, s2;
	s2 =	spop (v2sf)  }
0x382: {  	v6 =	vand.u32 $0x78, v6;
	v7 =	vand.u32 $0xC00, v7;
	[sflag:s30] =	ssyncadd.s32 $0xFFFFF000;
	s10 =	sand.u32 $0x7F, s2;
	s2 =	spop (v2sf)  }
0x383: {  	v6 =	vor.u32 v6, v7;
	v4 =	vld.idx.msk [tilespmem:v4+s21+$0x0], $0xffff;
	s3 =	sand.u32 $0x7F, s2;
	s2 =	spop (v2sf)  }
0x384: {  	v7 =	vor.u32 v2, v6;
	v5 =	vld.idx.msk [tilespmem:v5+s21+$0x0], $0xffff;
	s2 =	sand.u32 $0x7F, s2  }
0x385: {  	v6 =	vor.u32 v3, v6;
	_ =	sdelay $0x3  }
0x386: {  	[tilespmem:v7+s5+$0x0] =	vst.idx.msk $0xffff, v4;
	v4 =	vor.u32 s14, v0  }
0x387: {  	s15 =	sadd.s32 $0x9, s9;
	[tilespmem:v6+s5+$0x0] =	vst.idx.msk $0xffff, v5;
	v5 =	vor.u32 s14, v1  }
0x388: {  	v6 =	vmov s15;
	s15 =	simm.s32 $0x280;
	_ =	swait.ge [sflag:s30], $0x1000  }
0x389: {  	v7 =	vshll.u32 v6, $0x3;
	[sflag:s30] =	ssyncset.done $0x0  }
0x38a: {  	v6 =	vand.u32 $0x79, v6;
	v7 =	vand.u32 $0xC00, v7;
	[sflag:s30] =	ssyncadd.s32 $0xFFFFF000  }
0x38b: {  	v6 =	vor.u32 v6, v7;
	v4 =	vld.idx.msk [tilespmem:v4+s22+$0x0], $0xffff  }
0x38c: {  	v7 =	vor.u32 v2, v6;
	v5 =	vld.idx.msk [tilespmem:v5+s22+$0x0], $0xffff  }
0x38d: {  	v6 =	vor.u32 v3, v6;
	_ =	sdelay $0x3  }
0x38e: {  	[tilespmem:v7+s5+$0x0] =	vst.idx.msk $0xffff, v4;
	v4 =	vor.u32 s13, v0  }
0x38f: {  	s14 =	sadd.s32 $0xA, s9;
	[tilespmem:v6+s5+$0x0] =	vst.idx.msk $0xffff, v5;
	v5 =	vor.u32 s13, v1  }
0x390: {  	v6 =	vmov s14;
	_ =	swait.ge [sflag:s30], $0x1000  }
0x391: {  	v7 =	vshll.u32 v6, $0x3;
	[sflag:s30] =	ssyncset.done $0x0  }
0x392: {  	v6 =	vand.u32 $0x7A, v6;
	v7 =	vand.u32 $0xC00, v7;
	[sflag:s30] =	ssyncadd.s32 $0xFFFFF000  }
0x393: {  	v6 =	vor.u32 v6, v7;
	v4 =	vld.idx.msk [tilespmem:v4+s23+$0x0], $0xffff  }
0x394: {  	v7 =	vor.u32 v2, v6;
	v5 =	vld.idx.msk [tilespmem:v5+s23+$0x0], $0xffff  }
0x395: {  	v6 =	vor.u32 v3, v6;
	_ =	sdelay $0x3  }
0x396: {  	[tilespmem:v7+s5+$0x0] =	vst.idx.msk $0xffff, v4;
	v4 =	vor.u32 s6, v0  }
0x397: {  	s13 =	sadd.s32 $0xB, s9;
	[tilespmem:v6+s5+$0x0] =	vst.idx.msk $0xffff, v5;
	v5 =	vor.u32 s6, v1  }
0x398: {  	v6 =	vmov s13;
	_ =	swait.ge [sflag:s30], $0x1000  }
0x399: {  	v7 =	vshll.u32 v6, $0x3;
	[sflag:s30] =	ssyncset.done $0x0  }
0x39a: {  	v6 =	vand.u32 $0x7B, v6;
	v7 =	vand.u32 $0xC00, v7;
	[sflag:s30] =	ssyncadd.s32 $0xFFFFF000  }
0x39b: {  	v6 =	vor.u32 v6, v7;
	v4 =	vld.idx.msk [tilespmem:v4+s24+$0x0], $0xffff  }
0x39c: {  	v7 =	vor.u32 v2, v6;
	v5 =	vld.idx.msk [tilespmem:v5+s24+$0x0], $0xffff  }
0x39d: {  	v6 =	vor.u32 v3, v6;
	_ =	sdelay $0x3  }
0x39e: {  	[tilespmem:v7+s5+$0x0] =	vst.idx.msk $0xffff, v4;
	v4 =	vor.u32 s4, v0  }
0x39f: {  	s6 =	sadd.s32 $0xC, s9;
	[tilespmem:v6+s5+$0x0] =	vst.idx.msk $0xffff, v5;
	v5 =	vor.u32 s4, v1  }
0x3a0: {  	v6 =	vmov s6;
	_ =	swait.ge [sflag:s30], $0x1000  }
0x3a1: {  	v7 =	vshll.u32 v6, $0x3;
	[sflag:s30] =	ssyncset.done $0x0  }
0x3a2: {  	v6 =	vand.u32 $0x7C, v6;
	v7 =	vand.u32 $0xC00, v7;
	[sflag:s30] =	ssyncadd.s32 $0xFFFFF000  }
0x3a3: {  	v6 =	vor.u32 v6, v7;
	v4 =	vld.idx.msk [tilespmem:v4+s25+$0x0], $0xffff  }
0x3a4: {  	v7 =	vor.u32 v2, v6;
	v5 =	vld.idx.msk [tilespmem:v5+s25+$0x0], $0xffff  }
0x3a5: {  	v6 =	vor.u32 v3, v6;
	_ =	sdelay $0x3  }
0x3a6: {  	[tilespmem:v7+s5+$0x0] =	vst.idx.msk $0xffff, v4;
	v4 =	vor.u32 s10, v0  }
0x3a7: {  	s4 =	sadd.s32 $0xD, s9;
	[tilespmem:v6+s5+$0x0] =	vst.idx.msk $0xffff, v5;
	v5 =	vor.u32 s10, v1  }
0x3a8: {  	v6 =	vmov s4;
	_ =	swait.ge [sflag:s30], $0x1000  }
0x3a9: {  	v7 =	vshll.u32 v6, $0x3;
	[sflag:s30] =	ssyncset.done $0x0  }
0x3aa: {  	v6 =	vand.u32 $0x7D, v6;
	v7 =	vand.u32 $0xC00, v7;
	[sflag:s30] =	ssyncadd.s32 $0xFFFFF000  }
0x3ab: {  	v6 =	vor.u32 v6, v7;
	v4 =	vld.idx.msk [tilespmem:v4+s26+$0x0], $0xffff  }
0x3ac: {  	v7 =	vor.u32 v2, v6;
	v5 =	vld.idx.msk [tilespmem:v5+s26+$0x0], $0xffff  }
0x3ad: {  	v6 =	vor.u32 v3, v6;
	_ =	sdelay $0x3  }
0x3ae: {  	[tilespmem:v7+s5+$0x0] =	vst.idx.msk $0xffff, v4;
	v4 =	vor.u32 s3, v0  }
0x3af: {  	s4 =	sadd.s32 $0xE, s9;
	[tilespmem:v6+s5+$0x0] =	vst.idx.msk $0xffff, v5;
	v5 =	vor.u32 s3, v1  }
0x3b0: {  	v6 =	vmov s4;
	_ =	swait.ge [sflag:s30], $0x1000  }
0x3b1: {  	v7 =	vshll.u32 v6, $0x3;
	[sflag:s30] =	ssyncset.done $0x0  }
0x3b2: {  	v6 =	vand.u32 $0x7E, v6;
	v7 =	vand.u32 $0xC00, v7;
	[sflag:s30] =	ssyncadd.s32 $0xFFFFF000  }
0x3b3: {  	v6 =	vor.u32 v6, v7;
	v4 =	vld.idx.msk [tilespmem:v4+s28+$0x0], $0xffff  }
0x3b4: {  	v7 =	vor.u32 v2, v6;
	v5 =	vld.idx.msk [tilespmem:v5+s28+$0x0], $0xffff  }
0x3b5: {  	v6 =	vor.u32 v3, v6;
	_ =	sdelay $0x3  }
0x3b6: {  	[tilespmem:v7+s5+$0x0] =	vst.idx.msk $0xffff, v4;
	v4 =	vor.u32 s2, v0  }
0x3b7: {  	s3 =	sadd.s32 $0xF, s9;
	[tilespmem:v6+s5+$0x0] =	vst.idx.msk $0xffff, v5;
	v5 =	vor.u32 s2, v1  }
0x3b8: {  	v6 =	vmov s3;
	_ =	swait.ge [sflag:s30], $0x1000  }
0x3b9: {  	v7 =	vshll.u32 v6, $0x3;
	[sflag:s30] =	ssyncset.done $0x0  }
0x3ba: {  	v6 =	vand.u32 $0x7F, v6;
	v7 =	vand.u32 $0xC00, v7;
	[sflag:s30] =	ssyncadd.s32 $0xFFFFF000  }
0x3bb: {  	v6 =	vor.u32 v6, v7;
	v8 =	vld.idx.msk [tilespmem:v4+s29+$0x0], $0xffff  }
0x3bc: {  	v7 =	vor.u32 v2, v6;
	v4 =	vld.idx.msk [tilespmem:v5+s29+$0x0], $0xffff  }
.Ltmp1:
0x3bd: {  	v5 =	vor.u32 v3, v6;
	(pc) =	sbr.rel @p0 .LBB2_4-.Ltmp1, $2  }
0x3be: {  	_ =	sdelay $0x2  }
0x3bf: {  	[tilespmem:v7+s5+$0x0] =	vst.idx.msk $0xffff, v8  }
0x3c0: {  	_ =	sdelay $0x2  }
0x3c1: {  	s2 =	rddreg [dreg:$0x9]  }
0x3c2: {  	[tilespmem:v5+s5+$0x0] =	vst.idx.msk $0xffff, v4;
	s3 =	simm.s32 $0x1000;
	s4 =	simm.s32 $0x20000;
	s14 =	simm.s32 $0x3  }
0x3c3: {  	[hbm4b:s2+s3] =	stream.strided.scatter [tilespmem:s5], [sflag:$0x3], $0x4000, s4, s3, $0x38;
	[tilespmem:$0x18280] =	vst v63  }
0x3c4: {  	_ =	swait.ge [sflag:s14], $0x4000  }
0x3c5: {  	s19 =	rddreg [dreg:$0xb]  }
0x3c6: {  	s20 =	rddreg [dreg:$0xa];
	s4 =	sadd.s32 $0x1, s19  }
0x3c7: {  	p0 =	sne.s32 s4, s20  }
.Ltmp2:
0x3c8: {  	_ = 	snop;
	(pc) =	sbr.rel @p0 .LBB2_1-.Ltmp2, $4  }
0x3c9: {  	_ = 	snop  }
0x3ca: {  	[sflag:s14] =	ssyncset.done $0x0  }
0x3cb: {  	s13 =	simm.s32 $0x4280;
	[sflag:s14] =	ssyncadd.s32 $0xFFFFC000  }
0x3cc: {  	s14 =	simm.s32 $0x5280;
	s19 =	simm.s32 $0x6280;
	s20 =	simm.s32 $0x7280  }
0x3cd: {  	_ =	sfence.sel $0x180000  }
0x3ce: {  	[bflag:$0x0] =	sbarrier.arrive $0xFFFF  }
0x3cf: {  	_ =	strace $0x90000047  }
0x3d0: {  	s0 =	stileid.u32;
	[bflag:$0x2] =	sbarrier.arrive $0xFFFF  }
0x3d1: {  	p0 =	sne.s32 s0, $0x0;
	s0 =	rddreg [dreg:$0x5]  }
0x3d2: {  	s0 =	sadd.s32 @!p0 $0x100000, s0  }
0x3d3: {  	[sflag:s0] =	ssyncadd.tile.s32 @!p0 $0x1;
	_ =	shalt  }
.Lfunc_end2:
_tile_overlayer_lowered:
.L_overlay_start_2:
0x3d4: {  	(tag) =	ssettag $0x2  }
0x3d5: {  	s0 =	rddreg [dreg:$0x0];
	s2 =	stileid.u32  }
0x3d6: {  	s1 =	rddreg [dreg:$0x1];
	p0 =	sne.s32 s2, $0x0  }
0x3d7: {  	s3 =	rddreg [dreg:$0x2];
	[bflag:$0x3] =	sbarrier.arrive $0xFFFF;
	s2 =	simm.s32 @!p0 $0x1C03  }
0x3d8: {  	[timem:s3], [sflag:s2] =	dma.local @!p0 [hbm:s0], s1  }
0x3d9: {  	s0 =	simm.s32 @!p0 $0x3  }
0x3da: {  	_ =	swait.ge @!p0 [sflag:s0], s1  }
0x3db: {  	s1 =	ssub.s32 @!p0 $0x0, s1;
	[sflag:s0] =	ssyncset.done @!p0 $0x0  }
0x3dc: {  	[sflag:s0] =	ssyncadd.s32 @!p0 s1  }
0x3dd: {  	[bflag:$0x3] =	sbarrier.arrive $0xFFFF  }
0x3de: {  	_ =	shalt  }

</sc_bundles>
